<compile_context>
chip_gen: v7x
topology: tpu7x:2x2x1
jax: 0.10.2.dev20260603
libtpu: 0.0.44.dev20260713+nightly
codegen_flags: <defaults>
</compile_context>

<pallas_src>
import functools

import jax
import jax.numpy as jnp
from jax import lax
from jax.experimental import pallas as pl
from jax.experimental.pallas import tpu as pltpu
from jax.experimental.pallas import tpu_sc as plsc

_N = 10000
_E = 320000
_D = 128
_H = 64
_G = 256
_NB, _NL = 4, 2

_NC = 2
_NS = 16
_NW = _NC * _NS
_C = 128
_CH = -(-_E // (_NW * _C))
_E_PAD = _NW * _CH * _C
_ACC_N = 10240
_STRIPE = _ACC_N // _NS



def _seg_body(src_hbm, dst_hbm, m_hbm, zero_hbm, out_hbm, srcv, dstv, rows, acc,
              gsem0, gsem1):
    cid = lax.axis_index("c")
    sid = lax.axis_index("s")
    wid = cid * _NS + sid

    pltpu.sync_copy(src_hbm.at[wid], srcv)
    pltpu.sync_copy(dst_hbm.at[wid], dstv)
    pltpu.sync_copy(zero_hbm, acc.at[pl.ds(sid * _STRIPE, _STRIPE)])
    plsc.subcore_barrier()

    b0, b1 = rows.at[0], rows.at[1]
    pltpu.async_copy(m_hbm.at[srcv.at[0]], b0, gsem0)
    pltpu.async_copy(m_hbm.at[srcv.at[1]], b1, gsem1)

    @pl.loop(0, _CH, step=2)
    def _chunks(c):
        pltpu.make_async_copy(m_hbm.at[srcv.at[c]], b0, gsem0).wait()
        pltpu.sync_copy(b0, acc.at[dstv.at[c]], add=True)

        @pl.when(c + 2 < _CH)
        def _issue0():
            pltpu.async_copy(m_hbm.at[srcv.at[c + 2]], b0, gsem0)

        @pl.when(c + 1 < _CH)
        def _odd():
            pltpu.make_async_copy(m_hbm.at[srcv.at[c + 1]], b1, gsem1).wait()
            pltpu.sync_copy(b1, acc.at[dstv.at[c + 1]], add=True)

            @pl.when(c + 3 < _CH)
            def _issue1():
                pltpu.async_copy(m_hbm.at[srcv.at[c + 3]], b1, gsem1)
    plsc.subcore_barrier()
    pltpu.sync_copy(acc.at[pl.ds(sid * _STRIPE, _STRIPE)],
                    out_hbm.at[cid, pl.ds(sid * _STRIPE, _STRIPE)])


_seg_sum = pl.kernel(
    _seg_body,
    out_type=jax.ShapeDtypeStruct((_NC, _ACC_N, _H), jnp.float32),
    mesh=plsc.VectorSubcoreMesh(core_axis_name="c", subcore_axis_name="s"),
    scratch_types=[
        pltpu.VMEM((_CH, _C), jnp.int32),
        pltpu.VMEM((_CH, _C), jnp.int32),
        pltpu.VMEM((2, _C, _H), jnp.float32),
        pltpu.VMEM_SHARED((_ACC_N, _H), jnp.float32),
        pltpu.SemaphoreType.DMA,
        pltpu.SemaphoreType.DMA,
    ],
    compiler_params=pltpu.CompilerParams(use_tc_tiling_on_sc=False),
)



def _mmT(a, w):
    return lax.dot_general(a, w, (((1,), (1,)), ((), ())),
                           preferred_element_type=jnp.float32)


def _in_proj_body(x_ref, win_ref, bin_ref, wg_ref, h_ref, m_ref):
    h = _mmT(x_ref[...], win_ref[...]) + bin_ref[...]
    h_ref[...] = h
    m_ref[...] = jnp.dot(h, wg_ref[...], preferred_element_type=jnp.float32)


_in_proj = pl.pallas_call(
    _in_proj_body,
    out_shape=(jax.ShapeDtypeStruct((_N, _H), jnp.float32),
               jax.ShapeDtypeStruct((_N, _H), jnp.float32)),
)


def _gru_body(relu, part_ref, h_ref, wr_ref, wz_ref, wn_ref, ur_ref, uz_ref,
              un_ref, br_ref, bz_ref, bn_ref, cr_ref, cz_ref, cn_ref, wg_ref,
              hout_ref, mout_ref):
    agg = part_ref[0, : _N, :] + part_ref[1, : _N, :]
    h = h_ref[...]
    r = jax.nn.sigmoid(_mmT(agg, wr_ref[...]) + br_ref[...]
                       + _mmT(h, ur_ref[...]) + cr_ref[...])
    z = jax.nn.sigmoid(_mmT(agg, wz_ref[...]) + bz_ref[...]
                       + _mmT(h, uz_ref[...]) + cz_ref[...])
    n = jnp.tanh(_mmT(agg, wn_ref[...]) + bn_ref[...]
                 + r * (_mmT(h, un_ref[...]) + cn_ref[...]))
    hn = (1.0 - z) * n + z * h
    if relu:
        hn = jnp.maximum(hn, 0.0)
    hout_ref[...] = hn
    mout_ref[...] = jnp.dot(hn, wg_ref[...], preferred_element_type=jnp.float32)


_gru = {
    relu: pl.pallas_call(
        functools.partial(_gru_body, relu),
        out_shape=(jax.ShapeDtypeStruct((_N, _H), jnp.float32),
                   jax.ShapeDtypeStruct((_N, _H), jnp.float32)),
    )
    for relu in (False, True)
}


def _pool_body(h_ref, batch_ref, w1_ref, b1_ref, w2_ref, b2_ref, w3_ref,
               b3_ref, out_ref):
    h = h_ref[...]
    gids = lax.broadcasted_iota(jnp.int32, (_N, _G), 1)
    oh = (batch_ref[...] == gids).astype(jnp.float32)
    sums_t = lax.dot_general(h, oh, (((0,), (0,)), ((), ())),
                             preferred_element_type=jnp.float32)
    counts = jnp.sum(oh, axis=0, keepdims=True)
    pooled_t = sums_t / jnp.maximum(counts, 1.0)
    o1 = jnp.dot(w1_ref[...], pooled_t, preferred_element_type=jnp.float32) + b1_ref[...]
    o2 = jnp.dot(w2_ref[...], o1, preferred_element_type=jnp.float32) + b2_ref[...]
    o3 = jnp.dot(w3_ref[...], o2, preferred_element_type=jnp.float32) + b3_ref[...]
    out_ref[...] = jax.nn.sigmoid(o3)


_pool = pl.pallas_call(
    _pool_body,
    out_shape=jax.ShapeDtypeStruct((1, _G), jnp.float32),
)



def kernel(x, edge_index, batch, W_in, b_in, Wg, Wih, Whh, bih, bhh,
           W1, b1, W2, b2, W3, b3):
    src, dst = edge_index[0], edge_index[1]
    pad = _E_PAD - _E
    src3 = jnp.concatenate([src, jnp.zeros((pad,), jnp.int32)]).reshape(_NW, _CH, _C)
    dst3 = jnp.concatenate([dst, jnp.full((pad,), _N, jnp.int32)]).reshape(_NW, _CH, _C)
    zeros = jnp.zeros((_STRIPE, _H), jnp.float32)
    batch2 = batch.reshape(_N, 1)

    h, m = _in_proj(x, W_in, b_in.reshape(1, _H), Wg[0, 0])
    for j in range(_NB * _NL):
        b_idx, l_idx = divmod(j, _NL)
        part = _seg_sum(src3, dst3, m, zeros)
        if j < _NB * _NL - 1:
            nb, nl = divmod(j + 1, _NL)
            wg_next = Wg[nb, nl]
        else:
            wg_next = Wg[0, 0]
        wih, whh = Wih[b_idx], Whh[b_idx]
        bi, bh = bih[b_idx], bhh[b_idx]
        h, m = _gru[l_idx == _NL - 1](
            part, h,
            wih[0:_H], wih[_H:2 * _H], wih[2 * _H:],
            whh[0:_H], whh[_H:2 * _H], whh[2 * _H:],
            bi[0:_H].reshape(1, _H), bi[_H:2 * _H].reshape(1, _H),
            bi[2 * _H:].reshape(1, _H),
            bh[0:_H].reshape(1, _H), bh[_H:2 * _H].reshape(1, _H),
            bh[2 * _H:].reshape(1, _H),
            wg_next,
        )

    out_t = _pool(h, batch2, W1, b1.reshape(_H, 1), W2, b2.reshape(32, 1),
                  W3, b3.reshape(1, 1))
    return out_t.reshape(_G, 1)

# --- scband reference (transcript-rebuilt; emitter-appended) ---
"""Pipeline reference for scband-gated-graph-classifier-14362370638538 (READ-ONLY COPY).

The authoritative reference and input builder live on the scoring server;
editing this copy changes nothing except your own understanding.
"""

import jax, jax.numpy as jnp
import numpy as np

N, E, D, H, G = 10000, 320000, 128, 64, 256
NB, NL = 4, 2  # input_block + 3 conv_blocks, each GatedGraphConv with num_layers=2


def gru_cell(m, h, Wih, Whh, bih, bhh):
    gi = m @ Wih.T + bih
    gh = h @ Whh.T + bhh
    i_r, i_z, i_n = jnp.split(gi, 3, axis=-1)
    h_r, h_z, h_n = jnp.split(gh, 3, axis=-1)
    r = jax.nn.sigmoid(i_r + h_r)
    z = jax.nn.sigmoid(i_z + h_z)
    n = jnp.tanh(i_n + r * h_n)
    return (1.0 - z) * n + z * h


def gated_graph_conv(x, edge_index, Wg, Wih, Whh, bih, bhh):
    src, dst = edge_index[0], edge_index[1]
    for i in range(Wg.shape[0]):
        m = x @ Wg[i]
        agg = jax.ops.segment_sum(m[src], dst, num_segments=x.shape[0])
        x = gru_cell(agg, x, Wih, Whh, bih, bhh)
    return x


def setup_inputs(seed: int = 0):
    key = jax.random.key(seed)
    k = jax.random.split(key, 16)
    x = jax.random.normal(k[0], (N, D), dtype=jnp.float32)
    edge_index = jax.random.randint(k[1], (2, E), 0, N, dtype=jnp.int32)
    batch = jnp.sort(jax.random.randint(k[2], (N,), 0, G, dtype=jnp.int32))
    W_in = jax.random.normal(k[3], (H, D), dtype=jnp.float32) * 0.05
    b_in = jnp.zeros((H,), dtype=jnp.float32)
    Wg = jax.random.normal(k[4], (NB, NL, H, H), dtype=jnp.float32) * 0.05
    Wih = jax.random.normal(k[5], (NB, 3 * H, H), dtype=jnp.float32) * 0.05
    Whh = jax.random.normal(k[6], (NB, 3 * H, H), dtype=jnp.float32) * 0.05
    bih = jnp.zeros((NB, 3 * H), dtype=jnp.float32)
    bhh = jnp.zeros((NB, 3 * H), dtype=jnp.float32)
    W1 = jax.random.normal(k[7], (64, H), dtype=jnp.float32) * 0.05
    b1 = jnp.zeros((64,), dtype=jnp.float32)
    W2 = jax.random.normal(k[8], (32, 64), dtype=jnp.float32) * 0.05
    b2 = jnp.zeros((32,), dtype=jnp.float32)
    W3 = jax.random.normal(k[9], (1, 32), dtype=jnp.float32) * 0.05
    b3 = jnp.zeros((1,), dtype=jnp.float32)
    return {"x": x, "edge_index": edge_index, "batch": batch, "W_in": W_in, "b_in": b_in,
            "Wg": Wg, "Wih": Wih, "Whh": Whh, "bih": bih, "bhh": bhh,
            "W1": W1, "b1": b1, "W2": W2, "b2": b2, "W3": W3, "b3": b3}


def reference(x, edge_index, batch, W_in, b_in, Wg, Wih, Whh, bih, bhh, W1, b1, W2, b2, W3, b3):
    # input_proj
    h = x @ W_in.T + b_in
    # input_block + 3 conv_blocks, ReLU after each (dropout is eval-mode identity)
    for bidx in range(NB):
        h = gated_graph_conv(h, edge_index, Wg[bidx], Wih[bidx], Whh[bidx], bih[bidx], bhh[bidx])
        h = jax.nn.relu(h)
    # global_mean_pool over batch ids
    sums = jax.ops.segment_sum(h, batch, num_segments=G)
    counts = jax.ops.segment_sum(jnp.ones((h.shape[0], 1), dtype=h.dtype), batch, num_segments=G)
    pooled = sums / jnp.clip(counts, 1.0)
    out = pooled @ W1.T + b1
    out = out @ W2.T + b2
    out = out @ W3.T + b3
    return jax.nn.sigmoid(out)

if __name__ == "__main__":
    import jax
    _d = setup_inputs()
    print(jax.jit(kernel)(*tuple(_d.values())))

</pallas_src>

<mosaic_0001>
#map = affine_map<(d0, d1) -> (0, 0, 0)>
#map1 = affine_map<(d0, d1) -> (0, 0)>
module attributes {stable_mosaic.version = 14 : i64} {
  func.func @_seg_body(%arg0: i32, %arg1: i32, %arg2: memref<32x79x128xi32, #tpu.memory_space<hbm>>, %arg3: memref<32x79x128xi32, #tpu.memory_space<hbm>>, %arg4: memref<10000x64xf32, #tpu.memory_space<hbm>>, %arg5: memref<640x64xf32, #tpu.memory_space<hbm>>, %arg6: memref<2x10240x64xf32, #tpu.memory_space<hbm>>, %arg7: memref<79x128xi32, #tpu.memory_space<vmem>>, %arg8: memref<79x128xi32, #tpu.memory_space<vmem>>, %arg9: memref<2x128x64xf32, #tpu.memory_space<vmem>>, %arg10: memref<10240x64xf32, #tpu.memory_space<vmem_shared>>, %arg11: memref<!tpu.dma_semaphore, #tpu.memory_space<semaphore_mem>>, %arg12: memref<!tpu.dma_semaphore, #tpu.memory_space<semaphore_mem>>) attributes {dimension_semantics = [#tpu.dimension_semantics<core_parallel>, #tpu.dimension_semantics<subcore_parallel>], iteration_bounds = array<i64: 2, 16>, scalar_prefetch = 0 : i64, scratch_operands = 6 : i64, tpu.core_type = #tpu.core_type<sc_vector_subcore>, window_params = [{transform_indices = #map}, {transform_indices = #map}, {transform_indices = #map1}, {transform_indices = #map1}, {transform_indices = #map}]} {
    %mul3A = arith.constant 16 : i32
    %mul3A_0 = arith.muli %arg0, %mul3A : i32
    %add3A = arith.addi %mul3A_0, %arg1 : i32
    "tpu.region"() ({
      %run_scoped3A = tpu.sem_alloc : memref<!tpu.dma_semaphore, #tpu.memory_space<semaphore_mem>>
      %dma_start3A_37 = arith.constant 0 : i32
      %dma_start3A_38 = arith.constant 0 : i32
      %dma_start3A_39 = tpu.memref_slice %arg2[%add3A, %dma_start3A_37, %dma_start3A_38] : memref<32x79x128xi32, #tpu.memory_space<hbm>> -> memref<1x79x128xi32, #tpu.memory_space<hbm>>
      %dma_start3A_40 = tpu.memref_squeeze %dma_start3A_39 : memref<1x79x128xi32, #tpu.memory_space<hbm>> -> memref<79x128xi32, #tpu.memory_space<hbm>>
      %dma_start3A_41 = arith.constant 0 : i32
      %dma_start3A_42 = arith.constant 0 : i32
      %dma_start3A_43 = tpu.memref_slice %arg2[%add3A, %dma_start3A_41, %dma_start3A_42] : memref<32x79x128xi32, #tpu.memory_space<hbm>> -> memref<1x79x128xi32, #tpu.memory_space<hbm>>
      %dma_start3A_44 = tpu.memref_squeeze %dma_start3A_43 : memref<1x79x128xi32, #tpu.memory_space<hbm>> -> memref<79x128xi32, #tpu.memory_space<hbm>>
      tpu.enqueue_dma source(%dma_start3A_44 : memref<79x128xi32, #tpu.memory_space<hbm>>) target(%arg7 : memref<79x128xi32, #tpu.memory_space<vmem>>) target_semaphore(%run_scoped3A : memref<!tpu.dma_semaphore, #tpu.memory_space<semaphore_mem>>)
      %dma_wait3A = arith.constant 0 : i32
      %dma_wait3A_45 = arith.constant 0 : i32
      %dma_wait3A_46 = tpu.memref_slice %arg2[%add3A, %dma_wait3A, %dma_wait3A_45] : memref<32x79x128xi32, #tpu.memory_space<hbm>> -> memref<1x79x128xi32, #tpu.memory_space<hbm>>
      %dma_wait3A_47 = tpu.memref_squeeze %dma_wait3A_46 : memref<1x79x128xi32, #tpu.memory_space<hbm>> -> memref<79x128xi32, #tpu.memory_space<hbm>>
      %dma_wait3A_48 = arith.constant 0 : i32
      %dma_wait3A_49 = arith.constant 0 : i32
      %dma_wait3A_50 = tpu.memref_slice %arg2[%add3A, %dma_wait3A_48, %dma_wait3A_49] : memref<32x79x128xi32, #tpu.memory_space<hbm>> -> memref<1x79x128xi32, #tpu.memory_space<hbm>>
      %dma_wait3A_51 = tpu.memref_squeeze %dma_wait3A_50 : memref<1x79x128xi32, #tpu.memory_space<hbm>> -> memref<79x128xi32, #tpu.memory_space<hbm>>
      tpu.wait_dma2 semaphore(%run_scoped3A : memref<!tpu.dma_semaphore, #tpu.memory_space<semaphore_mem>>) src(%dma_wait3A_51 : memref<79x128xi32, #tpu.memory_space<hbm>>) dst(%arg7 : memref<79x128xi32, #tpu.memory_space<vmem>>)
      tpu.yield
    }) : () -> ()
    "tpu.region"() ({
      %run_scoped3A = tpu.sem_alloc : memref<!tpu.dma_semaphore, #tpu.memory_space<semaphore_mem>>
      %dma_start3A_37 = arith.constant 0 : i32
      %dma_start3A_38 = arith.constant 0 : i32
      %dma_start3A_39 = tpu.memref_slice %arg3[%add3A, %dma_start3A_37, %dma_start3A_38] : memref<32x79x128xi32, #tpu.memory_space<hbm>> -> memref<1x79x128xi32, #tpu.memory_space<hbm>>
      %dma_start3A_40 = tpu.memref_squeeze %dma_start3A_39 : memref<1x79x128xi32, #tpu.memory_space<hbm>> -> memref<79x128xi32, #tpu.memory_space<hbm>>
      %dma_start3A_41 = arith.constant 0 : i32
      %dma_start3A_42 = arith.constant 0 : i32
      %dma_start3A_43 = tpu.memref_slice %arg3[%add3A, %dma_start3A_41, %dma_start3A_42] : memref<32x79x128xi32, #tpu.memory_space<hbm>> -> memref<1x79x128xi32, #tpu.memory_space<hbm>>
      %dma_start3A_44 = tpu.memref_squeeze %dma_start3A_43 : memref<1x79x128xi32, #tpu.memory_space<hbm>> -> memref<79x128xi32, #tpu.memory_space<hbm>>
      tpu.enqueue_dma source(%dma_start3A_44 : memref<79x128xi32, #tpu.memory_space<hbm>>) target(%arg8 : memref<79x128xi32, #tpu.memory_space<vmem>>) target_semaphore(%run_scoped3A : memref<!tpu.dma_semaphore, #tpu.memory_space<semaphore_mem>>)
      %dma_wait3A = arith.constant 0 : i32
      %dma_wait3A_45 = arith.constant 0 : i32
      %dma_wait3A_46 = tpu.memref_slice %arg3[%add3A, %dma_wait3A, %dma_wait3A_45] : memref<32x79x128xi32, #tpu.memory_space<hbm>> -> memref<1x79x128xi32, #tpu.memory_space<hbm>>
      %dma_wait3A_47 = tpu.memref_squeeze %dma_wait3A_46 : memref<1x79x128xi32, #tpu.memory_space<hbm>> -> memref<79x128xi32, #tpu.memory_space<hbm>>
      %dma_wait3A_48 = arith.constant 0 : i32
      %dma_wait3A_49 = arith.constant 0 : i32
      %dma_wait3A_50 = tpu.memref_slice %arg3[%add3A, %dma_wait3A_48, %dma_wait3A_49] : memref<32x79x128xi32, #tpu.memory_space<hbm>> -> memref<1x79x128xi32, #tpu.memory_space<hbm>>
      %dma_wait3A_51 = tpu.memref_squeeze %dma_wait3A_50 : memref<1x79x128xi32, #tpu.memory_space<hbm>> -> memref<79x128xi32, #tpu.memory_space<hbm>>
      tpu.wait_dma2 semaphore(%run_scoped3A : memref<!tpu.dma_semaphore, #tpu.memory_space<semaphore_mem>>) src(%dma_wait3A_51 : memref<79x128xi32, #tpu.memory_space<hbm>>) dst(%arg8 : memref<79x128xi32, #tpu.memory_space<vmem>>)
      tpu.yield
    }) : () -> ()
    %mul3A_1 = arith.constant 640 : i32
    %mul3A_2 = arith.muli %arg1, %mul3A_1 : i32
    "tpu.region"() ({
      %run_scoped3A = tpu.sem_alloc : memref<!tpu.dma_semaphore, #tpu.memory_space<semaphore_mem>>
      %dma_start3A_37 = arith.constant 0 : i32
      %dma_start3A_38 = tpu.memref_slice %arg10[%mul3A_2, %dma_start3A_37] : memref<10240x64xf32, #tpu.memory_space<vmem_shared>> -> memref<640x64xf32, #tpu.memory_space<vmem_shared>>
      tpu.enqueue_dma source(%arg5 : memref<640x64xf32, #tpu.memory_space<hbm>>) target(%dma_start3A_38 : memref<640x64xf32, #tpu.memory_space<vmem_shared>>) target_semaphore(%run_scoped3A : memref<!tpu.dma_semaphore, #tpu.memory_space<semaphore_mem>>)
      %dma_wait3A = arith.constant 0 : i32
      %dma_wait3A_39 = tpu.memref_slice %arg10[%mul3A_2, %dma_wait3A] : memref<10240x64xf32, #tpu.memory_space<vmem_shared>> -> memref<640x64xf32, #tpu.memory_space<vmem_shared>>
      tpu.wait_dma2 semaphore(%run_scoped3A : memref<!tpu.dma_semaphore, #tpu.memory_space<semaphore_mem>>) src(%arg5 : memref<640x64xf32, #tpu.memory_space<hbm>>) dst(%dma_wait3A_39 : memref<640x64xf32, #tpu.memory_space<vmem_shared>>)
      tpu.yield
    }) : () -> ()
    %barrier3A = arith.constant 0 : index
    tpu.barrier barrier_id(%barrier3A)
    %dma_start3A = arith.constant 0 : i32
    %dma_start3A_3 = arith.constant 0 : i32
    %dma_start3A_4 = arith.constant 0 : i32
    %dma_start3A_5 = arith.constant 0 : i32
    %dma_start3A_6 = tpu.memref_slice %arg9[%dma_start3A_3, %dma_start3A_4, %dma_start3A_5] : memref<2x128x64xf32, #tpu.memory_space<vmem>> -> memref<1x128x64xf32, #tpu.memory_space<vmem>>
    %dma_start3A_7 = tpu.memref_squeeze %dma_start3A_6 : memref<1x128x64xf32, #tpu.memory_space<vmem>> -> memref<128x64xf32, #tpu.memory_space<vmem>>
    %dma_start3A_8 = arith.constant 0 : i32
    %dma_start3A_9 = tpu.memref_slice %arg7[%dma_start3A, %dma_start3A_8] : memref<79x128xi32, #tpu.memory_space<vmem>> -> memref<1x128xi32, #tpu.memory_space<vmem>>
    %dma_start3A_10 = tpu.memref_squeeze %dma_start3A_9 : memref<1x128xi32, #tpu.memory_space<vmem>> -> memref<128xi32, #tpu.memory_space<vmem>>
    %dma_start3A_11 = arith.constant 0 : i32
    %dma_start3A_12 = arith.constant 0 : i32
    %dma_start3A_13 = tpu.memref_slice %arg4[%dma_start3A_11, %dma_start3A_12] : memref<10000x64xf32, #tpu.memory_space<hbm>> -> memref<10000x64xf32, #tpu.memory_space<hbm>>
    tpu.enqueue_indirect_dma source(%dma_start3A_13 : memref<10000x64xf32, #tpu.memory_space<hbm>>) target(%dma_start3A_7 : memref<128x64xf32, #tpu.memory_space<vmem>>) offsets(%dma_start3A_10 : memref<128xi32, #tpu.memory_space<vmem>>) semaphore(%arg11 : memref<!tpu.dma_semaphore, #tpu.memory_space<semaphore_mem>>)
    %dma_start3A_14 = arith.constant 1 : i32
    %dma_start3A_15 = arith.constant 1 : i32
    %dma_start3A_16 = arith.constant 0 : i32
    %dma_start3A_17 = arith.constant 0 : i32
    %dma_start3A_18 = tpu.memref_slice %arg9[%dma_start3A_15, %dma_start3A_16, %dma_start3A_17] : memref<2x128x64xf32, #tpu.memory_space<vmem>> -> memref<1x128x64xf32, #tpu.memory_space<vmem>>
    %dma_start3A_19 = tpu.memref_squeeze %dma_start3A_18 : memref<1x128x64xf32, #tpu.memory_space<vmem>> -> memref<128x64xf32, #tpu.memory_space<vmem>>
    %dma_start3A_20 = arith.constant 0 : i32
    %dma_start3A_21 = tpu.memref_slice %arg7[%dma_start3A_14, %dma_start3A_20] : memref<79x128xi32, #tpu.memory_space<vmem>> -> memref<1x128xi32, #tpu.memory_space<vmem>>
    %dma_start3A_22 = tpu.memref_squeeze %dma_start3A_21 : memref<1x128xi32, #tpu.memory_space<vmem>> -> memref<128xi32, #tpu.memory_space<vmem>>
    %dma_start3A_23 = arith.constant 0 : i32
    %dma_start3A_24 = arith.constant 0 : i32
    %dma_start3A_25 = tpu.memref_slice %arg4[%dma_start3A_23, %dma_start3A_24] : memref<10000x64xf32, #tpu.memory_space<hbm>> -> memref<10000x64xf32, #tpu.memory_space<hbm>>
    tpu.enqueue_indirect_dma source(%dma_start3A_25 : memref<10000x64xf32, #tpu.memory_space<hbm>>) target(%dma_start3A_19 : memref<128x64xf32, #tpu.memory_space<vmem>>) offsets(%dma_start3A_22 : memref<128xi32, #tpu.memory_space<vmem>>) semaphore(%arg12 : memref<!tpu.dma_semaphore, #tpu.memory_space<semaphore_mem>>)
    %scan3A = arith.constant 0 : i32
    %scan3A_26 = arith.constant 1 : i32
    %scan3A_27 = arith.constant 0 : i32
    %scan3A_28 = arith.constant 40 : i32
    %scan3A_29 = arith.addi %scan3A_27, %scan3A_28 : i32
    %scan3A_30 = arith.constant 1 : i32
    scf.for %scan3A_37 = %scan3A_27 to %scan3A_29 step %scan3A_30  : i32 {
      %mul3A_38 = arith.constant 2 : i32
      %mul3A_39 = arith.muli %scan3A_37, %mul3A_38 : i32
      %add3A_40 = arith.constant 0 : i32
      %add3A_41 = arith.addi %add3A_40, %mul3A_39 : i32
      %dma_wait3A = arith.constant 0 : i32
      %dma_wait3A_42 = arith.constant 0 : i32
      %dma_wait3A_43 = tpu.memref_slice %arg9[%scan3A, %dma_wait3A, %dma_wait3A_42] : memref<2x128x64xf32, #tpu.memory_space<vmem>> -> memref<1x128x64xf32, #tpu.memory_space<vmem>>
      %dma_wait3A_44 = tpu.memref_squeeze %dma_wait3A_43 : memref<1x128x64xf32, #tpu.memory_space<vmem>> -> memref<128x64xf32, #tpu.memory_space<vmem>>
      %dma_wait3A_45 = arith.constant 0 : i32
      %dma_wait3A_46 = tpu.memref_slice %arg7[%add3A_41, %dma_wait3A_45] : memref<79x128xi32, #tpu.memory_space<vmem>> -> memref<1x128xi32, #tpu.memory_space<vmem>>
      %dma_wait3A_47 = tpu.memref_squeeze %dma_wait3A_46 : memref<1x128xi32, #tpu.memory_space<vmem>> -> memref<128xi32, #tpu.memory_space<vmem>>
      %dma_wait3A_48 = arith.constant 0 : i32
      %dma_wait3A_49 = arith.constant 0 : i32
      %dma_wait3A_50 = tpu.memref_slice %arg4[%dma_wait3A_48, %dma_wait3A_49] : memref<10000x64xf32, #tpu.memory_space<hbm>> -> memref<10000x64xf32, #tpu.memory_space<hbm>>
      tpu.wait_indirect_dma semaphore(%arg11 : memref<!tpu.dma_semaphore, #tpu.memory_space<semaphore_mem>>) src(%dma_wait3A_50 : memref<10000x64xf32, #tpu.memory_space<hbm>>) dst(%dma_wait3A_44 : memref<128x64xf32, #tpu.memory_space<vmem>>)
      "tpu.region"() ({
        %run_scoped3A = tpu.sem_alloc : memref<!tpu.dma_semaphore, #tpu.memory_space<semaphore_mem>>
        %dma_start3A_62 = arith.constant 0 : i32
        %dma_start3A_63 = arith.constant 0 : i32
        %dma_start3A_64 = tpu.memref_slice %arg9[%scan3A, %dma_start3A_62, %dma_start3A_63] : memref<2x128x64xf32, #tpu.memory_space<vmem>> -> memref<1x128x64xf32, #tpu.memory_space<vmem>>
        %dma_start3A_65 = tpu.memref_squeeze %dma_start3A_64 : memref<1x128x64xf32, #tpu.memory_space<vmem>> -> memref<128x64xf32, #tpu.memory_space<vmem>>
        %dma_start3A_66 = arith.constant 0 : i32
        %dma_start3A_67 = tpu.memref_slice %arg8[%add3A_41, %dma_start3A_66] : memref<79x128xi32, #tpu.memory_space<vmem>> -> memref<1x128xi32, #tpu.memory_space<vmem>>
        %dma_start3A_68 = tpu.memref_squeeze %dma_start3A_67 : memref<1x128xi32, #tpu.memory_space<vmem>> -> memref<128xi32, #tpu.memory_space<vmem>>
        %dma_start3A_69 = arith.constant 0 : i32
        %dma_start3A_70 = arith.constant 0 : i32
        %dma_start3A_71 = tpu.memref_slice %arg10[%dma_start3A_69, %dma_start3A_70] : memref<10240x64xf32, #tpu.memory_space<vmem_shared>> -> memref<10240x64xf32, #tpu.memory_space<vmem_shared>>
        tpu.enqueue_indirect_dma source(%dma_start3A_65 : memref<128x64xf32, #tpu.memory_space<vmem>>) target(%dma_start3A_71 : memref<10240x64xf32, #tpu.memory_space<vmem_shared>>) offsets(%dma_start3A_68 : memref<128xi32, #tpu.memory_space<vmem>>) semaphore(%run_scoped3A : memref<!tpu.dma_semaphore, #tpu.memory_space<semaphore_mem>>) {add = true}
        %dma_wait3A_72 = arith.constant 0 : i32
        %dma_wait3A_73 = arith.constant 0 : i32
        %dma_wait3A_74 = tpu.memref_slice %arg9[%scan3A, %dma_wait3A_72, %dma_wait3A_73] : memref<2x128x64xf32, #tpu.memory_space<vmem>> -> memref<1x128x64xf32, #tpu.memory_space<vmem>>
        %dma_wait3A_75 = tpu.memref_squeeze %dma_wait3A_74 : memref<1x128x64xf32, #tpu.memory_space<vmem>> -> memref<128x64xf32, #tpu.memory_space<vmem>>
        %dma_wait3A_76 = arith.constant 0 : i32
        %dma_wait3A_77 = tpu.memref_slice %arg8[%add3A_41, %dma_wait3A_76] : memref<79x128xi32, #tpu.memory_space<vmem>> -> memref<1x128xi32, #tpu.memory_space<vmem>>
        %dma_wait3A_78 = tpu.memref_squeeze %dma_wait3A_77 : memref<1x128xi32, #tpu.memory_space<vmem>> -> memref<128xi32, #tpu.memory_space<vmem>>
        %dma_wait3A_79 = arith.constant 0 : i32
        %dma_wait3A_80 = arith.constant 0 : i32
        %dma_wait3A_81 = tpu.memref_slice %arg10[%dma_wait3A_79, %dma_wait3A_80] : memref<10240x64xf32, #tpu.memory_space<vmem_shared>> -> memref<10240x64xf32, #tpu.memory_space<vmem_shared>>
        tpu.wait_indirect_dma semaphore(%run_scoped3A : memref<!tpu.dma_semaphore, #tpu.memory_space<semaphore_mem>>) src(%dma_wait3A_75 : memref<128x64xf32, #tpu.memory_space<vmem>>) dst(%dma_wait3A_81 : memref<10240x64xf32, #tpu.memory_space<vmem_shared>>)
        tpu.yield
      }) : () -> ()
      %add3A_51 = arith.constant 2 : i32
      %add3A_52 = arith.addi %add3A_41, %add3A_51 : i32
      %lt3A = arith.constant 79 : i32
      %lt3A_53 = arith.cmpi slt, %add3A_52, %lt3A : i32
      %convert_element_type3A = arith.extui %lt3A_53 : i1 to i32
      %cond3A = arith.constant 0 : i32
      %cond3A_54 = arith.cmpi ne, %convert_element_type3A, %cond3A : i32
      scf.if %cond3A_54 {
        %add3A_62 = arith.constant 2 : i32
        %add3A_63 = arith.addi %add3A_41, %add3A_62 : i32
        %dma_start3A_64 = arith.constant 0 : i32
        %dma_start3A_65 = arith.constant 0 : i32
        %dma_start3A_66 = tpu.memref_slice %arg9[%scan3A, %dma_start3A_64, %dma_start3A_65] : memref<2x128x64xf32, #tpu.memory_space<vmem>> -> memref<1x128x64xf32, #tpu.memory_space<vmem>>
        %dma_start3A_67 = tpu.memref_squeeze %dma_start3A_66 : memref<1x128x64xf32, #tpu.memory_space<vmem>> -> memref<128x64xf32, #tpu.memory_space<vmem>>
        %dma_start3A_68 = arith.constant 0 : i32
        %dma_start3A_69 = tpu.memref_slice %arg7[%add3A_63, %dma_start3A_68] : memref<79x128xi32, #tpu.memory_space<vmem>> -> memref<1x128xi32, #tpu.memory_space<vmem>>
        %dma_start3A_70 = tpu.memref_squeeze %dma_start3A_69 : memref<1x128xi32, #tpu.memory_space<vmem>> -> memref<128xi32, #tpu.memory_space<vmem>>
        %dma_start3A_71 = arith.constant 0 : i32
        %dma_start3A_72 = arith.constant 0 : i32
        %dma_start3A_73 = tpu.memref_slice %arg4[%dma_start3A_71, %dma_start3A_72] : memref<10000x64xf32, #tpu.memory_space<hbm>> -> memref<10000x64xf32, #tpu.memory_space<hbm>>
        tpu.enqueue_indirect_dma source(%dma_start3A_73 : memref<10000x64xf32, #tpu.memory_space<hbm>>) target(%dma_start3A_67 : memref<128x64xf32, #tpu.memory_space<vmem>>) offsets(%dma_start3A_70 : memref<128xi32, #tpu.memory_space<vmem>>) semaphore(%arg11 : memref<!tpu.dma_semaphore, #tpu.memory_space<semaphore_mem>>)
      } else {
      }
      %add3A_55 = arith.constant 1 : i32
      %add3A_56 = arith.addi %add3A_41, %add3A_55 : i32
      %lt3A_57 = arith.constant 79 : i32
      %lt3A_58 = arith.cmpi slt, %add3A_56, %lt3A_57 : i32
      %convert_element_type3A_59 = arith.extui %lt3A_58 : i1 to i32
      %cond3A_60 = arith.constant 0 : i32
      %cond3A_61 = arith.cmpi ne, %convert_element_type3A_59, %cond3A_60 : i32
      scf.if %cond3A_61 {
        %add3A_62 = arith.constant 1 : i32
        %add3A_63 = arith.addi %add3A_41, %add3A_62 : i32
        %dma_wait3A_64 = arith.constant 0 : i32
        %dma_wait3A_65 = arith.constant 0 : i32
        %dma_wait3A_66 = tpu.memref_slice %arg9[%scan3A_26, %dma_wait3A_64, %dma_wait3A_65] : memref<2x128x64xf32, #tpu.memory_space<vmem>> -> memref<1x128x64xf32, #tpu.memory_space<vmem>>
        %dma_wait3A_67 = tpu.memref_squeeze %dma_wait3A_66 : memref<1x128x64xf32, #tpu.memory_space<vmem>> -> memref<128x64xf32, #tpu.memory_space<vmem>>
        %dma_wait3A_68 = arith.constant 0 : i32
        %dma_wait3A_69 = tpu.memref_slice %arg7[%add3A_63, %dma_wait3A_68] : memref<79x128xi32, #tpu.memory_space<vmem>> -> memref<1x128xi32, #tpu.memory_space<vmem>>
        %dma_wait3A_70 = tpu.memref_squeeze %dma_wait3A_69 : memref<1x128xi32, #tpu.memory_space<vmem>> -> memref<128xi32, #tpu.memory_space<vmem>>
        %dma_wait3A_71 = arith.constant 0 : i32
        %dma_wait3A_72 = arith.constant 0 : i32
        %dma_wait3A_73 = tpu.memref_slice %arg4[%dma_wait3A_71, %dma_wait3A_72] : memref<10000x64xf32, #tpu.memory_space<hbm>> -> memref<10000x64xf32, #tpu.memory_space<hbm>>
        tpu.wait_indirect_dma semaphore(%arg12 : memref<!tpu.dma_semaphore, #tpu.memory_space<semaphore_mem>>) src(%dma_wait3A_73 : memref<10000x64xf32, #tpu.memory_space<hbm>>) dst(%dma_wait3A_67 : memref<128x64xf32, #tpu.memory_space<vmem>>)
        %add3A_74 = arith.constant 1 : i32
        %add3A_75 = arith.addi %add3A_41, %add3A_74 : i32
        "tpu.region"() ({
          %run_scoped3A = tpu.sem_alloc : memref<!tpu.dma_semaphore, #tpu.memory_space<semaphore_mem>>
          %dma_start3A_83 = arith.constant 0 : i32
          %dma_start3A_84 = arith.constant 0 : i32
          %dma_start3A_85 = tpu.memref_slice %arg9[%scan3A_26, %dma_start3A_83, %dma_start3A_84] : memref<2x128x64xf32, #tpu.memory_space<vmem>> -> memref<1x128x64xf32, #tpu.memory_space<vmem>>
          %dma_start3A_86 = tpu.memref_squeeze %dma_start3A_85 : memref<1x128x64xf32, #tpu.memory_space<vmem>> -> memref<128x64xf32, #tpu.memory_space<vmem>>
          %dma_start3A_87 = arith.constant 0 : i32
          %dma_start3A_88 = tpu.memref_slice %arg8[%add3A_75, %dma_start3A_87] : memref<79x128xi32, #tpu.memory_space<vmem>> -> memref<1x128xi32, #tpu.memory_space<vmem>>
          %dma_start3A_89 = tpu.memref_squeeze %dma_start3A_88 : memref<1x128xi32, #tpu.memory_space<vmem>> -> memref<128xi32, #tpu.memory_space<vmem>>
          %dma_start3A_90 = arith.constant 0 : i32
          %dma_start3A_91 = arith.constant 0 : i32
          %dma_start3A_92 = tpu.memref_slice %arg10[%dma_start3A_90, %dma_start3A_91] : memref<10240x64xf32, #tpu.memory_space<vmem_shared>> -> memref<10240x64xf32, #tpu.memory_space<vmem_shared>>
          tpu.enqueue_indirect_dma source(%dma_start3A_86 : memref<128x64xf32, #tpu.memory_space<vmem>>) target(%dma_start3A_92 : memref<10240x64xf32, #tpu.memory_space<vmem_shared>>) offsets(%dma_start3A_89 : memref<128xi32, #tpu.memory_space<vmem>>) semaphore(%run_scoped3A : memref<!tpu.dma_semaphore, #tpu.memory_space<semaphore_mem>>) {add = true}
          %dma_wait3A_93 = arith.constant 0 : i32
          %dma_wait3A_94 = arith.constant 0 : i32
          %dma_wait3A_95 = tpu.memref_slice %arg9[%scan3A_26, %dma_wait3A_93, %dma_wait3A_94] : memref<2x128x64xf32, #tpu.memory_space<vmem>> -> memref<1x128x64xf32, #tpu.memory_space<vmem>>
          %dma_wait3A_96 = tpu.memref_squeeze %dma_wait3A_95 : memref<1x128x64xf32, #tpu.memory_space<vmem>> -> memref<128x64xf32, #tpu.memory_space<vmem>>
          %dma_wait3A_97 = arith.constant 0 : i32
          %dma_wait3A_98 = tpu.memref_slice %arg8[%add3A_75, %dma_wait3A_97] : memref<79x128xi32, #tpu.memory_space<vmem>> -> memref<1x128xi32, #tpu.memory_space<vmem>>
          %dma_wait3A_99 = tpu.memref_squeeze %dma_wait3A_98 : memref<1x128xi32, #tpu.memory_space<vmem>> -> memref<128xi32, #tpu.memory_space<vmem>>
          %dma_wait3A_100 = arith.constant 0 : i32
          %dma_wait3A_101 = arith.constant 0 : i32
          %dma_wait3A_102 = tpu.memref_slice %arg10[%dma_wait3A_100, %dma_wait3A_101] : memref<10240x64xf32, #tpu.memory_space<vmem_shared>> -> memref<10240x64xf32, #tpu.memory_space<vmem_shared>>
          tpu.wait_indirect_dma semaphore(%run_scoped3A : memref<!tpu.dma_semaphore, #tpu.memory_space<semaphore_mem>>) src(%dma_wait3A_96 : memref<128x64xf32, #tpu.memory_space<vmem>>) dst(%dma_wait3A_102 : memref<10240x64xf32, #tpu.memory_space<vmem_shared>>)
          tpu.yield
        }) : () -> ()
        %add3A_76 = arith.constant 3 : i32
        %add3A_77 = arith.addi %add3A_41, %add3A_76 : i32
        %lt3A_78 = arith.constant 79 : i32
        %lt3A_79 = arith.cmpi slt, %add3A_77, %lt3A_78 : i32
        %convert_element_type3A_80 = arith.extui %lt3A_79 : i1 to i32
        %cond3A_81 = arith.constant 0 : i32
        %cond3A_82 = arith.cmpi ne, %convert_element_type3A_80, %cond3A_81 : i32
        scf.if %cond3A_82 {
          %add3A_83 = arith.constant 3 : i32
          %add3A_84 = arith.addi %add3A_41, %add3A_83 : i32
          %dma_start3A_85 = arith.constant 0 : i32
          %dma_start3A_86 = arith.constant 0 : i32
          %dma_start3A_87 = tpu.memref_slice %arg9[%scan3A_26, %dma_start3A_85, %dma_start3A_86] : memref<2x128x64xf32, #tpu.memory_space<vmem>> -> memref<1x128x64xf32, #tpu.memory_space<vmem>>
          %dma_start3A_88 = tpu.memref_squeeze %dma_start3A_87 : memref<1x128x64xf32, #tpu.memory_space<vmem>> -> memref<128x64xf32, #tpu.memory_space<vmem>>
          %dma_start3A_89 = arith.constant 0 : i32
          %dma_start3A_90 = tpu.memref_slice %arg7[%add3A_84, %dma_start3A_89] : memref<79x128xi32, #tpu.memory_space<vmem>> -> memref<1x128xi32, #tpu.memory_space<vmem>>
          %dma_start3A_91 = tpu.memref_squeeze %dma_start3A_90 : memref<1x128xi32, #tpu.memory_space<vmem>> -> memref<128xi32, #tpu.memory_space<vmem>>
          %dma_start3A_92 = arith.constant 0 : i32
          %dma_start3A_93 = arith.constant 0 : i32
          %dma_start3A_94 = tpu.memref_slice %arg4[%dma_start3A_92, %dma_start3A_93] : memref<10000x64xf32, #tpu.memory_space<hbm>> -> memref<10000x64xf32, #tpu.memory_space<hbm>>
          tpu.enqueue_indirect_dma source(%dma_start3A_94 : memref<10000x64xf32, #tpu.memory_space<hbm>>) target(%dma_start3A_88 : memref<128x64xf32, #tpu.memory_space<vmem>>) offsets(%dma_start3A_91 : memref<128xi32, #tpu.memory_space<vmem>>) semaphore(%arg12 : memref<!tpu.dma_semaphore, #tpu.memory_space<semaphore_mem>>)
        } else {
        }
      } else {
      }
    }
    %scan3A_31 = arith.constant 40 : i32
    %barrier3A_32 = arith.constant 0 : index
    tpu.barrier barrier_id(%barrier3A_32)
    %mul3A_33 = arith.constant 640 : i32
    %mul3A_34 = arith.muli %arg1, %mul3A_33 : i32
    %mul3A_35 = arith.constant 640 : i32
    %mul3A_36 = arith.muli %arg1, %mul3A_35 : i32
    "tpu.region"() ({
      %run_scoped3A = tpu.sem_alloc : memref<!tpu.dma_semaphore, #tpu.memory_space<semaphore_mem>>
      %dma_start3A_37 = arith.constant 0 : i32
      %dma_start3A_38 = tpu.memref_slice %arg6[%arg0, %mul3A_36, %dma_start3A_37] : memref<2x10240x64xf32, #tpu.memory_space<hbm>> -> memref<1x640x64xf32, #tpu.memory_space<hbm>>
      %dma_start3A_39 = tpu.memref_squeeze %dma_start3A_38 : memref<1x640x64xf32, #tpu.memory_space<hbm>> -> memref<640x64xf32, #tpu.memory_space<hbm>>
      %dma_start3A_40 = arith.constant 0 : i32
      %dma_start3A_41 = tpu.memref_slice %arg10[%mul3A_34, %dma_start3A_40] : memref<10240x64xf32, #tpu.memory_space<vmem_shared>> -> memref<640x64xf32, #tpu.memory_space<vmem_shared>>
      tpu.enqueue_dma source(%dma_start3A_41 : memref<640x64xf32, #tpu.memory_space<vmem_shared>>) target(%dma_start3A_39 : memref<640x64xf32, #tpu.memory_space<hbm>>) target_semaphore(%run_scoped3A : memref<!tpu.dma_semaphore, #tpu.memory_space<semaphore_mem>>)
      %dma_wait3A = arith.constant 0 : i32
      %dma_wait3A_42 = tpu.memref_slice %arg6[%arg0, %mul3A_36, %dma_wait3A] : memref<2x10240x64xf32, #tpu.memory_space<hbm>> -> memref<1x640x64xf32, #tpu.memory_space<hbm>>
      %dma_wait3A_43 = tpu.memref_squeeze %dma_wait3A_42 : memref<1x640x64xf32, #tpu.memory_space<hbm>> -> memref<640x64xf32, #tpu.memory_space<hbm>>
      %dma_wait3A_44 = arith.constant 0 : i32
      %dma_wait3A_45 = tpu.memref_slice %arg10[%mul3A_34, %dma_wait3A_44] : memref<10240x64xf32, #tpu.memory_space<vmem_shared>> -> memref<640x64xf32, #tpu.memory_space<vmem_shared>>
      tpu.wait_dma2 semaphore(%run_scoped3A : memref<!tpu.dma_semaphore, #tpu.memory_space<semaphore_mem>>) src(%dma_wait3A_45 : memref<640x64xf32, #tpu.memory_space<vmem_shared>>) dst(%dma_wait3A_43 : memref<640x64xf32, #tpu.memory_space<hbm>>)
      tpu.yield
    }) : () -> ()
    return
  }
}

#map = affine_map<(d0, d1) -> (0, 0, 0)>
#map1 = affine_map<(d0, d1) -> (0, 0)>
module attributes {stable_mosaic.version = 14 : i64} {
  func.func @_seg_body(%arg0: i32, %arg1: i32, %arg2: memref<32x79x128xi32, #tpu.memory_space<hbm>>, %arg3: memref<32x79x128xi32, #tpu.memory_space<hbm>>, %arg4: memref<10000x64xf32, #tpu.memory_space<hbm>>, %arg5: memref<640x64xf32, #tpu.memory_space<hbm>>, %arg6: memref<2x10240x64xf32, #tpu.memory_space<hbm>>, %arg7: memref<79x128xi32, #tpu.memory_space<vmem>>, %arg8: memref<79x128xi32, #tpu.memory_space<vmem>>, %arg9: memref<2x128x64xf32, #tpu.memory_space<vmem>>, %arg10: memref<10240x64xf32, #tpu.memory_space<vmem_shared>>, %arg11: memref<!tpu.dma_semaphore, #tpu.memory_space<semaphore_mem>>, %arg12: memref<!tpu.dma_semaphore, #tpu.memory_space<semaphore_mem>>) attributes {dimension_semantics = [#tpu.dimension_semantics<core_parallel>, #tpu.dimension_semantics<subcore_parallel>], iteration_bounds = array<i64: 2, 16>, scalar_prefetch = 0 : i64, scratch_operands = 6 : i64, tpu.core_type = #tpu.core_type<sc_vector_subcore>, window_params = [{transform_indices = #map}, {transform_indices = #map}, {transform_indices = #map1}, {transform_indices = #map1}, {transform_indices = #map}]} {
    %mul3A = arith.constant 16 : i32
    %mul3A_0 = arith.muli %arg0, %mul3A : i32
    %add3A = arith.addi %mul3A_0, %arg1 : i32
    "tpu.region"() ({
      %run_scoped3A = tpu.sem_alloc : memref<!tpu.dma_semaphore, #tpu.memory_space<semaphore_mem>>
      %dma_start3A_37 = arith.constant 0 : i32
      %dma_start3A_38 = arith.constant 0 : i32
      %dma_start3A_39 = tpu.memref_slice %arg2[%add3A, %dma_start3A_37, %dma_start3A_38] : memref<32x79x128xi32, #tpu.memory_space<hbm>> -> memref<1x79x128xi32, #tpu.memory_space<hbm>>
      %dma_start3A_40 = tpu.memref_squeeze %dma_start3A_39 : memref<1x79x128xi32, #tpu.memory_space<hbm>> -> memref<79x128xi32, #tpu.memory_space<hbm>>
      %dma_start3A_41 = arith.constant 0 : i32
      %dma_start3A_42 = arith.constant 0 : i32
      %dma_start3A_43 = tpu.memref_slice %arg2[%add3A, %dma_start3A_41, %dma_start3A_42] : memref<32x79x128xi32, #tpu.memory_space<hbm>> -> memref<1x79x128xi32, #tpu.memory_space<hbm>>
      %dma_start3A_44 = tpu.memref_squeeze %dma_start3A_43 : memref<1x79x128xi32, #tpu.memory_space<hbm>> -> memref<79x128xi32, #tpu.memory_space<hbm>>
      tpu.enqueue_dma source(%dma_start3A_44 : memref<79x128xi32, #tpu.memory_space<hbm>>) target(%arg7 : memref<79x128xi32, #tpu.memory_space<vmem>>) target_semaphore(%run_scoped3A : memref<!tpu.dma_semaphore, #tpu.memory_space<semaphore_mem>>)
      %dma_wait3A = arith.constant 0 : i32
      %dma_wait3A_45 = arith.constant 0 : i32
      %dma_wait3A_46 = tpu.memref_slice %arg2[%add3A, %dma_wait3A, %dma_wait3A_45] : memref<32x79x128xi32, #tpu.memory_space<hbm>> -> memref<1x79x128xi32, #tpu.memory_space<hbm>>
      %dma_wait3A_47 = tpu.memref_squeeze %dma_wait3A_46 : memref<1x79x128xi32, #tpu.memory_space<hbm>> -> memref<79x128xi32, #tpu.memory_space<hbm>>
      %dma_wait3A_48 = arith.constant 0 : i32
      %dma_wait3A_49 = arith.constant 0 : i32
      %dma_wait3A_50 = tpu.memref_slice %arg2[%add3A, %dma_wait3A_48, %dma_wait3A_49] : memref<32x79x128xi32, #tpu.memory_space<hbm>> -> memref<1x79x128xi32, #tpu.memory_space<hbm>>
      %dma_wait3A_51 = tpu.memref_squeeze %dma_wait3A_50 : memref<1x79x128xi32, #tpu.memory_space<hbm>> -> memref<79x128xi32, #tpu.memory_space<hbm>>
      tpu.wait_dma2 semaphore(%run_scoped3A : memref<!tpu.dma_semaphore, #tpu.memory_space<semaphore_mem>>) src(%dma_wait3A_51 : memref<79x128xi32, #tpu.memory_space<hbm>>) dst(%arg7 : memref<79x128xi32, #tpu.memory_space<vmem>>)
      tpu.yield
    }) : () -> ()
    "tpu.region"() ({
      %run_scoped3A = tpu.sem_alloc : memref<!tpu.dma_semaphore, #tpu.memory_space<semaphore_mem>>
      %dma_start3A_37 = arith.constant 0 : i32
      %dma_start3A_38 = arith.constant 0 : i32
      %dma_start3A_39 = tpu.memref_slice %arg3[%add3A, %dma_start3A_37, %dma_start3A_38] : memref<32x79x128xi32, #tpu.memory_space<hbm>> -> memref<1x79x128xi32, #tpu.memory_space<hbm>>
      %dma_start3A_40 = tpu.memref_squeeze %dma_start3A_39 : memref<1x79x128xi32, #tpu.memory_space<hbm>> -> memref<79x128xi32, #tpu.memory_space<hbm>>
      %dma_start3A_41 = arith.constant 0 : i32
      %dma_start3A_42 = arith.constant 0 : i32
      %dma_start3A_43 = tpu.memref_slice %arg3[%add3A, %dma_start3A_41, %dma_start3A_42] : memref<32x79x128xi32, #tpu.memory_space<hbm>> -> memref<1x79x128xi32, #tpu.memory_space<hbm>>
      %dma_start3A_44 = tpu.memref_squeeze %dma_start3A_43 : memref<1x79x128xi32, #tpu.memory_space<hbm>> -> memref<79x128xi32, #tpu.memory_space<hbm>>
      tpu.enqueue_dma source(%dma_start3A_44 : memref<79x128xi32, #tpu.memory_space<hbm>>) target(%arg8 : memref<79x128xi32, #tpu.memory_space<vmem>>) target_semaphore(%run_scoped3A : memref<!tpu.dma_semaphore, #tpu.memory_space<semaphore_mem>>)
      %dma_wait3A = arith.constant 0 : i32
      %dma_wait3A_45 = arith.constant 0 : i32
      %dma_wait3A_46 = tpu.memref_slice %arg3[%add3A, %dma_wait3A, %dma_wait3A_45] : memref<32x79x128xi32, #tpu.memory_space<hbm>> -> memref<1x79x128xi32, #tpu.memory_space<hbm>>
      %dma_wait3A_47 = tpu.memref_squeeze %dma_wait3A_46 : memref<1x79x128xi32, #tpu.memory_space<hbm>> -> memref<79x128xi32, #tpu.memory_space<hbm>>
      %dma_wait3A_48 = arith.constant 0 : i32
      %dma_wait3A_49 = arith.constant 0 : i32
      %dma_wait3A_50 = tpu.memref_slice %arg3[%add3A, %dma_wait3A_48, %dma_wait3A_49] : memref<32x79x128xi32, #tpu.memory_space<hbm>> -> memref<1x79x128xi32, #tpu.memory_space<hbm>>
      %dma_wait3A_51 = tpu.memref_squeeze %dma_wait3A_50 : memref<1x79x128xi32, #tpu.memory_space<hbm>> -> memref<79x128xi32, #tpu.memory_space<hbm>>
      tpu.wait_dma2 semaphore(%run_scoped3A : memref<!tpu.dma_semaphore, #tpu.memory_space<semaphore_mem>>) src(%dma_wait3A_51 : memref<79x128xi32, #tpu.memory_space<hbm>>) dst(%arg8 : memref<79x128xi32, #tpu.memory_space<vmem>>)
      tpu.yield
    }) : () -> ()
    %mul3A_1 = arith.constant 640 : i32
    %mul3A_2 = arith.muli %arg1, %mul3A_1 : i32
    "tpu.region"() ({
      %run_scoped3A = tpu.sem_alloc : memref<!tpu.dma_semaphore, #tpu.memory_space<semaphore_mem>>
      %dma_start3A_37 = arith.constant 0 : i32
      %dma_start3A_38 = tpu.memref_slice %arg10[%mul3A_2, %dma_start3A_37] : memref<10240x64xf32, #tpu.memory_space<vmem_shared>> -> memref<640x64xf32, #tpu.memory_space<vmem_shared>>
      tpu.enqueue_dma source(%arg5 : memref<640x64xf32, #tpu.memory_space<hbm>>) target(%dma_start3A_38 : memref<640x64xf32, #tpu.memory_space<vmem_shared>>) target_semaphore(%run_scoped3A : memref<!tpu.dma_semaphore, #tpu.memory_space<semaphore_mem>>)
      %dma_wait3A = arith.constant 0 : i32
      %dma_wait3A_39 = tpu.memref_slice %arg10[%mul3A_2, %dma_wait3A] : memref<10240x64xf32, #tpu.memory_space<vmem_shared>> -> memref<640x64xf32, #tpu.memory_space<vmem_shared>>
      tpu.wait_dma2 semaphore(%run_scoped3A : memref<!tpu.dma_semaphore, #tpu.memory_space<semaphore_mem>>) src(%arg5 : memref<640x64xf32, #tpu.memory_space<hbm>>) dst(%dma_wait3A_39 : memref<640x64xf32, #tpu.memory_space<vmem_shared>>)
      tpu.yield
    }) : () -> ()
    %barrier3A = arith.constant 0 : index
    tpu.barrier barrier_id(%barrier3A)
    %dma_start3A = arith.constant 0 : i32
    %dma_start3A_3 = arith.constant 0 : i32
    %dma_start3A_4 = arith.constant 0 : i32
    %dma_start3A_5 = arith.constant 0 : i32
    %dma_start3A_6 = tpu.memref_slice %arg9[%dma_start3A_3, %dma_start3A_4, %dma_start3A_5] : memref<2x128x64xf32, #tpu.memory_space<vmem>> -> memref<1x128x64xf32, #tpu.memory_space<vmem>>
    %dma_start3A_7 = tpu.memref_squeeze %dma_start3A_6 : memref<1x128x64xf32, #tpu.memory_space<vmem>> -> memref<128x64xf32, #tpu.memory_space<vmem>>
    %dma_start3A_8 = arith.constant 0 : i32
    %dma_start3A_9 = tpu.memref_slice %arg7[%dma_start3A, %dma_start3A_8] : memref<79x128xi32, #tpu.memory_space<vmem>> -> memref<1x128xi32, #tpu.memory_space<vmem>>
    %dma_start3A_10 = tpu.memref_squeeze %dma_start3A_9 : memref<1x128xi32, #tpu.memory_space<vmem>> -> memref<128xi32, #tpu.memory_space<vmem>>
    %dma_start3A_11 = arith.constant 0 : i32
    %dma_start3A_12 = arith.constant 0 : i32
    %dma_start3A_13 = tpu.memref_slice %arg4[%dma_start3A_11, %dma_start3A_12] : memref<10000x64xf32, #tpu.memory_space<hbm>> -> memref<10000x64xf32, #tpu.memory_space<hbm>>
    tpu.enqueue_indirect_dma source(%dma_start3A_13 : memref<10000x64xf32, #tpu.memory_space<hbm>>) target(%dma_start3A_7 : memref<128x64xf32, #tpu.memory_space<vmem>>) offsets(%dma_start3A_10 : memref<128xi32, #tpu.memory_space<vmem>>) semaphore(%arg11 : memref<!tpu.dma_semaphore, #tpu.memory_space<semaphore_mem>>)
    %dma_start3A_14 = arith.constant 1 : i32
    %dma_start3A_15 = arith.constant 1 : i32
    %dma_start3A_16 = arith.constant 0 : i32
    %dma_start3A_17 = arith.constant 0 : i32
    %dma_start3A_18 = tpu.memref_slice %arg9[%dma_start3A_15, %dma_start3A_16, %dma_start3A_17] : memref<2x128x64xf32, #tpu.memory_space<vmem>> -> memref<1x128x64xf32, #tpu.memory_space<vmem>>
    %dma_start3A_19 = tpu.memref_squeeze %dma_start3A_18 : memref<1x128x64xf32, #tpu.memory_space<vmem>> -> memref<128x64xf32, #tpu.memory_space<vmem>>
    %dma_start3A_20 = arith.constant 0 : i32
    %dma_start3A_21 = tpu.memref_slice %arg7[%dma_start3A_14, %dma_start3A_20] : memref<79x128xi32, #tpu.memory_space<vmem>> -> memref<1x128xi32, #tpu.memory_space<vmem>>
    %dma_start3A_22 = tpu.memref_squeeze %dma_start3A_21 : memref<1x128xi32, #tpu.memory_space<vmem>> -> memref<128xi32, #tpu.memory_space<vmem>>
    %dma_start3A_23 = arith.constant 0 : i32
    %dma_start3A_24 = arith.constant 0 : i32
    %dma_start3A_25 = tpu.memref_slice %arg4[%dma_start3A_23, %dma_start3A_24] : memref<10000x64xf32, #tpu.memory_space<hbm>> -> memref<10000x64xf32, #tpu.memory_space<hbm>>
    tpu.enqueue_indirect_dma source(%dma_start3A_25 : memref<10000x64xf32, #tpu.memory_space<hbm>>) target(%dma_start3A_19 : memref<128x64xf32, #tpu.memory_space<vmem>>) offsets(%dma_start3A_22 : memref<128xi32, #tpu.memory_space<vmem>>) semaphore(%arg12 : memref<!tpu.dma_semaphore, #tpu.memory_space<semaphore_mem>>)
    %scan3A = arith.constant 0 : i32
    %scan3A_26 = arith.constant 1 : i32
    %scan3A_27 = arith.constant 0 : i32
    %scan3A_28 = arith.constant 40 : i32
    %scan3A_29 = arith.addi %scan3A_27, %scan3A_28 : i32
    %scan3A_30 = arith.constant 1 : i32
    scf.for %scan3A_37 = %scan3A_27 to %scan3A_29 step %scan3A_30  : i32 {
      %mul3A_38 = arith.constant 2 : i32
      %mul3A_39 = arith.muli %scan3A_37, %mul3A_38 : i32
      %add3A_40 = arith.constant 0 : i32
      %add3A_41 = arith.addi %add3A_40, %mul3A_39 : i32
      %dma_wait3A = arith.constant 0 : i32
      %dma_wait3A_42 = arith.constant 0 : i32
      %dma_wait3A_43 = tpu.memref_slice %arg9[%scan3A, %dma_wait3A, %dma_wait3A_42] : memref<2x128x64xf32, #tpu.memory_space<vmem>> -> memref<1x128x64xf32, #tpu.memory_space<vmem>>
      %dma_wait3A_44 = tpu.memref_squeeze %dma_wait3A_43 : memref<1x128x64xf32, #tpu.memory_space<vmem>> -> memref<128x64xf32, #tpu.memory_space<vmem>>
      %dma_wait3A_45 = arith.constant 0 : i32
      %dma_wait3A_46 = tpu.memref_slice %arg7[%add3A_41, %dma_wait3A_45] : memref<79x128xi32, #tpu.memory_space<vmem>> -> memref<1x128xi32, #tpu.memory_space<vmem>>
      %dma_wait3A_47 = tpu.memref_squeeze %dma_wait3A_46 : memref<1x128xi32, #tpu.memory_space<vmem>> -> memref<128xi32, #tpu.memory_space<vmem>>
      %dma_wait3A_48 = arith.constant 0 : i32
      %dma_wait3A_49 = arith.constant 0 : i32
      %dma_wait3A_50 = tpu.memref_slice %arg4[%dma_wait3A_48, %dma_wait3A_49] : memref<10000x64xf32, #tpu.memory_space<hbm>> -> memref<10000x64xf32, #tpu.memory_space<hbm>>
      tpu.wait_indirect_dma semaphore(%arg11 : memref<!tpu.dma_semaphore, #tpu.memory_space<semaphore_mem>>) src(%dma_wait3A_50 : memref<10000x64xf32, #tpu.memory_space<hbm>>) dst(%dma_wait3A_44 : memref<128x64xf32, #tpu.memory_space<vmem>>)
      "tpu.region"() ({
        %run_scoped3A = tpu.sem_alloc : memref<!tpu.dma_semaphore, #tpu.memory_space<semaphore_mem>>
        %dma_start3A_62 = arith.constant 0 : i32
        %dma_start3A_63 = arith.constant 0 : i32
        %dma_start3A_64 = tpu.memref_slice %arg9[%scan3A, %dma_start3A_62, %dma_start3A_63] : memref<2x128x64xf32, #tpu.memory_space<vmem>> -> memref<1x128x64xf32, #tpu.memory_space<vmem>>
        %dma_start3A_65 = tpu.memref_squeeze %dma_start3A_64 : memref<1x128x64xf32, #tpu.memory_space<vmem>> -> memref<128x64xf32, #tpu.memory_space<vmem>>
        %dma_start3A_66 = arith.constant 0 : i32
        %dma_start3A_67 = tpu.memref_slice %arg8[%add3A_41, %dma_start3A_66] : memref<79x128xi32, #tpu.memory_space<vmem>> -> memref<1x128xi32, #tpu.memory_space<vmem>>
        %dma_start3A_68 = tpu.memref_squeeze %dma_start3A_67 : memref<1x128xi32, #tpu.memory_space<vmem>> -> memref<128xi32, #tpu.memory_space<vmem>>
        %dma_start3A_69 = arith.constant 0 : i32
        %dma_start3A_70 = arith.constant 0 : i32
        %dma_start3A_71 = tpu.memref_slice %arg10[%dma_start3A_69, %dma_start3A_70] : memref<10240x64xf32, #tpu.memory_space<vmem_shared>> -> memref<10240x64xf32, #tpu.memory_space<vmem_shared>>
        tpu.enqueue_indirect_dma source(%dma_start3A_65 : memref<128x64xf32, #tpu.memory_space<vmem>>) target(%dma_start3A_71 : memref<10240x64xf32, #tpu.memory_space<vmem_shared>>) offsets(%dma_start3A_68 : memref<128xi32, #tpu.memory_space<vmem>>) semaphore(%run_scoped3A : memref<!tpu.dma_semaphore, #tpu.memory_space<semaphore_mem>>) {add = true}
        %dma_wait3A_72 = arith.constant 0 : i32
        %dma_wait3A_73 = arith.constant 0 : i32
        %dma_wait3A_74 = tpu.memref_slice %arg9[%scan3A, %dma_wait3A_72, %dma_wait3A_73] : memref<2x128x64xf32, #tpu.memory_space<vmem>> -> memref<1x128x64xf32, #tpu.memory_space<vmem>>
        %dma_wait3A_75 = tpu.memref_squeeze %dma_wait3A_74 : memref<1x128x64xf32, #tpu.memory_space<vmem>> -> memref<128x64xf32, #tpu.memory_space<vmem>>
        %dma_wait3A_76 = arith.constant 0 : i32
        %dma_wait3A_77 = tpu.memref_slice %arg8[%add3A_41, %dma_wait3A_76] : memref<79x128xi32, #tpu.memory_space<vmem>> -> memref<1x128xi32, #tpu.memory_space<vmem>>
        %dma_wait3A_78 = tpu.memref_squeeze %dma_wait3A_77 : memref<1x128xi32, #tpu.memory_space<vmem>> -> memref<128xi32, #tpu.memory_space<vmem>>
        %dma_wait3A_79 = arith.constant 0 : i32
        %dma_wait3A_80 = arith.constant 0 : i32
        %dma_wait3A_81 = tpu.memref_slice %arg10[%dma_wait3A_79, %dma_wait3A_80] : memref<10240x64xf32, #tpu.memory_space<vmem_shared>> -> memref<10240x64xf32, #tpu.memory_space<vmem_shared>>
        tpu.wait_indirect_dma semaphore(%run_scoped3A : memref<!tpu.dma_semaphore, #tpu.memory_space<semaphore_mem>>) src(%dma_wait3A_75 : memref<128x64xf32, #tpu.memory_space<vmem>>) dst(%dma_wait3A_81 : memref<10240x64xf32, #tpu.memory_space<vmem_shared>>)
        tpu.yield
      }) : () -> ()
      %add3A_51 = arith.constant 2 : i32
      %add3A_52 = arith.addi %add3A_41, %add3A_51 : i32
      %lt3A = arith.constant 79 : i32
      %lt3A_53 = arith.cmpi slt, %add3A_52, %lt3A : i32
      %convert_element_type3A = arith.extui %lt3A_53 : i1 to i32
      %cond3A = arith.constant 0 : i32
      %cond3A_54 = arith.cmpi ne, %convert_element_type3A, %cond3A : i32
      scf.if %cond3A_54 {
        %add3A_62 = arith.constant 2 : i32
        %add3A_63 = arith.addi %add3A_41, %add3A_62 : i32
        %dma_start3A_64 = arith.constant 0 : i32
        %dma_start3A_65 = arith.constant 0 : i32
        %dma_start3A_66 = tpu.memref_slice %arg9[%scan3A, %dma_start3A_64, %dma_start3A_65] : memref<2x128x64xf32, #tpu.memory_space<vmem>> -> memref<1x128x64xf32, #tpu.memory_space<vmem>>
        %dma_start3A_67 = tpu.memref_squeeze %dma_start3A_66 : memref<1x128x64xf32, #tpu.memory_space<vmem>> -> memref<128x64xf32, #tpu.memory_space<vmem>>
        %dma_start3A_68 = arith.constant 0 : i32
        %dma_start3A_69 = tpu.memref_slice %arg7[%add3A_63, %dma_start3A_68] : memref<79x128xi32, #tpu.memory_space<vmem>> -> memref<1x128xi32, #tpu.memory_space<vmem>>
        %dma_start3A_70 = tpu.memref_squeeze %dma_start3A_69 : memref<1x128xi32, #tpu.memory_space<vmem>> -> memref<128xi32, #tpu.memory_space<vmem>>
        %dma_start3A_71 = arith.constant 0 : i32
        %dma_start3A_72 = arith.constant 0 : i32
        %dma_start3A_73 = tpu.memref_slice %arg4[%dma_start3A_71, %dma_start3A_72] : memref<10000x64xf32, #tpu.memory_space<hbm>> -> memref<10000x64xf32, #tpu.memory_space<hbm>>
        tpu.enqueue_indirect_dma source(%dma_start3A_73 : memref<10000x64xf32, #tpu.memory_space<hbm>>) target(%dma_start3A_67 : memref<128x64xf32, #tpu.memory_space<vmem>>) offsets(%dma_start3A_70 : memref<128xi32, #tpu.memory_space<vmem>>) semaphore(%arg11 : memref<!tpu.dma_semaphore, #tpu.memory_space<semaphore_mem>>)
      } else {
      }
      %add3A_55 = arith.constant 1 : i32
      %add3A_56 = arith.addi %add3A_41, %add3A_55 : i32
      %lt3A_57 = arith.constant 79 : i32
      %lt3A_58 = arith.cmpi slt, %add3A_56, %lt3A_57 : i32
      %convert_element_type3A_59 = arith.extui %lt3A_58 : i1 to i32
      %cond3A_60 = arith.constant 0 : i32
      %cond3A_61 = arith.cmpi ne, %convert_element_type3A_59, %cond3A_60 : i32
      scf.if %cond3A_61 {
        %add3A_62 = arith.constant 1 : i32
        %add3A_63 = arith.addi %add3A_41, %add3A_62 : i32
        %dma_wait3A_64 = arith.constant 0 : i32
        %dma_wait3A_65 = arith.constant 0 : i32
        %dma_wait3A_66 = tpu.memref_slice %arg9[%scan3A_26, %dma_wait3A_64, %dma_wait3A_65] : memref<2x128x64xf32, #tpu.memory_space<vmem>> -> memref<1x128x64xf32, #tpu.memory_space<vmem>>
        %dma_wait3A_67 = tpu.memref_squeeze %dma_wait3A_66 : memref<1x128x64xf32, #tpu.memory_space<vmem>> -> memref<128x64xf32, #tpu.memory_space<vmem>>
        %dma_wait3A_68 = arith.constant 0 : i32
        %dma_wait3A_69 = tpu.memref_slice %arg7[%add3A_63, %dma_wait3A_68] : memref<79x128xi32, #tpu.memory_space<vmem>> -> memref<1x128xi32, #tpu.memory_space<vmem>>
        %dma_wait3A_70 = tpu.memref_squeeze %dma_wait3A_69 : memref<1x128xi32, #tpu.memory_space<vmem>> -> memref<128xi32, #tpu.memory_space<vmem>>
        %dma_wait3A_71 = arith.constant 0 : i32
        %dma_wait3A_72 = arith.constant 0 : i32
        %dma_wait3A_73 = tpu.memref_slice %arg4[%dma_wait3A_71, %dma_wait3A_72] : memref<10000x64xf32, #tpu.memory_space<hbm>> -> memref<10000x64xf32, #tpu.memory_space<hbm>>
        tpu.wait_indirect_dma semaphore(%arg12 : memref<!tpu.dma_semaphore, #tpu.memory_space<semaphore_mem>>) src(%dma_wait3A_73 : memref<10000x64xf32, #tpu.memory_space<hbm>>) dst(%dma_wait3A_67 : memref<128x64xf32, #tpu.memory_space<vmem>>)
        %add3A_74 = arith.constant 1 : i32
        %add3A_75 = arith.addi %add3A_41, %add3A_74 : i32
        "tpu.region"() ({
          %run_scoped3A = tpu.sem_alloc : memref<!tpu.dma_semaphore, #tpu.memory_space<semaphore_mem>>
          %dma_start3A_83 = arith.constant 0 : i32
          %dma_start3A_84 = arith.constant 0 : i32
          %dma_start3A_85 = tpu.memref_slice %arg9[%scan3A_26, %dma_start3A_83, %dma_start3A_84] : memref<2x128x64xf32, #tpu.memory_space<vmem>> -> memref<1x128x64xf32, #tpu.memory_space<vmem>>
          %dma_start3A_86 = tpu.memref_squeeze %dma_start3A_85 : memref<1x128x64xf32, #tpu.memory_space<vmem>> -> memref<128x64xf32, #tpu.memory_space<vmem>>
          %dma_start3A_87 = arith.constant 0 : i32
          %dma_start3A_88 = tpu.memref_slice %arg8[%add3A_75, %dma_start3A_87] : memref<79x128xi32, #tpu.memory_space<vmem>> -> memref<1x128xi32, #tpu.memory_space<vmem>>
          %dma_start3A_89 = tpu.memref_squeeze %dma_start3A_88 : memref<1x128xi32, #tpu.memory_space<vmem>> -> memref<128xi32, #tpu.memory_space<vmem>>
          %dma_start3A_90 = arith.constant 0 : i32
          %dma_start3A_91 = arith.constant 0 : i32
          %dma_start3A_92 = tpu.memref_slice %arg10[%dma_start3A_90, %dma_start3A_91] : memref<10240x64xf32, #tpu.memory_space<vmem_shared>> -> memref<10240x64xf32, #tpu.memory_space<vmem_shared>>
          tpu.enqueue_indirect_dma source(%dma_start3A_86 : memref<128x64xf32, #tpu.memory_space<vmem>>) target(%dma_start3A_92 : memref<10240x64xf32, #tpu.memory_space<vmem_shared>>) offsets(%dma_start3A_89 : memref<128xi32, #tpu.memory_space<vmem>>) semaphore(%run_scoped3A : memref<!tpu.dma_semaphore, #tpu.memory_space<semaphore_mem>>) {add = true}
          %dma_wait3A_93 = arith.constant 0 : i32
          %dma_wait3A_94 = arith.constant 0 : i32
          %dma_wait3A_95 = tpu.memref_slice %arg9[%scan3A_26, %dma_wait3A_93, %dma_wait3A_94] : memref<2x128x64xf32, #tpu.memory_space<vmem>> -> memref<1x128x64xf32, #tpu.memory_space<vmem>>
          %dma_wait3A_96 = tpu.memref_squeeze %dma_wait3A_95 : memref<1x128x64xf32, #tpu.memory_space<vmem>> -> memref<128x64xf32, #tpu.memory_space<vmem>>
          %dma_wait3A_97 = arith.constant 0 : i32
          %dma_wait3A_98 = tpu.memref_slice %arg8[%add3A_75, %dma_wait3A_97] : memref<79x128xi32, #tpu.memory_space<vmem>> -> memref<1x128xi32, #tpu.memory_space<vmem>>
          %dma_wait3A_99 = tpu.memref_squeeze %dma_wait3A_98 : memref<1x128xi32, #tpu.memory_space<vmem>> -> memref<128xi32, #tpu.memory_space<vmem>>
          %dma_wait3A_100 = arith.constant 0 : i32
          %dma_wait3A_101 = arith.constant 0 : i32
          %dma_wait3A_102 = tpu.memref_slice %arg10[%dma_wait3A_100, %dma_wait3A_101] : memref<10240x64xf32, #tpu.memory_space<vmem_shared>> -> memref<10240x64xf32, #tpu.memory_space<vmem_shared>>
          tpu.wait_indirect_dma semaphore(%run_scoped3A : memref<!tpu.dma_semaphore, #tpu.memory_space<semaphore_mem>>) src(%dma_wait3A_96 : memref<128x64xf32, #tpu.memory_space<vmem>>) dst(%dma_wait3A_102 : memref<10240x64xf32, #tpu.memory_space<vmem_shared>>)
          tpu.yield
        }) : () -> ()
        %add3A_76 = arith.constant 3 : i32
        %add3A_77 = arith.addi %add3A_41, %add3A_76 : i32
        %lt3A_78 = arith.constant 79 : i32
        %lt3A_79 = arith.cmpi slt, %add3A_77, %lt3A_78 : i32
        %convert_element_type3A_80 = arith.extui %lt3A_79 : i1 to i32
        %cond3A_81 = arith.constant 0 : i32
        %cond3A_82 = arith.cmpi ne, %convert_element_type3A_80, %cond3A_81 : i32
        scf.if %cond3A_82 {
          %add3A_83 = arith.constant 3 : i32
          %add3A_84 = arith.addi %add3A_41, %add3A_83 : i32
          %dma_start3A_85 = arith.constant 0 : i32
          %dma_start3A_86 = arith.constant 0 : i32
          %dma_start3A_87 = tpu.memref_slice %arg9[%scan3A_26, %dma_start3A_85, %dma_start3A_86] : memref<2x128x64xf32, #tpu.memory_space<vmem>> -> memref<1x128x64xf32, #tpu.memory_space<vmem>>
          %dma_start3A_88 = tpu.memref_squeeze %dma_start3A_87 : memref<1x128x64xf32, #tpu.memory_space<vmem>> -> memref<128x64xf32, #tpu.memory_space<vmem>>
          %dma_start3A_89 = arith.constant 0 : i32
          %dma_start3A_90 = tpu.memref_slice %arg7[%add3A_84, %dma_start3A_89] : memref<79x128xi32, #tpu.memory_space<vmem>> -> memref<1x128xi32, #tpu.memory_space<vmem>>
          %dma_start3A_91 = tpu.memref_squeeze %dma_start3A_90 : memref<1x128xi32, #tpu.memory_space<vmem>> -> memref<128xi32, #tpu.memory_space<vmem>>
          %dma_start3A_92 = arith.constant 0 : i32
          %dma_start3A_93 = arith.constant 0 : i32
          %dma_start3A_94 = tpu.memref_slice %arg4[%dma_start3A_92, %dma_start3A_93] : memref<10000x64xf32, #tpu.memory_space<hbm>> -> memref<10000x64xf32, #tpu.memory_space<hbm>>
          tpu.enqueue_indirect_dma source(%dma_start3A_94 : memref<10000x64xf32, #tpu.memory_space<hbm>>) target(%dma_start3A_88 : memref<128x64xf32, #tpu.memory_space<vmem>>) offsets(%dma_start3A_91 : memref<128xi32, #tpu.memory_space<vmem>>) semaphore(%arg12 : memref<!tpu.dma_semaphore, #tpu.memory_space<semaphore_mem>>)
        } else {
        }
      } else {
      }
    }
    %scan3A_31 = arith.constant 40 : i32
    %barrier3A_32 = arith.constant 0 : index
    tpu.barrier barrier_id(%barrier3A_32)
    %mul3A_33 = arith.constant 640 : i32
    %mul3A_34 = arith.muli %arg1, %mul3A_33 : i32
    %mul3A_35 = arith.constant 640 : i32
    %mul3A_36 = arith.muli %arg1, %mul3A_35 : i32
    "tpu.region"() ({
      %run_scoped3A = tpu.sem_alloc : memref<!tpu.dma_semaphore, #tpu.memory_space<semaphore_mem>>
      %dma_start3A_37 = arith.constant 0 : i32
      %dma_start3A_38 = tpu.memref_slice %arg6[%arg0, %mul3A_36, %dma_start3A_37] : memref<2x10240x64xf32, #tpu.memory_space<hbm>> -> memref<1x640x64xf32, #tpu.memory_space<hbm>>
      %dma_start3A_39 = tpu.memref_squeeze %dma_start3A_38 : memref<1x640x64xf32, #tpu.memory_space<hbm>> -> memref<640x64xf32, #tpu.memory_space<hbm>>
      %dma_start3A_40 = arith.constant 0 : i32
      %dma_start3A_41 = tpu.memref_slice %arg10[%mul3A_34, %dma_start3A_40] : memref<10240x64xf32, #tpu.memory_space<vmem_shared>> -> memref<640x64xf32, #tpu.memory_space<vmem_shared>>
      tpu.enqueue_dma source(%dma_start3A_41 : memref<640x64xf32, #tpu.memory_space<vmem_shared>>) target(%dma_start3A_39 : memref<640x64xf32, #tpu.memory_space<hbm>>) target_semaphore(%run_scoped3A : memref<!tpu.dma_semaphore, #tpu.memory_space<semaphore_mem>>)
      %dma_wait3A = arith.constant 0 : i32
      %dma_wait3A_42 = tpu.memref_slice %arg6[%arg0, %mul3A_36, %dma_wait3A] : memref<2x10240x64xf32, #tpu.memory_space<hbm>> -> memref<1x640x64xf32, #tpu.memory_space<hbm>>
      %dma_wait3A_43 = tpu.memref_squeeze %dma_wait3A_42 : memref<1x640x64xf32, #tpu.memory_space<hbm>> -> memref<640x64xf32, #tpu.memory_space<hbm>>
      %dma_wait3A_44 = arith.constant 0 : i32
      %dma_wait3A_45 = tpu.memref_slice %arg10[%mul3A_34, %dma_wait3A_44] : memref<10240x64xf32, #tpu.memory_space<vmem_shared>> -> memref<640x64xf32, #tpu.memory_space<vmem_shared>>
      tpu.wait_dma2 semaphore(%run_scoped3A : memref<!tpu.dma_semaphore, #tpu.memory_space<semaphore_mem>>) src(%dma_wait3A_45 : memref<640x64xf32, #tpu.memory_space<vmem_shared>>) dst(%dma_wait3A_43 : memref<640x64xf32, #tpu.memory_space<hbm>>)
      tpu.yield
    }) : () -> ()
    return
  }
}

#map = affine_map<(d0, d1) -> (0, 0, 0)>
#map1 = affine_map<(d0, d1) -> (0, 0)>
module attributes {stable_mosaic.version = 14 : i64} {
  func.func @_seg_body(%arg0: i32, %arg1: i32, %arg2: memref<32x79x128xi32, #tpu.memory_space<hbm>>, %arg3: memref<32x79x128xi32, #tpu.memory_space<hbm>>, %arg4: memref<10000x64xf32, #tpu.memory_space<hbm>>, %arg5: memref<640x64xf32, #tpu.memory_space<hbm>>, %arg6: memref<2x10240x64xf32, #tpu.memory_space<hbm>>, %arg7: memref<79x128xi32, #tpu.memory_space<vmem>>, %arg8: memref<79x128xi32, #tpu.memory_space<vmem>>, %arg9: memref<2x128x64xf32, #tpu.memory_space<vmem>>, %arg10: memref<10240x64xf32, #tpu.memory_space<vmem_shared>>, %arg11: memref<!tpu.dma_semaphore, #tpu.memory_space<semaphore_mem>>, %arg12: memref<!tpu.dma_semaphore, #tpu.memory_space<semaphore_mem>>) attributes {dimension_semantics = [#tpu.dimension_semantics<core_parallel>, #tpu.dimension_semantics<subcore_parallel>], iteration_bounds = array<i64: 2, 16>, scalar_prefetch = 0 : i64, scratch_operands = 6 : i64, tpu.core_type = #tpu.core_type<sc_vector_subcore>, window_params = [{transform_indices = #map}, {transform_indices = #map}, {transform_indices = #map1}, {transform_indices = #map1}, {transform_indices = #map}]} {
    %mul3A = arith.constant 16 : i32
    %mul3A_0 = arith.muli %arg0, %mul3A : i32
    %add3A = arith.addi %mul3A_0, %arg1 : i32
    "tpu.region"() ({
      %run_scoped3A = tpu.sem_alloc : memref<!tpu.dma_semaphore, #tpu.memory_space<semaphore_mem>>
      %dma_start3A_37 = arith.constant 0 : i32
      %dma_start3A_38 = arith.constant 0 : i32
      %dma_start3A_39 = tpu.memref_slice %arg2[%add3A, %dma_start3A_37, %dma_start3A_38] : memref<32x79x128xi32, #tpu.memory_space<hbm>> -> memref<1x79x128xi32, #tpu.memory_space<hbm>>
      %dma_start3A_40 = tpu.memref_squeeze %dma_start3A_39 : memref<1x79x128xi32, #tpu.memory_space<hbm>> -> memref<79x128xi32, #tpu.memory_space<hbm>>
      %dma_start3A_41 = arith.constant 0 : i32
      %dma_start3A_42 = arith.constant 0 : i32
      %dma_start3A_43 = tpu.memref_slice %arg2[%add3A, %dma_start3A_41, %dma_start3A_42] : memref<32x79x128xi32, #tpu.memory_space<hbm>> -> memref<1x79x128xi32, #tpu.memory_space<hbm>>
      %dma_start3A_44 = tpu.memref_squeeze %dma_start3A_43 : memref<1x79x128xi32, #tpu.memory_space<hbm>> -> memref<79x128xi32, #tpu.memory_space<hbm>>
      tpu.enqueue_dma source(%dma_start3A_44 : memref<79x128xi32, #tpu.memory_space<hbm>>) target(%arg7 : memref<79x128xi32, #tpu.memory_space<vmem>>) target_semaphore(%run_scoped3A : memref<!tpu.dma_semaphore, #tpu.memory_space<semaphore_mem>>)
      %dma_wait3A = arith.constant 0 : i32
      %dma_wait3A_45 = arith.constant 0 : i32
      %dma_wait3A_46 = tpu.memref_slice %arg2[%add3A, %dma_wait3A, %dma_wait3A_45] : memref<32x79x128xi32, #tpu.memory_space<hbm>> -> memref<1x79x128xi32, #tpu.memory_space<hbm>>
      %dma_wait3A_47 = tpu.memref_squeeze %dma_wait3A_46 : memref<1x79x128xi32, #tpu.memory_space<hbm>> -> memref<79x128xi32, #tpu.memory_space<hbm>>
      %dma_wait3A_48 = arith.constant 0 : i32
      %dma_wait3A_49 = arith.constant 0 : i32
      %dma_wait3A_50 = tpu.memref_slice %arg2[%add3A, %dma_wait3A_48, %dma_wait3A_49] : memref<32x79x128xi32, #tpu.memory_space<hbm>> -> memref<1x79x128xi32, #tpu.memory_space<hbm>>
      %dma_wait3A_51 = tpu.memref_squeeze %dma_wait3A_50 : memref<1x79x128xi32, #tpu.memory_space<hbm>> -> memref<79x128xi32, #tpu.memory_space<hbm>>
      tpu.wait_dma2 semaphore(%run_scoped3A : memref<!tpu.dma_semaphore, #tpu.memory_space<semaphore_mem>>) src(%dma_wait3A_51 : memref<79x128xi32, #tpu.memory_space<hbm>>) dst(%arg7 : memref<79x128xi32, #tpu.memory_space<vmem>>)
      tpu.yield
    }) : () -> ()
    "tpu.region"() ({
      %run_scoped3A = tpu.sem_alloc : memref<!tpu.dma_semaphore, #tpu.memory_space<semaphore_mem>>
      %dma_start3A_37 = arith.constant 0 : i32
      %dma_start3A_38 = arith.constant 0 : i32
      %dma_start3A_39 = tpu.memref_slice %arg3[%add3A, %dma_start3A_37, %dma_start3A_38] : memref<32x79x128xi32, #tpu.memory_space<hbm>> -> memref<1x79x128xi32, #tpu.memory_space<hbm>>
      %dma_start3A_40 = tpu.memref_squeeze %dma_start3A_39 : memref<1x79x128xi32, #tpu.memory_space<hbm>> -> memref<79x128xi32, #tpu.memory_space<hbm>>
      %dma_start3A_41 = arith.constant 0 : i32
      %dma_start3A_42 = arith.constant 0 : i32
      %dma_start3A_43 = tpu.memref_slice %arg3[%add3A, %dma_start3A_41, %dma_start3A_42] : memref<32x79x128xi32, #tpu.memory_space<hbm>> -> memref<1x79x128xi32, #tpu.memory_space<hbm>>
      %dma_start3A_44 = tpu.memref_squeeze %dma_start3A_43 : memref<1x79x128xi32, #tpu.memory_space<hbm>> -> memref<79x128xi32, #tpu.memory_space<hbm>>
      tpu.enqueue_dma source(%dma_start3A_44 : memref<79x128xi32, #tpu.memory_space<hbm>>) target(%arg8 : memref<79x128xi32, #tpu.memory_space<vmem>>) target_semaphore(%run_scoped3A : memref<!tpu.dma_semaphore, #tpu.memory_space<semaphore_mem>>)
      %dma_wait3A = arith.constant 0 : i32
      %dma_wait3A_45 = arith.constant 0 : i32
      %dma_wait3A_46 = tpu.memref_slice %arg3[%add3A, %dma_wait3A, %dma_wait3A_45] : memref<32x79x128xi32, #tpu.memory_space<hbm>> -> memref<1x79x128xi32, #tpu.memory_space<hbm>>
      %dma_wait3A_47 = tpu.memref_squeeze %dma_wait3A_46 : memref<1x79x128xi32, #tpu.memory_space<hbm>> -> memref<79x128xi32, #tpu.memory_space<hbm>>
      %dma_wait3A_48 = arith.constant 0 : i32
      %dma_wait3A_49 = arith.constant 0 : i32
      %dma_wait3A_50 = tpu.memref_slice %arg3[%add3A, %dma_wait3A_48, %dma_wait3A_49] : memref<32x79x128xi32, #tpu.memory_space<hbm>> -> memref<1x79x128xi32, #tpu.memory_space<hbm>>
      %dma_wait3A_51 = tpu.memref_squeeze %dma_wait3A_50 : memref<1x79x128xi32, #tpu.memory_space<hbm>> -> memref<79x128xi32, #tpu.memory_space<hbm>>
      tpu.wait_dma2 semaphore(%run_scoped3A : memref<!tpu.dma_semaphore, #tpu.memory_space<semaphore_mem>>) src(%dma_wait3A_51 : memref<79x128xi32, #tpu.memory_space<hbm>>) dst(%arg8 : memref<79x128xi32, #tpu.memory_space<vmem>>)
      tpu.yield
    }) : () -> ()
    %mul3A_1 = arith.constant 640 : i32
    %mul3A_2 = arith.muli %arg1, %mul3A_1 : i32
    "tpu.region"() ({
      %run_scoped3A = tpu.sem_alloc : memref<!tpu.dma_semaphore, #tpu.memory_space<semaphore_mem>>
      %dma_start3A_37 = arith.constant 0 : i32
      %dma_start3A_38 = tpu.memref_slice %arg10[%mul3A_2, %dma_start3A_37] : memref<10240x64xf32, #tpu.memory_space<vmem_shared>> -> memref<640x64xf32, #tpu.memory_space<vmem_shared>>
      tpu.enqueue_dma source(%arg5 : memref<640x64xf32, #tpu.memory_space<hbm>>) target(%dma_start3A_38 : memref<640x64xf32, #tpu.memory_space<vmem_shared>>) target_semaphore(%run_scoped3A : memref<!tpu.dma_semaphore, #tpu.memory_space<semaphore_mem>>)
      %dma_wait3A = arith.constant 0 : i32
      %dma_wait3A_39 = tpu.memref_slice %arg10[%mul3A_2, %dma_wait3A] : memref<10240x64xf32, #tpu.memory_space<vmem_shared>> -> memref<640x64xf32, #tpu.memory_space<vmem_shared>>
      tpu.wait_dma2 semaphore(%run_scoped3A : memref<!tpu.dma_semaphore, #tpu.memory_space<semaphore_mem>>) src(%arg5 : memref<640x64xf32, #tpu.memory_space<hbm>>) dst(%dma_wait3A_39 : memref<640x64xf32, #tpu.memory_space<vmem_shared>>)
      tpu.yield
    }) : () -> ()
    %barrier3A = arith.constant 0 : index
    tpu.barrier barrier_id(%barrier3A)
    %dma_start3A = arith.constant 0 : i32
    %dma_start3A_3 = arith.constant 0 : i32
    %dma_start3A_4 = arith.constant 0 : i32
    %dma_start3A_5 = arith.constant 0 : i32
    %dma_start3A_6 = tpu.memref_slice %arg9[%dma_start3A_3, %dma_start3A_4, %dma_start3A_5] : memref<2x128x64xf32, #tpu.memory_space<vmem>> -> memref<1x128x64xf32, #tpu.memory_space<vmem>>
    %dma_start3A_7 = tpu.memref_squeeze %dma_start3A_6 : memref<1x128x64xf32, #tpu.memory_space<vmem>> -> memref<128x64xf32, #tpu.memory_space<vmem>>
    %dma_start3A_8 = arith.constant 0 : i32
    %dma_start3A_9 = tpu.memref_slice %arg7[%dma_start3A, %dma_start3A_8] : memref<79x128xi32, #tpu.memory_space<vmem>> -> memref<1x128xi32, #tpu.memory_space<vmem>>
    %dma_start3A_10 = tpu.memref_squeeze %dma_start3A_9 : memref<1x128xi32, #tpu.memory_space<vmem>> -> memref<128xi32, #tpu.memory_space<vmem>>
    %dma_start3A_11 = arith.constant 0 : i32
    %dma_start3A_12 = arith.constant 0 : i32
    %dma_start3A_13 = tpu.memref_slice %arg4[%dma_start3A_11, %dma_start3A_12] : memref<10000x64xf32, #tpu.memory_space<hbm>> -> memref<10000x64xf32, #tpu.memory_space<hbm>>
    tpu.enqueue_indirect_dma source(%dma_start3A_13 : memref<10000x64xf32, #tpu.memory_space<hbm>>) target(%dma_start3A_7 : memref<128x64xf32, #tpu.memory_space<vmem>>) offsets(%dma_start3A_10 : memref<128xi32, #tpu.memory_space<vmem>>) semaphore(%arg11 : memref<!tpu.dma_semaphore, #tpu.memory_space<semaphore_mem>>)
    %dma_start3A_14 = arith.constant 1 : i32
    %dma_start3A_15 = arith.constant 1 : i32
    %dma_start3A_16 = arith.constant 0 : i32
    %dma_start3A_17 = arith.constant 0 : i32
    %dma_start3A_18 = tpu.memref_slice %arg9[%dma_start3A_15, %dma_start3A_16, %dma_start3A_17] : memref<2x128x64xf32, #tpu.memory_space<vmem>> -> memref<1x128x64xf32, #tpu.memory_space<vmem>>
    %dma_start3A_19 = tpu.memref_squeeze %dma_start3A_18 : memref<1x128x64xf32, #tpu.memory_space<vmem>> -> memref<128x64xf32, #tpu.memory_space<vmem>>
    %dma_start3A_20 = arith.constant 0 : i32
    %dma_start3A_21 = tpu.memref_slice %arg7[%dma_start3A_14, %dma_start3A_20] : memref<79x128xi32, #tpu.memory_space<vmem>> -> memref<1x128xi32, #tpu.memory_space<vmem>>
    %dma_start3A_22 = tpu.memref_squeeze %dma_start3A_21 : memref<1x128xi32, #tpu.memory_space<vmem>> -> memref<128xi32, #tpu.memory_space<vmem>>
    %dma_start3A_23 = arith.constant 0 : i32
    %dma_start3A_24 = arith.constant 0 : i32
    %dma_start3A_25 = tpu.memref_slice %arg4[%dma_start3A_23, %dma_start3A_24] : memref<10000x64xf32, #tpu.memory_space<hbm>> -> memref<10000x64xf32, #tpu.memory_space<hbm>>
    tpu.enqueue_indirect_dma source(%dma_start3A_25 : memref<10000x64xf32, #tpu.memory_space<hbm>>) target(%dma_start3A_19 : memref<128x64xf32, #tpu.memory_space<vmem>>) offsets(%dma_start3A_22 : memref<128xi32, #tpu.memory_space<vmem>>) semaphore(%arg12 : memref<!tpu.dma_semaphore, #tpu.memory_space<semaphore_mem>>)
    %scan3A = arith.constant 0 : i32
    %scan3A_26 = arith.constant 1 : i32
    %scan3A_27 = arith.constant 0 : i32
    %scan3A_28 = arith.constant 40 : i32
    %scan3A_29 = arith.addi %scan3A_27, %scan3A_28 : i32
    %scan3A_30 = arith.constant 1 : i32
    scf.for %scan3A_37 = %scan3A_27 to %scan3A_29 step %scan3A_30  : i32 {
      %mul3A_38 = arith.constant 2 : i32
      %mul3A_39 = arith.muli %scan3A_37, %mul3A_38 : i32
      %add3A_40 = arith.constant 0 : i32
      %add3A_41 = arith.addi %add3A_40, %mul3A_39 : i32
      %dma_wait3A = arith.constant 0 : i32
      %dma_wait3A_42 = arith.constant 0 : i32
      %dma_wait3A_43 = tpu.memref_slice %arg9[%scan3A, %dma_wait3A, %dma_wait3A_42] : memref<2x128x64xf32, #tpu.memory_space<vmem>> -> memref<1x128x64xf32, #tpu.memory_space<vmem>>
      %dma_wait3A_44 = tpu.memref_squeeze %dma_wait3A_43 : memref<1x128x64xf32, #tpu.memory_space<vmem>> -> memref<128x64xf32, #tpu.memory_space<vmem>>
      %dma_wait3A_45 = arith.constant 0 : i32
      %dma_wait3A_46 = tpu.memref_slice %arg7[%add3A_41, %dma_wait3A_45] : memref<79x128xi32, #tpu.memory_space<vmem>> -> memref<1x128xi32, #tpu.memory_space<vmem>>
      %dma_wait3A_47 = tpu.memref_squeeze %dma_wait3A_46 : memref<1x128xi32, #tpu.memory_space<vmem>> -> memref<128xi32, #tpu.memory_space<vmem>>
      %dma_wait3A_48 = arith.constant 0 : i32
      %dma_wait3A_49 = arith.constant 0 : i32
      %dma_wait3A_50 = tpu.memref_slice %arg4[%dma_wait3A_48, %dma_wait3A_49] : memref<10000x64xf32, #tpu.memory_space<hbm>> -> memref<10000x64xf32, #tpu.memory_space<hbm>>
      tpu.wait_indirect_dma semaphore(%arg11 : memref<!tpu.dma_semaphore, #tpu.memory_space<semaphore_mem>>) src(%dma_wait3A_50 : memref<10000x64xf32, #tpu.memory_space<hbm>>) dst(%dma_wait3A_44 : memref<128x64xf32, #tpu.memory_space<vmem>>)
      "tpu.region"() ({
        %run_scoped3A = tpu.sem_alloc : memref<!tpu.dma_semaphore, #tpu.memory_space<semaphore_mem>>
        %dma_start3A_62 = arith.constant 0 : i32
        %dma_start3A_63 = arith.constant 0 : i32
        %dma_start3A_64 = tpu.memref_slice %arg9[%scan3A, %dma_start3A_62, %dma_start3A_63] : memref<2x128x64xf32, #tpu.memory_space<vmem>> -> memref<1x128x64xf32, #tpu.memory_space<vmem>>
        %dma_start3A_65 = tpu.memref_squeeze %dma_start3A_64 : memref<1x128x64xf32, #tpu.memory_space<vmem>> -> memref<128x64xf32, #tpu.memory_space<vmem>>
        %dma_start3A_66 = arith.constant 0 : i32
        %dma_start3A_67 = tpu.memref_slice %arg8[%add3A_41, %dma_start3A_66] : memref<79x128xi32, #tpu.memory_space<vmem>> -> memref<1x128xi32, #tpu.memory_space<vmem>>
        %dma_start3A_68 = tpu.memref_squeeze %dma_start3A_67 : memref<1x128xi32, #tpu.memory_space<vmem>> -> memref<128xi32, #tpu.memory_space<vmem>>
        %dma_start3A_69 = arith.constant 0 : i32
        %dma_start3A_70 = arith.constant 0 : i32
        %dma_start3A_71 = tpu.memref_slice %arg10[%dma_start3A_69, %dma_start3A_70] : memref<10240x64xf32, #tpu.memory_space<vmem_shared>> -> memref<10240x64xf32, #tpu.memory_space<vmem_shared>>
        tpu.enqueue_indirect_dma source(%dma_start3A_65 : memref<128x64xf32, #tpu.memory_space<vmem>>) target(%dma_start3A_71 : memref<10240x64xf32, #tpu.memory_space<vmem_shared>>) offsets(%dma_start3A_68 : memref<128xi32, #tpu.memory_space<vmem>>) semaphore(%run_scoped3A : memref<!tpu.dma_semaphore, #tpu.memory_space<semaphore_mem>>) {add = true}
        %dma_wait3A_72 = arith.constant 0 : i32
        %dma_wait3A_73 = arith.constant 0 : i32
        %dma_wait3A_74 = tpu.memref_slice %arg9[%scan3A, %dma_wait3A_72, %dma_wait3A_73] : memref<2x128x64xf32, #tpu.memory_space<vmem>> -> memref<1x128x64xf32, #tpu.memory_space<vmem>>
        %dma_wait3A_75 = tpu.memref_squeeze %dma_wait3A_74 : memref<1x128x64xf32, #tpu.memory_space<vmem>> -> memref<128x64xf32, #tpu.memory_space<vmem>>
        %dma_wait3A_76 = arith.constant 0 : i32
        %dma_wait3A_77 = tpu.memref_slice %arg8[%add3A_41, %dma_wait3A_76] : memref<79x128xi32, #tpu.memory_space<vmem>> -> memref<1x128xi32, #tpu.memory_space<vmem>>
        %dma_wait3A_78 = tpu.memref_squeeze %dma_wait3A_77 : memref<1x128xi32, #tpu.memory_space<vmem>> -> memref<128xi32, #tpu.memory_space<vmem>>
        %dma_wait3A_79 = arith.constant 0 : i32
        %dma_wait3A_80 = arith.constant 0 : i32
        %dma_wait3A_81 = tpu.memref_slice %arg10[%dma_wait3A_79, %dma_wait3A_80] : memref<10240x64xf32, #tpu.memory_space<vmem_shared>> -> memref<10240x64xf32, #tpu.memory_space<vmem_shared>>
        tpu.wait_indirect_dma semaphore(%run_scoped3A : memref<!tpu.dma_semaphore, #tpu.memory_space<semaphore_mem>>) src(%dma_wait3A_75 : memref<128x64xf32, #tpu.memory_space<vmem>>) dst(%dma_wait3A_81 : memref<10240x64xf32, #tpu.memory_space<vmem_shared>>)
        tpu.yield
      }) : () -> ()
      %add3A_51 = arith.constant 2 : i32
      %add3A_52 = arith.addi %add3A_41, %add3A_51 : i32
      %lt3A = arith.constant 79 : i32
      %lt3A_53 = arith.cmpi slt, %add3A_52, %lt3A : i32
      %convert_element_type3A = arith.extui %lt3A_53 : i1 to i32
      %cond3A = arith.constant 0 : i32
      %cond3A_54 = arith.cmpi ne, %convert_element_type3A, %cond3A : i32
      scf.if %cond3A_54 {
        %add3A_62 = arith.constant 2 : i32
        %add3A_63 = arith.addi %add3A_41, %add3A_62 : i32
        %dma_start3A_64 = arith.constant 0 : i32
        %dma_start3A_65 = arith.constant 0 : i32
        %dma_start3A_66 = tpu.memref_slice %arg9[%scan3A, %dma_start3A_64, %dma_start3A_65] : memref<2x128x64xf32, #tpu.memory_space<vmem>> -> memref<1x128x64xf32, #tpu.memory_space<vmem>>
        %dma_start3A_67 = tpu.memref_squeeze %dma_start3A_66 : memref<1x128x64xf32, #tpu.memory_space<vmem>> -> memref<128x64xf32, #tpu.memory_space<vmem>>
        %dma_start3A_68 = arith.constant 0 : i32
        %dma_start3A_69 = tpu.memref_slice %arg7[%add3A_63, %dma_start3A_68] : memref<79x128xi32, #tpu.memory_space<vmem>> -> memref<1x128xi32, #tpu.memory_space<vmem>>
        %dma_start3A_70 = tpu.memref_squeeze %dma_start3A_69 : memref<1x128xi32, #tpu.memory_space<vmem>> -> memref<128xi32, #tpu.memory_space<vmem>>
        %dma_start3A_71 = arith.constant 0 : i32
        %dma_start3A_72 = arith.constant 0 : i32
        %dma_start3A_73 = tpu.memref_slice %arg4[%dma_start3A_71, %dma_start3A_72] : memref<10000x64xf32, #tpu.memory_space<hbm>> -> memref<10000x64xf32, #tpu.memory_space<hbm>>
        tpu.enqueue_indirect_dma source(%dma_start3A_73 : memref<10000x64xf32, #tpu.memory_space<hbm>>) target(%dma_start3A_67 : memref<128x64xf32, #tpu.memory_space<vmem>>) offsets(%dma_start3A_70 : memref<128xi32, #tpu.memory_space<vmem>>) semaphore(%arg11 : memref<!tpu.dma_semaphore, #tpu.memory_space<semaphore_mem>>)
      } else {
      }
      %add3A_55 = arith.constant 1 : i32
      %add3A_56 = arith.addi %add3A_41, %add3A_55 : i32
      %lt3A_57 = arith.constant 79 : i32
      %lt3A_58 = arith.cmpi slt, %add3A_56, %lt3A_57 : i32
      %convert_element_type3A_59 = arith.extui %lt3A_58 : i1 to i32
      %cond3A_60 = arith.constant 0 : i32
      %cond3A_61 = arith.cmpi ne, %convert_element_type3A_59, %cond3A_60 : i32
      scf.if %cond3A_61 {
        %add3A_62 = arith.constant 1 : i32
        %add3A_63 = arith.addi %add3A_41, %add3A_62 : i32
        %dma_wait3A_64 = arith.constant 0 : i32
        %dma_wait3A_65 = arith.constant 0 : i32
        %dma_wait3A_66 = tpu.memref_slice %arg9[%scan3A_26, %dma_wait3A_64, %dma_wait3A_65] : memref<2x128x64xf32, #tpu.memory_space<vmem>> -> memref<1x128x64xf32, #tpu.memory_space<vmem>>
        %dma_wait3A_67 = tpu.memref_squeeze %dma_wait3A_66 : memref<1x128x64xf32, #tpu.memory_space<vmem>> -> memref<128x64xf32, #tpu.memory_space<vmem>>
        %dma_wait3A_68 = arith.constant 0 : i32
        %dma_wait3A_69 = tpu.memref_slice %arg7[%add3A_63, %dma_wait3A_68] : memref<79x128xi32, #tpu.memory_space<vmem>> -> memref<1x128xi32, #tpu.memory_space<vmem>>
        %dma_wait3A_70 = tpu.memref_squeeze %dma_wait3A_69 : memref<1x128xi32, #tpu.memory_space<vmem>> -> memref<128xi32, #tpu.memory_space<vmem>>
        %dma_wait3A_71 = arith.constant 0 : i32
        %dma_wait3A_72 = arith.constant 0 : i32
        %dma_wait3A_73 = tpu.memref_slice %arg4[%dma_wait3A_71, %dma_wait3A_72] : memref<10000x64xf32, #tpu.memory_space<hbm>> -> memref<10000x64xf32, #tpu.memory_space<hbm>>
        tpu.wait_indirect_dma semaphore(%arg12 : memref<!tpu.dma_semaphore, #tpu.memory_space<semaphore_mem>>) src(%dma_wait3A_73 : memref<10000x64xf32, #tpu.memory_space<hbm>>) dst(%dma_wait3A_67 : memref<128x64xf32, #tpu.memory_space<vmem>>)
        %add3A_74 = arith.constant 1 : i32
        %add3A_75 = arith.addi %add3A_41, %add3A_74 : i32
        "tpu.region"() ({
          %run_scoped3A = tpu.sem_alloc : memref<!tpu.dma_semaphore, #tpu.memory_space<semaphore_mem>>
          %dma_start3A_83 = arith.constant 0 : i32
          %dma_start3A_84 = arith.constant 0 : i32
          %dma_start3A_85 = tpu.memref_slice %arg9[%scan3A_26, %dma_start3A_83, %dma_start3A_84] : memref<2x128x64xf32, #tpu.memory_space<vmem>> -> memref<1x128x64xf32, #tpu.memory_space<vmem>>
          %dma_start3A_86 = tpu.memref_squeeze %dma_start3A_85 : memref<1x128x64xf32, #tpu.memory_space<vmem>> -> memref<128x64xf32, #tpu.memory_space<vmem>>
          %dma_start3A_87 = arith.constant 0 : i32
          %dma_start3A_88 = tpu.memref_slice %arg8[%add3A_75, %dma_start3A_87] : memref<79x128xi32, #tpu.memory_space<vmem>> -> memref<1x128xi32, #tpu.memory_space<vmem>>
          %dma_start3A_89 = tpu.memref_squeeze %dma_start3A_88 : memref<1x128xi32, #tpu.memory_space<vmem>> -> memref<128xi32, #tpu.memory_space<vmem>>
          %dma_start3A_90 = arith.constant 0 : i32
          %dma_start3A_91 = arith.constant 0 : i32
          %dma_start3A_92 = tpu.memref_slice %arg10[%dma_start3A_90, %dma_start3A_91] : memref<10240x64xf32, #tpu.memory_space<vmem_shared>> -> memref<10240x64xf32, #tpu.memory_space<vmem_shared>>
          tpu.enqueue_indirect_dma source(%dma_start3A_86 : memref<128x64xf32, #tpu.memory_space<vmem>>) target(%dma_start3A_92 : memref<10240x64xf32, #tpu.memory_space<vmem_shared>>) offsets(%dma_start3A_89 : memref<128xi32, #tpu.memory_space<vmem>>) semaphore(%run_scoped3A : memref<!tpu.dma_semaphore, #tpu.memory_space<semaphore_mem>>) {add = true}
          %dma_wait3A_93 = arith.constant 0 : i32
          %dma_wait3A_94 = arith.constant 0 : i32
          %dma_wait3A_95 = tpu.memref_slice %arg9[%scan3A_26, %dma_wait3A_93, %dma_wait3A_94] : memref<2x128x64xf32, #tpu.memory_space<vmem>> -> memref<1x128x64xf32, #tpu.memory_space<vmem>>
          %dma_wait3A_96 = tpu.memref_squeeze %dma_wait3A_95 : memref<1x128x64xf32, #tpu.memory_space<vmem>> -> memref<128x64xf32, #tpu.memory_space<vmem>>
          %dma_wait3A_97 = arith.constant 0 : i32
          %dma_wait3A_98 = tpu.memref_slice %arg8[%add3A_75, %dma_wait3A_97] : memref<79x128xi32, #tpu.memory_space<vmem>> -> memref<1x128xi32, #tpu.memory_space<vmem>>
          %dma_wait3A_99 = tpu.memref_squeeze %dma_wait3A_98 : memref<1x128xi32, #tpu.memory_space<vmem>> -> memref<128xi32, #tpu.memory_space<vmem>>
          %dma_wait3A_100 = arith.constant 0 : i32
          %dma_wait3A_101 = arith.constant 0 : i32
          %dma_wait3A_102 = tpu.memref_slice %arg10[%dma_wait3A_100, %dma_wait3A_101] : memref<10240x64xf32, #tpu.memory_space<vmem_shared>> -> memref<10240x64xf32, #tpu.memory_space<vmem_shared>>
          tpu.wait_indirect_dma semaphore(%run_scoped3A : memref<!tpu.dma_semaphore, #tpu.memory_space<semaphore_mem>>) src(%dma_wait3A_96 : memref<128x64xf32, #tpu.memory_space<vmem>>) dst(%dma_wait3A_102 : memref<10240x64xf32, #tpu.memory_space<vmem_shared>>)
          tpu.yield
        }) : () -> ()
        %add3A_76 = arith.constant 3 : i32
        %add3A_77 = arith.addi %add3A_41, %add3A_76 : i32
        %lt3A_78 = arith.constant 79 : i32
        %lt3A_79 = arith.cmpi slt, %add3A_77, %lt3A_78 : i32
        %convert_element_type3A_80 = arith.extui %lt3A_79 : i1 to i32
        %cond3A_81 = arith.constant 0 : i32
        %cond3A_82 = arith.cmpi ne, %convert_element_type3A_80, %cond3A_81 : i32
        scf.if %cond3A_82 {
          %add3A_83 = arith.constant 3 : i32
          %add3A_84 = arith.addi %add3A_41, %add3A_83 : i32
          %dma_start3A_85 = arith.constant 0 : i32
          %dma_start3A_86 = arith.constant 0 : i32
          %dma_start3A_87 = tpu.memref_slice %arg9[%scan3A_26, %dma_start3A_85, %dma_start3A_86] : memref<2x128x64xf32, #tpu.memory_space<vmem>> -> memref<1x128x64xf32, #tpu.memory_space<vmem>>
          %dma_start3A_88 = tpu.memref_squeeze %dma_start3A_87 : memref<1x128x64xf32, #tpu.memory_space<vmem>> -> memref<128x64xf32, #tpu.memory_space<vmem>>
          %dma_start3A_89 = arith.constant 0 : i32
          %dma_start3A_90 = tpu.memref_slice %arg7[%add3A_84, %dma_start3A_89] : memref<79x128xi32, #tpu.memory_space<vmem>> -> memref<1x128xi32, #tpu.memory_space<vmem>>
          %dma_start3A_91 = tpu.memref_squeeze %dma_start3A_90 : memref<1x128xi32, #tpu.memory_space<vmem>> -> memref<128xi32, #tpu.memory_space<vmem>>
          %dma_start3A_92 = arith.constant 0 : i32
          %dma_start3A_93 = arith.constant 0 : i32
          %dma_start3A_94 = tpu.memref_slice %arg4[%dma_start3A_92, %dma_start3A_93] : memref<10000x64xf32, #tpu.memory_space<hbm>> -> memref<10000x64xf32, #tpu.memory_space<hbm>>
          tpu.enqueue_indirect_dma source(%dma_start3A_94 : memref<10000x64xf32, #tpu.memory_space<hbm>>) target(%dma_start3A_88 : memref<128x64xf32, #tpu.memory_space<vmem>>) offsets(%dma_start3A_91 : memref<128xi32, #tpu.memory_space<vmem>>) semaphore(%arg12 : memref<!tpu.dma_semaphore, #tpu.memory_space<semaphore_mem>>)
        } else {
        }
      } else {
      }
    }
    %scan3A_31 = arith.constant 40 : i32
    %barrier3A_32 = arith.constant 0 : index
    tpu.barrier barrier_id(%barrier3A_32)
    %mul3A_33 = arith.constant 640 : i32
    %mul3A_34 = arith.muli %arg1, %mul3A_33 : i32
    %mul3A_35 = arith.constant 640 : i32
    %mul3A_36 = arith.muli %arg1, %mul3A_35 : i32
    "tpu.region"() ({
      %run_scoped3A = tpu.sem_alloc : memref<!tpu.dma_semaphore, #tpu.memory_space<semaphore_mem>>
      %dma_start3A_37 = arith.constant 0 : i32
      %dma_start3A_38 = tpu.memref_slice %arg6[%arg0, %mul3A_36, %dma_start3A_37] : memref<2x10240x64xf32, #tpu.memory_space<hbm>> -> memref<1x640x64xf32, #tpu.memory_space<hbm>>
      %dma_start3A_39 = tpu.memref_squeeze %dma_start3A_38 : memref<1x640x64xf32, #tpu.memory_space<hbm>> -> memref<640x64xf32, #tpu.memory_space<hbm>>
      %dma_start3A_40 = arith.constant 0 : i32
      %dma_start3A_41 = tpu.memref_slice %arg10[%mul3A_34, %dma_start3A_40] : memref<10240x64xf32, #tpu.memory_space<vmem_shared>> -> memref<640x64xf32, #tpu.memory_space<vmem_shared>>
      tpu.enqueue_dma source(%dma_start3A_41 : memref<640x64xf32, #tpu.memory_space<vmem_shared>>) target(%dma_start3A_39 : memref<640x64xf32, #tpu.memory_space<hbm>>) target_semaphore(%run_scoped3A : memref<!tpu.dma_semaphore, #tpu.memory_space<semaphore_mem>>)
      %dma_wait3A = arith.constant 0 : i32
      %dma_wait3A_42 = tpu.memref_slice %arg6[%arg0, %mul3A_36, %dma_wait3A] : memref<2x10240x64xf32, #tpu.memory_space<hbm>> -> memref<1x640x64xf32, #tpu.memory_space<hbm>>
      %dma_wait3A_43 = tpu.memref_squeeze %dma_wait3A_42 : memref<1x640x64xf32, #tpu.memory_space<hbm>> -> memref<640x64xf32, #tpu.memory_space<hbm>>
      %dma_wait3A_44 = arith.constant 0 : i32
      %dma_wait3A_45 = tpu.memref_slice %arg10[%mul3A_34, %dma_wait3A_44] : memref<10240x64xf32, #tpu.memory_space<vmem_shared>> -> memref<640x64xf32, #tpu.memory_space<vmem_shared>>
      tpu.wait_dma2 semaphore(%run_scoped3A : memref<!tpu.dma_semaphore, #tpu.memory_space<semaphore_mem>>) src(%dma_wait3A_45 : memref<640x64xf32, #tpu.memory_space<vmem_shared>>) dst(%dma_wait3A_43 : memref<640x64xf32, #tpu.memory_space<hbm>>)
      tpu.yield
    }) : () -> ()
    return
  }
}

#map = affine_map<(d0, d1) -> (0, 0, 0)>
#map1 = affine_map<(d0, d1) -> (0, 0)>
module attributes {stable_mosaic.version = 14 : i64} {
  func.func @_seg_body(%arg0: i32, %arg1: i32, %arg2: memref<32x79x128xi32, #tpu.memory_space<hbm>>, %arg3: memref<32x79x128xi32, #tpu.memory_space<hbm>>, %arg4: memref<10000x64xf32, #tpu.memory_space<hbm>>, %arg5: memref<640x64xf32, #tpu.memory_space<hbm>>, %arg6: memref<2x10240x64xf32, #tpu.memory_space<hbm>>, %arg7: memref<79x128xi32, #tpu.memory_space<vmem>>, %arg8: memref<79x128xi32, #tpu.memory_space<vmem>>, %arg9: memref<2x128x64xf32, #tpu.memory_space<vmem>>, %arg10: memref<10240x64xf32, #tpu.memory_space<vmem_shared>>, %arg11: memref<!tpu.dma_semaphore, #tpu.memory_space<semaphore_mem>>, %arg12: memref<!tpu.dma_semaphore, #tpu.memory_space<semaphore_mem>>) attributes {dimension_semantics = [#tpu.dimension_semantics<core_parallel>, #tpu.dimension_semantics<subcore_parallel>], iteration_bounds = array<i64: 2, 16>, scalar_prefetch = 0 : i64, scratch_operands = 6 : i64, tpu.core_type = #tpu.core_type<sc_vector_subcore>, window_params = [{transform_indices = #map}, {transform_indices = #map}, {transform_indices = #map1}, {transform_indices = #map1}, {transform_indices = #map}]} {
    %mul3A = arith.constant 16 : i32
    %mul3A_0 = arith.muli %arg0, %mul3A : i32
    %add3A = arith.addi %mul3A_0, %arg1 : i32
    "tpu.region"() ({
      %run_scoped3A = tpu.sem_alloc : memref<!tpu.dma_semaphore, #tpu.memory_space<semaphore_mem>>
      %dma_start3A_37 = arith.constant 0 : i32
      %dma_start3A_38 = arith.constant 0 : i32
      %dma_start3A_39 = tpu.memref_slice %arg2[%add3A, %dma_start3A_37, %dma_start3A_38] : memref<32x79x128xi32, #tpu.memory_space<hbm>> -> memref<1x79x128xi32, #tpu.memory_space<hbm>>
      %dma_start3A_40 = tpu.memref_squeeze %dma_start3A_39 : memref<1x79x128xi32, #tpu.memory_space<hbm>> -> memref<79x128xi32, #tpu.memory_space<hbm>>
      %dma_start3A_41 = arith.constant 0 : i32
      %dma_start3A_42 = arith.constant 0 : i32
      %dma_start3A_43 = tpu.memref_slice %arg2[%add3A, %dma_start3A_41, %dma_start3A_42] : memref<32x79x128xi32, #tpu.memory_space<hbm>> -> memref<1x79x128xi32, #tpu.memory_space<hbm>>
      %dma_start3A_44 = tpu.memref_squeeze %dma_start3A_43 : memref<1x79x128xi32, #tpu.memory_space<hbm>> -> memref<79x128xi32, #tpu.memory_space<hbm>>
      tpu.enqueue_dma source(%dma_start3A_44 : memref<79x128xi32, #tpu.memory_space<hbm>>) target(%arg7 : memref<79x128xi32, #tpu.memory_space<vmem>>) target_semaphore(%run_scoped3A : memref<!tpu.dma_semaphore, #tpu.memory_space<semaphore_mem>>)
      %dma_wait3A = arith.constant 0 : i32
      %dma_wait3A_45 = arith.constant 0 : i32
      %dma_wait3A_46 = tpu.memref_slice %arg2[%add3A, %dma_wait3A, %dma_wait3A_45] : memref<32x79x128xi32, #tpu.memory_space<hbm>> -> memref<1x79x128xi32, #tpu.memory_space<hbm>>
      %dma_wait3A_47 = tpu.memref_squeeze %dma_wait3A_46 : memref<1x79x128xi32, #tpu.memory_space<hbm>> -> memref<79x128xi32, #tpu.memory_space<hbm>>
      %dma_wait3A_48 = arith.constant 0 : i32
      %dma_wait3A_49 = arith.constant 0 : i32
      %dma_wait3A_50 = tpu.memref_slice %arg2[%add3A, %dma_wait3A_48, %dma_wait3A_49] : memref<32x79x128xi32, #tpu.memory_space<hbm>> -> memref<1x79x128xi32, #tpu.memory_space<hbm>>
      %dma_wait3A_51 = tpu.memref_squeeze %dma_wait3A_50 : memref<1x79x128xi32, #tpu.memory_space<hbm>> -> memref<79x128xi32, #tpu.memory_space<hbm>>
      tpu.wait_dma2 semaphore(%run_scoped3A : memref<!tpu.dma_semaphore, #tpu.memory_space<semaphore_mem>>) src(%dma_wait3A_51 : memref<79x128xi32, #tpu.memory_space<hbm>>) dst(%arg7 : memref<79x128xi32, #tpu.memory_space<vmem>>)
      tpu.yield
    }) : () -> ()
    "tpu.region"() ({
      %run_scoped3A = tpu.sem_alloc : memref<!tpu.dma_semaphore, #tpu.memory_space<semaphore_mem>>
      %dma_start3A_37 = arith.constant 0 : i32
      %dma_start3A_38 = arith.constant 0 : i32
      %dma_start3A_39 = tpu.memref_slice %arg3[%add3A, %dma_start3A_37, %dma_start3A_38] : memref<32x79x128xi32, #tpu.memory_space<hbm>> -> memref<1x79x128xi32, #tpu.memory_space<hbm>>
      %dma_start3A_40 = tpu.memref_squeeze %dma_start3A_39 : memref<1x79x128xi32, #tpu.memory_space<hbm>> -> memref<79x128xi32, #tpu.memory_space<hbm>>
      %dma_start3A_41 = arith.constant 0 : i32
      %dma_start3A_42 = arith.constant 0 : i32
      %dma_start3A_43 = tpu.memref_slice %arg3[%add3A, %dma_start3A_41, %dma_start3A_42] : memref<32x79x128xi32, #tpu.memory_space<hbm>> -> memref<1x79x128xi32, #tpu.memory_space<hbm>>
      %dma_start3A_44 = tpu.memref_squeeze %dma_start3A_43 : memref<1x79x128xi32, #tpu.memory_space<hbm>> -> memref<79x128xi32, #tpu.memory_space<hbm>>
      tpu.enqueue_dma source(%dma_start3A_44 : memref<79x128xi32, #tpu.memory_space<hbm>>) target(%arg8 : memref<79x128xi32, #tpu.memory_space<vmem>>) target_semaphore(%run_scoped3A : memref<!tpu.dma_semaphore, #tpu.memory_space<semaphore_mem>>)
      %dma_wait3A = arith.constant 0 : i32
      %dma_wait3A_45 = arith.constant 0 : i32
      %dma_wait3A_46 = tpu.memref_slice %arg3[%add3A, %dma_wait3A, %dma_wait3A_45] : memref<32x79x128xi32, #tpu.memory_space<hbm>> -> memref<1x79x128xi32, #tpu.memory_space<hbm>>
      %dma_wait3A_47 = tpu.memref_squeeze %dma_wait3A_46 : memref<1x79x128xi32, #tpu.memory_space<hbm>> -> memref<79x128xi32, #tpu.memory_space<hbm>>
      %dma_wait3A_48 = arith.constant 0 : i32
      %dma_wait3A_49 = arith.constant 0 : i32
      %dma_wait3A_50 = tpu.memref_slice %arg3[%add3A, %dma_wait3A_48, %dma_wait3A_49] : memref<32x79x128xi32, #tpu.memory_space<hbm>> -> memref<1x79x128xi32, #tpu.memory_space<hbm>>
      %dma_wait3A_51 = tpu.memref_squeeze %dma_wait3A_50 : memref<1x79x128xi32, #tpu.memory_space<hbm>> -> memref<79x128xi32, #tpu.memory_space<hbm>>
      tpu.wait_dma2 semaphore(%run_scoped3A : memref<!tpu.dma_semaphore, #tpu.memory_space<semaphore_mem>>) src(%dma_wait3A_51 : memref<79x128xi32, #tpu.memory_space<hbm>>) dst(%arg8 : memref<79x128xi32, #tpu.memory_space<vmem>>)
      tpu.yield
    }) : () -> ()
    %mul3A_1 = arith.constant 640 : i32
    %mul3A_2 = arith.muli %arg1, %mul3A_1 : i32
    "tpu.region"() ({
      %run_scoped3A = tpu.sem_alloc : memref<!tpu.dma_semaphore, #tpu.memory_space<semaphore_mem>>
      %dma_start3A_37 = arith.constant 0 : i32
      %dma_start3A_38 = tpu.memref_slice %arg10[%mul3A_2, %dma_start3A_37] : memref<10240x64xf32, #tpu.memory_space<vmem_shared>> -> memref<640x64xf32, #tpu.memory_space<vmem_shared>>
      tpu.enqueue_dma source(%arg5 : memref<640x64xf32, #tpu.memory_space<hbm>>) target(%dma_start3A_38 : memref<640x64xf32, #tpu.memory_space<vmem_shared>>) target_semaphore(%run_scoped3A : memref<!tpu.dma_semaphore, #tpu.memory_space<semaphore_mem>>)
      %dma_wait3A = arith.constant 0 : i32
      %dma_wait3A_39 = tpu.memref_slice %arg10[%mul3A_2, %dma_wait3A] : memref<10240x64xf32, #tpu.memory_space<vmem_shared>> -> memref<640x64xf32, #tpu.memory_space<vmem_shared>>
      tpu.wait_dma2 semaphore(%run_scoped3A : memref<!tpu.dma_semaphore, #tpu.memory_space<semaphore_mem>>) src(%arg5 : memref<640x64xf32, #tpu.memory_space<hbm>>) dst(%dma_wait3A_39 : memref<640x64xf32, #tpu.memory_space<vmem_shared>>)
      tpu.yield
    }) : () -> ()
    %barrier3A = arith.constant 0 : index
    tpu.barrier barrier_id(%barrier3A)
    %dma_start3A = arith.constant 0 : i32
    %dma_start3A_3 = arith.constant 0 : i32
    %dma_start3A_4 = arith.constant 0 : i32
    %dma_start3A_5 = arith.constant 0 : i32
    %dma_start3A_6 = tpu.memref_slice %arg9[%dma_start3A_3, %dma_start3A_4, %dma_start3A_5] : memref<2x128x64xf32, #tpu.memory_space<vmem>> -> memref<1x128x64xf32, #tpu.memory_space<vmem>>
    %dma_start3A_7 = tpu.memref_squeeze %dma_start3A_6 : memref<1x128x64xf32, #tpu.memory_space<vmem>> -> memref<128x64xf32, #tpu.memory_space<vmem>>
    %dma_start3A_8 = arith.constant 0 : i32
    %dma_start3A_9 = tpu.memref_slice %arg7[%dma_start3A, %dma_start3A_8] : memref<79x128xi32, #tpu.memory_space<vmem>> -> memref<1x128xi32, #tpu.memory_space<vmem>>
    %dma_start3A_10 = tpu.memref_squeeze %dma_start3A_9 : memref<1x128xi32, #tpu.memory_space<vmem>> -> memref<128xi32, #tpu.memory_space<vmem>>
    %dma_start3A_11 = arith.constant 0 : i32
    %dma_start3A_12 = arith.constant 0 : i32
    %dma_start3A_13 = tpu.memref_slice %arg4[%dma_start3A_11, %dma_start3A_12] : memref<10000x64xf32, #tpu.memory_space<hbm>> -> memref<10000x64xf32, #tpu.memory_space<hbm>>
    tpu.enqueue_indirect_dma source(%dma_start3A_13 : memref<10000x64xf32, #tpu.memory_space<hbm>>) target(%dma_start3A_7 : memref<128x64xf32, #tpu.memory_space<vmem>>) offsets(%dma_start3A_10 : memref<128xi32, #tpu.memory_space<vmem>>) semaphore(%arg11 : memref<!tpu.dma_semaphore, #tpu.memory_space<semaphore_mem>>)
    %dma_start3A_14 = arith.constant 1 : i32
    %dma_start3A_15 = arith.constant 1 : i32
    %dma_start3A_16 = arith.constant 0 : i32
    %dma_start3A_17 = arith.constant 0 : i32
    %dma_start3A_18 = tpu.memref_slice %arg9[%dma_start3A_15, %dma_start3A_16, %dma_start3A_17] : memref<2x128x64xf32, #tpu.memory_space<vmem>> -> memref<1x128x64xf32, #tpu.memory_space<vmem>>
    %dma_start3A_19 = tpu.memref_squeeze %dma_start3A_18 : memref<1x128x64xf32, #tpu.memory_space<vmem>> -> memref<128x64xf32, #tpu.memory_space<vmem>>
    %dma_start3A_20 = arith.constant 0 : i32
    %dma_start3A_21 = tpu.memref_slice %arg7[%dma_start3A_14, %dma_start3A_20] : memref<79x128xi32, #tpu.memory_space<vmem>> -> memref<1x128xi32, #tpu.memory_space<vmem>>
    %dma_start3A_22 = tpu.memref_squeeze %dma_start3A_21 : memref<1x128xi32, #tpu.memory_space<vmem>> -> memref<128xi32, #tpu.memory_space<vmem>>
    %dma_start3A_23 = arith.constant 0 : i32
    %dma_start3A_24 = arith.constant 0 : i32
    %dma_start3A_25 = tpu.memref_slice %arg4[%dma_start3A_23, %dma_start3A_24] : memref<10000x64xf32, #tpu.memory_space<hbm>> -> memref<10000x64xf32, #tpu.memory_space<hbm>>
    tpu.enqueue_indirect_dma source(%dma_start3A_25 : memref<10000x64xf32, #tpu.memory_space<hbm>>) target(%dma_start3A_19 : memref<128x64xf32, #tpu.memory_space<vmem>>) offsets(%dma_start3A_22 : memref<128xi32, #tpu.memory_space<vmem>>) semaphore(%arg12 : memref<!tpu.dma_semaphore, #tpu.memory_space<semaphore_mem>>)
    %scan3A = arith.constant 0 : i32
    %scan3A_26 = arith.constant 1 : i32
    %scan3A_27 = arith.constant 0 : i32
    %scan3A_28 = arith.constant 40 : i32
    %scan3A_29 = arith.addi %scan3A_27, %scan3A_28 : i32
    %scan3A_30 = arith.constant 1 : i32
    scf.for %scan3A_37 = %scan3A_27 to %scan3A_29 step %scan3A_30  : i32 {
      %mul3A_38 = arith.constant 2 : i32
      %mul3A_39 = arith.muli %scan3A_37, %mul3A_38 : i32
      %add3A_40 = arith.constant 0 : i32
      %add3A_41 = arith.addi %add3A_40, %mul3A_39 : i32
      %dma_wait3A = arith.constant 0 : i32
      %dma_wait3A_42 = arith.constant 0 : i32
      %dma_wait3A_43 = tpu.memref_slice %arg9[%scan3A, %dma_wait3A, %dma_wait3A_42] : memref<2x128x64xf32, #tpu.memory_space<vmem>> -> memref<1x128x64xf32, #tpu.memory_space<vmem>>
      %dma_wait3A_44 = tpu.memref_squeeze %dma_wait3A_43 : memref<1x128x64xf32, #tpu.memory_space<vmem>> -> memref<128x64xf32, #tpu.memory_space<vmem>>
      %dma_wait3A_45 = arith.constant 0 : i32
      %dma_wait3A_46 = tpu.memref_slice %arg7[%add3A_41, %dma_wait3A_45] : memref<79x128xi32, #tpu.memory_space<vmem>> -> memref<1x128xi32, #tpu.memory_space<vmem>>
      %dma_wait3A_47 = tpu.memref_squeeze %dma_wait3A_46 : memref<1x128xi32, #tpu.memory_space<vmem>> -> memref<128xi32, #tpu.memory_space<vmem>>
      %dma_wait3A_48 = arith.constant 0 : i32
      %dma_wait3A_49 = arith.constant 0 : i32
      %dma_wait3A_50 = tpu.memref_slice %arg4[%dma_wait3A_48, %dma_wait3A_49] : memref<10000x64xf32, #tpu.memory_space<hbm>> -> memref<10000x64xf32, #tpu.memory_space<hbm>>
      tpu.wait_indirect_dma semaphore(%arg11 : memref<!tpu.dma_semaphore, #tpu.memory_space<semaphore_mem>>) src(%dma_wait3A_50 : memref<10000x64xf32, #tpu.memory_space<hbm>>) dst(%dma_wait3A_44 : memref<128x64xf32, #tpu.memory_space<vmem>>)
      "tpu.region"() ({
        %run_scoped3A = tpu.sem_alloc : memref<!tpu.dma_semaphore, #tpu.memory_space<semaphore_mem>>
        %dma_start3A_62 = arith.constant 0 : i32
        %dma_start3A_63 = arith.constant 0 : i32
        %dma_start3A_64 = tpu.memref_slice %arg9[%scan3A, %dma_start3A_62, %dma_start3A_63] : memref<2x128x64xf32, #tpu.memory_space<vmem>> -> memref<1x128x64xf32, #tpu.memory_space<vmem>>
        %dma_start3A_65 = tpu.memref_squeeze %dma_start3A_64 : memref<1x128x64xf32, #tpu.memory_space<vmem>> -> memref<128x64xf32, #tpu.memory_space<vmem>>
        %dma_start3A_66 = arith.constant 0 : i32
        %dma_start3A_67 = tpu.memref_slice %arg8[%add3A_41, %dma_start3A_66] : memref<79x128xi32, #tpu.memory_space<vmem>> -> memref<1x128xi32, #tpu.memory_space<vmem>>
        %dma_start3A_68 = tpu.memref_squeeze %dma_start3A_67 : memref<1x128xi32, #tpu.memory_space<vmem>> -> memref<128xi32, #tpu.memory_space<vmem>>
        %dma_start3A_69 = arith.constant 0 : i32
        %dma_start3A_70 = arith.constant 0 : i32
        %dma_start3A_71 = tpu.memref_slice %arg10[%dma_start3A_69, %dma_start3A_70] : memref<10240x64xf32, #tpu.memory_space<vmem_shared>> -> memref<10240x64xf32, #tpu.memory_space<vmem_shared>>
        tpu.enqueue_indirect_dma source(%dma_start3A_65 : memref<128x64xf32, #tpu.memory_space<vmem>>) target(%dma_start3A_71 : memref<10240x64xf32, #tpu.memory_space<vmem_shared>>) offsets(%dma_start3A_68 : memref<128xi32, #tpu.memory_space<vmem>>) semaphore(%run_scoped3A : memref<!tpu.dma_semaphore, #tpu.memory_space<semaphore_mem>>) {add = true}
        %dma_wait3A_72 = arith.constant 0 : i32
        %dma_wait3A_73 = arith.constant 0 : i32
        %dma_wait3A_74 = tpu.memref_slice %arg9[%scan3A, %dma_wait3A_72, %dma_wait3A_73] : memref<2x128x64xf32, #tpu.memory_space<vmem>> -> memref<1x128x64xf32, #tpu.memory_space<vmem>>
        %dma_wait3A_75 = tpu.memref_squeeze %dma_wait3A_74 : memref<1x128x64xf32, #tpu.memory_space<vmem>> -> memref<128x64xf32, #tpu.memory_space<vmem>>
        %dma_wait3A_76 = arith.constant 0 : i32
        %dma_wait3A_77 = tpu.memref_slice %arg8[%add3A_41, %dma_wait3A_76] : memref<79x128xi32, #tpu.memory_space<vmem>> -> memref<1x128xi32, #tpu.memory_space<vmem>>
        %dma_wait3A_78 = tpu.memref_squeeze %dma_wait3A_77 : memref<1x128xi32, #tpu.memory_space<vmem>> -> memref<128xi32, #tpu.memory_space<vmem>>
        %dma_wait3A_79 = arith.constant 0 : i32
        %dma_wait3A_80 = arith.constant 0 : i32
        %dma_wait3A_81 = tpu.memref_slice %arg10[%dma_wait3A_79, %dma_wait3A_80] : memref<10240x64xf32, #tpu.memory_space<vmem_shared>> -> memref<10240x64xf32, #tpu.memory_space<vmem_shared>>
        tpu.wait_indirect_dma semaphore(%run_scoped3A : memref<!tpu.dma_semaphore, #tpu.memory_space<semaphore_mem>>) src(%dma_wait3A_75 : memref<128x64xf32, #tpu.memory_space<vmem>>) dst(%dma_wait3A_81 : memref<10240x64xf32, #tpu.memory_space<vmem_shared>>)
        tpu.yield
      }) : () -> ()
      %add3A_51 = arith.constant 2 : i32
      %add3A_52 = arith.addi %add3A_41, %add3A_51 : i32
      %lt3A = arith.constant 79 : i32
      %lt3A_53 = arith.cmpi slt, %add3A_52, %lt3A : i32
      %convert_element_type3A = arith.extui %lt3A_53 : i1 to i32
      %cond3A = arith.constant 0 : i32
      %cond3A_54 = arith.cmpi ne, %convert_element_type3A, %cond3A : i32
      scf.if %cond3A_54 {
        %add3A_62 = arith.constant 2 : i32
        %add3A_63 = arith.addi %add3A_41, %add3A_62 : i32
        %dma_start3A_64 = arith.constant 0 : i32
        %dma_start3A_65 = arith.constant 0 : i32
        %dma_start3A_66 = tpu.memref_slice %arg9[%scan3A, %dma_start3A_64, %dma_start3A_65] : memref<2x128x64xf32, #tpu.memory_space<vmem>> -> memref<1x128x64xf32, #tpu.memory_space<vmem>>
        %dma_start3A_67 = tpu.memref_squeeze %dma_start3A_66 : memref<1x128x64xf32, #tpu.memory_space<vmem>> -> memref<128x64xf32, #tpu.memory_space<vmem>>
        %dma_start3A_68 = arith.constant 0 : i32
        %dma_start3A_69 = tpu.memref_slice %arg7[%add3A_63, %dma_start3A_68] : memref<79x128xi32, #tpu.memory_space<vmem>> -> memref<1x128xi32, #tpu.memory_space<vmem>>
        %dma_start3A_70 = tpu.memref_squeeze %dma_start3A_69 : memref<1x128xi32, #tpu.memory_space<vmem>> -> memref<128xi32, #tpu.memory_space<vmem>>
        %dma_start3A_71 = arith.constant 0 : i32
        %dma_start3A_72 = arith.constant 0 : i32
        %dma_start3A_73 = tpu.memref_slice %arg4[%dma_start3A_71, %dma_start3A_72] : memref<10000x64xf32, #tpu.memory_space<hbm>> -> memref<10000x64xf32, #tpu.memory_space<hbm>>
        tpu.enqueue_indirect_dma source(%dma_start3A_73 : memref<10000x64xf32, #tpu.memory_space<hbm>>) target(%dma_start3A_67 : memref<128x64xf32, #tpu.memory_space<vmem>>) offsets(%dma_start3A_70 : memref<128xi32, #tpu.memory_space<vmem>>) semaphore(%arg11 : memref<!tpu.dma_semaphore, #tpu.memory_space<semaphore_mem>>)
      } else {
      }
      %add3A_55 = arith.constant 1 : i32
      %add3A_56 = arith.addi %add3A_41, %add3A_55 : i32
      %lt3A_57 = arith.constant 79 : i32
      %lt3A_58 = arith.cmpi slt, %add3A_56, %lt3A_57 : i32
      %convert_element_type3A_59 = arith.extui %lt3A_58 : i1 to i32
      %cond3A_60 = arith.constant 0 : i32
      %cond3A_61 = arith.cmpi ne, %convert_element_type3A_59, %cond3A_60 : i32
      scf.if %cond3A_61 {
        %add3A_62 = arith.constant 1 : i32
        %add3A_63 = arith.addi %add3A_41, %add3A_62 : i32
        %dma_wait3A_64 = arith.constant 0 : i32
        %dma_wait3A_65 = arith.constant 0 : i32
        %dma_wait3A_66 = tpu.memref_slice %arg9[%scan3A_26, %dma_wait3A_64, %dma_wait3A_65] : memref<2x128x64xf32, #tpu.memory_space<vmem>> -> memref<1x128x64xf32, #tpu.memory_space<vmem>>
        %dma_wait3A_67 = tpu.memref_squeeze %dma_wait3A_66 : memref<1x128x64xf32, #tpu.memory_space<vmem>> -> memref<128x64xf32, #tpu.memory_space<vmem>>
        %dma_wait3A_68 = arith.constant 0 : i32
        %dma_wait3A_69 = tpu.memref_slice %arg7[%add3A_63, %dma_wait3A_68] : memref<79x128xi32, #tpu.memory_space<vmem>> -> memref<1x128xi32, #tpu.memory_space<vmem>>
        %dma_wait3A_70 = tpu.memref_squeeze %dma_wait3A_69 : memref<1x128xi32, #tpu.memory_space<vmem>> -> memref<128xi32, #tpu.memory_space<vmem>>
        %dma_wait3A_71 = arith.constant 0 : i32
        %dma_wait3A_72 = arith.constant 0 : i32
        %dma_wait3A_73 = tpu.memref_slice %arg4[%dma_wait3A_71, %dma_wait3A_72] : memref<10000x64xf32, #tpu.memory_space<hbm>> -> memref<10000x64xf32, #tpu.memory_space<hbm>>
        tpu.wait_indirect_dma semaphore(%arg12 : memref<!tpu.dma_semaphore, #tpu.memory_space<semaphore_mem>>) src(%dma_wait3A_73 : memref<10000x64xf32, #tpu.memory_space<hbm>>) dst(%dma_wait3A_67 : memref<128x64xf32, #tpu.memory_space<vmem>>)
        %add3A_74 = arith.constant 1 : i32
        %add3A_75 = arith.addi %add3A_41, %add3A_74 : i32
        "tpu.region"() ({
          %run_scoped3A = tpu.sem_alloc : memref<!tpu.dma_semaphore, #tpu.memory_space<semaphore_mem>>
          %dma_start3A_83 = arith.constant 0 : i32
          %dma_start3A_84 = arith.constant 0 : i32
          %dma_start3A_85 = tpu.memref_slice %arg9[%scan3A_26, %dma_start3A_83, %dma_start3A_84] : memref<2x128x64xf32, #tpu.memory_space<vmem>> -> memref<1x128x64xf32, #tpu.memory_space<vmem>>
          %dma_start3A_86 = tpu.memref_squeeze %dma_start3A_85 : memref<1x128x64xf32, #tpu.memory_space<vmem>> -> memref<128x64xf32, #tpu.memory_space<vmem>>
          %dma_start3A_87 = arith.constant 0 : i32
          %dma_start3A_88 = tpu.memref_slice %arg8[%add3A_75, %dma_start3A_87] : memref<79x128xi32, #tpu.memory_space<vmem>> -> memref<1x128xi32, #tpu.memory_space<vmem>>
          %dma_start3A_89 = tpu.memref_squeeze %dma_start3A_88 : memref<1x128xi32, #tpu.memory_space<vmem>> -> memref<128xi32, #tpu.memory_space<vmem>>
          %dma_start3A_90 = arith.constant 0 : i32
          %dma_start3A_91 = arith.constant 0 : i32
          %dma_start3A_92 = tpu.memref_slice %arg10[%dma_start3A_90, %dma_start3A_91] : memref<10240x64xf32, #tpu.memory_space<vmem_shared>> -> memref<10240x64xf32, #tpu.memory_space<vmem_shared>>
          tpu.enqueue_indirect_dma source(%dma_start3A_86 : memref<128x64xf32, #tpu.memory_space<vmem>>) target(%dma_start3A_92 : memref<10240x64xf32, #tpu.memory_space<vmem_shared>>) offsets(%dma_start3A_89 : memref<128xi32, #tpu.memory_space<vmem>>) semaphore(%run_scoped3A : memref<!tpu.dma_semaphore, #tpu.memory_space<semaphore_mem>>) {add = true}
          %dma_wait3A_93 = arith.constant 0 : i32
          %dma_wait3A_94 = arith.constant 0 : i32
          %dma_wait3A_95 = tpu.memref_slice %arg9[%scan3A_26, %dma_wait3A_93, %dma_wait3A_94] : memref<2x128x64xf32, #tpu.memory_space<vmem>> -> memref<1x128x64xf32, #tpu.memory_space<vmem>>
          %dma_wait3A_96 = tpu.memref_squeeze %dma_wait3A_95 : memref<1x128x64xf32, #tpu.memory_space<vmem>> -> memref<128x64xf32, #tpu.memory_space<vmem>>
          %dma_wait3A_97 = arith.constant 0 : i32
          %dma_wait3A_98 = tpu.memref_slice %arg8[%add3A_75, %dma_wait3A_97] : memref<79x128xi32, #tpu.memory_space<vmem>> -> memref<1x128xi32, #tpu.memory_space<vmem>>
          %dma_wait3A_99 = tpu.memref_squeeze %dma_wait3A_98 : memref<1x128xi32, #tpu.memory_space<vmem>> -> memref<128xi32, #tpu.memory_space<vmem>>
          %dma_wait3A_100 = arith.constant 0 : i32
          %dma_wait3A_101 = arith.constant 0 : i32
          %dma_wait3A_102 = tpu.memref_slice %arg10[%dma_wait3A_100, %dma_wait3A_101] : memref<10240x64xf32, #tpu.memory_space<vmem_shared>> -> memref<10240x64xf32, #tpu.memory_space<vmem_shared>>
          tpu.wait_indirect_dma semaphore(%run_scoped3A : memref<!tpu.dma_semaphore, #tpu.memory_space<semaphore_mem>>) src(%dma_wait3A_96 : memref<128x64xf32, #tpu.memory_space<vmem>>) dst(%dma_wait3A_102 : memref<10240x64xf32, #tpu.memory_space<vmem_shared>>)
          tpu.yield
        }) : () -> ()
        %add3A_76 = arith.constant 3 : i32
        %add3A_77 = arith.addi %add3A_41, %add3A_76 : i32
        %lt3A_78 = arith.constant 79 : i32
        %lt3A_79 = arith.cmpi slt, %add3A_77, %lt3A_78 : i32
        %convert_element_type3A_80 = arith.extui %lt3A_79 : i1 to i32
        %cond3A_81 = arith.constant 0 : i32
        %cond3A_82 = arith.cmpi ne, %convert_element_type3A_80, %cond3A_81 : i32
        scf.if %cond3A_82 {
          %add3A_83 = arith.constant 3 : i32
          %add3A_84 = arith.addi %add3A_41, %add3A_83 : i32
          %dma_start3A_85 = arith.constant 0 : i32
          %dma_start3A_86 = arith.constant 0 : i32
          %dma_start3A_87 = tpu.memref_slice %arg9[%scan3A_26, %dma_start3A_85, %dma_start3A_86] : memref<2x128x64xf32, #tpu.memory_space<vmem>> -> memref<1x128x64xf32, #tpu.memory_space<vmem>>
          %dma_start3A_88 = tpu.memref_squeeze %dma_start3A_87 : memref<1x128x64xf32, #tpu.memory_space<vmem>> -> memref<128x64xf32, #tpu.memory_space<vmem>>
          %dma_start3A_89 = arith.constant 0 : i32
          %dma_start3A_90 = tpu.memref_slice %arg7[%add3A_84, %dma_start3A_89] : memref<79x128xi32, #tpu.memory_space<vmem>> -> memref<1x128xi32, #tpu.memory_space<vmem>>
          %dma_start3A_91 = tpu.memref_squeeze %dma_start3A_90 : memref<1x128xi32, #tpu.memory_space<vmem>> -> memref<128xi32, #tpu.memory_space<vmem>>
          %dma_start3A_92 = arith.constant 0 : i32
          %dma_start3A_93 = arith.constant 0 : i32
          %dma_start3A_94 = tpu.memref_slice %arg4[%dma_start3A_92, %dma_start3A_93] : memref<10000x64xf32, #tpu.memory_space<hbm>> -> memref<10000x64xf32, #tpu.memory_space<hbm>>
          tpu.enqueue_indirect_dma source(%dma_start3A_94 : memref<10000x64xf32, #tpu.memory_space<hbm>>) target(%dma_start3A_88 : memref<128x64xf32, #tpu.memory_space<vmem>>) offsets(%dma_start3A_91 : memref<128xi32, #tpu.memory_space<vmem>>) semaphore(%arg12 : memref<!tpu.dma_semaphore, #tpu.memory_space<semaphore_mem>>)
        } else {
        }
      } else {
      }
    }
    %scan3A_31 = arith.constant 40 : i32
    %barrier3A_32 = arith.constant 0 : index
    tpu.barrier barrier_id(%barrier3A_32)
    %mul3A_33 = arith.constant 640 : i32
    %mul3A_34 = arith.muli %arg1, %mul3A_33 : i32
    %mul3A_35 = arith.constant 640 : i32
    %mul3A_36 = arith.muli %arg1, %mul3A_35 : i32
    "tpu.region"() ({
      %run_scoped3A = tpu.sem_alloc : memref<!tpu.dma_semaphore, #tpu.memory_space<semaphore_mem>>
      %dma_start3A_37 = arith.constant 0 : i32
      %dma_start3A_38 = tpu.memref_slice %arg6[%arg0, %mul3A_36, %dma_start3A_37] : memref<2x10240x64xf32, #tpu.memory_space<hbm>> -> memref<1x640x64xf32, #tpu.memory_space<hbm>>
      %dma_start3A_39 = tpu.memref_squeeze %dma_start3A_38 : memref<1x640x64xf32, #tpu.memory_space<hbm>> -> memref<640x64xf32, #tpu.memory_space<hbm>>
      %dma_start3A_40 = arith.constant 0 : i32
      %dma_start3A_41 = tpu.memref_slice %arg10[%mul3A_34, %dma_start3A_40] : memref<10240x64xf32, #tpu.memory_space<vmem_shared>> -> memref<640x64xf32, #tpu.memory_space<vmem_shared>>
      tpu.enqueue_dma source(%dma_start3A_41 : memref<640x64xf32, #tpu.memory_space<vmem_shared>>) target(%dma_start3A_39 : memref<640x64xf32, #tpu.memory_space<hbm>>) target_semaphore(%run_scoped3A : memref<!tpu.dma_semaphore, #tpu.memory_space<semaphore_mem>>)
      %dma_wait3A = arith.constant 0 : i32
      %dma_wait3A_42 = tpu.memref_slice %arg6[%arg0, %mul3A_36, %dma_wait3A] : memref<2x10240x64xf32, #tpu.memory_space<hbm>> -> memref<1x640x64xf32, #tpu.memory_space<hbm>>
      %dma_wait3A_43 = tpu.memref_squeeze %dma_wait3A_42 : memref<1x640x64xf32, #tpu.memory_space<hbm>> -> memref<640x64xf32, #tpu.memory_space<hbm>>
      %dma_wait3A_44 = arith.constant 0 : i32
      %dma_wait3A_45 = tpu.memref_slice %arg10[%mul3A_34, %dma_wait3A_44] : memref<10240x64xf32, #tpu.memory_space<vmem_shared>> -> memref<640x64xf32, #tpu.memory_space<vmem_shared>>
      tpu.wait_dma2 semaphore(%run_scoped3A : memref<!tpu.dma_semaphore, #tpu.memory_space<semaphore_mem>>) src(%dma_wait3A_45 : memref<640x64xf32, #tpu.memory_space<vmem_shared>>) dst(%dma_wait3A_43 : memref<640x64xf32, #tpu.memory_space<hbm>>)
      tpu.yield
    }) : () -> ()
    return
  }
}

#map = affine_map<(d0, d1) -> (0, 0, 0)>
#map1 = affine_map<(d0, d1) -> (0, 0)>
module attributes {stable_mosaic.version = 14 : i64} {
  func.func @_seg_body(%arg0: i32, %arg1: i32, %arg2: memref<32x79x128xi32, #tpu.memory_space<hbm>>, %arg3: memref<32x79x128xi32, #tpu.memory_space<hbm>>, %arg4: memref<10000x64xf32, #tpu.memory_space<hbm>>, %arg5: memref<640x64xf32, #tpu.memory_space<hbm>>, %arg6: memref<2x10240x64xf32, #tpu.memory_space<hbm>>, %arg7: memref<79x128xi32, #tpu.memory_space<vmem>>, %arg8: memref<79x128xi32, #tpu.memory_space<vmem>>, %arg9: memref<2x128x64xf32, #tpu.memory_space<vmem>>, %arg10: memref<10240x64xf32, #tpu.memory_space<vmem_shared>>, %arg11: memref<!tpu.dma_semaphore, #tpu.memory_space<semaphore_mem>>, %arg12: memref<!tpu.dma_semaphore, #tpu.memory_space<semaphore_mem>>) attributes {dimension_semantics = [#tpu.dimension_semantics<core_parallel>, #tpu.dimension_semantics<subcore_parallel>], iteration_bounds = array<i64: 2, 16>, scalar_prefetch = 0 : i64, scratch_operands = 6 : i64, tpu.core_type = #tpu.core_type<sc_vector_subcore>, window_params = [{transform_indices = #map}, {transform_indices = #map}, {transform_indices = #map1}, {transform_indices = #map1}, {transform_indices = #map}]} {
    %mul3A = arith.constant 16 : i32
    %mul3A_0 = arith.muli %arg0, %mul3A : i32
    %add3A = arith.addi %mul3A_0, %arg1 : i32
    "tpu.region"() ({
      %run_scoped3A = tpu.sem_alloc : memref<!tpu.dma_semaphore, #tpu.memory_space<semaphore_mem>>
      %dma_start3A_37 = arith.constant 0 : i32
      %dma_start3A_38 = arith.constant 0 : i32
      %dma_start3A_39 = tpu.memref_slice %arg2[%add3A, %dma_start3A_37, %dma_start3A_38] : memref<32x79x128xi32, #tpu.memory_space<hbm>> -> memref<1x79x128xi32, #tpu.memory_space<hbm>>
      %dma_start3A_40 = tpu.memref_squeeze %dma_start3A_39 : memref<1x79x128xi32, #tpu.memory_space<hbm>> -> memref<79x128xi32, #tpu.memory_space<hbm>>
      %dma_start3A_41 = arith.constant 0 : i32
      %dma_start3A_42 = arith.constant 0 : i32
      %dma_start3A_43 = tpu.memref_slice %arg2[%add3A, %dma_start3A_41, %dma_start3A_42] : memref<32x79x128xi32, #tpu.memory_space<hbm>> -> memref<1x79x128xi32, #tpu.memory_space<hbm>>
      %dma_start3A_44 = tpu.memref_squeeze %dma_start3A_43 : memref<1x79x128xi32, #tpu.memory_space<hbm>> -> memref<79x128xi32, #tpu.memory_space<hbm>>
      tpu.enqueue_dma source(%dma_start3A_44 : memref<79x128xi32, #tpu.memory_space<hbm>>) target(%arg7 : memref<79x128xi32, #tpu.memory_space<vmem>>) target_semaphore(%run_scoped3A : memref<!tpu.dma_semaphore, #tpu.memory_space<semaphore_mem>>)
      %dma_wait3A = arith.constant 0 : i32
      %dma_wait3A_45 = arith.constant 0 : i32
      %dma_wait3A_46 = tpu.memref_slice %arg2[%add3A, %dma_wait3A, %dma_wait3A_45] : memref<32x79x128xi32, #tpu.memory_space<hbm>> -> memref<1x79x128xi32, #tpu.memory_space<hbm>>
      %dma_wait3A_47 = tpu.memref_squeeze %dma_wait3A_46 : memref<1x79x128xi32, #tpu.memory_space<hbm>> -> memref<79x128xi32, #tpu.memory_space<hbm>>
      %dma_wait3A_48 = arith.constant 0 : i32
      %dma_wait3A_49 = arith.constant 0 : i32
      %dma_wait3A_50 = tpu.memref_slice %arg2[%add3A, %dma_wait3A_48, %dma_wait3A_49] : memref<32x79x128xi32, #tpu.memory_space<hbm>> -> memref<1x79x128xi32, #tpu.memory_space<hbm>>
      %dma_wait3A_51 = tpu.memref_squeeze %dma_wait3A_50 : memref<1x79x128xi32, #tpu.memory_space<hbm>> -> memref<79x128xi32, #tpu.memory_space<hbm>>
      tpu.wait_dma2 semaphore(%run_scoped3A : memref<!tpu.dma_semaphore, #tpu.memory_space<semaphore_mem>>) src(%dma_wait3A_51 : memref<79x128xi32, #tpu.memory_space<hbm>>) dst(%arg7 : memref<79x128xi32, #tpu.memory_space<vmem>>)
      tpu.yield
    }) : () -> ()
    "tpu.region"() ({
      %run_scoped3A = tpu.sem_alloc : memref<!tpu.dma_semaphore, #tpu.memory_space<semaphore_mem>>
      %dma_start3A_37 = arith.constant 0 : i32
      %dma_start3A_38 = arith.constant 0 : i32
      %dma_start3A_39 = tpu.memref_slice %arg3[%add3A, %dma_start3A_37, %dma_start3A_38] : memref<32x79x128xi32, #tpu.memory_space<hbm>> -> memref<1x79x128xi32, #tpu.memory_space<hbm>>
      %dma_start3A_40 = tpu.memref_squeeze %dma_start3A_39 : memref<1x79x128xi32, #tpu.memory_space<hbm>> -> memref<79x128xi32, #tpu.memory_space<hbm>>
      %dma_start3A_41 = arith.constant 0 : i32
      %dma_start3A_42 = arith.constant 0 : i32
      %dma_start3A_43 = tpu.memref_slice %arg3[%add3A, %dma_start3A_41, %dma_start3A_42] : memref<32x79x128xi32, #tpu.memory_space<hbm>> -> memref<1x79x128xi32, #tpu.memory_space<hbm>>
      %dma_start3A_44 = tpu.memref_squeeze %dma_start3A_43 : memref<1x79x128xi32, #tpu.memory_space<hbm>> -> memref<79x128xi32, #tpu.memory_space<hbm>>
      tpu.enqueue_dma source(%dma_start3A_44 : memref<79x128xi32, #tpu.memory_space<hbm>>) target(%arg8 : memref<79x128xi32, #tpu.memory_space<vmem>>) target_semaphore(%run_scoped3A : memref<!tpu.dma_semaphore, #tpu.memory_space<semaphore_mem>>)
      %dma_wait3A = arith.constant 0 : i32
      %dma_wait3A_45 = arith.constant 0 : i32
      %dma_wait3A_46 = tpu.memref_slice %arg3[%add3A, %dma_wait3A, %dma_wait3A_45] : memref<32x79x128xi32, #tpu.memory_space<hbm>> -> memref<1x79x128xi32, #tpu.memory_space<hbm>>
      %dma_wait3A_47 = tpu.memref_squeeze %dma_wait3A_46 : memref<1x79x128xi32, #tpu.memory_space<hbm>> -> memref<79x128xi32, #tpu.memory_space<hbm>>
      %dma_wait3A_48 = arith.constant 0 : i32
      %dma_wait3A_49 = arith.constant 0 : i32
      %dma_wait3A_50 = tpu.memref_slice %arg3[%add3A, %dma_wait3A_48, %dma_wait3A_49] : memref<32x79x128xi32, #tpu.memory_space<hbm>> -> memref<1x79x128xi32, #tpu.memory_space<hbm>>
      %dma_wait3A_51 = tpu.memref_squeeze %dma_wait3A_50 : memref<1x79x128xi32, #tpu.memory_space<hbm>> -> memref<79x128xi32, #tpu.memory_space<hbm>>
      tpu.wait_dma2 semaphore(%run_scoped3A : memref<!tpu.dma_semaphore, #tpu.memory_space<semaphore_mem>>) src(%dma_wait3A_51 : memref<79x128xi32, #tpu.memory_space<hbm>>) dst(%arg8 : memref<79x128xi32, #tpu.memory_space<vmem>>)
      tpu.yield
    }) : () -> ()
    %mul3A_1 = arith.constant 640 : i32
    %mul3A_2 = arith.muli %arg1, %mul3A_1 : i32
    "tpu.region"() ({
      %run_scoped3A = tpu.sem_alloc : memref<!tpu.dma_semaphore, #tpu.memory_space<semaphore_mem>>
      %dma_start3A_37 = arith.constant 0 : i32
      %dma_start3A_38 = tpu.memref_slice %arg10[%mul3A_2, %dma_start3A_37] : memref<10240x64xf32, #tpu.memory_space<vmem_shared>> -> memref<640x64xf32, #tpu.memory_space<vmem_shared>>
      tpu.enqueue_dma source(%arg5 : memref<640x64xf32, #tpu.memory_space<hbm>>) target(%dma_start3A_38 : memref<640x64xf32, #tpu.memory_space<vmem_shared>>) target_semaphore(%run_scoped3A : memref<!tpu.dma_semaphore, #tpu.memory_space<semaphore_mem>>)
      %dma_wait3A = arith.constant 0 : i32
      %dma_wait3A_39 = tpu.memref_slice %arg10[%mul3A_2, %dma_wait3A] : memref<10240x64xf32, #tpu.memory_space<vmem_shared>> -> memref<640x64xf32, #tpu.memory_space<vmem_shared>>
      tpu.wait_dma2 semaphore(%run_scoped3A : memref<!tpu.dma_semaphore, #tpu.memory_space<semaphore_mem>>) src(%arg5 : memref<640x64xf32, #tpu.memory_space<hbm>>) dst(%dma_wait3A_39 : memref<640x64xf32, #tpu.memory_space<vmem_shared>>)
      tpu.yield
    }) : () -> ()
    %barrier3A = arith.constant 0 : index
    tpu.barrier barrier_id(%barrier3A)
    %dma_start3A = arith.constant 0 : i32
    %dma_start3A_3 = arith.constant 0 : i32
    %dma_start3A_4 = arith.constant 0 : i32
    %dma_start3A_5 = arith.constant 0 : i32
    %dma_start3A_6 = tpu.memref_slice %arg9[%dma_start3A_3, %dma_start3A_4, %dma_start3A_5] : memref<2x128x64xf32, #tpu.memory_space<vmem>> -> memref<1x128x64xf32, #tpu.memory_space<vmem>>
    %dma_start3A_7 = tpu.memref_squeeze %dma_start3A_6 : memref<1x128x64xf32, #tpu.memory_space<vmem>> -> memref<128x64xf32, #tpu.memory_space<vmem>>
    %dma_start3A_8 = arith.constant 0 : i32
    %dma_start3A_9 = tpu.memref_slice %arg7[%dma_start3A, %dma_start3A_8] : memref<79x128xi32, #tpu.memory_space<vmem>> -> memref<1x128xi32, #tpu.memory_space<vmem>>
    %dma_start3A_10 = tpu.memref_squeeze %dma_start3A_9 : memref<1x128xi32, #tpu.memory_space<vmem>> -> memref<128xi32, #tpu.memory_space<vmem>>
    %dma_start3A_11 = arith.constant 0 : i32
    %dma_start3A_12 = arith.constant 0 : i32
    %dma_start3A_13 = tpu.memref_slice %arg4[%dma_start3A_11, %dma_start3A_12] : memref<10000x64xf32, #tpu.memory_space<hbm>> -> memref<10000x64xf32, #tpu.memory_space<hbm>>
    tpu.enqueue_indirect_dma source(%dma_start3A_13 : memref<10000x64xf32, #tpu.memory_space<hbm>>) target(%dma_start3A_7 : memref<128x64xf32, #tpu.memory_space<vmem>>) offsets(%dma_start3A_10 : memref<128xi32, #tpu.memory_space<vmem>>) semaphore(%arg11 : memref<!tpu.dma_semaphore, #tpu.memory_space<semaphore_mem>>)
    %dma_start3A_14 = arith.constant 1 : i32
    %dma_start3A_15 = arith.constant 1 : i32
    %dma_start3A_16 = arith.constant 0 : i32
    %dma_start3A_17 = arith.constant 0 : i32
    %dma_start3A_18 = tpu.memref_slice %arg9[%dma_start3A_15, %dma_start3A_16, %dma_start3A_17] : memref<2x128x64xf32, #tpu.memory_space<vmem>> -> memref<1x128x64xf32, #tpu.memory_space<vmem>>
    %dma_start3A_19 = tpu.memref_squeeze %dma_start3A_18 : memref<1x128x64xf32, #tpu.memory_space<vmem>> -> memref<128x64xf32, #tpu.memory_space<vmem>>
    %dma_start3A_20 = arith.constant 0 : i32
    %dma_start3A_21 = tpu.memref_slice %arg7[%dma_start3A_14, %dma_start3A_20] : memref<79x128xi32, #tpu.memory_space<vmem>> -> memref<1x128xi32, #tpu.memory_space<vmem>>
    %dma_start3A_22 = tpu.memref_squeeze %dma_start3A_21 : memref<1x128xi32, #tpu.memory_space<vmem>> -> memref<128xi32, #tpu.memory_space<vmem>>
    %dma_start3A_23 = arith.constant 0 : i32
    %dma_start3A_24 = arith.constant 0 : i32
    %dma_start3A_25 = tpu.memref_slice %arg4[%dma_start3A_23, %dma_start3A_24] : memref<10000x64xf32, #tpu.memory_space<hbm>> -> memref<10000x64xf32, #tpu.memory_space<hbm>>
    tpu.enqueue_indirect_dma source(%dma_start3A_25 : memref<10000x64xf32, #tpu.memory_space<hbm>>) target(%dma_start3A_19 : memref<128x64xf32, #tpu.memory_space<vmem>>) offsets(%dma_start3A_22 : memref<128xi32, #tpu.memory_space<vmem>>) semaphore(%arg12 : memref<!tpu.dma_semaphore, #tpu.memory_space<semaphore_mem>>)
    %scan3A = arith.constant 0 : i32
    %scan3A_26 = arith.constant 1 : i32
    %scan3A_27 = arith.constant 0 : i32
    %scan3A_28 = arith.constant 40 : i32
    %scan3A_29 = arith.addi %scan3A_27, %scan3A_28 : i32
    %scan3A_30 = arith.constant 1 : i32
    scf.for %scan3A_37 = %scan3A_27 to %scan3A_29 step %scan3A_30  : i32 {
      %mul3A_38 = arith.constant 2 : i32
      %mul3A_39 = arith.muli %scan3A_37, %mul3A_38 : i32
      %add3A_40 = arith.constant 0 : i32
      %add3A_41 = arith.addi %add3A_40, %mul3A_39 : i32
      %dma_wait3A = arith.constant 0 : i32
      %dma_wait3A_42 = arith.constant 0 : i32
      %dma_wait3A_43 = tpu.memref_slice %arg9[%scan3A, %dma_wait3A, %dma_wait3A_42] : memref<2x128x64xf32, #tpu.memory_space<vmem>> -> memref<1x128x64xf32, #tpu.memory_space<vmem>>
      %dma_wait3A_44 = tpu.memref_squeeze %dma_wait3A_43 : memref<1x128x64xf32, #tpu.memory_space<vmem>> -> memref<128x64xf32, #tpu.memory_space<vmem>>
      %dma_wait3A_45 = arith.constant 0 : i32
      %dma_wait3A_46 = tpu.memref_slice %arg7[%add3A_41, %dma_wait3A_45] : memref<79x128xi32, #tpu.memory_space<vmem>> -> memref<1x128xi32, #tpu.memory_space<vmem>>
      %dma_wait3A_47 = tpu.memref_squeeze %dma_wait3A_46 : memref<1x128xi32, #tpu.memory_space<vmem>> -> memref<128xi32, #tpu.memory_space<vmem>>
      %dma_wait3A_48 = arith.constant 0 : i32
      %dma_wait3A_49 = arith.constant 0 : i32
      %dma_wait3A_50 = tpu.memref_slice %arg4[%dma_wait3A_48, %dma_wait3A_49] : memref<10000x64xf32, #tpu.memory_space<hbm>> -> memref<10000x64xf32, #tpu.memory_space<hbm>>
      tpu.wait_indirect_dma semaphore(%arg11 : memref<!tpu.dma_semaphore, #tpu.memory_space<semaphore_mem>>) src(%dma_wait3A_50 : memref<10000x64xf32, #tpu.memory_space<hbm>>) dst(%dma_wait3A_44 : memref<128x64xf32, #tpu.memory_space<vmem>>)
      "tpu.region"() ({
        %run_scoped3A = tpu.sem_alloc : memref<!tpu.dma_semaphore, #tpu.memory_space<semaphore_mem>>
        %dma_start3A_62 = arith.constant 0 : i32
        %dma_start3A_63 = arith.constant 0 : i32
        %dma_start3A_64 = tpu.memref_slice %arg9[%scan3A, %dma_start3A_62, %dma_start3A_63] : memref<2x128x64xf32, #tpu.memory_space<vmem>> -> memref<1x128x64xf32, #tpu.memory_space<vmem>>
        %dma_start3A_65 = tpu.memref_squeeze %dma_start3A_64 : memref<1x128x64xf32, #tpu.memory_space<vmem>> -> memref<128x64xf32, #tpu.memory_space<vmem>>
        %dma_start3A_66 = arith.constant 0 : i32
        %dma_start3A_67 = tpu.memref_slice %arg8[%add3A_41, %dma_start3A_66] : memref<79x128xi32, #tpu.memory_space<vmem>> -> memref<1x128xi32, #tpu.memory_space<vmem>>
        %dma_start3A_68 = tpu.memref_squeeze %dma_start3A_67 : memref<1x128xi32, #tpu.memory_space<vmem>> -> memref<128xi32, #tpu.memory_space<vmem>>
        %dma_start3A_69 = arith.constant 0 : i32
        %dma_start3A_70 = arith.constant 0 : i32
        %dma_start3A_71 = tpu.memref_slice %arg10[%dma_start3A_69, %dma_start3A_70] : memref<10240x64xf32, #tpu.memory_space<vmem_shared>> -> memref<10240x64xf32, #tpu.memory_space<vmem_shared>>
        tpu.enqueue_indirect_dma source(%dma_start3A_65 : memref<128x64xf32, #tpu.memory_space<vmem>>) target(%dma_start3A_71 : memref<10240x64xf32, #tpu.memory_space<vmem_shared>>) offsets(%dma_start3A_68 : memref<128xi32, #tpu.memory_space<vmem>>) semaphore(%run_scoped3A : memref<!tpu.dma_semaphore, #tpu.memory_space<semaphore_mem>>) {add = true}
        %dma_wait3A_72 = arith.constant 0 : i32
        %dma_wait3A_73 = arith.constant 0 : i32
        %dma_wait3A_74 = tpu.memref_slice %arg9[%scan3A, %dma_wait3A_72, %dma_wait3A_73] : memref<2x128x64xf32, #tpu.memory_space<vmem>> -> memref<1x128x64xf32, #tpu.memory_space<vmem>>
        %dma_wait3A_75 = tpu.memref_squeeze %dma_wait3A_74 : memref<1x128x64xf32, #tpu.memory_space<vmem>> -> memref<128x64xf32, #tpu.memory_space<vmem>>
        %dma_wait3A_76 = arith.constant 0 : i32
        %dma_wait3A_77 = tpu.memref_slice %arg8[%add3A_41, %dma_wait3A_76] : memref<79x128xi32, #tpu.memory_space<vmem>> -> memref<1x128xi32, #tpu.memory_space<vmem>>
        %dma_wait3A_78 = tpu.memref_squeeze %dma_wait3A_77 : memref<1x128xi32, #tpu.memory_space<vmem>> -> memref<128xi32, #tpu.memory_space<vmem>>
        %dma_wait3A_79 = arith.constant 0 : i32
        %dma_wait3A_80 = arith.constant 0 : i32
        %dma_wait3A_81 = tpu.memref_slice %arg10[%dma_wait3A_79, %dma_wait3A_80] : memref<10240x64xf32, #tpu.memory_space<vmem_shared>> -> memref<10240x64xf32, #tpu.memory_space<vmem_shared>>
        tpu.wait_indirect_dma semaphore(%run_scoped3A : memref<!tpu.dma_semaphore, #tpu.memory_space<semaphore_mem>>) src(%dma_wait3A_75 : memref<128x64xf32, #tpu.memory_space<vmem>>) dst(%dma_wait3A_81 : memref<10240x64xf32, #tpu.memory_space<vmem_shared>>)
        tpu.yield
      }) : () -> ()
      %add3A_51 = arith.constant 2 : i32
      %add3A_52 = arith.addi %add3A_41, %add3A_51 : i32
      %lt3A = arith.constant 79 : i32
      %lt3A_53 = arith.cmpi slt, %add3A_52, %lt3A : i32
      %convert_element_type3A = arith.extui %lt3A_53 : i1 to i32
      %cond3A = arith.constant 0 : i32
      %cond3A_54 = arith.cmpi ne, %convert_element_type3A, %cond3A : i32
      scf.if %cond3A_54 {
        %add3A_62 = arith.constant 2 : i32
        %add3A_63 = arith.addi %add3A_41, %add3A_62 : i32
        %dma_start3A_64 = arith.constant 0 : i32
        %dma_start3A_65 = arith.constant 0 : i32
        %dma_start3A_66 = tpu.memref_slice %arg9[%scan3A, %dma_start3A_64, %dma_start3A_65] : memref<2x128x64xf32, #tpu.memory_space<vmem>> -> memref<1x128x64xf32, #tpu.memory_space<vmem>>
        %dma_start3A_67 = tpu.memref_squeeze %dma_start3A_66 : memref<1x128x64xf32, #tpu.memory_space<vmem>> -> memref<128x64xf32, #tpu.memory_space<vmem>>
        %dma_start3A_68 = arith.constant 0 : i32
        %dma_start3A_69 = tpu.memref_slice %arg7[%add3A_63, %dma_start3A_68] : memref<79x128xi32, #tpu.memory_space<vmem>> -> memref<1x128xi32, #tpu.memory_space<vmem>>
        %dma_start3A_70 = tpu.memref_squeeze %dma_start3A_69 : memref<1x128xi32, #tpu.memory_space<vmem>> -> memref<128xi32, #tpu.memory_space<vmem>>
        %dma_start3A_71 = arith.constant 0 : i32
        %dma_start3A_72 = arith.constant 0 : i32
        %dma_start3A_73 = tpu.memref_slice %arg4[%dma_start3A_71, %dma_start3A_72] : memref<10000x64xf32, #tpu.memory_space<hbm>> -> memref<10000x64xf32, #tpu.memory_space<hbm>>
        tpu.enqueue_indirect_dma source(%dma_start3A_73 : memref<10000x64xf32, #tpu.memory_space<hbm>>) target(%dma_start3A_67 : memref<128x64xf32, #tpu.memory_space<vmem>>) offsets(%dma_start3A_70 : memref<128xi32, #tpu.memory_space<vmem>>) semaphore(%arg11 : memref<!tpu.dma_semaphore, #tpu.memory_space<semaphore_mem>>)
      } else {
      }
      %add3A_55 = arith.constant 1 : i32
      %add3A_56 = arith.addi %add3A_41, %add3A_55 : i32
      %lt3A_57 = arith.constant 79 : i32
      %lt3A_58 = arith.cmpi slt, %add3A_56, %lt3A_57 : i32
      %convert_element_type3A_59 = arith.extui %lt3A_58 : i1 to i32
      %cond3A_60 = arith.constant 0 : i32
      %cond3A_61 = arith.cmpi ne, %convert_element_type3A_59, %cond3A_60 : i32
      scf.if %cond3A_61 {
        %add3A_62 = arith.constant 1 : i32
        %add3A_63 = arith.addi %add3A_41, %add3A_62 : i32
        %dma_wait3A_64 = arith.constant 0 : i32
        %dma_wait3A_65 = arith.constant 0 : i32
        %dma_wait3A_66 = tpu.memref_slice %arg9[%scan3A_26, %dma_wait3A_64, %dma_wait3A_65] : memref<2x128x64xf32, #tpu.memory_space<vmem>> -> memref<1x128x64xf32, #tpu.memory_space<vmem>>
        %dma_wait3A_67 = tpu.memref_squeeze %dma_wait3A_66 : memref<1x128x64xf32, #tpu.memory_space<vmem>> -> memref<128x64xf32, #tpu.memory_space<vmem>>
        %dma_wait3A_68 = arith.constant 0 : i32
        %dma_wait3A_69 = tpu.memref_slice %arg7[%add3A_63, %dma_wait3A_68] : memref<79x128xi32, #tpu.memory_space<vmem>> -> memref<1x128xi32, #tpu.memory_space<vmem>>
        %dma_wait3A_70 = tpu.memref_squeeze %dma_wait3A_69 : memref<1x128xi32, #tpu.memory_space<vmem>> -> memref<128xi32, #tpu.memory_space<vmem>>
        %dma_wait3A_71 = arith.constant 0 : i32
        %dma_wait3A_72 = arith.constant 0 : i32
        %dma_wait3A_73 = tpu.memref_slice %arg4[%dma_wait3A_71, %dma_wait3A_72] : memref<10000x64xf32, #tpu.memory_space<hbm>> -> memref<10000x64xf32, #tpu.memory_space<hbm>>
        tpu.wait_indirect_dma semaphore(%arg12 : memref<!tpu.dma_semaphore, #tpu.memory_space<semaphore_mem>>) src(%dma_wait3A_73 : memref<10000x64xf32, #tpu.memory_space<hbm>>) dst(%dma_wait3A_67 : memref<128x64xf32, #tpu.memory_space<vmem>>)
        %add3A_74 = arith.constant 1 : i32
        %add3A_75 = arith.addi %add3A_41, %add3A_74 : i32
        "tpu.region"() ({
          %run_scoped3A = tpu.sem_alloc : memref<!tpu.dma_semaphore, #tpu.memory_space<semaphore_mem>>
          %dma_start3A_83 = arith.constant 0 : i32
          %dma_start3A_84 = arith.constant 0 : i32
          %dma_start3A_85 = tpu.memref_slice %arg9[%scan3A_26, %dma_start3A_83, %dma_start3A_84] : memref<2x128x64xf32, #tpu.memory_space<vmem>> -> memref<1x128x64xf32, #tpu.memory_space<vmem>>
          %dma_start3A_86 = tpu.memref_squeeze %dma_start3A_85 : memref<1x128x64xf32, #tpu.memory_space<vmem>> -> memref<128x64xf32, #tpu.memory_space<vmem>>
          %dma_start3A_87 = arith.constant 0 : i32
          %dma_start3A_88 = tpu.memref_slice %arg8[%add3A_75, %dma_start3A_87] : memref<79x128xi32, #tpu.memory_space<vmem>> -> memref<1x128xi32, #tpu.memory_space<vmem>>
          %dma_start3A_89 = tpu.memref_squeeze %dma_start3A_88 : memref<1x128xi32, #tpu.memory_space<vmem>> -> memref<128xi32, #tpu.memory_space<vmem>>
          %dma_start3A_90 = arith.constant 0 : i32
          %dma_start3A_91 = arith.constant 0 : i32
          %dma_start3A_92 = tpu.memref_slice %arg10[%dma_start3A_90, %dma_start3A_91] : memref<10240x64xf32, #tpu.memory_space<vmem_shared>> -> memref<10240x64xf32, #tpu.memory_space<vmem_shared>>
          tpu.enqueue_indirect_dma source(%dma_start3A_86 : memref<128x64xf32, #tpu.memory_space<vmem>>) target(%dma_start3A_92 : memref<10240x64xf32, #tpu.memory_space<vmem_shared>>) offsets(%dma_start3A_89 : memref<128xi32, #tpu.memory_space<vmem>>) semaphore(%run_scoped3A : memref<!tpu.dma_semaphore, #tpu.memory_space<semaphore_mem>>) {add = true}
          %dma_wait3A_93 = arith.constant 0 : i32
          %dma_wait3A_94 = arith.constant 0 : i32
          %dma_wait3A_95 = tpu.memref_slice %arg9[%scan3A_26, %dma_wait3A_93, %dma_wait3A_94] : memref<2x128x64xf32, #tpu.memory_space<vmem>> -> memref<1x128x64xf32, #tpu.memory_space<vmem>>
          %dma_wait3A_96 = tpu.memref_squeeze %dma_wait3A_95 : memref<1x128x64xf32, #tpu.memory_space<vmem>> -> memref<128x64xf32, #tpu.memory_space<vmem>>
          %dma_wait3A_97 = arith.constant 0 : i32
          %dma_wait3A_98 = tpu.memref_slice %arg8[%add3A_75, %dma_wait3A_97] : memref<79x128xi32, #tpu.memory_space<vmem>> -> memref<1x128xi32, #tpu.memory_space<vmem>>
          %dma_wait3A_99 = tpu.memref_squeeze %dma_wait3A_98 : memref<1x128xi32, #tpu.memory_space<vmem>> -> memref<128xi32, #tpu.memory_space<vmem>>
          %dma_wait3A_100 = arith.constant 0 : i32
          %dma_wait3A_101 = arith.constant 0 : i32
          %dma_wait3A_102 = tpu.memref_slice %arg10[%dma_wait3A_100, %dma_wait3A_101] : memref<10240x64xf32, #tpu.memory_space<vmem_shared>> -> memref<10240x64xf32, #tpu.memory_space<vmem_shared>>
          tpu.wait_indirect_dma semaphore(%run_scoped3A : memref<!tpu.dma_semaphore, #tpu.memory_space<semaphore_mem>>) src(%dma_wait3A_96 : memref<128x64xf32, #tpu.memory_space<vmem>>) dst(%dma_wait3A_102 : memref<10240x64xf32, #tpu.memory_space<vmem_shared>>)
          tpu.yield
        }) : () -> ()
        %add3A_76 = arith.constant 3 : i32
        %add3A_77 = arith.addi %add3A_41, %add3A_76 : i32
        %lt3A_78 = arith.constant 79 : i32
        %lt3A_79 = arith.cmpi slt, %add3A_77, %lt3A_78 : i32
        %convert_element_type3A_80 = arith.extui %lt3A_79 : i1 to i32
        %cond3A_81 = arith.constant 0 : i32
        %cond3A_82 = arith.cmpi ne, %convert_element_type3A_80, %cond3A_81 : i32
        scf.if %cond3A_82 {
          %add3A_83 = arith.constant 3 : i32
          %add3A_84 = arith.addi %add3A_41, %add3A_83 : i32
          %dma_start3A_85 = arith.constant 0 : i32
          %dma_start3A_86 = arith.constant 0 : i32
          %dma_start3A_87 = tpu.memref_slice %arg9[%scan3A_26, %dma_start3A_85, %dma_start3A_86] : memref<2x128x64xf32, #tpu.memory_space<vmem>> -> memref<1x128x64xf32, #tpu.memory_space<vmem>>
          %dma_start3A_88 = tpu.memref_squeeze %dma_start3A_87 : memref<1x128x64xf32, #tpu.memory_space<vmem>> -> memref<128x64xf32, #tpu.memory_space<vmem>>
          %dma_start3A_89 = arith.constant 0 : i32
          %dma_start3A_90 = tpu.memref_slice %arg7[%add3A_84, %dma_start3A_89] : memref<79x128xi32, #tpu.memory_space<vmem>> -> memref<1x128xi32, #tpu.memory_space<vmem>>
          %dma_start3A_91 = tpu.memref_squeeze %dma_start3A_90 : memref<1x128xi32, #tpu.memory_space<vmem>> -> memref<128xi32, #tpu.memory_space<vmem>>
          %dma_start3A_92 = arith.constant 0 : i32
          %dma_start3A_93 = arith.constant 0 : i32
          %dma_start3A_94 = tpu.memref_slice %arg4[%dma_start3A_92, %dma_start3A_93] : memref<10000x64xf32, #tpu.memory_space<hbm>> -> memref<10000x64xf32, #tpu.memory_space<hbm>>
          tpu.enqueue_indirect_dma source(%dma_start3A_94 : memref<10000x64xf32, #tpu.memory_space<hbm>>) target(%dma_start3A_88 : memref<128x64xf32, #tpu.memory_space<vmem>>) offsets(%dma_start3A_91 : memref<128xi32, #tpu.memory_space<vmem>>) semaphore(%arg12 : memref<!tpu.dma_semaphore, #tpu.memory_space<semaphore_mem>>)
        } else {
        }
      } else {
      }
    }
    %scan3A_31 = arith.constant 40 : i32
    %barrier3A_32 = arith.constant 0 : index
    tpu.barrier barrier_id(%barrier3A_32)
    %mul3A_33 = arith.constant 640 : i32
    %mul3A_34 = arith.muli %arg1, %mul3A_33 : i32
    %mul3A_35 = arith.constant 640 : i32
    %mul3A_36 = arith.muli %arg1, %mul3A_35 : i32
    "tpu.region"() ({
      %run_scoped3A = tpu.sem_alloc : memref<!tpu.dma_semaphore, #tpu.memory_space<semaphore_mem>>
      %dma_start3A_37 = arith.constant 0 : i32
      %dma_start3A_38 = tpu.memref_slice %arg6[%arg0, %mul3A_36, %dma_start3A_37] : memref<2x10240x64xf32, #tpu.memory_space<hbm>> -> memref<1x640x64xf32, #tpu.memory_space<hbm>>
      %dma_start3A_39 = tpu.memref_squeeze %dma_start3A_38 : memref<1x640x64xf32, #tpu.memory_space<hbm>> -> memref<640x64xf32, #tpu.memory_space<hbm>>
      %dma_start3A_40 = arith.constant 0 : i32
      %dma_start3A_41 = tpu.memref_slice %arg10[%mul3A_34, %dma_start3A_40] : memref<10240x64xf32, #tpu.memory_space<vmem_shared>> -> memref<640x64xf32, #tpu.memory_space<vmem_shared>>
      tpu.enqueue_dma source(%dma_start3A_41 : memref<640x64xf32, #tpu.memory_space<vmem_shared>>) target(%dma_start3A_39 : memref<640x64xf32, #tpu.memory_space<hbm>>) target_semaphore(%run_scoped3A : memref<!tpu.dma_semaphore, #tpu.memory_space<semaphore_mem>>)
      %dma_wait3A = arith.constant 0 : i32
      %dma_wait3A_42 = tpu.memref_slice %arg6[%arg0, %mul3A_36, %dma_wait3A] : memref<2x10240x64xf32, #tpu.memory_space<hbm>> -> memref<1x640x64xf32, #tpu.memory_space<hbm>>
      %dma_wait3A_43 = tpu.memref_squeeze %dma_wait3A_42 : memref<1x640x64xf32, #tpu.memory_space<hbm>> -> memref<640x64xf32, #tpu.memory_space<hbm>>
      %dma_wait3A_44 = arith.constant 0 : i32
      %dma_wait3A_45 = tpu.memref_slice %arg10[%mul3A_34, %dma_wait3A_44] : memref<10240x64xf32, #tpu.memory_space<vmem_shared>> -> memref<640x64xf32, #tpu.memory_space<vmem_shared>>
      tpu.wait_dma2 semaphore(%run_scoped3A : memref<!tpu.dma_semaphore, #tpu.memory_space<semaphore_mem>>) src(%dma_wait3A_45 : memref<640x64xf32, #tpu.memory_space<vmem_shared>>) dst(%dma_wait3A_43 : memref<640x64xf32, #tpu.memory_space<hbm>>)
      tpu.yield
    }) : () -> ()
    return
  }
}

#map = affine_map<(d0, d1) -> (0, 0, 0)>
#map1 = affine_map<(d0, d1) -> (0, 0)>
module attributes {stable_mosaic.version = 14 : i64} {
  func.func @_seg_body(%arg0: i32, %arg1: i32, %arg2: memref<32x79x128xi32, #tpu.memory_space<hbm>>, %arg3: memref<32x79x128xi32, #tpu.memory_space<hbm>>, %arg4: memref<10000x64xf32, #tpu.memory_space<hbm>>, %arg5: memref<640x64xf32, #tpu.memory_space<hbm>>, %arg6: memref<2x10240x64xf32, #tpu.memory_space<hbm>>, %arg7: memref<79x128xi32, #tpu.memory_space<vmem>>, %arg8: memref<79x128xi32, #tpu.memory_space<vmem>>, %arg9: memref<2x128x64xf32, #tpu.memory_space<vmem>>, %arg10: memref<10240x64xf32, #tpu.memory_space<vmem_shared>>, %arg11: memref<!tpu.dma_semaphore, #tpu.memory_space<semaphore_mem>>, %arg12: memref<!tpu.dma_semaphore, #tpu.memory_space<semaphore_mem>>) attributes {dimension_semantics = [#tpu.dimension_semantics<core_parallel>, #tpu.dimension_semantics<subcore_parallel>], iteration_bounds = array<i64: 2, 16>, scalar_prefetch = 0 : i64, scratch_operands = 6 : i64, tpu.core_type = #tpu.core_type<sc_vector_subcore>, window_params = [{transform_indices = #map}, {transform_indices = #map}, {transform_indices = #map1}, {transform_indices = #map1}, {transform_indices = #map}]} {
    %mul3A = arith.constant 16 : i32
    %mul3A_0 = arith.muli %arg0, %mul3A : i32
    %add3A = arith.addi %mul3A_0, %arg1 : i32
    "tpu.region"() ({
      %run_scoped3A = tpu.sem_alloc : memref<!tpu.dma_semaphore, #tpu.memory_space<semaphore_mem>>
      %dma_start3A_37 = arith.constant 0 : i32
      %dma_start3A_38 = arith.constant 0 : i32
      %dma_start3A_39 = tpu.memref_slice %arg2[%add3A, %dma_start3A_37, %dma_start3A_38] : memref<32x79x128xi32, #tpu.memory_space<hbm>> -> memref<1x79x128xi32, #tpu.memory_space<hbm>>
      %dma_start3A_40 = tpu.memref_squeeze %dma_start3A_39 : memref<1x79x128xi32, #tpu.memory_space<hbm>> -> memref<79x128xi32, #tpu.memory_space<hbm>>
      %dma_start3A_41 = arith.constant 0 : i32
      %dma_start3A_42 = arith.constant 0 : i32
      %dma_start3A_43 = tpu.memref_slice %arg2[%add3A, %dma_start3A_41, %dma_start3A_42] : memref<32x79x128xi32, #tpu.memory_space<hbm>> -> memref<1x79x128xi32, #tpu.memory_space<hbm>>
      %dma_start3A_44 = tpu.memref_squeeze %dma_start3A_43 : memref<1x79x128xi32, #tpu.memory_space<hbm>> -> memref<79x128xi32, #tpu.memory_space<hbm>>
      tpu.enqueue_dma source(%dma_start3A_44 : memref<79x128xi32, #tpu.memory_space<hbm>>) target(%arg7 : memref<79x128xi32, #tpu.memory_space<vmem>>) target_semaphore(%run_scoped3A : memref<!tpu.dma_semaphore, #tpu.memory_space<semaphore_mem>>)
      %dma_wait3A = arith.constant 0 : i32
      %dma_wait3A_45 = arith.constant 0 : i32
      %dma_wait3A_46 = tpu.memref_slice %arg2[%add3A, %dma_wait3A, %dma_wait3A_45] : memref<32x79x128xi32, #tpu.memory_space<hbm>> -> memref<1x79x128xi32, #tpu.memory_space<hbm>>
      %dma_wait3A_47 = tpu.memref_squeeze %dma_wait3A_46 : memref<1x79x128xi32, #tpu.memory_space<hbm>> -> memref<79x128xi32, #tpu.memory_space<hbm>>
      %dma_wait3A_48 = arith.constant 0 : i32
      %dma_wait3A_49 = arith.constant 0 : i32
      %dma_wait3A_50 = tpu.memref_slice %arg2[%add3A, %dma_wait3A_48, %dma_wait3A_49] : memref<32x79x128xi32, #tpu.memory_space<hbm>> -> memref<1x79x128xi32, #tpu.memory_space<hbm>>
      %dma_wait3A_51 = tpu.memref_squeeze %dma_wait3A_50 : memref<1x79x128xi32, #tpu.memory_space<hbm>> -> memref<79x128xi32, #tpu.memory_space<hbm>>
      tpu.wait_dma2 semaphore(%run_scoped3A : memref<!tpu.dma_semaphore, #tpu.memory_space<semaphore_mem>>) src(%dma_wait3A_51 : memref<79x128xi32, #tpu.memory_space<hbm>>) dst(%arg7 : memref<79x128xi32, #tpu.memory_space<vmem>>)
      tpu.yield
    }) : () -> ()
    "tpu.region"() ({
      %run_scoped3A = tpu.sem_alloc : memref<!tpu.dma_semaphore, #tpu.memory_space<semaphore_mem>>
      %dma_start3A_37 = arith.constant 0 : i32
      %dma_start3A_38 = arith.constant 0 : i32
      %dma_start3A_39 = tpu.memref_slice %arg3[%add3A, %dma_start3A_37, %dma_start3A_38] : memref<32x79x128xi32, #tpu.memory_space<hbm>> -> memref<1x79x128xi32, #tpu.memory_space<hbm>>
      %dma_start3A_40 = tpu.memref_squeeze %dma_start3A_39 : memref<1x79x128xi32, #tpu.memory_space<hbm>> -> memref<79x128xi32, #tpu.memory_space<hbm>>
      %dma_start3A_41 = arith.constant 0 : i32
      %dma_start3A_42 = arith.constant 0 : i32
      %dma_start3A_43 = tpu.memref_slice %arg3[%add3A, %dma_start3A_41, %dma_start3A_42] : memref<32x79x128xi32, #tpu.memory_space<hbm>> -> memref<1x79x128xi32, #tpu.memory_space<hbm>>
      %dma_start3A_44 = tpu.memref_squeeze %dma_start3A_43 : memref<1x79x128xi32, #tpu.memory_space<hbm>> -> memref<79x128xi32, #tpu.memory_space<hbm>>
      tpu.enqueue_dma source(%dma_start3A_44 : memref<79x128xi32, #tpu.memory_space<hbm>>) target(%arg8 : memref<79x128xi32, #tpu.memory_space<vmem>>) target_semaphore(%run_scoped3A : memref<!tpu.dma_semaphore, #tpu.memory_space<semaphore_mem>>)
      %dma_wait3A = arith.constant 0 : i32
      %dma_wait3A_45 = arith.constant 0 : i32
      %dma_wait3A_46 = tpu.memref_slice %arg3[%add3A, %dma_wait3A, %dma_wait3A_45] : memref<32x79x128xi32, #tpu.memory_space<hbm>> -> memref<1x79x128xi32, #tpu.memory_space<hbm>>
      %dma_wait3A_47 = tpu.memref_squeeze %dma_wait3A_46 : memref<1x79x128xi32, #tpu.memory_space<hbm>> -> memref<79x128xi32, #tpu.memory_space<hbm>>
      %dma_wait3A_48 = arith.constant 0 : i32
      %dma_wait3A_49 = arith.constant 0 : i32
      %dma_wait3A_50 = tpu.memref_slice %arg3[%add3A, %dma_wait3A_48, %dma_wait3A_49] : memref<32x79x128xi32, #tpu.memory_space<hbm>> -> memref<1x79x128xi32, #tpu.memory_space<hbm>>
      %dma_wait3A_51 = tpu.memref_squeeze %dma_wait3A_50 : memref<1x79x128xi32, #tpu.memory_space<hbm>> -> memref<79x128xi32, #tpu.memory_space<hbm>>
      tpu.wait_dma2 semaphore(%run_scoped3A : memref<!tpu.dma_semaphore, #tpu.memory_space<semaphore_mem>>) src(%dma_wait3A_51 : memref<79x128xi32, #tpu.memory_space<hbm>>) dst(%arg8 : memref<79x128xi32, #tpu.memory_space<vmem>>)
      tpu.yield
    }) : () -> ()
    %mul3A_1 = arith.constant 640 : i32
    %mul3A_2 = arith.muli %arg1, %mul3A_1 : i32
    "tpu.region"() ({
      %run_scoped3A = tpu.sem_alloc : memref<!tpu.dma_semaphore, #tpu.memory_space<semaphore_mem>>
      %dma_start3A_37 = arith.constant 0 : i32
      %dma_start3A_38 = tpu.memref_slice %arg10[%mul3A_2, %dma_start3A_37] : memref<10240x64xf32, #tpu.memory_space<vmem_shared>> -> memref<640x64xf32, #tpu.memory_space<vmem_shared>>
      tpu.enqueue_dma source(%arg5 : memref<640x64xf32, #tpu.memory_space<hbm>>) target(%dma_start3A_38 : memref<640x64xf32, #tpu.memory_space<vmem_shared>>) target_semaphore(%run_scoped3A : memref<!tpu.dma_semaphore, #tpu.memory_space<semaphore_mem>>)
      %dma_wait3A = arith.constant 0 : i32
      %dma_wait3A_39 = tpu.memref_slice %arg10[%mul3A_2, %dma_wait3A] : memref<10240x64xf32, #tpu.memory_space<vmem_shared>> -> memref<640x64xf32, #tpu.memory_space<vmem_shared>>
      tpu.wait_dma2 semaphore(%run_scoped3A : memref<!tpu.dma_semaphore, #tpu.memory_space<semaphore_mem>>) src(%arg5 : memref<640x64xf32, #tpu.memory_space<hbm>>) dst(%dma_wait3A_39 : memref<640x64xf32, #tpu.memory_space<vmem_shared>>)
      tpu.yield
    }) : () -> ()
    %barrier3A = arith.constant 0 : index
    tpu.barrier barrier_id(%barrier3A)
    %dma_start3A = arith.constant 0 : i32
    %dma_start3A_3 = arith.constant 0 : i32
    %dma_start3A_4 = arith.constant 0 : i32
    %dma_start3A_5 = arith.constant 0 : i32
    %dma_start3A_6 = tpu.memref_slice %arg9[%dma_start3A_3, %dma_start3A_4, %dma_start3A_5] : memref<2x128x64xf32, #tpu.memory_space<vmem>> -> memref<1x128x64xf32, #tpu.memory_space<vmem>>
    %dma_start3A_7 = tpu.memref_squeeze %dma_start3A_6 : memref<1x128x64xf32, #tpu.memory_space<vmem>> -> memref<128x64xf32, #tpu.memory_space<vmem>>
    %dma_start3A_8 = arith.constant 0 : i32
    %dma_start3A_9 = tpu.memref_slice %arg7[%dma_start3A, %dma_start3A_8] : memref<79x128xi32, #tpu.memory_space<vmem>> -> memref<1x128xi32, #tpu.memory_space<vmem>>
    %dma_start3A_10 = tpu.memref_squeeze %dma_start3A_9 : memref<1x128xi32, #tpu.memory_space<vmem>> -> memref<128xi32, #tpu.memory_space<vmem>>
    %dma_start3A_11 = arith.constant 0 : i32
    %dma_start3A_12 = arith.constant 0 : i32
    %dma_start3A_13 = tpu.memref_slice %arg4[%dma_start3A_11, %dma_start3A_12] : memref<10000x64xf32, #tpu.memory_space<hbm>> -> memref<10000x64xf32, #tpu.memory_space<hbm>>
    tpu.enqueue_indirect_dma source(%dma_start3A_13 : memref<10000x64xf32, #tpu.memory_space<hbm>>) target(%dma_start3A_7 : memref<128x64xf32, #tpu.memory_space<vmem>>) offsets(%dma_start3A_10 : memref<128xi32, #tpu.memory_space<vmem>>) semaphore(%arg11 : memref<!tpu.dma_semaphore, #tpu.memory_space<semaphore_mem>>)
    %dma_start3A_14 = arith.constant 1 : i32
    %dma_start3A_15 = arith.constant 1 : i32
    %dma_start3A_16 = arith.constant 0 : i32
    %dma_start3A_17 = arith.constant 0 : i32
    %dma_start3A_18 = tpu.memref_slice %arg9[%dma_start3A_15, %dma_start3A_16, %dma_start3A_17] : memref<2x128x64xf32, #tpu.memory_space<vmem>> -> memref<1x128x64xf32, #tpu.memory_space<vmem>>
    %dma_start3A_19 = tpu.memref_squeeze %dma_start3A_18 : memref<1x128x64xf32, #tpu.memory_space<vmem>> -> memref<128x64xf32, #tpu.memory_space<vmem>>
    %dma_start3A_20 = arith.constant 0 : i32
    %dma_start3A_21 = tpu.memref_slice %arg7[%dma_start3A_14, %dma_start3A_20] : memref<79x128xi32, #tpu.memory_space<vmem>> -> memref<1x128xi32, #tpu.memory_space<vmem>>
    %dma_start3A_22 = tpu.memref_squeeze %dma_start3A_21 : memref<1x128xi32, #tpu.memory_space<vmem>> -> memref<128xi32, #tpu.memory_space<vmem>>
    %dma_start3A_23 = arith.constant 0 : i32
    %dma_start3A_24 = arith.constant 0 : i32
    %dma_start3A_25 = tpu.memref_slice %arg4[%dma_start3A_23, %dma_start3A_24] : memref<10000x64xf32, #tpu.memory_space<hbm>> -> memref<10000x64xf32, #tpu.memory_space<hbm>>
    tpu.enqueue_indirect_dma source(%dma_start3A_25 : memref<10000x64xf32, #tpu.memory_space<hbm>>) target(%dma_start3A_19 : memref<128x64xf32, #tpu.memory_space<vmem>>) offsets(%dma_start3A_22 : memref<128xi32, #tpu.memory_space<vmem>>) semaphore(%arg12 : memref<!tpu.dma_semaphore, #tpu.memory_space<semaphore_mem>>)
    %scan3A = arith.constant 0 : i32
    %scan3A_26 = arith.constant 1 : i32
    %scan3A_27 = arith.constant 0 : i32
    %scan3A_28 = arith.constant 40 : i32
    %scan3A_29 = arith.addi %scan3A_27, %scan3A_28 : i32
    %scan3A_30 = arith.constant 1 : i32
    scf.for %scan3A_37 = %scan3A_27 to %scan3A_29 step %scan3A_30  : i32 {
      %mul3A_38 = arith.constant 2 : i32
      %mul3A_39 = arith.muli %scan3A_37, %mul3A_38 : i32
      %add3A_40 = arith.constant 0 : i32
      %add3A_41 = arith.addi %add3A_40, %mul3A_39 : i32
      %dma_wait3A = arith.constant 0 : i32
      %dma_wait3A_42 = arith.constant 0 : i32
      %dma_wait3A_43 = tpu.memref_slice %arg9[%scan3A, %dma_wait3A, %dma_wait3A_42] : memref<2x128x64xf32, #tpu.memory_space<vmem>> -> memref<1x128x64xf32, #tpu.memory_space<vmem>>
      %dma_wait3A_44 = tpu.memref_squeeze %dma_wait3A_43 : memref<1x128x64xf32, #tpu.memory_space<vmem>> -> memref<128x64xf32, #tpu.memory_space<vmem>>
      %dma_wait3A_45 = arith.constant 0 : i32
      %dma_wait3A_46 = tpu.memref_slice %arg7[%add3A_41, %dma_wait3A_45] : memref<79x128xi32, #tpu.memory_space<vmem>> -> memref<1x128xi32, #tpu.memory_space<vmem>>
      %dma_wait3A_47 = tpu.memref_squeeze %dma_wait3A_46 : memref<1x128xi32, #tpu.memory_space<vmem>> -> memref<128xi32, #tpu.memory_space<vmem>>
      %dma_wait3A_48 = arith.constant 0 : i32
      %dma_wait3A_49 = arith.constant 0 : i32
      %dma_wait3A_50 = tpu.memref_slice %arg4[%dma_wait3A_48, %dma_wait3A_49] : memref<10000x64xf32, #tpu.memory_space<hbm>> -> memref<10000x64xf32, #tpu.memory_space<hbm>>
      tpu.wait_indirect_dma semaphore(%arg11 : memref<!tpu.dma_semaphore, #tpu.memory_space<semaphore_mem>>) src(%dma_wait3A_50 : memref<10000x64xf32, #tpu.memory_space<hbm>>) dst(%dma_wait3A_44 : memref<128x64xf32, #tpu.memory_space<vmem>>)
      "tpu.region"() ({
        %run_scoped3A = tpu.sem_alloc : memref<!tpu.dma_semaphore, #tpu.memory_space<semaphore_mem>>
        %dma_start3A_62 = arith.constant 0 : i32
        %dma_start3A_63 = arith.constant 0 : i32
        %dma_start3A_64 = tpu.memref_slice %arg9[%scan3A, %dma_start3A_62, %dma_start3A_63] : memref<2x128x64xf32, #tpu.memory_space<vmem>> -> memref<1x128x64xf32, #tpu.memory_space<vmem>>
        %dma_start3A_65 = tpu.memref_squeeze %dma_start3A_64 : memref<1x128x64xf32, #tpu.memory_space<vmem>> -> memref<128x64xf32, #tpu.memory_space<vmem>>
        %dma_start3A_66 = arith.constant 0 : i32
        %dma_start3A_67 = tpu.memref_slice %arg8[%add3A_41, %dma_start3A_66] : memref<79x128xi32, #tpu.memory_space<vmem>> -> memref<1x128xi32, #tpu.memory_space<vmem>>
        %dma_start3A_68 = tpu.memref_squeeze %dma_start3A_67 : memref<1x128xi32, #tpu.memory_space<vmem>> -> memref<128xi32, #tpu.memory_space<vmem>>
        %dma_start3A_69 = arith.constant 0 : i32
        %dma_start3A_70 = arith.constant 0 : i32
        %dma_start3A_71 = tpu.memref_slice %arg10[%dma_start3A_69, %dma_start3A_70] : memref<10240x64xf32, #tpu.memory_space<vmem_shared>> -> memref<10240x64xf32, #tpu.memory_space<vmem_shared>>
        tpu.enqueue_indirect_dma source(%dma_start3A_65 : memref<128x64xf32, #tpu.memory_space<vmem>>) target(%dma_start3A_71 : memref<10240x64xf32, #tpu.memory_space<vmem_shared>>) offsets(%dma_start3A_68 : memref<128xi32, #tpu.memory_space<vmem>>) semaphore(%run_scoped3A : memref<!tpu.dma_semaphore, #tpu.memory_space<semaphore_mem>>) {add = true}
        %dma_wait3A_72 = arith.constant 0 : i32
        %dma_wait3A_73 = arith.constant 0 : i32
        %dma_wait3A_74 = tpu.memref_slice %arg9[%scan3A, %dma_wait3A_72, %dma_wait3A_73] : memref<2x128x64xf32, #tpu.memory_space<vmem>> -> memref<1x128x64xf32, #tpu.memory_space<vmem>>
        %dma_wait3A_75 = tpu.memref_squeeze %dma_wait3A_74 : memref<1x128x64xf32, #tpu.memory_space<vmem>> -> memref<128x64xf32, #tpu.memory_space<vmem>>
        %dma_wait3A_76 = arith.constant 0 : i32
        %dma_wait3A_77 = tpu.memref_slice %arg8[%add3A_41, %dma_wait3A_76] : memref<79x128xi32, #tpu.memory_space<vmem>> -> memref<1x128xi32, #tpu.memory_space<vmem>>
        %dma_wait3A_78 = tpu.memref_squeeze %dma_wait3A_77 : memref<1x128xi32, #tpu.memory_space<vmem>> -> memref<128xi32, #tpu.memory_space<vmem>>
        %dma_wait3A_79 = arith.constant 0 : i32
        %dma_wait3A_80 = arith.constant 0 : i32
        %dma_wait3A_81 = tpu.memref_slice %arg10[%dma_wait3A_79, %dma_wait3A_80] : memref<10240x64xf32, #tpu.memory_space<vmem_shared>> -> memref<10240x64xf32, #tpu.memory_space<vmem_shared>>
        tpu.wait_indirect_dma semaphore(%run_scoped3A : memref<!tpu.dma_semaphore, #tpu.memory_space<semaphore_mem>>) src(%dma_wait3A_75 : memref<128x64xf32, #tpu.memory_space<vmem>>) dst(%dma_wait3A_81 : memref<10240x64xf32, #tpu.memory_space<vmem_shared>>)
        tpu.yield
      }) : () -> ()
      %add3A_51 = arith.constant 2 : i32
      %add3A_52 = arith.addi %add3A_41, %add3A_51 : i32
      %lt3A = arith.constant 79 : i32
      %lt3A_53 = arith.cmpi slt, %add3A_52, %lt3A : i32
      %convert_element_type3A = arith.extui %lt3A_53 : i1 to i32
      %cond3A = arith.constant 0 : i32
      %cond3A_54 = arith.cmpi ne, %convert_element_type3A, %cond3A : i32
      scf.if %cond3A_54 {
        %add3A_62 = arith.constant 2 : i32
        %add3A_63 = arith.addi %add3A_41, %add3A_62 : i32
        %dma_start3A_64 = arith.constant 0 : i32
        %dma_start3A_65 = arith.constant 0 : i32
        %dma_start3A_66 = tpu.memref_slice %arg9[%scan3A, %dma_start3A_64, %dma_start3A_65] : memref<2x128x64xf32, #tpu.memory_space<vmem>> -> memref<1x128x64xf32, #tpu.memory_space<vmem>>
        %dma_start3A_67 = tpu.memref_squeeze %dma_start3A_66 : memref<1x128x64xf32, #tpu.memory_space<vmem>> -> memref<128x64xf32, #tpu.memory_space<vmem>>
        %dma_start3A_68 = arith.constant 0 : i32
        %dma_start3A_69 = tpu.memref_slice %arg7[%add3A_63, %dma_start3A_68] : memref<79x128xi32, #tpu.memory_space<vmem>> -> memref<1x128xi32, #tpu.memory_space<vmem>>
        %dma_start3A_70 = tpu.memref_squeeze %dma_start3A_69 : memref<1x128xi32, #tpu.memory_space<vmem>> -> memref<128xi32, #tpu.memory_space<vmem>>
        %dma_start3A_71 = arith.constant 0 : i32
        %dma_start3A_72 = arith.constant 0 : i32
        %dma_start3A_73 = tpu.memref_slice %arg4[%dma_start3A_71, %dma_start3A_72] : memref<10000x64xf32, #tpu.memory_space<hbm>> -> memref<10000x64xf32, #tpu.memory_space<hbm>>
        tpu.enqueue_indirect_dma source(%dma_start3A_73 : memref<10000x64xf32, #tpu.memory_space<hbm>>) target(%dma_start3A_67 : memref<128x64xf32, #tpu.memory_space<vmem>>) offsets(%dma_start3A_70 : memref<128xi32, #tpu.memory_space<vmem>>) semaphore(%arg11 : memref<!tpu.dma_semaphore, #tpu.memory_space<semaphore_mem>>)
      } else {
      }
      %add3A_55 = arith.constant 1 : i32
      %add3A_56 = arith.addi %add3A_41, %add3A_55 : i32
      %lt3A_57 = arith.constant 79 : i32
      %lt3A_58 = arith.cmpi slt, %add3A_56, %lt3A_57 : i32
      %convert_element_type3A_59 = arith.extui %lt3A_58 : i1 to i32
      %cond3A_60 = arith.constant 0 : i32
      %cond3A_61 = arith.cmpi ne, %convert_element_type3A_59, %cond3A_60 : i32
      scf.if %cond3A_61 {
        %add3A_62 = arith.constant 1 : i32
        %add3A_63 = arith.addi %add3A_41, %add3A_62 : i32
        %dma_wait3A_64 = arith.constant 0 : i32
        %dma_wait3A_65 = arith.constant 0 : i32
        %dma_wait3A_66 = tpu.memref_slice %arg9[%scan3A_26, %dma_wait3A_64, %dma_wait3A_65] : memref<2x128x64xf32, #tpu.memory_space<vmem>> -> memref<1x128x64xf32, #tpu.memory_space<vmem>>
        %dma_wait3A_67 = tpu.memref_squeeze %dma_wait3A_66 : memref<1x128x64xf32, #tpu.memory_space<vmem>> -> memref<128x64xf32, #tpu.memory_space<vmem>>
        %dma_wait3A_68 = arith.constant 0 : i32
        %dma_wait3A_69 = tpu.memref_slice %arg7[%add3A_63, %dma_wait3A_68] : memref<79x128xi32, #tpu.memory_space<vmem>> -> memref<1x128xi32, #tpu.memory_space<vmem>>
        %dma_wait3A_70 = tpu.memref_squeeze %dma_wait3A_69 : memref<1x128xi32, #tpu.memory_space<vmem>> -> memref<128xi32, #tpu.memory_space<vmem>>
        %dma_wait3A_71 = arith.constant 0 : i32
        %dma_wait3A_72 = arith.constant 0 : i32
        %dma_wait3A_73 = tpu.memref_slice %arg4[%dma_wait3A_71, %dma_wait3A_72] : memref<10000x64xf32, #tpu.memory_space<hbm>> -> memref<10000x64xf32, #tpu.memory_space<hbm>>
        tpu.wait_indirect_dma semaphore(%arg12 : memref<!tpu.dma_semaphore, #tpu.memory_space<semaphore_mem>>) src(%dma_wait3A_73 : memref<10000x64xf32, #tpu.memory_space<hbm>>) dst(%dma_wait3A_67 : memref<128x64xf32, #tpu.memory_space<vmem>>)
        %add3A_74 = arith.constant 1 : i32
        %add3A_75 = arith.addi %add3A_41, %add3A_74 : i32
        "tpu.region"() ({
          %run_scoped3A = tpu.sem_alloc : memref<!tpu.dma_semaphore, #tpu.memory_space<semaphore_mem>>
          %dma_start3A_83 = arith.constant 0 : i32
          %dma_start3A_84 = arith.constant 0 : i32
          %dma_start3A_85 = tpu.memref_slice %arg9[%scan3A_26, %dma_start3A_83, %dma_start3A_84] : memref<2x128x64xf32, #tpu.memory_space<vmem>> -> memref<1x128x64xf32, #tpu.memory_space<vmem>>
          %dma_start3A_86 = tpu.memref_squeeze %dma_start3A_85 : memref<1x128x64xf32, #tpu.memory_space<vmem>> -> memref<128x64xf32, #tpu.memory_space<vmem>>
          %dma_start3A_87 = arith.constant 0 : i32
          %dma_start3A_88 = tpu.memref_slice %arg8[%add3A_75, %dma_start3A_87] : memref<79x128xi32, #tpu.memory_space<vmem>> -> memref<1x128xi32, #tpu.memory_space<vmem>>
          %dma_start3A_89 = tpu.memref_squeeze %dma_start3A_88 : memref<1x128xi32, #tpu.memory_space<vmem>> -> memref<128xi32, #tpu.memory_space<vmem>>
          %dma_start3A_90 = arith.constant 0 : i32
          %dma_start3A_91 = arith.constant 0 : i32
          %dma_start3A_92 = tpu.memref_slice %arg10[%dma_start3A_90, %dma_start3A_91] : memref<10240x64xf32, #tpu.memory_space<vmem_shared>> -> memref<10240x64xf32, #tpu.memory_space<vmem_shared>>
          tpu.enqueue_indirect_dma source(%dma_start3A_86 : memref<128x64xf32, #tpu.memory_space<vmem>>) target(%dma_start3A_92 : memref<10240x64xf32, #tpu.memory_space<vmem_shared>>) offsets(%dma_start3A_89 : memref<128xi32, #tpu.memory_space<vmem>>) semaphore(%run_scoped3A : memref<!tpu.dma_semaphore, #tpu.memory_space<semaphore_mem>>) {add = true}
          %dma_wait3A_93 = arith.constant 0 : i32
          %dma_wait3A_94 = arith.constant 0 : i32
          %dma_wait3A_95 = tpu.memref_slice %arg9[%scan3A_26, %dma_wait3A_93, %dma_wait3A_94] : memref<2x128x64xf32, #tpu.memory_space<vmem>> -> memref<1x128x64xf32, #tpu.memory_space<vmem>>
          %dma_wait3A_96 = tpu.memref_squeeze %dma_wait3A_95 : memref<1x128x64xf32, #tpu.memory_space<vmem>> -> memref<128x64xf32, #tpu.memory_space<vmem>>
          %dma_wait3A_97 = arith.constant 0 : i32
          %dma_wait3A_98 = tpu.memref_slice %arg8[%add3A_75, %dma_wait3A_97] : memref<79x128xi32, #tpu.memory_space<vmem>> -> memref<1x128xi32, #tpu.memory_space<vmem>>
          %dma_wait3A_99 = tpu.memref_squeeze %dma_wait3A_98 : memref<1x128xi32, #tpu.memory_space<vmem>> -> memref<128xi32, #tpu.memory_space<vmem>>
          %dma_wait3A_100 = arith.constant 0 : i32
          %dma_wait3A_101 = arith.constant 0 : i32
          %dma_wait3A_102 = tpu.memref_slice %arg10[%dma_wait3A_100, %dma_wait3A_101] : memref<10240x64xf32, #tpu.memory_space<vmem_shared>> -> memref<10240x64xf32, #tpu.memory_space<vmem_shared>>
          tpu.wait_indirect_dma semaphore(%run_scoped3A : memref<!tpu.dma_semaphore, #tpu.memory_space<semaphore_mem>>) src(%dma_wait3A_96 : memref<128x64xf32, #tpu.memory_space<vmem>>) dst(%dma_wait3A_102 : memref<10240x64xf32, #tpu.memory_space<vmem_shared>>)
          tpu.yield
        }) : () -> ()
        %add3A_76 = arith.constant 3 : i32
        %add3A_77 = arith.addi %add3A_41, %add3A_76 : i32
        %lt3A_78 = arith.constant 79 : i32
        %lt3A_79 = arith.cmpi slt, %add3A_77, %lt3A_78 : i32
        %convert_element_type3A_80 = arith.extui %lt3A_79 : i1 to i32
        %cond3A_81 = arith.constant 0 : i32
        %cond3A_82 = arith.cmpi ne, %convert_element_type3A_80, %cond3A_81 : i32
        scf.if %cond3A_82 {
          %add3A_83 = arith.constant 3 : i32
          %add3A_84 = arith.addi %add3A_41, %add3A_83 : i32
          %dma_start3A_85 = arith.constant 0 : i32
          %dma_start3A_86 = arith.constant 0 : i32
          %dma_start3A_87 = tpu.memref_slice %arg9[%scan3A_26, %dma_start3A_85, %dma_start3A_86] : memref<2x128x64xf32, #tpu.memory_space<vmem>> -> memref<1x128x64xf32, #tpu.memory_space<vmem>>
          %dma_start3A_88 = tpu.memref_squeeze %dma_start3A_87 : memref<1x128x64xf32, #tpu.memory_space<vmem>> -> memref<128x64xf32, #tpu.memory_space<vmem>>
          %dma_start3A_89 = arith.constant 0 : i32
          %dma_start3A_90 = tpu.memref_slice %arg7[%add3A_84, %dma_start3A_89] : memref<79x128xi32, #tpu.memory_space<vmem>> -> memref<1x128xi32, #tpu.memory_space<vmem>>
          %dma_start3A_91 = tpu.memref_squeeze %dma_start3A_90 : memref<1x128xi32, #tpu.memory_space<vmem>> -> memref<128xi32, #tpu.memory_space<vmem>>
          %dma_start3A_92 = arith.constant 0 : i32
          %dma_start3A_93 = arith.constant 0 : i32
          %dma_start3A_94 = tpu.memref_slice %arg4[%dma_start3A_92, %dma_start3A_93] : memref<10000x64xf32, #tpu.memory_space<hbm>> -> memref<10000x64xf32, #tpu.memory_space<hbm>>
          tpu.enqueue_indirect_dma source(%dma_start3A_94 : memref<10000x64xf32, #tpu.memory_space<hbm>>) target(%dma_start3A_88 : memref<128x64xf32, #tpu.memory_space<vmem>>) offsets(%dma_start3A_91 : memref<128xi32, #tpu.memory_space<vmem>>) semaphore(%arg12 : memref<!tpu.dma_semaphore, #tpu.memory_space<semaphore_mem>>)
        } else {
        }
      } else {
      }
    }
    %scan3A_31 = arith.constant 40 : i32
    %barrier3A_32 = arith.constant 0 : index
    tpu.barrier barrier_id(%barrier3A_32)
    %mul3A_33 = arith.constant 640 : i32
    %mul3A_34 = arith.muli %arg1, %mul3A_33 : i32
    %mul3A_35 = arith.constant 640 : i32
    %mul3A_36 = arith.muli %arg1, %mul3A_35 : i32
    "tpu.region"() ({
      %run_scoped3A = tpu.sem_alloc : memref<!tpu.dma_semaphore, #tpu.memory_space<semaphore_mem>>
      %dma_start3A_37 = arith.constant 0 : i32
      %dma_start3A_38 = tpu.memref_slice %arg6[%arg0, %mul3A_36, %dma_start3A_37] : memref<2x10240x64xf32, #tpu.memory_space<hbm>> -> memref<1x640x64xf32, #tpu.memory_space<hbm>>
      %dma_start3A_39 = tpu.memref_squeeze %dma_start3A_38 : memref<1x640x64xf32, #tpu.memory_space<hbm>> -> memref<640x64xf32, #tpu.memory_space<hbm>>
      %dma_start3A_40 = arith.constant 0 : i32
      %dma_start3A_41 = tpu.memref_slice %arg10[%mul3A_34, %dma_start3A_40] : memref<10240x64xf32, #tpu.memory_space<vmem_shared>> -> memref<640x64xf32, #tpu.memory_space<vmem_shared>>
      tpu.enqueue_dma source(%dma_start3A_41 : memref<640x64xf32, #tpu.memory_space<vmem_shared>>) target(%dma_start3A_39 : memref<640x64xf32, #tpu.memory_space<hbm>>) target_semaphore(%run_scoped3A : memref<!tpu.dma_semaphore, #tpu.memory_space<semaphore_mem>>)
      %dma_wait3A = arith.constant 0 : i32
      %dma_wait3A_42 = tpu.memref_slice %arg6[%arg0, %mul3A_36, %dma_wait3A] : memref<2x10240x64xf32, #tpu.memory_space<hbm>> -> memref<1x640x64xf32, #tpu.memory_space<hbm>>
      %dma_wait3A_43 = tpu.memref_squeeze %dma_wait3A_42 : memref<1x640x64xf32, #tpu.memory_space<hbm>> -> memref<640x64xf32, #tpu.memory_space<hbm>>
      %dma_wait3A_44 = arith.constant 0 : i32
      %dma_wait3A_45 = tpu.memref_slice %arg10[%mul3A_34, %dma_wait3A_44] : memref<10240x64xf32, #tpu.memory_space<vmem_shared>> -> memref<640x64xf32, #tpu.memory_space<vmem_shared>>
      tpu.wait_dma2 semaphore(%run_scoped3A : memref<!tpu.dma_semaphore, #tpu.memory_space<semaphore_mem>>) src(%dma_wait3A_45 : memref<640x64xf32, #tpu.memory_space<vmem_shared>>) dst(%dma_wait3A_43 : memref<640x64xf32, #tpu.memory_space<hbm>>)
      tpu.yield
    }) : () -> ()
    return
  }
}

#map = affine_map<(d0, d1) -> (0, 0, 0)>
#map1 = affine_map<(d0, d1) -> (0, 0)>
module attributes {stable_mosaic.version = 14 : i64} {
  func.func @_seg_body(%arg0: i32, %arg1: i32, %arg2: memref<32x79x128xi32, #tpu.memory_space<hbm>>, %arg3: memref<32x79x128xi32, #tpu.memory_space<hbm>>, %arg4: memref<10000x64xf32, #tpu.memory_space<hbm>>, %arg5: memref<640x64xf32, #tpu.memory_space<hbm>>, %arg6: memref<2x10240x64xf32, #tpu.memory_space<hbm>>, %arg7: memref<79x128xi32, #tpu.memory_space<vmem>>, %arg8: memref<79x128xi32, #tpu.memory_space<vmem>>, %arg9: memref<2x128x64xf32, #tpu.memory_space<vmem>>, %arg10: memref<10240x64xf32, #tpu.memory_space<vmem_shared>>, %arg11: memref<!tpu.dma_semaphore, #tpu.memory_space<semaphore_mem>>, %arg12: memref<!tpu.dma_semaphore, #tpu.memory_space<semaphore_mem>>) attributes {dimension_semantics = [#tpu.dimension_semantics<core_parallel>, #tpu.dimension_semantics<subcore_parallel>], iteration_bounds = array<i64: 2, 16>, scalar_prefetch = 0 : i64, scratch_operands = 6 : i64, tpu.core_type = #tpu.core_type<sc_vector_subcore>, window_params = [{transform_indices = #map}, {transform_indices = #map}, {transform_indices = #map1}, {transform_indices = #map1}, {transform_indices = #map}]} {
    %mul3A = arith.constant 16 : i32
    %mul3A_0 = arith.muli %arg0, %mul3A : i32
    %add3A = arith.addi %mul3A_0, %arg1 : i32
    "tpu.region"() ({
      %run_scoped3A = tpu.sem_alloc : memref<!tpu.dma_semaphore, #tpu.memory_space<semaphore_mem>>
      %dma_start3A_37 = arith.constant 0 : i32
      %dma_start3A_38 = arith.constant 0 : i32
      %dma_start3A_39 = tpu.memref_slice %arg2[%add3A, %dma_start3A_37, %dma_start3A_38] : memref<32x79x128xi32, #tpu.memory_space<hbm>> -> memref<1x79x128xi32, #tpu.memory_space<hbm>>
      %dma_start3A_40 = tpu.memref_squeeze %dma_start3A_39 : memref<1x79x128xi32, #tpu.memory_space<hbm>> -> memref<79x128xi32, #tpu.memory_space<hbm>>
      %dma_start3A_41 = arith.constant 0 : i32
      %dma_start3A_42 = arith.constant 0 : i32
      %dma_start3A_43 = tpu.memref_slice %arg2[%add3A, %dma_start3A_41, %dma_start3A_42] : memref<32x79x128xi32, #tpu.memory_space<hbm>> -> memref<1x79x128xi32, #tpu.memory_space<hbm>>
      %dma_start3A_44 = tpu.memref_squeeze %dma_start3A_43 : memref<1x79x128xi32, #tpu.memory_space<hbm>> -> memref<79x128xi32, #tpu.memory_space<hbm>>
      tpu.enqueue_dma source(%dma_start3A_44 : memref<79x128xi32, #tpu.memory_space<hbm>>) target(%arg7 : memref<79x128xi32, #tpu.memory_space<vmem>>) target_semaphore(%run_scoped3A : memref<!tpu.dma_semaphore, #tpu.memory_space<semaphore_mem>>)
      %dma_wait3A = arith.constant 0 : i32
      %dma_wait3A_45 = arith.constant 0 : i32
      %dma_wait3A_46 = tpu.memref_slice %arg2[%add3A, %dma_wait3A, %dma_wait3A_45] : memref<32x79x128xi32, #tpu.memory_space<hbm>> -> memref<1x79x128xi32, #tpu.memory_space<hbm>>
      %dma_wait3A_47 = tpu.memref_squeeze %dma_wait3A_46 : memref<1x79x128xi32, #tpu.memory_space<hbm>> -> memref<79x128xi32, #tpu.memory_space<hbm>>
      %dma_wait3A_48 = arith.constant 0 : i32
      %dma_wait3A_49 = arith.constant 0 : i32
      %dma_wait3A_50 = tpu.memref_slice %arg2[%add3A, %dma_wait3A_48, %dma_wait3A_49] : memref<32x79x128xi32, #tpu.memory_space<hbm>> -> memref<1x79x128xi32, #tpu.memory_space<hbm>>
      %dma_wait3A_51 = tpu.memref_squeeze %dma_wait3A_50 : memref<1x79x128xi32, #tpu.memory_space<hbm>> -> memref<79x128xi32, #tpu.memory_space<hbm>>
      tpu.wait_dma2 semaphore(%run_scoped3A : memref<!tpu.dma_semaphore, #tpu.memory_space<semaphore_mem>>) src(%dma_wait3A_51 : memref<79x128xi32, #tpu.memory_space<hbm>>) dst(%arg7 : memref<79x128xi32, #tpu.memory_space<vmem>>)
      tpu.yield
    }) : () -> ()
    "tpu.region"() ({
      %run_scoped3A = tpu.sem_alloc : memref<!tpu.dma_semaphore, #tpu.memory_space<semaphore_mem>>
      %dma_start3A_37 = arith.constant 0 : i32
      %dma_start3A_38 = arith.constant 0 : i32
      %dma_start3A_39 = tpu.memref_slice %arg3[%add3A, %dma_start3A_37, %dma_start3A_38] : memref<32x79x128xi32, #tpu.memory_space<hbm>> -> memref<1x79x128xi32, #tpu.memory_space<hbm>>
      %dma_start3A_40 = tpu.memref_squeeze %dma_start3A_39 : memref<1x79x128xi32, #tpu.memory_space<hbm>> -> memref<79x128xi32, #tpu.memory_space<hbm>>
      %dma_start3A_41 = arith.constant 0 : i32
      %dma_start3A_42 = arith.constant 0 : i32
      %dma_start3A_43 = tpu.memref_slice %arg3[%add3A, %dma_start3A_41, %dma_start3A_42] : memref<32x79x128xi32, #tpu.memory_space<hbm>> -> memref<1x79x128xi32, #tpu.memory_space<hbm>>
      %dma_start3A_44 = tpu.memref_squeeze %dma_start3A_43 : memref<1x79x128xi32, #tpu.memory_space<hbm>> -> memref<79x128xi32, #tpu.memory_space<hbm>>
      tpu.enqueue_dma source(%dma_start3A_44 : memref<79x128xi32, #tpu.memory_space<hbm>>) target(%arg8 : memref<79x128xi32, #tpu.memory_space<vmem>>) target_semaphore(%run_scoped3A : memref<!tpu.dma_semaphore, #tpu.memory_space<semaphore_mem>>)
      %dma_wait3A = arith.constant 0 : i32
      %dma_wait3A_45 = arith.constant 0 : i32
      %dma_wait3A_46 = tpu.memref_slice %arg3[%add3A, %dma_wait3A, %dma_wait3A_45] : memref<32x79x128xi32, #tpu.memory_space<hbm>> -> memref<1x79x128xi32, #tpu.memory_space<hbm>>
      %dma_wait3A_47 = tpu.memref_squeeze %dma_wait3A_46 : memref<1x79x128xi32, #tpu.memory_space<hbm>> -> memref<79x128xi32, #tpu.memory_space<hbm>>
      %dma_wait3A_48 = arith.constant 0 : i32
      %dma_wait3A_49 = arith.constant 0 : i32
      %dma_wait3A_50 = tpu.memref_slice %arg3[%add3A, %dma_wait3A_48, %dma_wait3A_49] : memref<32x79x128xi32, #tpu.memory_space<hbm>> -> memref<1x79x128xi32, #tpu.memory_space<hbm>>
      %dma_wait3A_51 = tpu.memref_squeeze %dma_wait3A_50 : memref<1x79x128xi32, #tpu.memory_space<hbm>> -> memref<79x128xi32, #tpu.memory_space<hbm>>
      tpu.wait_dma2 semaphore(%run_scoped3A : memref<!tpu.dma_semaphore, #tpu.memory_space<semaphore_mem>>) src(%dma_wait3A_51 : memref<79x128xi32, #tpu.memory_space<hbm>>) dst(%arg8 : memref<79x128xi32, #tpu.memory_space<vmem>>)
      tpu.yield
    }) : () -> ()
    %mul3A_1 = arith.constant 640 : i32
    %mul3A_2 = arith.muli %arg1, %mul3A_1 : i32
    "tpu.region"() ({
      %run_scoped3A = tpu.sem_alloc : memref<!tpu.dma_semaphore, #tpu.memory_space<semaphore_mem>>
      %dma_start3A_37 = arith.constant 0 : i32
      %dma_start3A_38 = tpu.memref_slice %arg10[%mul3A_2, %dma_start3A_37] : memref<10240x64xf32, #tpu.memory_space<vmem_shared>> -> memref<640x64xf32, #tpu.memory_space<vmem_shared>>
      tpu.enqueue_dma source(%arg5 : memref<640x64xf32, #tpu.memory_space<hbm>>) target(%dma_start3A_38 : memref<640x64xf32, #tpu.memory_space<vmem_shared>>) target_semaphore(%run_scoped3A : memref<!tpu.dma_semaphore, #tpu.memory_space<semaphore_mem>>)
      %dma_wait3A = arith.constant 0 : i32
      %dma_wait3A_39 = tpu.memref_slice %arg10[%mul3A_2, %dma_wait3A] : memref<10240x64xf32, #tpu.memory_space<vmem_shared>> -> memref<640x64xf32, #tpu.memory_space<vmem_shared>>
      tpu.wait_dma2 semaphore(%run_scoped3A : memref<!tpu.dma_semaphore, #tpu.memory_space<semaphore_mem>>) src(%arg5 : memref<640x64xf32, #tpu.memory_space<hbm>>) dst(%dma_wait3A_39 : memref<640x64xf32, #tpu.memory_space<vmem_shared>>)
      tpu.yield
    }) : () -> ()
    %barrier3A = arith.constant 0 : index
    tpu.barrier barrier_id(%barrier3A)
    %dma_start3A = arith.constant 0 : i32
    %dma_start3A_3 = arith.constant 0 : i32
    %dma_start3A_4 = arith.constant 0 : i32
    %dma_start3A_5 = arith.constant 0 : i32
    %dma_start3A_6 = tpu.memref_slice %arg9[%dma_start3A_3, %dma_start3A_4, %dma_start3A_5] : memref<2x128x64xf32, #tpu.memory_space<vmem>> -> memref<1x128x64xf32, #tpu.memory_space<vmem>>
    %dma_start3A_7 = tpu.memref_squeeze %dma_start3A_6 : memref<1x128x64xf32, #tpu.memory_space<vmem>> -> memref<128x64xf32, #tpu.memory_space<vmem>>
    %dma_start3A_8 = arith.constant 0 : i32
    %dma_start3A_9 = tpu.memref_slice %arg7[%dma_start3A, %dma_start3A_8] : memref<79x128xi32, #tpu.memory_space<vmem>> -> memref<1x128xi32, #tpu.memory_space<vmem>>
    %dma_start3A_10 = tpu.memref_squeeze %dma_start3A_9 : memref<1x128xi32, #tpu.memory_space<vmem>> -> memref<128xi32, #tpu.memory_space<vmem>>
    %dma_start3A_11 = arith.constant 0 : i32
    %dma_start3A_12 = arith.constant 0 : i32
    %dma_start3A_13 = tpu.memref_slice %arg4[%dma_start3A_11, %dma_start3A_12] : memref<10000x64xf32, #tpu.memory_space<hbm>> -> memref<10000x64xf32, #tpu.memory_space<hbm>>
    tpu.enqueue_indirect_dma source(%dma_start3A_13 : memref<10000x64xf32, #tpu.memory_space<hbm>>) target(%dma_start3A_7 : memref<128x64xf32, #tpu.memory_space<vmem>>) offsets(%dma_start3A_10 : memref<128xi32, #tpu.memory_space<vmem>>) semaphore(%arg11 : memref<!tpu.dma_semaphore, #tpu.memory_space<semaphore_mem>>)
    %dma_start3A_14 = arith.constant 1 : i32
    %dma_start3A_15 = arith.constant 1 : i32
    %dma_start3A_16 = arith.constant 0 : i32
    %dma_start3A_17 = arith.constant 0 : i32
    %dma_start3A_18 = tpu.memref_slice %arg9[%dma_start3A_15, %dma_start3A_16, %dma_start3A_17] : memref<2x128x64xf32, #tpu.memory_space<vmem>> -> memref<1x128x64xf32, #tpu.memory_space<vmem>>
    %dma_start3A_19 = tpu.memref_squeeze %dma_start3A_18 : memref<1x128x64xf32, #tpu.memory_space<vmem>> -> memref<128x64xf32, #tpu.memory_space<vmem>>
    %dma_start3A_20 = arith.constant 0 : i32
    %dma_start3A_21 = tpu.memref_slice %arg7[%dma_start3A_14, %dma_start3A_20] : memref<79x128xi32, #tpu.memory_space<vmem>> -> memref<1x128xi32, #tpu.memory_space<vmem>>
    %dma_start3A_22 = tpu.memref_squeeze %dma_start3A_21 : memref<1x128xi32, #tpu.memory_space<vmem>> -> memref<128xi32, #tpu.memory_space<vmem>>
    %dma_start3A_23 = arith.constant 0 : i32
    %dma_start3A_24 = arith.constant 0 : i32
    %dma_start3A_25 = tpu.memref_slice %arg4[%dma_start3A_23, %dma_start3A_24] : memref<10000x64xf32, #tpu.memory_space<hbm>> -> memref<10000x64xf32, #tpu.memory_space<hbm>>
    tpu.enqueue_indirect_dma source(%dma_start3A_25 : memref<10000x64xf32, #tpu.memory_space<hbm>>) target(%dma_start3A_19 : memref<128x64xf32, #tpu.memory_space<vmem>>) offsets(%dma_start3A_22 : memref<128xi32, #tpu.memory_space<vmem>>) semaphore(%arg12 : memref<!tpu.dma_semaphore, #tpu.memory_space<semaphore_mem>>)
    %scan3A = arith.constant 0 : i32
    %scan3A_26 = arith.constant 1 : i32
    %scan3A_27 = arith.constant 0 : i32
    %scan3A_28 = arith.constant 40 : i32
    %scan3A_29 = arith.addi %scan3A_27, %scan3A_28 : i32
    %scan3A_30 = arith.constant 1 : i32
    scf.for %scan3A_37 = %scan3A_27 to %scan3A_29 step %scan3A_30  : i32 {
      %mul3A_38 = arith.constant 2 : i32
      %mul3A_39 = arith.muli %scan3A_37, %mul3A_38 : i32
      %add3A_40 = arith.constant 0 : i32
      %add3A_41 = arith.addi %add3A_40, %mul3A_39 : i32
      %dma_wait3A = arith.constant 0 : i32
      %dma_wait3A_42 = arith.constant 0 : i32
      %dma_wait3A_43 = tpu.memref_slice %arg9[%scan3A, %dma_wait3A, %dma_wait3A_42] : memref<2x128x64xf32, #tpu.memory_space<vmem>> -> memref<1x128x64xf32, #tpu.memory_space<vmem>>
      %dma_wait3A_44 = tpu.memref_squeeze %dma_wait3A_43 : memref<1x128x64xf32, #tpu.memory_space<vmem>> -> memref<128x64xf32, #tpu.memory_space<vmem>>
      %dma_wait3A_45 = arith.constant 0 : i32
      %dma_wait3A_46 = tpu.memref_slice %arg7[%add3A_41, %dma_wait3A_45] : memref<79x128xi32, #tpu.memory_space<vmem>> -> memref<1x128xi32, #tpu.memory_space<vmem>>
      %dma_wait3A_47 = tpu.memref_squeeze %dma_wait3A_46 : memref<1x128xi32, #tpu.memory_space<vmem>> -> memref<128xi32, #tpu.memory_space<vmem>>
      %dma_wait3A_48 = arith.constant 0 : i32
      %dma_wait3A_49 = arith.constant 0 : i32
      %dma_wait3A_50 = tpu.memref_slice %arg4[%dma_wait3A_48, %dma_wait3A_49] : memref<10000x64xf32, #tpu.memory_space<hbm>> -> memref<10000x64xf32, #tpu.memory_space<hbm>>
      tpu.wait_indirect_dma semaphore(%arg11 : memref<!tpu.dma_semaphore, #tpu.memory_space<semaphore_mem>>) src(%dma_wait3A_50 : memref<10000x64xf32, #tpu.memory_space<hbm>>) dst(%dma_wait3A_44 : memref<128x64xf32, #tpu.memory_space<vmem>>)
      "tpu.region"() ({
        %run_scoped3A = tpu.sem_alloc : memref<!tpu.dma_semaphore, #tpu.memory_space<semaphore_mem>>
        %dma_start3A_62 = arith.constant 0 : i32
        %dma_start3A_63 = arith.constant 0 : i32
        %dma_start3A_64 = tpu.memref_slice %arg9[%scan3A, %dma_start3A_62, %dma_start3A_63] : memref<2x128x64xf32, #tpu.memory_space<vmem>> -> memref<1x128x64xf32, #tpu.memory_space<vmem>>
        %dma_start3A_65 = tpu.memref_squeeze %dma_start3A_64 : memref<1x128x64xf32, #tpu.memory_space<vmem>> -> memref<128x64xf32, #tpu.memory_space<vmem>>
        %dma_start3A_66 = arith.constant 0 : i32
        %dma_start3A_67 = tpu.memref_slice %arg8[%add3A_41, %dma_start3A_66] : memref<79x128xi32, #tpu.memory_space<vmem>> -> memref<1x128xi32, #tpu.memory_space<vmem>>
        %dma_start3A_68 = tpu.memref_squeeze %dma_start3A_67 : memref<1x128xi32, #tpu.memory_space<vmem>> -> memref<128xi32, #tpu.memory_space<vmem>>
        %dma_start3A_69 = arith.constant 0 : i32
        %dma_start3A_70 = arith.constant 0 : i32
        %dma_start3A_71 = tpu.memref_slice %arg10[%dma_start3A_69, %dma_start3A_70] : memref<10240x64xf32, #tpu.memory_space<vmem_shared>> -> memref<10240x64xf32, #tpu.memory_space<vmem_shared>>
        tpu.enqueue_indirect_dma source(%dma_start3A_65 : memref<128x64xf32, #tpu.memory_space<vmem>>) target(%dma_start3A_71 : memref<10240x64xf32, #tpu.memory_space<vmem_shared>>) offsets(%dma_start3A_68 : memref<128xi32, #tpu.memory_space<vmem>>) semaphore(%run_scoped3A : memref<!tpu.dma_semaphore, #tpu.memory_space<semaphore_mem>>) {add = true}
        %dma_wait3A_72 = arith.constant 0 : i32
        %dma_wait3A_73 = arith.constant 0 : i32
        %dma_wait3A_74 = tpu.memref_slice %arg9[%scan3A, %dma_wait3A_72, %dma_wait3A_73] : memref<2x128x64xf32, #tpu.memory_space<vmem>> -> memref<1x128x64xf32, #tpu.memory_space<vmem>>
        %dma_wait3A_75 = tpu.memref_squeeze %dma_wait3A_74 : memref<1x128x64xf32, #tpu.memory_space<vmem>> -> memref<128x64xf32, #tpu.memory_space<vmem>>
        %dma_wait3A_76 = arith.constant 0 : i32
        %dma_wait3A_77 = tpu.memref_slice %arg8[%add3A_41, %dma_wait3A_76] : memref<79x128xi32, #tpu.memory_space<vmem>> -> memref<1x128xi32, #tpu.memory_space<vmem>>
        %dma_wait3A_78 = tpu.memref_squeeze %dma_wait3A_77 : memref<1x128xi32, #tpu.memory_space<vmem>> -> memref<128xi32, #tpu.memory_space<vmem>>
        %dma_wait3A_79 = arith.constant 0 : i32
        %dma_wait3A_80 = arith.constant 0 : i32
        %dma_wait3A_81 = tpu.memref_slice %arg10[%dma_wait3A_79, %dma_wait3A_80] : memref<10240x64xf32, #tpu.memory_space<vmem_shared>> -> memref<10240x64xf32, #tpu.memory_space<vmem_shared>>
        tpu.wait_indirect_dma semaphore(%run_scoped3A : memref<!tpu.dma_semaphore, #tpu.memory_space<semaphore_mem>>) src(%dma_wait3A_75 : memref<128x64xf32, #tpu.memory_space<vmem>>) dst(%dma_wait3A_81 : memref<10240x64xf32, #tpu.memory_space<vmem_shared>>)
        tpu.yield
      }) : () -> ()
      %add3A_51 = arith.constant 2 : i32
      %add3A_52 = arith.addi %add3A_41, %add3A_51 : i32
      %lt3A = arith.constant 79 : i32
      %lt3A_53 = arith.cmpi slt, %add3A_52, %lt3A : i32
      %convert_element_type3A = arith.extui %lt3A_53 : i1 to i32
      %cond3A = arith.constant 0 : i32
      %cond3A_54 = arith.cmpi ne, %convert_element_type3A, %cond3A : i32
      scf.if %cond3A_54 {
        %add3A_62 = arith.constant 2 : i32
        %add3A_63 = arith.addi %add3A_41, %add3A_62 : i32
        %dma_start3A_64 = arith.constant 0 : i32
        %dma_start3A_65 = arith.constant 0 : i32
        %dma_start3A_66 = tpu.memref_slice %arg9[%scan3A, %dma_start3A_64, %dma_start3A_65] : memref<2x128x64xf32, #tpu.memory_space<vmem>> -> memref<1x128x64xf32, #tpu.memory_space<vmem>>
        %dma_start3A_67 = tpu.memref_squeeze %dma_start3A_66 : memref<1x128x64xf32, #tpu.memory_space<vmem>> -> memref<128x64xf32, #tpu.memory_space<vmem>>
        %dma_start3A_68 = arith.constant 0 : i32
        %dma_start3A_69 = tpu.memref_slice %arg7[%add3A_63, %dma_start3A_68] : memref<79x128xi32, #tpu.memory_space<vmem>> -> memref<1x128xi32, #tpu.memory_space<vmem>>
        %dma_start3A_70 = tpu.memref_squeeze %dma_start3A_69 : memref<1x128xi32, #tpu.memory_space<vmem>> -> memref<128xi32, #tpu.memory_space<vmem>>
        %dma_start3A_71 = arith.constant 0 : i32
        %dma_start3A_72 = arith.constant 0 : i32
        %dma_start3A_73 = tpu.memref_slice %arg4[%dma_start3A_71, %dma_start3A_72] : memref<10000x64xf32, #tpu.memory_space<hbm>> -> memref<10000x64xf32, #tpu.memory_space<hbm>>
        tpu.enqueue_indirect_dma source(%dma_start3A_73 : memref<10000x64xf32, #tpu.memory_space<hbm>>) target(%dma_start3A_67 : memref<128x64xf32, #tpu.memory_space<vmem>>) offsets(%dma_start3A_70 : memref<128xi32, #tpu.memory_space<vmem>>) semaphore(%arg11 : memref<!tpu.dma_semaphore, #tpu.memory_space<semaphore_mem>>)
      } else {
      }
      %add3A_55 = arith.constant 1 : i32
      %add3A_56 = arith.addi %add3A_41, %add3A_55 : i32
      %lt3A_57 = arith.constant 79 : i32
      %lt3A_58 = arith.cmpi slt, %add3A_56, %lt3A_57 : i32
      %convert_element_type3A_59 = arith.extui %lt3A_58 : i1 to i32
      %cond3A_60 = arith.constant 0 : i32
      %cond3A_61 = arith.cmpi ne, %convert_element_type3A_59, %cond3A_60 : i32
      scf.if %cond3A_61 {
        %add3A_62 = arith.constant 1 : i32
        %add3A_63 = arith.addi %add3A_41, %add3A_62 : i32
        %dma_wait3A_64 = arith.constant 0 : i32
        %dma_wait3A_65 = arith.constant 0 : i32
        %dma_wait3A_66 = tpu.memref_slice %arg9[%scan3A_26, %dma_wait3A_64, %dma_wait3A_65] : memref<2x128x64xf32, #tpu.memory_space<vmem>> -> memref<1x128x64xf32, #tpu.memory_space<vmem>>
        %dma_wait3A_67 = tpu.memref_squeeze %dma_wait3A_66 : memref<1x128x64xf32, #tpu.memory_space<vmem>> -> memref<128x64xf32, #tpu.memory_space<vmem>>
        %dma_wait3A_68 = arith.constant 0 : i32
        %dma_wait3A_69 = tpu.memref_slice %arg7[%add3A_63, %dma_wait3A_68] : memref<79x128xi32, #tpu.memory_space<vmem>> -> memref<1x128xi32, #tpu.memory_space<vmem>>
        %dma_wait3A_70 = tpu.memref_squeeze %dma_wait3A_69 : memref<1x128xi32, #tpu.memory_space<vmem>> -> memref<128xi32, #tpu.memory_space<vmem>>
        %dma_wait3A_71 = arith.constant 0 : i32
        %dma_wait3A_72 = arith.constant 0 : i32
        %dma_wait3A_73 = tpu.memref_slice %arg4[%dma_wait3A_71, %dma_wait3A_72] : memref<10000x64xf32, #tpu.memory_space<hbm>> -> memref<10000x64xf32, #tpu.memory_space<hbm>>
        tpu.wait_indirect_dma semaphore(%arg12 : memref<!tpu.dma_semaphore, #tpu.memory_space<semaphore_mem>>) src(%dma_wait3A_73 : memref<10000x64xf32, #tpu.memory_space<hbm>>) dst(%dma_wait3A_67 : memref<128x64xf32, #tpu.memory_space<vmem>>)
        %add3A_74 = arith.constant 1 : i32
        %add3A_75 = arith.addi %add3A_41, %add3A_74 : i32
        "tpu.region"() ({
          %run_scoped3A = tpu.sem_alloc : memref<!tpu.dma_semaphore, #tpu.memory_space<semaphore_mem>>
          %dma_start3A_83 = arith.constant 0 : i32
          %dma_start3A_84 = arith.constant 0 : i32
          %dma_start3A_85 = tpu.memref_slice %arg9[%scan3A_26, %dma_start3A_83, %dma_start3A_84] : memref<2x128x64xf32, #tpu.memory_space<vmem>> -> memref<1x128x64xf32, #tpu.memory_space<vmem>>
          %dma_start3A_86 = tpu.memref_squeeze %dma_start3A_85 : memref<1x128x64xf32, #tpu.memory_space<vmem>> -> memref<128x64xf32, #tpu.memory_space<vmem>>
          %dma_start3A_87 = arith.constant 0 : i32
          %dma_start3A_88 = tpu.memref_slice %arg8[%add3A_75, %dma_start3A_87] : memref<79x128xi32, #tpu.memory_space<vmem>> -> memref<1x128xi32, #tpu.memory_space<vmem>>
          %dma_start3A_89 = tpu.memref_squeeze %dma_start3A_88 : memref<1x128xi32, #tpu.memory_space<vmem>> -> memref<128xi32, #tpu.memory_space<vmem>>
          %dma_start3A_90 = arith.constant 0 : i32
          %dma_start3A_91 = arith.constant 0 : i32
          %dma_start3A_92 = tpu.memref_slice %arg10[%dma_start3A_90, %dma_start3A_91] : memref<10240x64xf32, #tpu.memory_space<vmem_shared>> -> memref<10240x64xf32, #tpu.memory_space<vmem_shared>>
          tpu.enqueue_indirect_dma source(%dma_start3A_86 : memref<128x64xf32, #tpu.memory_space<vmem>>) target(%dma_start3A_92 : memref<10240x64xf32, #tpu.memory_space<vmem_shared>>) offsets(%dma_start3A_89 : memref<128xi32, #tpu.memory_space<vmem>>) semaphore(%run_scoped3A : memref<!tpu.dma_semaphore, #tpu.memory_space<semaphore_mem>>) {add = true}
          %dma_wait3A_93 = arith.constant 0 : i32
          %dma_wait3A_94 = arith.constant 0 : i32
          %dma_wait3A_95 = tpu.memref_slice %arg9[%scan3A_26, %dma_wait3A_93, %dma_wait3A_94] : memref<2x128x64xf32, #tpu.memory_space<vmem>> -> memref<1x128x64xf32, #tpu.memory_space<vmem>>
          %dma_wait3A_96 = tpu.memref_squeeze %dma_wait3A_95 : memref<1x128x64xf32, #tpu.memory_space<vmem>> -> memref<128x64xf32, #tpu.memory_space<vmem>>
          %dma_wait3A_97 = arith.constant 0 : i32
          %dma_wait3A_98 = tpu.memref_slice %arg8[%add3A_75, %dma_wait3A_97] : memref<79x128xi32, #tpu.memory_space<vmem>> -> memref<1x128xi32, #tpu.memory_space<vmem>>
          %dma_wait3A_99 = tpu.memref_squeeze %dma_wait3A_98 : memref<1x128xi32, #tpu.memory_space<vmem>> -> memref<128xi32, #tpu.memory_space<vmem>>
          %dma_wait3A_100 = arith.constant 0 : i32
          %dma_wait3A_101 = arith.constant 0 : i32
          %dma_wait3A_102 = tpu.memref_slice %arg10[%dma_wait3A_100, %dma_wait3A_101] : memref<10240x64xf32, #tpu.memory_space<vmem_shared>> -> memref<10240x64xf32, #tpu.memory_space<vmem_shared>>
          tpu.wait_indirect_dma semaphore(%run_scoped3A : memref<!tpu.dma_semaphore, #tpu.memory_space<semaphore_mem>>) src(%dma_wait3A_96 : memref<128x64xf32, #tpu.memory_space<vmem>>) dst(%dma_wait3A_102 : memref<10240x64xf32, #tpu.memory_space<vmem_shared>>)
          tpu.yield
        }) : () -> ()
        %add3A_76 = arith.constant 3 : i32
        %add3A_77 = arith.addi %add3A_41, %add3A_76 : i32
        %lt3A_78 = arith.constant 79 : i32
        %lt3A_79 = arith.cmpi slt, %add3A_77, %lt3A_78 : i32
        %convert_element_type3A_80 = arith.extui %lt3A_79 : i1 to i32
        %cond3A_81 = arith.constant 0 : i32
        %cond3A_82 = arith.cmpi ne, %convert_element_type3A_80, %cond3A_81 : i32
        scf.if %cond3A_82 {
          %add3A_83 = arith.constant 3 : i32
          %add3A_84 = arith.addi %add3A_41, %add3A_83 : i32
          %dma_start3A_85 = arith.constant 0 : i32
          %dma_start3A_86 = arith.constant 0 : i32
          %dma_start3A_87 = tpu.memref_slice %arg9[%scan3A_26, %dma_start3A_85, %dma_start3A_86] : memref<2x128x64xf32, #tpu.memory_space<vmem>> -> memref<1x128x64xf32, #tpu.memory_space<vmem>>
          %dma_start3A_88 = tpu.memref_squeeze %dma_start3A_87 : memref<1x128x64xf32, #tpu.memory_space<vmem>> -> memref<128x64xf32, #tpu.memory_space<vmem>>
          %dma_start3A_89 = arith.constant 0 : i32
          %dma_start3A_90 = tpu.memref_slice %arg7[%add3A_84, %dma_start3A_89] : memref<79x128xi32, #tpu.memory_space<vmem>> -> memref<1x128xi32, #tpu.memory_space<vmem>>
          %dma_start3A_91 = tpu.memref_squeeze %dma_start3A_90 : memref<1x128xi32, #tpu.memory_space<vmem>> -> memref<128xi32, #tpu.memory_space<vmem>>
          %dma_start3A_92 = arith.constant 0 : i32
          %dma_start3A_93 = arith.constant 0 : i32
          %dma_start3A_94 = tpu.memref_slice %arg4[%dma_start3A_92, %dma_start3A_93] : memref<10000x64xf32, #tpu.memory_space<hbm>> -> memref<10000x64xf32, #tpu.memory_space<hbm>>
          tpu.enqueue_indirect_dma source(%dma_start3A_94 : memref<10000x64xf32, #tpu.memory_space<hbm>>) target(%dma_start3A_88 : memref<128x64xf32, #tpu.memory_space<vmem>>) offsets(%dma_start3A_91 : memref<128xi32, #tpu.memory_space<vmem>>) semaphore(%arg12 : memref<!tpu.dma_semaphore, #tpu.memory_space<semaphore_mem>>)
        } else {
        }
      } else {
      }
    }
    %scan3A_31 = arith.constant 40 : i32
    %barrier3A_32 = arith.constant 0 : index
    tpu.barrier barrier_id(%barrier3A_32)
    %mul3A_33 = arith.constant 640 : i32
    %mul3A_34 = arith.muli %arg1, %mul3A_33 : i32
    %mul3A_35 = arith.constant 640 : i32
    %mul3A_36 = arith.muli %arg1, %mul3A_35 : i32
    "tpu.region"() ({
      %run_scoped3A = tpu.sem_alloc : memref<!tpu.dma_semaphore, #tpu.memory_space<semaphore_mem>>
      %dma_start3A_37 = arith.constant 0 : i32
      %dma_start3A_38 = tpu.memref_slice %arg6[%arg0, %mul3A_36, %dma_start3A_37] : memref<2x10240x64xf32, #tpu.memory_space<hbm>> -> memref<1x640x64xf32, #tpu.memory_space<hbm>>
      %dma_start3A_39 = tpu.memref_squeeze %dma_start3A_38 : memref<1x640x64xf32, #tpu.memory_space<hbm>> -> memref<640x64xf32, #tpu.memory_space<hbm>>
      %dma_start3A_40 = arith.constant 0 : i32
      %dma_start3A_41 = tpu.memref_slice %arg10[%mul3A_34, %dma_start3A_40] : memref<10240x64xf32, #tpu.memory_space<vmem_shared>> -> memref<640x64xf32, #tpu.memory_space<vmem_shared>>
      tpu.enqueue_dma source(%dma_start3A_41 : memref<640x64xf32, #tpu.memory_space<vmem_shared>>) target(%dma_start3A_39 : memref<640x64xf32, #tpu.memory_space<hbm>>) target_semaphore(%run_scoped3A : memref<!tpu.dma_semaphore, #tpu.memory_space<semaphore_mem>>)
      %dma_wait3A = arith.constant 0 : i32
      %dma_wait3A_42 = tpu.memref_slice %arg6[%arg0, %mul3A_36, %dma_wait3A] : memref<2x10240x64xf32, #tpu.memory_space<hbm>> -> memref<1x640x64xf32, #tpu.memory_space<hbm>>
      %dma_wait3A_43 = tpu.memref_squeeze %dma_wait3A_42 : memref<1x640x64xf32, #tpu.memory_space<hbm>> -> memref<640x64xf32, #tpu.memory_space<hbm>>
      %dma_wait3A_44 = arith.constant 0 : i32
      %dma_wait3A_45 = tpu.memref_slice %arg10[%mul3A_34, %dma_wait3A_44] : memref<10240x64xf32, #tpu.memory_space<vmem_shared>> -> memref<640x64xf32, #tpu.memory_space<vmem_shared>>
      tpu.wait_dma2 semaphore(%run_scoped3A : memref<!tpu.dma_semaphore, #tpu.memory_space<semaphore_mem>>) src(%dma_wait3A_45 : memref<640x64xf32, #tpu.memory_space<vmem_shared>>) dst(%dma_wait3A_43 : memref<640x64xf32, #tpu.memory_space<hbm>>)
      tpu.yield
    }) : () -> ()
    return
  }
}

#map = affine_map<(d0, d1) -> (0, 0, 0)>
#map1 = affine_map<(d0, d1) -> (0, 0)>
module attributes {stable_mosaic.version = 14 : i64} {
  func.func @_seg_body(%arg0: i32, %arg1: i32, %arg2: memref<32x79x128xi32, #tpu.memory_space<hbm>>, %arg3: memref<32x79x128xi32, #tpu.memory_space<hbm>>, %arg4: memref<10000x64xf32, #tpu.memory_space<hbm>>, %arg5: memref<640x64xf32, #tpu.memory_space<hbm>>, %arg6: memref<2x10240x64xf32, #tpu.memory_space<hbm>>, %arg7: memref<79x128xi32, #tpu.memory_space<vmem>>, %arg8: memref<79x128xi32, #tpu.memory_space<vmem>>, %arg9: memref<2x128x64xf32, #tpu.memory_space<vmem>>, %arg10: memref<10240x64xf32, #tpu.memory_space<vmem_shared>>, %arg11: memref<!tpu.dma_semaphore, #tpu.memory_space<semaphore_mem>>, %arg12: memref<!tpu.dma_semaphore, #tpu.memory_space<semaphore_mem>>) attributes {dimension_semantics = [#tpu.dimension_semantics<core_parallel>, #tpu.dimension_semantics<subcore_parallel>], iteration_bounds = array<i64: 2, 16>, scalar_prefetch = 0 : i64, scratch_operands = 6 : i64, tpu.core_type = #tpu.core_type<sc_vector_subcore>, window_params = [{transform_indices = #map}, {transform_indices = #map}, {transform_indices = #map1}, {transform_indices = #map1}, {transform_indices = #map}]} {
    %mul3A = arith.constant 16 : i32
    %mul3A_0 = arith.muli %arg0, %mul3A : i32
    %add3A = arith.addi %mul3A_0, %arg1 : i32
    "tpu.region"() ({
      %run_scoped3A = tpu.sem_alloc : memref<!tpu.dma_semaphore, #tpu.memory_space<semaphore_mem>>
      %dma_start3A_37 = arith.constant 0 : i32
      %dma_start3A_38 = arith.constant 0 : i32
      %dma_start3A_39 = tpu.memref_slice %arg2[%add3A, %dma_start3A_37, %dma_start3A_38] : memref<32x79x128xi32, #tpu.memory_space<hbm>> -> memref<1x79x128xi32, #tpu.memory_space<hbm>>
      %dma_start3A_40 = tpu.memref_squeeze %dma_start3A_39 : memref<1x79x128xi32, #tpu.memory_space<hbm>> -> memref<79x128xi32, #tpu.memory_space<hbm>>
      %dma_start3A_41 = arith.constant 0 : i32
      %dma_start3A_42 = arith.constant 0 : i32
      %dma_start3A_43 = tpu.memref_slice %arg2[%add3A, %dma_start3A_41, %dma_start3A_42] : memref<32x79x128xi32, #tpu.memory_space<hbm>> -> memref<1x79x128xi32, #tpu.memory_space<hbm>>
      %dma_start3A_44 = tpu.memref_squeeze %dma_start3A_43 : memref<1x79x128xi32, #tpu.memory_space<hbm>> -> memref<79x128xi32, #tpu.memory_space<hbm>>
      tpu.enqueue_dma source(%dma_start3A_44 : memref<79x128xi32, #tpu.memory_space<hbm>>) target(%arg7 : memref<79x128xi32, #tpu.memory_space<vmem>>) target_semaphore(%run_scoped3A : memref<!tpu.dma_semaphore, #tpu.memory_space<semaphore_mem>>)
      %dma_wait3A = arith.constant 0 : i32
      %dma_wait3A_45 = arith.constant 0 : i32
      %dma_wait3A_46 = tpu.memref_slice %arg2[%add3A, %dma_wait3A, %dma_wait3A_45] : memref<32x79x128xi32, #tpu.memory_space<hbm>> -> memref<1x79x128xi32, #tpu.memory_space<hbm>>
      %dma_wait3A_47 = tpu.memref_squeeze %dma_wait3A_46 : memref<1x79x128xi32, #tpu.memory_space<hbm>> -> memref<79x128xi32, #tpu.memory_space<hbm>>
      %dma_wait3A_48 = arith.constant 0 : i32
      %dma_wait3A_49 = arith.constant 0 : i32
      %dma_wait3A_50 = tpu.memref_slice %arg2[%add3A, %dma_wait3A_48, %dma_wait3A_49] : memref<32x79x128xi32, #tpu.memory_space<hbm>> -> memref<1x79x128xi32, #tpu.memory_space<hbm>>
      %dma_wait3A_51 = tpu.memref_squeeze %dma_wait3A_50 : memref<1x79x128xi32, #tpu.memory_space<hbm>> -> memref<79x128xi32, #tpu.memory_space<hbm>>
      tpu.wait_dma2 semaphore(%run_scoped3A : memref<!tpu.dma_semaphore, #tpu.memory_space<semaphore_mem>>) src(%dma_wait3A_51 : memref<79x128xi32, #tpu.memory_space<hbm>>) dst(%arg7 : memref<79x128xi32, #tpu.memory_space<vmem>>)
      tpu.yield
    }) : () -> ()
    "tpu.region"() ({
      %run_scoped3A = tpu.sem_alloc : memref<!tpu.dma_semaphore, #tpu.memory_space<semaphore_mem>>
      %dma_start3A_37 = arith.constant 0 : i32
      %dma_start3A_38 = arith.constant 0 : i32
      %dma_start3A_39 = tpu.memref_slice %arg3[%add3A, %dma_start3A_37, %dma_start3A_38] : memref<32x79x128xi32, #tpu.memory_space<hbm>> -> memref<1x79x128xi32, #tpu.memory_space<hbm>>
      %dma_start3A_40 = tpu.memref_squeeze %dma_start3A_39 : memref<1x79x128xi32, #tpu.memory_space<hbm>> -> memref<79x128xi32, #tpu.memory_space<hbm>>
      %dma_start3A_41 = arith.constant 0 : i32
      %dma_start3A_42 = arith.constant 0 : i32
      %dma_start3A_43 = tpu.memref_slice %arg3[%add3A, %dma_start3A_41, %dma_start3A_42] : memref<32x79x128xi32, #tpu.memory_space<hbm>> -> memref<1x79x128xi32, #tpu.memory_space<hbm>>
      %dma_start3A_44 = tpu.memref_squeeze %dma_start3A_43 : memref<1x79x128xi32, #tpu.memory_space<hbm>> -> memref<79x128xi32, #tpu.memory_space<hbm>>
      tpu.enqueue_dma source(%dma_start3A_44 : memref<79x128xi32, #tpu.memory_space<hbm>>) target(%arg8 : memref<79x128xi32, #tpu.memory_space<vmem>>) target_semaphore(%run_scoped3A : memref<!tpu.dma_semaphore, #tpu.memory_space<semaphore_mem>>)
      %dma_wait3A = arith.constant 0 : i32
      %dma_wait3A_45 = arith.constant 0 : i32
      %dma_wait3A_46 = tpu.memref_slice %arg3[%add3A, %dma_wait3A, %dma_wait3A_45] : memref<32x79x128xi32, #tpu.memory_space<hbm>> -> memref<1x79x128xi32, #tpu.memory_space<hbm>>
      %dma_wait3A_47 = tpu.memref_squeeze %dma_wait3A_46 : memref<1x79x128xi32, #tpu.memory_space<hbm>> -> memref<79x128xi32, #tpu.memory_space<hbm>>
      %dma_wait3A_48 = arith.constant 0 : i32
      %dma_wait3A_49 = arith.constant 0 : i32
      %dma_wait3A_50 = tpu.memref_slice %arg3[%add3A, %dma_wait3A_48, %dma_wait3A_49] : memref<32x79x128xi32, #tpu.memory_space<hbm>> -> memref<1x79x128xi32, #tpu.memory_space<hbm>>
      %dma_wait3A_51 = tpu.memref_squeeze %dma_wait3A_50 : memref<1x79x128xi32, #tpu.memory_space<hbm>> -> memref<79x128xi32, #tpu.memory_space<hbm>>
      tpu.wait_dma2 semaphore(%run_scoped3A : memref<!tpu.dma_semaphore, #tpu.memory_space<semaphore_mem>>) src(%dma_wait3A_51 : memref<79x128xi32, #tpu.memory_space<hbm>>) dst(%arg8 : memref<79x128xi32, #tpu.memory_space<vmem>>)
      tpu.yield
    }) : () -> ()
    %mul3A_1 = arith.constant 640 : i32
    %mul3A_2 = arith.muli %arg1, %mul3A_1 : i32
    "tpu.region"() ({
      %run_scoped3A = tpu.sem_alloc : memref<!tpu.dma_semaphore, #tpu.memory_space<semaphore_mem>>
      %dma_start3A_37 = arith.constant 0 : i32
      %dma_start3A_38 = tpu.memref_slice %arg10[%mul3A_2, %dma_start3A_37] : memref<10240x64xf32, #tpu.memory_space<vmem_shared>> -> memref<640x64xf32, #tpu.memory_space<vmem_shared>>
      tpu.enqueue_dma source(%arg5 : memref<640x64xf32, #tpu.memory_space<hbm>>) target(%dma_start3A_38 : memref<640x64xf32, #tpu.memory_space<vmem_shared>>) target_semaphore(%run_scoped3A : memref<!tpu.dma_semaphore, #tpu.memory_space<semaphore_mem>>)
      %dma_wait3A = arith.constant 0 : i32
      %dma_wait3A_39 = tpu.memref_slice %arg10[%mul3A_2, %dma_wait3A] : memref<10240x64xf32, #tpu.memory_space<vmem_shared>> -> memref<640x64xf32, #tpu.memory_space<vmem_shared>>
      tpu.wait_dma2 semaphore(%run_scoped3A : memref<!tpu.dma_semaphore, #tpu.memory_space<semaphore_mem>>) src(%arg5 : memref<640x64xf32, #tpu.memory_space<hbm>>) dst(%dma_wait3A_39 : memref<640x64xf32, #tpu.memory_space<vmem_shared>>)
      tpu.yield
    }) : () -> ()
    %barrier3A = arith.constant 0 : index
    tpu.barrier barrier_id(%barrier3A)
    %dma_start3A = arith.constant 0 : i32
    %dma_start3A_3 = arith.constant 0 : i32
    %dma_start3A_4 = arith.constant 0 : i32
    %dma_start3A_5 = arith.constant 0 : i32
    %dma_start3A_6 = tpu.memref_slice %arg9[%dma_start3A_3, %dma_start3A_4, %dma_start3A_5] : memref<2x128x64xf32, #tpu.memory_space<vmem>> -> memref<1x128x64xf32, #tpu.memory_space<vmem>>
    %dma_start3A_7 = tpu.memref_squeeze %dma_start3A_6 : memref<1x128x64xf32, #tpu.memory_space<vmem>> -> memref<128x64xf32, #tpu.memory_space<vmem>>
    %dma_start3A_8 = arith.constant 0 : i32
    %dma_start3A_9 = tpu.memref_slice %arg7[%dma_start3A, %dma_start3A_8] : memref<79x128xi32, #tpu.memory_space<vmem>> -> memref<1x128xi32, #tpu.memory_space<vmem>>
    %dma_start3A_10 = tpu.memref_squeeze %dma_start3A_9 : memref<1x128xi32, #tpu.memory_space<vmem>> -> memref<128xi32, #tpu.memory_space<vmem>>
    %dma_start3A_11 = arith.constant 0 : i32
    %dma_start3A_12 = arith.constant 0 : i32
    %dma_start3A_13 = tpu.memref_slice %arg4[%dma_start3A_11, %dma_start3A_12] : memref<10000x64xf32, #tpu.memory_space<hbm>> -> memref<10000x64xf32, #tpu.memory_space<hbm>>
    tpu.enqueue_indirect_dma source(%dma_start3A_13 : memref<10000x64xf32, #tpu.memory_space<hbm>>) target(%dma_start3A_7 : memref<128x64xf32, #tpu.memory_space<vmem>>) offsets(%dma_start3A_10 : memref<128xi32, #tpu.memory_space<vmem>>) semaphore(%arg11 : memref<!tpu.dma_semaphore, #tpu.memory_space<semaphore_mem>>)
    %dma_start3A_14 = arith.constant 1 : i32
    %dma_start3A_15 = arith.constant 1 : i32
    %dma_start3A_16 = arith.constant 0 : i32
    %dma_start3A_17 = arith.constant 0 : i32
    %dma_start3A_18 = tpu.memref_slice %arg9[%dma_start3A_15, %dma_start3A_16, %dma_start3A_17] : memref<2x128x64xf32, #tpu.memory_space<vmem>> -> memref<1x128x64xf32, #tpu.memory_space<vmem>>
    %dma_start3A_19 = tpu.memref_squeeze %dma_start3A_18 : memref<1x128x64xf32, #tpu.memory_space<vmem>> -> memref<128x64xf32, #tpu.memory_space<vmem>>
    %dma_start3A_20 = arith.constant 0 : i32
    %dma_start3A_21 = tpu.memref_slice %arg7[%dma_start3A_14, %dma_start3A_20] : memref<79x128xi32, #tpu.memory_space<vmem>> -> memref<1x128xi32, #tpu.memory_space<vmem>>
    %dma_start3A_22 = tpu.memref_squeeze %dma_start3A_21 : memref<1x128xi32, #tpu.memory_space<vmem>> -> memref<128xi32, #tpu.memory_space<vmem>>
    %dma_start3A_23 = arith.constant 0 : i32
    %dma_start3A_24 = arith.constant 0 : i32
    %dma_start3A_25 = tpu.memref_slice %arg4[%dma_start3A_23, %dma_start3A_24] : memref<10000x64xf32, #tpu.memory_space<hbm>> -> memref<10000x64xf32, #tpu.memory_space<hbm>>
    tpu.enqueue_indirect_dma source(%dma_start3A_25 : memref<10000x64xf32, #tpu.memory_space<hbm>>) target(%dma_start3A_19 : memref<128x64xf32, #tpu.memory_space<vmem>>) offsets(%dma_start3A_22 : memref<128xi32, #tpu.memory_space<vmem>>) semaphore(%arg12 : memref<!tpu.dma_semaphore, #tpu.memory_space<semaphore_mem>>)
    %scan3A = arith.constant 0 : i32
    %scan3A_26 = arith.constant 1 : i32
    %scan3A_27 = arith.constant 0 : i32
    %scan3A_28 = arith.constant 40 : i32
    %scan3A_29 = arith.addi %scan3A_27, %scan3A_28 : i32
    %scan3A_30 = arith.constant 1 : i32
    scf.for %scan3A_37 = %scan3A_27 to %scan3A_29 step %scan3A_30  : i32 {
      %mul3A_38 = arith.constant 2 : i32
      %mul3A_39 = arith.muli %scan3A_37, %mul3A_38 : i32
      %add3A_40 = arith.constant 0 : i32
      %add3A_41 = arith.addi %add3A_40, %mul3A_39 : i32
      %dma_wait3A = arith.constant 0 : i32
      %dma_wait3A_42 = arith.constant 0 : i32
      %dma_wait3A_43 = tpu.memref_slice %arg9[%scan3A, %dma_wait3A, %dma_wait3A_42] : memref<2x128x64xf32, #tpu.memory_space<vmem>> -> memref<1x128x64xf32, #tpu.memory_space<vmem>>
      %dma_wait3A_44 = tpu.memref_squeeze %dma_wait3A_43 : memref<1x128x64xf32, #tpu.memory_space<vmem>> -> memref<128x64xf32, #tpu.memory_space<vmem>>
      %dma_wait3A_45 = arith.constant 0 : i32
      %dma_wait3A_46 = tpu.memref_slice %arg7[%add3A_41, %dma_wait3A_45] : memref<79x128xi32, #tpu.memory_space<vmem>> -> memref<1x128xi32, #tpu.memory_space<vmem>>
      %dma_wait3A_47 = tpu.memref_squeeze %dma_wait3A_46 : memref<1x128xi32, #tpu.memory_space<vmem>> -> memref<128xi32, #tpu.memory_space<vmem>>
      %dma_wait3A_48 = arith.constant 0 : i32
      %dma_wait3A_49 = arith.constant 0 : i32
      %dma_wait3A_50 = tpu.memref_slice %arg4[%dma_wait3A_48, %dma_wait3A_49] : memref<10000x64xf32, #tpu.memory_space<hbm>> -> memref<10000x64xf32, #tpu.memory_space<hbm>>
      tpu.wait_indirect_dma semaphore(%arg11 : memref<!tpu.dma_semaphore, #tpu.memory_space<semaphore_mem>>) src(%dma_wait3A_50 : memref<10000x64xf32, #tpu.memory_space<hbm>>) dst(%dma_wait3A_44 : memref<128x64xf32, #tpu.memory_space<vmem>>)
      "tpu.region"() ({
        %run_scoped3A = tpu.sem_alloc : memref<!tpu.dma_semaphore, #tpu.memory_space<semaphore_mem>>
        %dma_start3A_62 = arith.constant 0 : i32
        %dma_start3A_63 = arith.constant 0 : i32
        %dma_start3A_64 = tpu.memref_slice %arg9[%scan3A, %dma_start3A_62, %dma_start3A_63] : memref<2x128x64xf32, #tpu.memory_space<vmem>> -> memref<1x128x64xf32, #tpu.memory_space<vmem>>
        %dma_start3A_65 = tpu.memref_squeeze %dma_start3A_64 : memref<1x128x64xf32, #tpu.memory_space<vmem>> -> memref<128x64xf32, #tpu.memory_space<vmem>>
        %dma_start3A_66 = arith.constant 0 : i32
        %dma_start3A_67 = tpu.memref_slice %arg8[%add3A_41, %dma_start3A_66] : memref<79x128xi32, #tpu.memory_space<vmem>> -> memref<1x128xi32, #tpu.memory_space<vmem>>
        %dma_start3A_68 = tpu.memref_squeeze %dma_start3A_67 : memref<1x128xi32, #tpu.memory_space<vmem>> -> memref<128xi32, #tpu.memory_space<vmem>>
        %dma_start3A_69 = arith.constant 0 : i32
        %dma_start3A_70 = arith.constant 0 : i32
        %dma_start3A_71 = tpu.memref_slice %arg10[%dma_start3A_69, %dma_start3A_70] : memref<10240x64xf32, #tpu.memory_space<vmem_shared>> -> memref<10240x64xf32, #tpu.memory_space<vmem_shared>>
        tpu.enqueue_indirect_dma source(%dma_start3A_65 : memref<128x64xf32, #tpu.memory_space<vmem>>) target(%dma_start3A_71 : memref<10240x64xf32, #tpu.memory_space<vmem_shared>>) offsets(%dma_start3A_68 : memref<128xi32, #tpu.memory_space<vmem>>) semaphore(%run_scoped3A : memref<!tpu.dma_semaphore, #tpu.memory_space<semaphore_mem>>) {add = true}
        %dma_wait3A_72 = arith.constant 0 : i32
        %dma_wait3A_73 = arith.constant 0 : i32
        %dma_wait3A_74 = tpu.memref_slice %arg9[%scan3A, %dma_wait3A_72, %dma_wait3A_73] : memref<2x128x64xf32, #tpu.memory_space<vmem>> -> memref<1x128x64xf32, #tpu.memory_space<vmem>>
        %dma_wait3A_75 = tpu.memref_squeeze %dma_wait3A_74 : memref<1x128x64xf32, #tpu.memory_space<vmem>> -> memref<128x64xf32, #tpu.memory_space<vmem>>
        %dma_wait3A_76 = arith.constant 0 : i32
        %dma_wait3A_77 = tpu.memref_slice %arg8[%add3A_41, %dma_wait3A_76] : memref<79x128xi32, #tpu.memory_space<vmem>> -> memref<1x128xi32, #tpu.memory_space<vmem>>
        %dma_wait3A_78 = tpu.memref_squeeze %dma_wait3A_77 : memref<1x128xi32, #tpu.memory_space<vmem>> -> memref<128xi32, #tpu.memory_space<vmem>>
        %dma_wait3A_79 = arith.constant 0 : i32
        %dma_wait3A_80 = arith.constant 0 : i32
        %dma_wait3A_81 = tpu.memref_slice %arg10[%dma_wait3A_79, %dma_wait3A_80] : memref<10240x64xf32, #tpu.memory_space<vmem_shared>> -> memref<10240x64xf32, #tpu.memory_space<vmem_shared>>
        tpu.wait_indirect_dma semaphore(%run_scoped3A : memref<!tpu.dma_semaphore, #tpu.memory_space<semaphore_mem>>) src(%dma_wait3A_75 : memref<128x64xf32, #tpu.memory_space<vmem>>) dst(%dma_wait3A_81 : memref<10240x64xf32, #tpu.memory_space<vmem_shared>>)
        tpu.yield
      }) : () -> ()
      %add3A_51 = arith.constant 2 : i32
      %add3A_52 = arith.addi %add3A_41, %add3A_51 : i32
      %lt3A = arith.constant 79 : i32
      %lt3A_53 = arith.cmpi slt, %add3A_52, %lt3A : i32
      %convert_element_type3A = arith.extui %lt3A_53 : i1 to i32
      %cond3A = arith.constant 0 : i32
      %cond3A_54 = arith.cmpi ne, %convert_element_type3A, %cond3A : i32
      scf.if %cond3A_54 {
        %add3A_62 = arith.constant 2 : i32
        %add3A_63 = arith.addi %add3A_41, %add3A_62 : i32
        %dma_start3A_64 = arith.constant 0 : i32
        %dma_start3A_65 = arith.constant 0 : i32
        %dma_start3A_66 = tpu.memref_slice %arg9[%scan3A, %dma_start3A_64, %dma_start3A_65] : memref<2x128x64xf32, #tpu.memory_space<vmem>> -> memref<1x128x64xf32, #tpu.memory_space<vmem>>
        %dma_start3A_67 = tpu.memref_squeeze %dma_start3A_66 : memref<1x128x64xf32, #tpu.memory_space<vmem>> -> memref<128x64xf32, #tpu.memory_space<vmem>>
        %dma_start3A_68 = arith.constant 0 : i32
        %dma_start3A_69 = tpu.memref_slice %arg7[%add3A_63, %dma_start3A_68] : memref<79x128xi32, #tpu.memory_space<vmem>> -> memref<1x128xi32, #tpu.memory_space<vmem>>
        %dma_start3A_70 = tpu.memref_squeeze %dma_start3A_69 : memref<1x128xi32, #tpu.memory_space<vmem>> -> memref<128xi32, #tpu.memory_space<vmem>>
        %dma_start3A_71 = arith.constant 0 : i32
        %dma_start3A_72 = arith.constant 0 : i32
        %dma_start3A_73 = tpu.memref_slice %arg4[%dma_start3A_71, %dma_start3A_72] : memref<10000x64xf32, #tpu.memory_space<hbm>> -> memref<10000x64xf32, #tpu.memory_space<hbm>>
        tpu.enqueue_indirect_dma source(%dma_start3A_73 : memref<10000x64xf32, #tpu.memory_space<hbm>>) target(%dma_start3A_67 : memref<128x64xf32, #tpu.memory_space<vmem>>) offsets(%dma_start3A_70 : memref<128xi32, #tpu.memory_space<vmem>>) semaphore(%arg11 : memref<!tpu.dma_semaphore, #tpu.memory_space<semaphore_mem>>)
      } else {
      }
      %add3A_55 = arith.constant 1 : i32
      %add3A_56 = arith.addi %add3A_41, %add3A_55 : i32
      %lt3A_57 = arith.constant 79 : i32
      %lt3A_58 = arith.cmpi slt, %add3A_56, %lt3A_57 : i32
      %convert_element_type3A_59 = arith.extui %lt3A_58 : i1 to i32
      %cond3A_60 = arith.constant 0 : i32
      %cond3A_61 = arith.cmpi ne, %convert_element_type3A_59, %cond3A_60 : i32
      scf.if %cond3A_61 {
        %add3A_62 = arith.constant 1 : i32
        %add3A_63 = arith.addi %add3A_41, %add3A_62 : i32
        %dma_wait3A_64 = arith.constant 0 : i32
        %dma_wait3A_65 = arith.constant 0 : i32
        %dma_wait3A_66 = tpu.memref_slice %arg9[%scan3A_26, %dma_wait3A_64, %dma_wait3A_65] : memref<2x128x64xf32, #tpu.memory_space<vmem>> -> memref<1x128x64xf32, #tpu.memory_space<vmem>>
        %dma_wait3A_67 = tpu.memref_squeeze %dma_wait3A_66 : memref<1x128x64xf32, #tpu.memory_space<vmem>> -> memref<128x64xf32, #tpu.memory_space<vmem>>
        %dma_wait3A_68 = arith.constant 0 : i32
        %dma_wait3A_69 = tpu.memref_slice %arg7[%add3A_63, %dma_wait3A_68] : memref<79x128xi32, #tpu.memory_space<vmem>> -> memref<1x128xi32, #tpu.memory_space<vmem>>
        %dma_wait3A_70 = tpu.memref_squeeze %dma_wait3A_69 : memref<1x128xi32, #tpu.memory_space<vmem>> -> memref<128xi32, #tpu.memory_space<vmem>>
        %dma_wait3A_71 = arith.constant 0 : i32
        %dma_wait3A_72 = arith.constant 0 : i32
        %dma_wait3A_73 = tpu.memref_slice %arg4[%dma_wait3A_71, %dma_wait3A_72] : memref<10000x64xf32, #tpu.memory_space<hbm>> -> memref<10000x64xf32, #tpu.memory_space<hbm>>
        tpu.wait_indirect_dma semaphore(%arg12 : memref<!tpu.dma_semaphore, #tpu.memory_space<semaphore_mem>>) src(%dma_wait3A_73 : memref<10000x64xf32, #tpu.memory_space<hbm>>) dst(%dma_wait3A_67 : memref<128x64xf32, #tpu.memory_space<vmem>>)
        %add3A_74 = arith.constant 1 : i32
        %add3A_75 = arith.addi %add3A_41, %add3A_74 : i32
        "tpu.region"() ({
          %run_scoped3A = tpu.sem_alloc : memref<!tpu.dma_semaphore, #tpu.memory_space<semaphore_mem>>
          %dma_start3A_83 = arith.constant 0 : i32
          %dma_start3A_84 = arith.constant 0 : i32
          %dma_start3A_85 = tpu.memref_slice %arg9[%scan3A_26, %dma_start3A_83, %dma_start3A_84] : memref<2x128x64xf32, #tpu.memory_space<vmem>> -> memref<1x128x64xf32, #tpu.memory_space<vmem>>
          %dma_start3A_86 = tpu.memref_squeeze %dma_start3A_85 : memref<1x128x64xf32, #tpu.memory_space<vmem>> -> memref<128x64xf32, #tpu.memory_space<vmem>>
          %dma_start3A_87 = arith.constant 0 : i32
          %dma_start3A_88 = tpu.memref_slice %arg8[%add3A_75, %dma_start3A_87] : memref<79x128xi32, #tpu.memory_space<vmem>> -> memref<1x128xi32, #tpu.memory_space<vmem>>
          %dma_start3A_89 = tpu.memref_squeeze %dma_start3A_88 : memref<1x128xi32, #tpu.memory_space<vmem>> -> memref<128xi32, #tpu.memory_space<vmem>>
          %dma_start3A_90 = arith.constant 0 : i32
          %dma_start3A_91 = arith.constant 0 : i32
          %dma_start3A_92 = tpu.memref_slice %arg10[%dma_start3A_90, %dma_start3A_91] : memref<10240x64xf32, #tpu.memory_space<vmem_shared>> -> memref<10240x64xf32, #tpu.memory_space<vmem_shared>>
          tpu.enqueue_indirect_dma source(%dma_start3A_86 : memref<128x64xf32, #tpu.memory_space<vmem>>) target(%dma_start3A_92 : memref<10240x64xf32, #tpu.memory_space<vmem_shared>>) offsets(%dma_start3A_89 : memref<128xi32, #tpu.memory_space<vmem>>) semaphore(%run_scoped3A : memref<!tpu.dma_semaphore, #tpu.memory_space<semaphore_mem>>) {add = true}
          %dma_wait3A_93 = arith.constant 0 : i32
          %dma_wait3A_94 = arith.constant 0 : i32
          %dma_wait3A_95 = tpu.memref_slice %arg9[%scan3A_26, %dma_wait3A_93, %dma_wait3A_94] : memref<2x128x64xf32, #tpu.memory_space<vmem>> -> memref<1x128x64xf32, #tpu.memory_space<vmem>>
          %dma_wait3A_96 = tpu.memref_squeeze %dma_wait3A_95 : memref<1x128x64xf32, #tpu.memory_space<vmem>> -> memref<128x64xf32, #tpu.memory_space<vmem>>
          %dma_wait3A_97 = arith.constant 0 : i32
          %dma_wait3A_98 = tpu.memref_slice %arg8[%add3A_75, %dma_wait3A_97] : memref<79x128xi32, #tpu.memory_space<vmem>> -> memref<1x128xi32, #tpu.memory_space<vmem>>
          %dma_wait3A_99 = tpu.memref_squeeze %dma_wait3A_98 : memref<1x128xi32, #tpu.memory_space<vmem>> -> memref<128xi32, #tpu.memory_space<vmem>>
          %dma_wait3A_100 = arith.constant 0 : i32
          %dma_wait3A_101 = arith.constant 0 : i32
          %dma_wait3A_102 = tpu.memref_slice %arg10[%dma_wait3A_100, %dma_wait3A_101] : memref<10240x64xf32, #tpu.memory_space<vmem_shared>> -> memref<10240x64xf32, #tpu.memory_space<vmem_shared>>
          tpu.wait_indirect_dma semaphore(%run_scoped3A : memref<!tpu.dma_semaphore, #tpu.memory_space<semaphore_mem>>) src(%dma_wait3A_96 : memref<128x64xf32, #tpu.memory_space<vmem>>) dst(%dma_wait3A_102 : memref<10240x64xf32, #tpu.memory_space<vmem_shared>>)
          tpu.yield
        }) : () -> ()
        %add3A_76 = arith.constant 3 : i32
        %add3A_77 = arith.addi %add3A_41, %add3A_76 : i32
        %lt3A_78 = arith.constant 79 : i32
        %lt3A_79 = arith.cmpi slt, %add3A_77, %lt3A_78 : i32
        %convert_element_type3A_80 = arith.extui %lt3A_79 : i1 to i32
        %cond3A_81 = arith.constant 0 : i32
        %cond3A_82 = arith.cmpi ne, %convert_element_type3A_80, %cond3A_81 : i32
        scf.if %cond3A_82 {
          %add3A_83 = arith.constant 3 : i32
          %add3A_84 = arith.addi %add3A_41, %add3A_83 : i32
          %dma_start3A_85 = arith.constant 0 : i32
          %dma_start3A_86 = arith.constant 0 : i32
          %dma_start3A_87 = tpu.memref_slice %arg9[%scan3A_26, %dma_start3A_85, %dma_start3A_86] : memref<2x128x64xf32, #tpu.memory_space<vmem>> -> memref<1x128x64xf32, #tpu.memory_space<vmem>>
          %dma_start3A_88 = tpu.memref_squeeze %dma_start3A_87 : memref<1x128x64xf32, #tpu.memory_space<vmem>> -> memref<128x64xf32, #tpu.memory_space<vmem>>
          %dma_start3A_89 = arith.constant 0 : i32
          %dma_start3A_90 = tpu.memref_slice %arg7[%add3A_84, %dma_start3A_89] : memref<79x128xi32, #tpu.memory_space<vmem>> -> memref<1x128xi32, #tpu.memory_space<vmem>>
          %dma_start3A_91 = tpu.memref_squeeze %dma_start3A_90 : memref<1x128xi32, #tpu.memory_space<vmem>> -> memref<128xi32, #tpu.memory_space<vmem>>
          %dma_start3A_92 = arith.constant 0 : i32
          %dma_start3A_93 = arith.constant 0 : i32
          %dma_start3A_94 = tpu.memref_slice %arg4[%dma_start3A_92, %dma_start3A_93] : memref<10000x64xf32, #tpu.memory_space<hbm>> -> memref<10000x64xf32, #tpu.memory_space<hbm>>
          tpu.enqueue_indirect_dma source(%dma_start3A_94 : memref<10000x64xf32, #tpu.memory_space<hbm>>) target(%dma_start3A_88 : memref<128x64xf32, #tpu.memory_space<vmem>>) offsets(%dma_start3A_91 : memref<128xi32, #tpu.memory_space<vmem>>) semaphore(%arg12 : memref<!tpu.dma_semaphore, #tpu.memory_space<semaphore_mem>>)
        } else {
        }
      } else {
      }
    }
    %scan3A_31 = arith.constant 40 : i32
    %barrier3A_32 = arith.constant 0 : index
    tpu.barrier barrier_id(%barrier3A_32)
    %mul3A_33 = arith.constant 640 : i32
    %mul3A_34 = arith.muli %arg1, %mul3A_33 : i32
    %mul3A_35 = arith.constant 640 : i32
    %mul3A_36 = arith.muli %arg1, %mul3A_35 : i32
    "tpu.region"() ({
      %run_scoped3A = tpu.sem_alloc : memref<!tpu.dma_semaphore, #tpu.memory_space<semaphore_mem>>
      %dma_start3A_37 = arith.constant 0 : i32
      %dma_start3A_38 = tpu.memref_slice %arg6[%arg0, %mul3A_36, %dma_start3A_37] : memref<2x10240x64xf32, #tpu.memory_space<hbm>> -> memref<1x640x64xf32, #tpu.memory_space<hbm>>
      %dma_start3A_39 = tpu.memref_squeeze %dma_start3A_38 : memref<1x640x64xf32, #tpu.memory_space<hbm>> -> memref<640x64xf32, #tpu.memory_space<hbm>>
      %dma_start3A_40 = arith.constant 0 : i32
      %dma_start3A_41 = tpu.memref_slice %arg10[%mul3A_34, %dma_start3A_40] : memref<10240x64xf32, #tpu.memory_space<vmem_shared>> -> memref<640x64xf32, #tpu.memory_space<vmem_shared>>
      tpu.enqueue_dma source(%dma_start3A_41 : memref<640x64xf32, #tpu.memory_space<vmem_shared>>) target(%dma_start3A_39 : memref<640x64xf32, #tpu.memory_space<hbm>>) target_semaphore(%run_scoped3A : memref<!tpu.dma_semaphore, #tpu.memory_space<semaphore_mem>>)
      %dma_wait3A = arith.constant 0 : i32
      %dma_wait3A_42 = tpu.memref_slice %arg6[%arg0, %mul3A_36, %dma_wait3A] : memref<2x10240x64xf32, #tpu.memory_space<hbm>> -> memref<1x640x64xf32, #tpu.memory_space<hbm>>
      %dma_wait3A_43 = tpu.memref_squeeze %dma_wait3A_42 : memref<1x640x64xf32, #tpu.memory_space<hbm>> -> memref<640x64xf32, #tpu.memory_space<hbm>>
      %dma_wait3A_44 = arith.constant 0 : i32
      %dma_wait3A_45 = tpu.memref_slice %arg10[%mul3A_34, %dma_wait3A_44] : memref<10240x64xf32, #tpu.memory_space<vmem_shared>> -> memref<640x64xf32, #tpu.memory_space<vmem_shared>>
      tpu.wait_dma2 semaphore(%run_scoped3A : memref<!tpu.dma_semaphore, #tpu.memory_space<semaphore_mem>>) src(%dma_wait3A_45 : memref<640x64xf32, #tpu.memory_space<vmem_shared>>) dst(%dma_wait3A_43 : memref<640x64xf32, #tpu.memory_space<hbm>>)
      tpu.yield
    }) : () -> ()
    return
  }
}

module attributes {stable_mosaic.version = 14 : i64} {
  func.func @_in_proj_body(%arg0: memref<10000x128xf32, #tpu.memory_space<vmem>>, %arg1: memref<64x128xf32, #tpu.memory_space<vmem>>, %arg2: memref<1x64xf32, #tpu.memory_space<vmem>>, %arg3: memref<64x64xf32, #tpu.memory_space<vmem>>, %arg4: memref<10000x64xf32, #tpu.memory_space<vmem>>, %arg5: memref<10000x64xf32, #tpu.memory_space<vmem>>) attributes {dimension_semantics = [], scalar_prefetch = 0 : i64, scratch_operands = 0 : i64, tpu.core_type = #tpu.core_type<tc>} {
    %get3A = arith.constant 0 : index
    %get3A_0 = arith.constant 0 : index
    %get3A_1 = vector.load %arg0[%get3A, %get3A_0] : memref<10000x128xf32, #tpu.memory_space<vmem>>, vector<10000x128xf32>
    %get3A_2 = arith.constant 0 : index
    %get3A_3 = arith.constant 0 : index
    %get3A_4 = vector.load %arg1[%get3A_2, %get3A_3] : memref<64x128xf32, #tpu.memory_space<vmem>>, vector<64x128xf32>
    %dot_general3A = arith.constant dense<0.000000e+00> : vector<10000x64xf32>
    %dot_general3A_5 = tpu.matmul %get3A_1, %get3A_4, %dot_general3A {dimension_numbers = #tpu.dot_dimension_numbers<[1], [1], [0], [0], [0, 0, 1, 0], [], []>, transpose_lhs_hint = false} : vector<10000x128xf32>, vector<64x128xf32>, vector<10000x64xf32> -> vector<10000x64xf32>
    %get3A_6 = arith.constant 0 : index
    %get3A_7 = arith.constant 0 : index
    %get3A_8 = vector.load %arg2[%get3A_6, %get3A_7] : memref<1x64xf32, #tpu.memory_space<vmem>>, vector<1x64xf32>
    %add3A = vector.broadcast %get3A_8 : vector<1x64xf32> to vector<10000x64xf32>
    %add3A_9 = arith.addf %dot_general3A_5, %add3A : vector<10000x64xf32>
    %swap3A = arith.constant 0 : index
    %swap3A_10 = arith.constant 0 : index
    %swap3A_11 = vector.load %arg4[%swap3A, %swap3A_10] : memref<10000x64xf32, #tpu.memory_space<vmem>>, vector<10000x64xf32>
    tpu.vector_store %arg4[%swap3A, %swap3A_10], %add3A_9 {strides = array<i32>} : memref<10000x64xf32, #tpu.memory_space<vmem>>, vector<10000x64xf32>,
    %get3A_12 = arith.constant 0 : index
    %get3A_13 = arith.constant 0 : index
    %get3A_14 = vector.load %arg3[%get3A_12, %get3A_13] : memref<64x64xf32, #tpu.memory_space<vmem>>, vector<64x64xf32>
    %dot_general3A_15 = arith.constant dense<0.000000e+00> : vector<10000x64xf32>
    %dot_general3A_16 = tpu.matmul %add3A_9, %get3A_14, %dot_general3A_15 {dimension_numbers = #tpu.dot_dimension_numbers<[1], [0], [0], [1], [0, 0, 1, 1], [], []>, transpose_lhs_hint = false} : vector<10000x64xf32>, vector<64x64xf32>, vector<10000x64xf32> -> vector<10000x64xf32>
    %swap3A_17 = arith.constant 0 : index
    %swap3A_18 = arith.constant 0 : index
    %swap3A_19 = vector.load %arg5[%swap3A_17, %swap3A_18] : memref<10000x64xf32, #tpu.memory_space<vmem>>, vector<10000x64xf32>
    tpu.vector_store %arg5[%swap3A_17, %swap3A_18], %dot_general3A_16 {strides = array<i32>} : memref<10000x64xf32, #tpu.memory_space<vmem>>, vector<10000x64xf32>,
    return
  }
}

module attributes {stable_mosaic.version = 14 : i64} {
  func.func @_gru_body(%arg0: memref<2x10240x64xf32, #tpu.memory_space<vmem>>, %arg1: memref<10000x64xf32, #tpu.memory_space<vmem>>, %arg2: memref<64x64xf32, #tpu.memory_space<vmem>>, %arg3: memref<64x64xf32, #tpu.memory_space<vmem>>, %arg4: memref<64x64xf32, #tpu.memory_space<vmem>>, %arg5: memref<64x64xf32, #tpu.memory_space<vmem>>, %arg6: memref<64x64xf32, #tpu.memory_space<vmem>>, %arg7: memref<64x64xf32, #tpu.memory_space<vmem>>, %arg8: memref<1x64xf32, #tpu.memory_space<vmem>>, %arg9: memref<1x64xf32, #tpu.memory_space<vmem>>, %arg10: memref<1x64xf32, #tpu.memory_space<vmem>>, %arg11: memref<1x64xf32, #tpu.memory_space<vmem>>, %arg12: memref<1x64xf32, #tpu.memory_space<vmem>>, %arg13: memref<1x64xf32, #tpu.memory_space<vmem>>, %arg14: memref<64x64xf32, #tpu.memory_space<vmem>>, %arg15: memref<10000x64xf32, #tpu.memory_space<vmem>>, %arg16: memref<10000x64xf32, #tpu.memory_space<vmem>>) attributes {dimension_semantics = [], scalar_prefetch = 0 : i64, scratch_operands = 0 : i64, tpu.core_type = #tpu.core_type<tc>} {
    %get3A = arith.constant 0 : index
    %get3A_0 = arith.constant 0 : index
    %get3A_1 = arith.constant 0 : index
    %get3A_2 = vector.load %arg0[%get3A, %get3A_0, %get3A_1] : memref<2x10240x64xf32, #tpu.memory_space<vmem>>, vector<1x10000x64xf32>
    %get3A_3 = vector.shape_cast %get3A_2 : vector<1x10000x64xf32> to vector<10000x64xf32>
    %get3A_4 = arith.constant 1 : index
    %get3A_5 = arith.constant 0 : index
    %get3A_6 = arith.constant 0 : index
    %get3A_7 = vector.load %arg0[%get3A_4, %get3A_5, %get3A_6] : memref<2x10240x64xf32, #tpu.memory_space<vmem>>, vector<1x10000x64xf32>
    %get3A_8 = vector.shape_cast %get3A_7 : vector<1x10000x64xf32> to vector<10000x64xf32>
    %add3A = arith.addf %get3A_3, %get3A_8 : vector<10000x64xf32>
    %get3A_9 = arith.constant 0 : index
    %get3A_10 = arith.constant 0 : index
    %get3A_11 = vector.load %arg1[%get3A_9, %get3A_10] : memref<10000x64xf32, #tpu.memory_space<vmem>>, vector<10000x64xf32>
    %get3A_12 = arith.constant 0 : index
    %get3A_13 = arith.constant 0 : index
    %get3A_14 = vector.load %arg2[%get3A_12, %get3A_13] : memref<64x64xf32, #tpu.memory_space<vmem>>, vector<64x64xf32>
    %dot_general3A = arith.constant dense<0.000000e+00> : vector<10000x64xf32>
    %dot_general3A_15 = tpu.matmul %add3A, %get3A_14, %dot_general3A {dimension_numbers = #tpu.dot_dimension_numbers<[1], [1], [0], [0], [0, 0, 1, 0], [], []>, transpose_lhs_hint = false} : vector<10000x64xf32>, vector<64x64xf32>, vector<10000x64xf32> -> vector<10000x64xf32>
    %get3A_16 = arith.constant 0 : index
    %get3A_17 = arith.constant 0 : index
    %get3A_18 = vector.load %arg8[%get3A_16, %get3A_17] : memref<1x64xf32, #tpu.memory_space<vmem>>, vector<1x64xf32>
    %add3A_19 = vector.broadcast %get3A_18 : vector<1x64xf32> to vector<10000x64xf32>
    %add3A_20 = arith.addf %dot_general3A_15, %add3A_19 : vector<10000x64xf32>
    %get3A_21 = arith.constant 0 : index
    %get3A_22 = arith.constant 0 : index
    %get3A_23 = vector.load %arg5[%get3A_21, %get3A_22] : memref<64x64xf32, #tpu.memory_space<vmem>>, vector<64x64xf32>
    %dot_general3A_24 = arith.constant dense<0.000000e+00> : vector<10000x64xf32>
    %dot_general3A_25 = tpu.matmul %get3A_11, %get3A_23, %dot_general3A_24 {dimension_numbers = #tpu.dot_dimension_numbers<[1], [1], [0], [0], [0, 0, 1, 0], [], []>, transpose_lhs_hint = false} : vector<10000x64xf32>, vector<64x64xf32>, vector<10000x64xf32> -> vector<10000x64xf32>
    %add3A_26 = arith.addf %add3A_20, %dot_general3A_25 : vector<10000x64xf32>
    %get3A_27 = arith.constant 0 : index
    %get3A_28 = arith.constant 0 : index
    %get3A_29 = vector.load %arg11[%get3A_27, %get3A_28] : memref<1x64xf32, #tpu.memory_space<vmem>>, vector<1x64xf32>
    %add3A_30 = vector.broadcast %get3A_29 : vector<1x64xf32> to vector<10000x64xf32>
    %add3A_31 = arith.addf %add3A_26, %add3A_30 : vector<10000x64xf32>
    %logistic3A = arith.negf %add3A_31 : vector<10000x64xf32>
    %logistic3A_32 = math.exp %logistic3A : vector<10000x64xf32>
    %logistic3A_33 = arith.constant 1.000000e+00 : f32
    %logistic3A_34 = vector.broadcast %logistic3A_33 : f32 to vector<10000x64xf32>
    %logistic3A_35 = arith.addf %logistic3A_34, %logistic3A_32 : vector<10000x64xf32>
    %logistic3A_36 = arith.divf %logistic3A_34, %logistic3A_35 : vector<10000x64xf32>
    %get3A_37 = arith.constant 0 : index
    %get3A_38 = arith.constant 0 : index
    %get3A_39 = vector.load %arg3[%get3A_37, %get3A_38] : memref<64x64xf32, #tpu.memory_space<vmem>>, vector<64x64xf32>
    %dot_general3A_40 = arith.constant dense<0.000000e+00> : vector<10000x64xf32>
    %dot_general3A_41 = tpu.matmul %add3A, %get3A_39, %dot_general3A_40 {dimension_numbers = #tpu.dot_dimension_numbers<[1], [1], [0], [0], [0, 0, 1, 0], [], []>, transpose_lhs_hint = false} : vector<10000x64xf32>, vector<64x64xf32>, vector<10000x64xf32> -> vector<10000x64xf32>
    %get3A_42 = arith.constant 0 : index
    %get3A_43 = arith.constant 0 : index
    %get3A_44 = vector.load %arg9[%get3A_42, %get3A_43] : memref<1x64xf32, #tpu.memory_space<vmem>>, vector<1x64xf32>
    %add3A_45 = vector.broadcast %get3A_44 : vector<1x64xf32> to vector<10000x64xf32>
    %add3A_46 = arith.addf %dot_general3A_41, %add3A_45 : vector<10000x64xf32>
    %get3A_47 = arith.constant 0 : index
    %get3A_48 = arith.constant 0 : index
    %get3A_49 = vector.load %arg6[%get3A_47, %get3A_48] : memref<64x64xf32, #tpu.memory_space<vmem>>, vector<64x64xf32>
    %dot_general3A_50 = arith.constant dense<0.000000e+00> : vector<10000x64xf32>
    %dot_general3A_51 = tpu.matmul %get3A_11, %get3A_49, %dot_general3A_50 {dimension_numbers = #tpu.dot_dimension_numbers<[1], [1], [0], [0], [0, 0, 1, 0], [], []>, transpose_lhs_hint = false} : vector<10000x64xf32>, vector<64x64xf32>, vector<10000x64xf32> -> vector<10000x64xf32>
    %add3A_52 = arith.addf %add3A_46, %dot_general3A_51 : vector<10000x64xf32>
    %get3A_53 = arith.constant 0 : index
    %get3A_54 = arith.constant 0 : index
    %get3A_55 = vector.load %arg12[%get3A_53, %get3A_54] : memref<1x64xf32, #tpu.memory_space<vmem>>, vector<1x64xf32>
    %add3A_56 = vector.broadcast %get3A_55 : vector<1x64xf32> to vector<10000x64xf32>
    %add3A_57 = arith.addf %add3A_52, %add3A_56 : vector<10000x64xf32>
    %logistic3A_58 = arith.negf %add3A_57 : vector<10000x64xf32>
    %logistic3A_59 = math.exp %logistic3A_58 : vector<10000x64xf32>
    %logistic3A_60 = arith.constant 1.000000e+00 : f32
    %logistic3A_61 = vector.broadcast %logistic3A_60 : f32 to vector<10000x64xf32>
    %logistic3A_62 = arith.addf %logistic3A_61, %logistic3A_59 : vector<10000x64xf32>
    %logistic3A_63 = arith.divf %logistic3A_61, %logistic3A_62 : vector<10000x64xf32>
    %get3A_64 = arith.constant 0 : index
    %get3A_65 = arith.constant 0 : index
    %get3A_66 = vector.load %arg4[%get3A_64, %get3A_65] : memref<64x64xf32, #tpu.memory_space<vmem>>, vector<64x64xf32>
    %dot_general3A_67 = arith.constant dense<0.000000e+00> : vector<10000x64xf32>
    %dot_general3A_68 = tpu.matmul %add3A, %get3A_66, %dot_general3A_67 {dimension_numbers = #tpu.dot_dimension_numbers<[1], [1], [0], [0], [0, 0, 1, 0], [], []>, transpose_lhs_hint = false} : vector<10000x64xf32>, vector<64x64xf32>, vector<10000x64xf32> -> vector<10000x64xf32>
    %get3A_69 = arith.constant 0 : index
    %get3A_70 = arith.constant 0 : index
    %get3A_71 = vector.load %arg10[%get3A_69, %get3A_70] : memref<1x64xf32, #tpu.memory_space<vmem>>, vector<1x64xf32>
    %add3A_72 = vector.broadcast %get3A_71 : vector<1x64xf32> to vector<10000x64xf32>
    %add3A_73 = arith.addf %dot_general3A_68, %add3A_72 : vector<10000x64xf32>
    %get3A_74 = arith.constant 0 : index
    %get3A_75 = arith.constant 0 : index
    %get3A_76 = vector.load %arg7[%get3A_74, %get3A_75] : memref<64x64xf32, #tpu.memory_space<vmem>>, vector<64x64xf32>
    %dot_general3A_77 = arith.constant dense<0.000000e+00> : vector<10000x64xf32>
    %dot_general3A_78 = tpu.matmul %get3A_11, %get3A_76, %dot_general3A_77 {dimension_numbers = #tpu.dot_dimension_numbers<[1], [1], [0], [0], [0, 0, 1, 0], [], []>, transpose_lhs_hint = false} : vector<10000x64xf32>, vector<64x64xf32>, vector<10000x64xf32> -> vector<10000x64xf32>
    %get3A_79 = arith.constant 0 : index
    %get3A_80 = arith.constant 0 : index
    %get3A_81 = vector.load %arg13[%get3A_79, %get3A_80] : memref<1x64xf32, #tpu.memory_space<vmem>>, vector<1x64xf32>
    %add3A_82 = vector.broadcast %get3A_81 : vector<1x64xf32> to vector<10000x64xf32>
    %add3A_83 = arith.addf %dot_general3A_78, %add3A_82 : vector<10000x64xf32>
    %mul3A = arith.mulf %logistic3A_36, %add3A_83 : vector<10000x64xf32>
    %add3A_84 = arith.addf %add3A_73, %mul3A : vector<10000x64xf32>
    %tanh3A = math.tanh %add3A_84 : vector<10000x64xf32>
    %sub3A = arith.constant 1.000000e+00 : f32
    %sub3A_85 = vector.broadcast %sub3A : f32 to vector<10000x64xf32>
    %sub3A_86 = arith.subf %sub3A_85, %logistic3A_63 : vector<10000x64xf32>
    %mul3A_87 = arith.mulf %sub3A_86, %tanh3A : vector<10000x64xf32>
    %mul3A_88 = arith.mulf %logistic3A_63, %get3A_11 : vector<10000x64xf32>
    %add3A_89 = arith.addf %mul3A_87, %mul3A_88 : vector<10000x64xf32>
    %swap3A = arith.constant 0 : index
    %swap3A_90 = arith.constant 0 : index
    %swap3A_91 = vector.load %arg15[%swap3A, %swap3A_90] : memref<10000x64xf32, #tpu.memory_space<vmem>>, vector<10000x64xf32>
    tpu.vector_store %arg15[%swap3A, %swap3A_90], %add3A_89 {strides = array<i32>} : memref<10000x64xf32, #tpu.memory_space<vmem>>, vector<10000x64xf32>,
    %get3A_92 = arith.constant 0 : index
    %get3A_93 = arith.constant 0 : index
    %get3A_94 = vector.load %arg14[%get3A_92, %get3A_93] : memref<64x64xf32, #tpu.memory_space<vmem>>, vector<64x64xf32>
    %dot_general3A_95 = arith.constant dense<0.000000e+00> : vector<10000x64xf32>
    %dot_general3A_96 = tpu.matmul %add3A_89, %get3A_94, %dot_general3A_95 {dimension_numbers = #tpu.dot_dimension_numbers<[1], [0], [0], [1], [0, 0, 1, 1], [], []>, transpose_lhs_hint = false} : vector<10000x64xf32>, vector<64x64xf32>, vector<10000x64xf32> -> vector<10000x64xf32>
    %swap3A_97 = arith.constant 0 : index
    %swap3A_98 = arith.constant 0 : index
    %swap3A_99 = vector.load %arg16[%swap3A_97, %swap3A_98] : memref<10000x64xf32, #tpu.memory_space<vmem>>, vector<10000x64xf32>
    tpu.vector_store %arg16[%swap3A_97, %swap3A_98], %dot_general3A_96 {strides = array<i32>} : memref<10000x64xf32, #tpu.memory_space<vmem>>, vector<10000x64xf32>,
    return
  }
}

module attributes {stable_mosaic.version = 14 : i64} {
  func.func @_gru_body(%arg0: memref<2x10240x64xf32, #tpu.memory_space<vmem>>, %arg1: memref<10000x64xf32, #tpu.memory_space<vmem>>, %arg2: memref<64x64xf32, #tpu.memory_space<vmem>>, %arg3: memref<64x64xf32, #tpu.memory_space<vmem>>, %arg4: memref<64x64xf32, #tpu.memory_space<vmem>>, %arg5: memref<64x64xf32, #tpu.memory_space<vmem>>, %arg6: memref<64x64xf32, #tpu.memory_space<vmem>>, %arg7: memref<64x64xf32, #tpu.memory_space<vmem>>, %arg8: memref<1x64xf32, #tpu.memory_space<vmem>>, %arg9: memref<1x64xf32, #tpu.memory_space<vmem>>, %arg10: memref<1x64xf32, #tpu.memory_space<vmem>>, %arg11: memref<1x64xf32, #tpu.memory_space<vmem>>, %arg12: memref<1x64xf32, #tpu.memory_space<vmem>>, %arg13: memref<1x64xf32, #tpu.memory_space<vmem>>, %arg14: memref<64x64xf32, #tpu.memory_space<vmem>>, %arg15: memref<10000x64xf32, #tpu.memory_space<vmem>>, %arg16: memref<10000x64xf32, #tpu.memory_space<vmem>>) attributes {dimension_semantics = [], scalar_prefetch = 0 : i64, scratch_operands = 0 : i64, tpu.core_type = #tpu.core_type<tc>} {
    %get3A = arith.constant 0 : index
    %get3A_0 = arith.constant 0 : index
    %get3A_1 = arith.constant 0 : index
    %get3A_2 = vector.load %arg0[%get3A, %get3A_0, %get3A_1] : memref<2x10240x64xf32, #tpu.memory_space<vmem>>, vector<1x10000x64xf32>
    %get3A_3 = vector.shape_cast %get3A_2 : vector<1x10000x64xf32> to vector<10000x64xf32>
    %get3A_4 = arith.constant 1 : index
    %get3A_5 = arith.constant 0 : index
    %get3A_6 = arith.constant 0 : index
    %get3A_7 = vector.load %arg0[%get3A_4, %get3A_5, %get3A_6] : memref<2x10240x64xf32, #tpu.memory_space<vmem>>, vector<1x10000x64xf32>
    %get3A_8 = vector.shape_cast %get3A_7 : vector<1x10000x64xf32> to vector<10000x64xf32>
    %add3A = arith.addf %get3A_3, %get3A_8 : vector<10000x64xf32>
    %get3A_9 = arith.constant 0 : index
    %get3A_10 = arith.constant 0 : index
    %get3A_11 = vector.load %arg1[%get3A_9, %get3A_10] : memref<10000x64xf32, #tpu.memory_space<vmem>>, vector<10000x64xf32>
    %get3A_12 = arith.constant 0 : index
    %get3A_13 = arith.constant 0 : index
    %get3A_14 = vector.load %arg2[%get3A_12, %get3A_13] : memref<64x64xf32, #tpu.memory_space<vmem>>, vector<64x64xf32>
    %dot_general3A = arith.constant dense<0.000000e+00> : vector<10000x64xf32>
    %dot_general3A_15 = tpu.matmul %add3A, %get3A_14, %dot_general3A {dimension_numbers = #tpu.dot_dimension_numbers<[1], [1], [0], [0], [0, 0, 1, 0], [], []>, transpose_lhs_hint = false} : vector<10000x64xf32>, vector<64x64xf32>, vector<10000x64xf32> -> vector<10000x64xf32>
    %get3A_16 = arith.constant 0 : index
    %get3A_17 = arith.constant 0 : index
    %get3A_18 = vector.load %arg8[%get3A_16, %get3A_17] : memref<1x64xf32, #tpu.memory_space<vmem>>, vector<1x64xf32>
    %add3A_19 = vector.broadcast %get3A_18 : vector<1x64xf32> to vector<10000x64xf32>
    %add3A_20 = arith.addf %dot_general3A_15, %add3A_19 : vector<10000x64xf32>
    %get3A_21 = arith.constant 0 : index
    %get3A_22 = arith.constant 0 : index
    %get3A_23 = vector.load %arg5[%get3A_21, %get3A_22] : memref<64x64xf32, #tpu.memory_space<vmem>>, vector<64x64xf32>
    %dot_general3A_24 = arith.constant dense<0.000000e+00> : vector<10000x64xf32>
    %dot_general3A_25 = tpu.matmul %get3A_11, %get3A_23, %dot_general3A_24 {dimension_numbers = #tpu.dot_dimension_numbers<[1], [1], [0], [0], [0, 0, 1, 0], [], []>, transpose_lhs_hint = false} : vector<10000x64xf32>, vector<64x64xf32>, vector<10000x64xf32> -> vector<10000x64xf32>
    %add3A_26 = arith.addf %add3A_20, %dot_general3A_25 : vector<10000x64xf32>
    %get3A_27 = arith.constant 0 : index
    %get3A_28 = arith.constant 0 : index
    %get3A_29 = vector.load %arg11[%get3A_27, %get3A_28] : memref<1x64xf32, #tpu.memory_space<vmem>>, vector<1x64xf32>
    %add3A_30 = vector.broadcast %get3A_29 : vector<1x64xf32> to vector<10000x64xf32>
    %add3A_31 = arith.addf %add3A_26, %add3A_30 : vector<10000x64xf32>
    %logistic3A = arith.negf %add3A_31 : vector<10000x64xf32>
    %logistic3A_32 = math.exp %logistic3A : vector<10000x64xf32>
    %logistic3A_33 = arith.constant 1.000000e+00 : f32
    %logistic3A_34 = vector.broadcast %logistic3A_33 : f32 to vector<10000x64xf32>
    %logistic3A_35 = arith.addf %logistic3A_34, %logistic3A_32 : vector<10000x64xf32>
    %logistic3A_36 = arith.divf %logistic3A_34, %logistic3A_35 : vector<10000x64xf32>
    %get3A_37 = arith.constant 0 : index
    %get3A_38 = arith.constant 0 : index
    %get3A_39 = vector.load %arg3[%get3A_37, %get3A_38] : memref<64x64xf32, #tpu.memory_space<vmem>>, vector<64x64xf32>
    %dot_general3A_40 = arith.constant dense<0.000000e+00> : vector<10000x64xf32>
    %dot_general3A_41 = tpu.matmul %add3A, %get3A_39, %dot_general3A_40 {dimension_numbers = #tpu.dot_dimension_numbers<[1], [1], [0], [0], [0, 0, 1, 0], [], []>, transpose_lhs_hint = false} : vector<10000x64xf32>, vector<64x64xf32>, vector<10000x64xf32> -> vector<10000x64xf32>
    %get3A_42 = arith.constant 0 : index
    %get3A_43 = arith.constant 0 : index
    %get3A_44 = vector.load %arg9[%get3A_42, %get3A_43] : memref<1x64xf32, #tpu.memory_space<vmem>>, vector<1x64xf32>
    %add3A_45 = vector.broadcast %get3A_44 : vector<1x64xf32> to vector<10000x64xf32>
    %add3A_46 = arith.addf %dot_general3A_41, %add3A_45 : vector<10000x64xf32>
    %get3A_47 = arith.constant 0 : index
    %get3A_48 = arith.constant 0 : index
    %get3A_49 = vector.load %arg6[%get3A_47, %get3A_48] : memref<64x64xf32, #tpu.memory_space<vmem>>, vector<64x64xf32>
    %dot_general3A_50 = arith.constant dense<0.000000e+00> : vector<10000x64xf32>
    %dot_general3A_51 = tpu.matmul %get3A_11, %get3A_49, %dot_general3A_50 {dimension_numbers = #tpu.dot_dimension_numbers<[1], [1], [0], [0], [0, 0, 1, 0], [], []>, transpose_lhs_hint = false} : vector<10000x64xf32>, vector<64x64xf32>, vector<10000x64xf32> -> vector<10000x64xf32>
    %add3A_52 = arith.addf %add3A_46, %dot_general3A_51 : vector<10000x64xf32>
    %get3A_53 = arith.constant 0 : index
    %get3A_54 = arith.constant 0 : index
    %get3A_55 = vector.load %arg12[%get3A_53, %get3A_54] : memref<1x64xf32, #tpu.memory_space<vmem>>, vector<1x64xf32>
    %add3A_56 = vector.broadcast %get3A_55 : vector<1x64xf32> to vector<10000x64xf32>
    %add3A_57 = arith.addf %add3A_52, %add3A_56 : vector<10000x64xf32>
    %logistic3A_58 = arith.negf %add3A_57 : vector<10000x64xf32>
    %logistic3A_59 = math.exp %logistic3A_58 : vector<10000x64xf32>
    %logistic3A_60 = arith.constant 1.000000e+00 : f32
    %logistic3A_61 = vector.broadcast %logistic3A_60 : f32 to vector<10000x64xf32>
    %logistic3A_62 = arith.addf %logistic3A_61, %logistic3A_59 : vector<10000x64xf32>
    %logistic3A_63 = arith.divf %logistic3A_61, %logistic3A_62 : vector<10000x64xf32>
    %get3A_64 = arith.constant 0 : index
    %get3A_65 = arith.constant 0 : index
    %get3A_66 = vector.load %arg4[%get3A_64, %get3A_65] : memref<64x64xf32, #tpu.memory_space<vmem>>, vector<64x64xf32>
    %dot_general3A_67 = arith.constant dense<0.000000e+00> : vector<10000x64xf32>
    %dot_general3A_68 = tpu.matmul %add3A, %get3A_66, %dot_general3A_67 {dimension_numbers = #tpu.dot_dimension_numbers<[1], [1], [0], [0], [0, 0, 1, 0], [], []>, transpose_lhs_hint = false} : vector<10000x64xf32>, vector<64x64xf32>, vector<10000x64xf32> -> vector<10000x64xf32>
    %get3A_69 = arith.constant 0 : index
    %get3A_70 = arith.constant 0 : index
    %get3A_71 = vector.load %arg10[%get3A_69, %get3A_70] : memref<1x64xf32, #tpu.memory_space<vmem>>, vector<1x64xf32>
    %add3A_72 = vector.broadcast %get3A_71 : vector<1x64xf32> to vector<10000x64xf32>
    %add3A_73 = arith.addf %dot_general3A_68, %add3A_72 : vector<10000x64xf32>
    %get3A_74 = arith.constant 0 : index
    %get3A_75 = arith.constant 0 : index
    %get3A_76 = vector.load %arg7[%get3A_74, %get3A_75] : memref<64x64xf32, #tpu.memory_space<vmem>>, vector<64x64xf32>
    %dot_general3A_77 = arith.constant dense<0.000000e+00> : vector<10000x64xf32>
    %dot_general3A_78 = tpu.matmul %get3A_11, %get3A_76, %dot_general3A_77 {dimension_numbers = #tpu.dot_dimension_numbers<[1], [1], [0], [0], [0, 0, 1, 0], [], []>, transpose_lhs_hint = false} : vector<10000x64xf32>, vector<64x64xf32>, vector<10000x64xf32> -> vector<10000x64xf32>
    %get3A_79 = arith.constant 0 : index
    %get3A_80 = arith.constant 0 : index
    %get3A_81 = vector.load %arg13[%get3A_79, %get3A_80] : memref<1x64xf32, #tpu.memory_space<vmem>>, vector<1x64xf32>
    %add3A_82 = vector.broadcast %get3A_81 : vector<1x64xf32> to vector<10000x64xf32>
    %add3A_83 = arith.addf %dot_general3A_78, %add3A_82 : vector<10000x64xf32>
    %mul3A = arith.mulf %logistic3A_36, %add3A_83 : vector<10000x64xf32>
    %add3A_84 = arith.addf %add3A_73, %mul3A : vector<10000x64xf32>
    %tanh3A = math.tanh %add3A_84 : vector<10000x64xf32>
    %sub3A = arith.constant 1.000000e+00 : f32
    %sub3A_85 = vector.broadcast %sub3A : f32 to vector<10000x64xf32>
    %sub3A_86 = arith.subf %sub3A_85, %logistic3A_63 : vector<10000x64xf32>
    %mul3A_87 = arith.mulf %sub3A_86, %tanh3A : vector<10000x64xf32>
    %mul3A_88 = arith.mulf %logistic3A_63, %get3A_11 : vector<10000x64xf32>
    %add3A_89 = arith.addf %mul3A_87, %mul3A_88 : vector<10000x64xf32>
    %max3A = arith.constant 0.000000e+00 : f32
    %max3A_90 = vector.broadcast %max3A : f32 to vector<10000x64xf32>
    %max3A_91 = arith.maximumf %add3A_89, %max3A_90 : vector<10000x64xf32>
    %swap3A = arith.constant 0 : index
    %swap3A_92 = arith.constant 0 : index
    %swap3A_93 = vector.load %arg15[%swap3A, %swap3A_92] : memref<10000x64xf32, #tpu.memory_space<vmem>>, vector<10000x64xf32>
    tpu.vector_store %arg15[%swap3A, %swap3A_92], %max3A_91 {strides = array<i32>} : memref<10000x64xf32, #tpu.memory_space<vmem>>, vector<10000x64xf32>,
    %get3A_94 = arith.constant 0 : index
    %get3A_95 = arith.constant 0 : index
    %get3A_96 = vector.load %arg14[%get3A_94, %get3A_95] : memref<64x64xf32, #tpu.memory_space<vmem>>, vector<64x64xf32>
    %dot_general3A_97 = arith.constant dense<0.000000e+00> : vector<10000x64xf32>
    %dot_general3A_98 = tpu.matmul %max3A_91, %get3A_96, %dot_general3A_97 {dimension_numbers = #tpu.dot_dimension_numbers<[1], [0], [0], [1], [0, 0, 1, 1], [], []>, transpose_lhs_hint = false} : vector<10000x64xf32>, vector<64x64xf32>, vector<10000x64xf32> -> vector<10000x64xf32>
    %swap3A_99 = arith.constant 0 : index
    %swap3A_100 = arith.constant 0 : index
    %swap3A_101 = vector.load %arg16[%swap3A_99, %swap3A_100] : memref<10000x64xf32, #tpu.memory_space<vmem>>, vector<10000x64xf32>
    tpu.vector_store %arg16[%swap3A_99, %swap3A_100], %dot_general3A_98 {strides = array<i32>} : memref<10000x64xf32, #tpu.memory_space<vmem>>, vector<10000x64xf32>,
    return
  }
}

module attributes {stable_mosaic.version = 14 : i64} {
  func.func @_gru_body(%arg0: memref<2x10240x64xf32, #tpu.memory_space<vmem>>, %arg1: memref<10000x64xf32, #tpu.memory_space<vmem>>, %arg2: memref<64x64xf32, #tpu.memory_space<vmem>>, %arg3: memref<64x64xf32, #tpu.memory_space<vmem>>, %arg4: memref<64x64xf32, #tpu.memory_space<vmem>>, %arg5: memref<64x64xf32, #tpu.memory_space<vmem>>, %arg6: memref<64x64xf32, #tpu.memory_space<vmem>>, %arg7: memref<64x64xf32, #tpu.memory_space<vmem>>, %arg8: memref<1x64xf32, #tpu.memory_space<vmem>>, %arg9: memref<1x64xf32, #tpu.memory_space<vmem>>, %arg10: memref<1x64xf32, #tpu.memory_space<vmem>>, %arg11: memref<1x64xf32, #tpu.memory_space<vmem>>, %arg12: memref<1x64xf32, #tpu.memory_space<vmem>>, %arg13: memref<1x64xf32, #tpu.memory_space<vmem>>, %arg14: memref<64x64xf32, #tpu.memory_space<vmem>>, %arg15: memref<10000x64xf32, #tpu.memory_space<vmem>>, %arg16: memref<10000x64xf32, #tpu.memory_space<vmem>>) attributes {dimension_semantics = [], scalar_prefetch = 0 : i64, scratch_operands = 0 : i64, tpu.core_type = #tpu.core_type<tc>} {
    %get3A = arith.constant 0 : index
    %get3A_0 = arith.constant 0 : index
    %get3A_1 = arith.constant 0 : index
    %get3A_2 = vector.load %arg0[%get3A, %get3A_0, %get3A_1] : memref<2x10240x64xf32, #tpu.memory_space<vmem>>, vector<1x10000x64xf32>
    %get3A_3 = vector.shape_cast %get3A_2 : vector<1x10000x64xf32> to vector<10000x64xf32>
    %get3A_4 = arith.constant 1 : index
    %get3A_5 = arith.constant 0 : index
    %get3A_6 = arith.constant 0 : index
    %get3A_7 = vector.load %arg0[%get3A_4, %get3A_5, %get3A_6] : memref<2x10240x64xf32, #tpu.memory_space<vmem>>, vector<1x10000x64xf32>
    %get3A_8 = vector.shape_cast %get3A_7 : vector<1x10000x64xf32> to vector<10000x64xf32>
    %add3A = arith.addf %get3A_3, %get3A_8 : vector<10000x64xf32>
    %get3A_9 = arith.constant 0 : index
    %get3A_10 = arith.constant 0 : index
    %get3A_11 = vector.load %arg1[%get3A_9, %get3A_10] : memref<10000x64xf32, #tpu.memory_space<vmem>>, vector<10000x64xf32>
    %get3A_12 = arith.constant 0 : index
    %get3A_13 = arith.constant 0 : index
    %get3A_14 = vector.load %arg2[%get3A_12, %get3A_13] : memref<64x64xf32, #tpu.memory_space<vmem>>, vector<64x64xf32>
    %dot_general3A = arith.constant dense<0.000000e+00> : vector<10000x64xf32>
    %dot_general3A_15 = tpu.matmul %add3A, %get3A_14, %dot_general3A {dimension_numbers = #tpu.dot_dimension_numbers<[1], [1], [0], [0], [0, 0, 1, 0], [], []>, transpose_lhs_hint = false} : vector<10000x64xf32>, vector<64x64xf32>, vector<10000x64xf32> -> vector<10000x64xf32>
    %get3A_16 = arith.constant 0 : index
    %get3A_17 = arith.constant 0 : index
    %get3A_18 = vector.load %arg8[%get3A_16, %get3A_17] : memref<1x64xf32, #tpu.memory_space<vmem>>, vector<1x64xf32>
    %add3A_19 = vector.broadcast %get3A_18 : vector<1x64xf32> to vector<10000x64xf32>
    %add3A_20 = arith.addf %dot_general3A_15, %add3A_19 : vector<10000x64xf32>
    %get3A_21 = arith.constant 0 : index
    %get3A_22 = arith.constant 0 : index
    %get3A_23 = vector.load %arg5[%get3A_21, %get3A_22] : memref<64x64xf32, #tpu.memory_space<vmem>>, vector<64x64xf32>
    %dot_general3A_24 = arith.constant dense<0.000000e+00> : vector<10000x64xf32>
    %dot_general3A_25 = tpu.matmul %get3A_11, %get3A_23, %dot_general3A_24 {dimension_numbers = #tpu.dot_dimension_numbers<[1], [1], [0], [0], [0, 0, 1, 0], [], []>, transpose_lhs_hint = false} : vector<10000x64xf32>, vector<64x64xf32>, vector<10000x64xf32> -> vector<10000x64xf32>
    %add3A_26 = arith.addf %add3A_20, %dot_general3A_25 : vector<10000x64xf32>
    %get3A_27 = arith.constant 0 : index
    %get3A_28 = arith.constant 0 : index
    %get3A_29 = vector.load %arg11[%get3A_27, %get3A_28] : memref<1x64xf32, #tpu.memory_space<vmem>>, vector<1x64xf32>
    %add3A_30 = vector.broadcast %get3A_29 : vector<1x64xf32> to vector<10000x64xf32>
    %add3A_31 = arith.addf %add3A_26, %add3A_30 : vector<10000x64xf32>
    %logistic3A = arith.negf %add3A_31 : vector<10000x64xf32>
    %logistic3A_32 = math.exp %logistic3A : vector<10000x64xf32>
    %logistic3A_33 = arith.constant 1.000000e+00 : f32
    %logistic3A_34 = vector.broadcast %logistic3A_33 : f32 to vector<10000x64xf32>
    %logistic3A_35 = arith.addf %logistic3A_34, %logistic3A_32 : vector<10000x64xf32>
    %logistic3A_36 = arith.divf %logistic3A_34, %logistic3A_35 : vector<10000x64xf32>
    %get3A_37 = arith.constant 0 : index
    %get3A_38 = arith.constant 0 : index
    %get3A_39 = vector.load %arg3[%get3A_37, %get3A_38] : memref<64x64xf32, #tpu.memory_space<vmem>>, vector<64x64xf32>
    %dot_general3A_40 = arith.constant dense<0.000000e+00> : vector<10000x64xf32>
    %dot_general3A_41 = tpu.matmul %add3A, %get3A_39, %dot_general3A_40 {dimension_numbers = #tpu.dot_dimension_numbers<[1], [1], [0], [0], [0, 0, 1, 0], [], []>, transpose_lhs_hint = false} : vector<10000x64xf32>, vector<64x64xf32>, vector<10000x64xf32> -> vector<10000x64xf32>
    %get3A_42 = arith.constant 0 : index
    %get3A_43 = arith.constant 0 : index
    %get3A_44 = vector.load %arg9[%get3A_42, %get3A_43] : memref<1x64xf32, #tpu.memory_space<vmem>>, vector<1x64xf32>
    %add3A_45 = vector.broadcast %get3A_44 : vector<1x64xf32> to vector<10000x64xf32>
    %add3A_46 = arith.addf %dot_general3A_41, %add3A_45 : vector<10000x64xf32>
    %get3A_47 = arith.constant 0 : index
    %get3A_48 = arith.constant 0 : index
    %get3A_49 = vector.load %arg6[%get3A_47, %get3A_48] : memref<64x64xf32, #tpu.memory_space<vmem>>, vector<64x64xf32>
    %dot_general3A_50 = arith.constant dense<0.000000e+00> : vector<10000x64xf32>
    %dot_general3A_51 = tpu.matmul %get3A_11, %get3A_49, %dot_general3A_50 {dimension_numbers = #tpu.dot_dimension_numbers<[1], [1], [0], [0], [0, 0, 1, 0], [], []>, transpose_lhs_hint = false} : vector<10000x64xf32>, vector<64x64xf32>, vector<10000x64xf32> -> vector<10000x64xf32>
    %add3A_52 = arith.addf %add3A_46, %dot_general3A_51 : vector<10000x64xf32>
    %get3A_53 = arith.constant 0 : index
    %get3A_54 = arith.constant 0 : index
    %get3A_55 = vector.load %arg12[%get3A_53, %get3A_54] : memref<1x64xf32, #tpu.memory_space<vmem>>, vector<1x64xf32>
    %add3A_56 = vector.broadcast %get3A_55 : vector<1x64xf32> to vector<10000x64xf32>
    %add3A_57 = arith.addf %add3A_52, %add3A_56 : vector<10000x64xf32>
    %logistic3A_58 = arith.negf %add3A_57 : vector<10000x64xf32>
    %logistic3A_59 = math.exp %logistic3A_58 : vector<10000x64xf32>
    %logistic3A_60 = arith.constant 1.000000e+00 : f32
    %logistic3A_61 = vector.broadcast %logistic3A_60 : f32 to vector<10000x64xf32>
    %logistic3A_62 = arith.addf %logistic3A_61, %logistic3A_59 : vector<10000x64xf32>
    %logistic3A_63 = arith.divf %logistic3A_61, %logistic3A_62 : vector<10000x64xf32>
    %get3A_64 = arith.constant 0 : index
    %get3A_65 = arith.constant 0 : index
    %get3A_66 = vector.load %arg4[%get3A_64, %get3A_65] : memref<64x64xf32, #tpu.memory_space<vmem>>, vector<64x64xf32>
    %dot_general3A_67 = arith.constant dense<0.000000e+00> : vector<10000x64xf32>
    %dot_general3A_68 = tpu.matmul %add3A, %get3A_66, %dot_general3A_67 {dimension_numbers = #tpu.dot_dimension_numbers<[1], [1], [0], [0], [0, 0, 1, 0], [], []>, transpose_lhs_hint = false} : vector<10000x64xf32>, vector<64x64xf32>, vector<10000x64xf32> -> vector<10000x64xf32>
    %get3A_69 = arith.constant 0 : index
    %get3A_70 = arith.constant 0 : index
    %get3A_71 = vector.load %arg10[%get3A_69, %get3A_70] : memref<1x64xf32, #tpu.memory_space<vmem>>, vector<1x64xf32>
    %add3A_72 = vector.broadcast %get3A_71 : vector<1x64xf32> to vector<10000x64xf32>
    %add3A_73 = arith.addf %dot_general3A_68, %add3A_72 : vector<10000x64xf32>
    %get3A_74 = arith.constant 0 : index
    %get3A_75 = arith.constant 0 : index
    %get3A_76 = vector.load %arg7[%get3A_74, %get3A_75] : memref<64x64xf32, #tpu.memory_space<vmem>>, vector<64x64xf32>
    %dot_general3A_77 = arith.constant dense<0.000000e+00> : vector<10000x64xf32>
    %dot_general3A_78 = tpu.matmul %get3A_11, %get3A_76, %dot_general3A_77 {dimension_numbers = #tpu.dot_dimension_numbers<[1], [1], [0], [0], [0, 0, 1, 0], [], []>, transpose_lhs_hint = false} : vector<10000x64xf32>, vector<64x64xf32>, vector<10000x64xf32> -> vector<10000x64xf32>
    %get3A_79 = arith.constant 0 : index
    %get3A_80 = arith.constant 0 : index
    %get3A_81 = vector.load %arg13[%get3A_79, %get3A_80] : memref<1x64xf32, #tpu.memory_space<vmem>>, vector<1x64xf32>
    %add3A_82 = vector.broadcast %get3A_81 : vector<1x64xf32> to vector<10000x64xf32>
    %add3A_83 = arith.addf %dot_general3A_78, %add3A_82 : vector<10000x64xf32>
    %mul3A = arith.mulf %logistic3A_36, %add3A_83 : vector<10000x64xf32>
    %add3A_84 = arith.addf %add3A_73, %mul3A : vector<10000x64xf32>
    %tanh3A = math.tanh %add3A_84 : vector<10000x64xf32>
    %sub3A = arith.constant 1.000000e+00 : f32
    %sub3A_85 = vector.broadcast %sub3A : f32 to vector<10000x64xf32>
    %sub3A_86 = arith.subf %sub3A_85, %logistic3A_63 : vector<10000x64xf32>
    %mul3A_87 = arith.mulf %sub3A_86, %tanh3A : vector<10000x64xf32>
    %mul3A_88 = arith.mulf %logistic3A_63, %get3A_11 : vector<10000x64xf32>
    %add3A_89 = arith.addf %mul3A_87, %mul3A_88 : vector<10000x64xf32>
    %max3A = arith.constant 0.000000e+00 : f32
    %max3A_90 = vector.broadcast %max3A : f32 to vector<10000x64xf32>
    %max3A_91 = arith.maximumf %add3A_89, %max3A_90 : vector<10000x64xf32>
    %swap3A = arith.constant 0 : index
    %swap3A_92 = arith.constant 0 : index
    %swap3A_93 = vector.load %arg15[%swap3A, %swap3A_92] : memref<10000x64xf32, #tpu.memory_space<vmem>>, vector<10000x64xf32>
    tpu.vector_store %arg15[%swap3A, %swap3A_92], %max3A_91 {strides = array<i32>} : memref<10000x64xf32, #tpu.memory_space<vmem>>, vector<10000x64xf32>,
    %get3A_94 = arith.constant 0 : index
    %get3A_95 = arith.constant 0 : index
    %get3A_96 = vector.load %arg14[%get3A_94, %get3A_95] : memref<64x64xf32, #tpu.memory_space<vmem>>, vector<64x64xf32>
    %dot_general3A_97 = arith.constant dense<0.000000e+00> : vector<10000x64xf32>
    %dot_general3A_98 = tpu.matmul %max3A_91, %get3A_96, %dot_general3A_97 {dimension_numbers = #tpu.dot_dimension_numbers<[1], [0], [0], [1], [0, 0, 1, 1], [], []>, transpose_lhs_hint = false} : vector<10000x64xf32>, vector<64x64xf32>, vector<10000x64xf32> -> vector<10000x64xf32>
    %swap3A_99 = arith.constant 0 : index
    %swap3A_100 = arith.constant 0 : index
    %swap3A_101 = vector.load %arg16[%swap3A_99, %swap3A_100] : memref<10000x64xf32, #tpu.memory_space<vmem>>, vector<10000x64xf32>
    tpu.vector_store %arg16[%swap3A_99, %swap3A_100], %dot_general3A_98 {strides = array<i32>} : memref<10000x64xf32, #tpu.memory_space<vmem>>, vector<10000x64xf32>,
    return
  }
}

module attributes {stable_mosaic.version = 14 : i64} {
  func.func @_pool_body(%arg0: memref<10000x64xf32, #tpu.memory_space<vmem>>, %arg1: memref<10000x1xi32, #tpu.memory_space<vmem>>, %arg2: memref<64x64xf32, #tpu.memory_space<vmem>>, %arg3: memref<64x1xf32, #tpu.memory_space<vmem>>, %arg4: memref<32x64xf32, #tpu.memory_space<vmem>>, %arg5: memref<32x1xf32, #tpu.memory_space<vmem>>, %arg6: memref<1x32xf32, #tpu.memory_space<vmem>>, %arg7: memref<1x1xf32, #tpu.memory_space<vmem>>, %arg8: memref<1x256xf32, #tpu.memory_space<vmem>>) attributes {dimension_semantics = [], scalar_prefetch = 0 : i64, scratch_operands = 0 : i64, tpu.core_type = #tpu.core_type<tc>} {
    %get3A = arith.constant 0 : index
    %get3A_0 = arith.constant 0 : index
    %get3A_1 = vector.load %arg0[%get3A, %get3A_0] : memref<10000x64xf32, #tpu.memory_space<vmem>>, vector<10000x64xf32>
    %iota3A = tpu.iota {dimensions = array<i32: 1>} : vector<10000x256xi32>
    %get3A_2 = arith.constant 0 : index
    %get3A_3 = arith.constant 0 : index
    %get3A_4 = vector.load %arg1[%get3A_2, %get3A_3] : memref<10000x1xi32, #tpu.memory_space<vmem>>, vector<10000x1xi32>
    %eq3A = vector.broadcast %get3A_4 : vector<10000x1xi32> to vector<10000x256xi32>
    %eq3A_5 = arith.cmpi eq, %eq3A, %iota3A : vector<10000x256xi32>
    %convert_element_type3A = arith.extui %eq3A_5 : vector<10000x256xi1> to vector<10000x256xi32>
    %convert_element_type3A_6 = arith.sitofp %convert_element_type3A : vector<10000x256xi32> to vector<10000x256xf32>
    %dot_general3A = arith.constant dense<0.000000e+00> : vector<64x256xf32>
    %dot_general3A_7 = tpu.matmul %get3A_1, %convert_element_type3A_6, %dot_general3A {dimension_numbers = #tpu.dot_dimension_numbers<[0], [0], [1], [1], [0, 1, 1, 1], [], []>, transpose_lhs_hint = false} : vector<10000x64xf32>, vector<10000x256xf32>, vector<64x256xf32> -> vector<64x256xf32>
    %reduce_sum3A = arith.constant dense<0.000000e+00> : vector<256xf32>
    %reduce_sum3A_8 = vector.multi_reduction <add>, %convert_element_type3A_6, %reduce_sum3A [0] : vector<10000x256xf32> to vector<256xf32>
    %broadcast_in_dim3A = vector.shape_cast %reduce_sum3A_8 : vector<256xf32> to vector<1x256xf32>
    %max3A = arith.constant 1.000000e+00 : f32
    %max3A_9 = vector.broadcast %max3A : f32 to vector<1x256xf32>
    %max3A_10 = arith.maximumf %broadcast_in_dim3A, %max3A_9 : vector<1x256xf32>
    %div3A = vector.broadcast %max3A_10 : vector<1x256xf32> to vector<64x256xf32>
    %div3A_11 = arith.divf %dot_general3A_7, %div3A : vector<64x256xf32>
    %get3A_12 = arith.constant 0 : index
    %get3A_13 = arith.constant 0 : index
    %get3A_14 = vector.load %arg2[%get3A_12, %get3A_13] : memref<64x64xf32, #tpu.memory_space<vmem>>, vector<64x64xf32>
    %dot_general3A_15 = arith.constant dense<0.000000e+00> : vector<64x256xf32>
    %dot_general3A_16 = tpu.matmul %get3A_14, %div3A_11, %dot_general3A_15 {dimension_numbers = #tpu.dot_dimension_numbers<[1], [0], [0], [1], [0, 0, 1, 1], [], []>, transpose_lhs_hint = false} : vector<64x64xf32>, vector<64x256xf32>, vector<64x256xf32> -> vector<64x256xf32>
    %get3A_17 = arith.constant 0 : index
    %get3A_18 = arith.constant 0 : index
    %get3A_19 = vector.load %arg3[%get3A_17, %get3A_18] : memref<64x1xf32, #tpu.memory_space<vmem>>, vector<64x1xf32>
    %add3A = vector.broadcast %get3A_19 : vector<64x1xf32> to vector<64x256xf32>
    %add3A_20 = arith.addf %dot_general3A_16, %add3A : vector<64x256xf32>
    %get3A_21 = arith.constant 0 : index
    %get3A_22 = arith.constant 0 : index
    %get3A_23 = vector.load %arg4[%get3A_21, %get3A_22] : memref<32x64xf32, #tpu.memory_space<vmem>>, vector<32x64xf32>
    %dot_general3A_24 = arith.constant dense<0.000000e+00> : vector<32x256xf32>
    %dot_general3A_25 = tpu.matmul %get3A_23, %add3A_20, %dot_general3A_24 {dimension_numbers = #tpu.dot_dimension_numbers<[1], [0], [0], [1], [0, 0, 1, 1], [], []>, transpose_lhs_hint = false} : vector<32x64xf32>, vector<64x256xf32>, vector<32x256xf32> -> vector<32x256xf32>
    %get3A_26 = arith.constant 0 : index
    %get3A_27 = arith.constant 0 : index
    %get3A_28 = vector.load %arg5[%get3A_26, %get3A_27] : memref<32x1xf32, #tpu.memory_space<vmem>>, vector<32x1xf32>
    %add3A_29 = vector.broadcast %get3A_28 : vector<32x1xf32> to vector<32x256xf32>
    %add3A_30 = arith.addf %dot_general3A_25, %add3A_29 : vector<32x256xf32>
    %get3A_31 = arith.constant 0 : index
    %get3A_32 = arith.constant 0 : index
    %get3A_33 = vector.load %arg6[%get3A_31, %get3A_32] : memref<1x32xf32, #tpu.memory_space<vmem>>, vector<1x32xf32>
    %dot_general3A_34 = arith.constant dense<0.000000e+00> : vector<1x256xf32>
    %dot_general3A_35 = tpu.matmul %get3A_33, %add3A_30, %dot_general3A_34 {dimension_numbers = #tpu.dot_dimension_numbers<[1], [0], [0], [1], [0, 0, 1, 1], [], []>, transpose_lhs_hint = false} : vector<1x32xf32>, vector<32x256xf32>, vector<1x256xf32> -> vector<1x256xf32>
    %get3A_36 = arith.constant 0 : index
    %get3A_37 = arith.constant 0 : index
    %get3A_38 = vector.load %arg7[%get3A_36, %get3A_37] : memref<1x1xf32, #tpu.memory_space<vmem>>, vector<1x1xf32>
    %add3A_39 = vector.broadcast %get3A_38 : vector<1x1xf32> to vector<1x256xf32>
    %add3A_40 = arith.addf %dot_general3A_35, %add3A_39 : vector<1x256xf32>
    %logistic3A = arith.negf %add3A_40 : vector<1x256xf32>
    %logistic3A_41 = math.exp %logistic3A : vector<1x256xf32>
    %logistic3A_42 = arith.constant 1.000000e+00 : f32
    %logistic3A_43 = vector.broadcast %logistic3A_42 : f32 to vector<1x256xf32>
    %logistic3A_44 = arith.addf %logistic3A_43, %logistic3A_41 : vector<1x256xf32>
    %logistic3A_45 = arith.divf %logistic3A_43, %logistic3A_44 : vector<1x256xf32>
    %swap3A = arith.constant 0 : index
    %swap3A_46 = arith.constant 0 : index
    %swap3A_47 = vector.load %arg8[%swap3A, %swap3A_46] : memref<1x256xf32, #tpu.memory_space<vmem>>, vector<1x256xf32>
    tpu.vector_store %arg8[%swap3A, %swap3A_46], %logistic3A_45 {strides = array<i32>} : memref<1x256xf32, #tpu.memory_space<vmem>>, vector<1x256xf32>,
    return
  }
}

</mosaic_0001>

<sc_bundles>
// kernel: kernel.20.cloned.1.call-start
scs
__scs_entry_jumppad:
0x0: {  	(pc) =	sbr.rel $0x88, $3  }
0x1: {  	(tag) =	ssettag $0x0;
	lr =	simm.s32 $0x1  }
0x2: {  	[smem:$0x3F91] =	sst lr;
	_ =	strace $0xD0000000  }
0x3: {  	_ = 	snop  }
0x4: {  	_ = 	snop  }
0x5: {  	_ = 	snop  }
0x6: {  	_ = 	snop  }
0x7: {  	_ = 	snop  }
__scs_overlays_trampoline_lowered:
0x8: {  	[smem:$0x3FA0] =	sst s0  }
0x9: {  	[smem:$0x3FA1] =	sst s1  }
0xa: {  	[smem:$0x3FA2] =	sst s2  }
0xb: {  	[smem:$0x3FA3] =	sst s3  }
0xc: {  	[smem:$0x3FA4] =	sst s4  }
0xd: {  	[smem:$0x3FA5] =	sst s5  }
0xe: {  	[smem:$0x3FA6] =	sst s6  }
0xf: {  	[smem:$0x3FA7] =	sst s7  }
0x10: {  	[smem:$0x3FA8] =	sst s8  }
0x11: {  	[smem:$0x3FA9] =	sst s9;
	s0 =	simm.s32 @!p0 $0x0  }
0x12: {  	s1 =	sld [smem:$0x3F8F];
	s0 =	simm.s32 @p0 $0x1  }
0x13: {  	[smem:$0x3FAA] =	sst s0;
	s0 =	simm.s32 @!p1 $0x0  }
0x14: {  	s2 =	sld [smem:$0x3F8E];
	s0 =	simm.s32 @p1 $0x1  }
0x15: {  	[smem:$0x3FAB] =	sst s0;
	s0 =	simm.s32 @!p2 $0x0  }
0x16: {  	s3 =	sld [smem:$0x3FDB];
	s0 =	simm.s32 @p2 $0x1  }
0x17: {  	s4 =	simm.s32 $0x1BF5;
	[smem:$0x3FAD] =	sst s0  }
0x18: {  	s0 =	sld [smem:$0x3F90];
	_ =	swait.ge [sflag:s4], $0x0  }
0x19: {  	s7 =	sld [smem:$0x3F91]  }
0x1a: {  	s8 =	sadd.s32 $0xFFFFE003, lr  }
0x1b: {  	s9 =	sadd.s32 $0xFFFFFEF7, lr;
	s5 =	simm.s32 $0xFFFFFFFF;
	p2 =	slt.u32 s8, $0xFFFFF086  }
0x1c: {  	p1 =	slt.u32 s9, $0xF7A;
	s5 =	simm.s32 @!p2 $0x0  }
0x1d: {  	s5 =	simm.s32 @p1 $0x1;
	p0 =	seq.s32 s7, s2  }
0x1e: {  	s7 =	smul.u32 @!p0 $0xF7A, s2;
	p2 =	seq.s32 @!p0 s5, $0x0  }
0x1f: {  	s9 =	smul.u32 $0xF7A, s1;
	s8 =	simm.s32 @!p0 $0x1BF5;
	p2 =	por !p2, p0  }
0x20: {  	[sflag:s8] =	ssyncset.s32 @!p0 $0xFFFFF086;
	s6 =	sadd.s32 @!p0 s3, s7;
	s7 =	simm.s32 @!p0 $0x108  }
0x21: {  	s3 =	sadd.s32 s3, s9;
	s6 =	sadd.s32 @!p0 $0x88, s6;
	s7 =	simm.s32 @p2 $0x1082  }
0x22: {  	[simem:s7], [sflag:s8] =	dma.local @!p0 [hbm:s6], $0xF7A  }
0x23: {  	s9 =	sor.u32 $0xD0000000, s2;
	s6 =	simm.s32 $0x108;
	_ =	swait.ge @!p0 [sflag:s8], $0x0  }
0x24: {  	s3 =	sadd.s32 $0x88, s3;
	s6 =	simm.s32 @!p1 $0x1082;
	[sflag:s4] =	ssyncset.s32 $0xFFFFF086  }
0x25: {  	[simem:s6], [sflag:s4] =	dma.local [hbm:s3], $0xF7A  }
0x26: {  	[smem:$0x3F91] =	sst s1;
	(tag) =	ssettag s2;
	_ =	strace s9  }
0x27: {  	s1 =	sld [smem:$0x3FA1]  }
0x28: {  	s2 =	sld [smem:$0x3FA2]  }
0x29: {  	s4 =	sld [smem:$0x3FA4]  }
0x2a: {  	p0 =	seq.s32 s5, $0x0;
	s5 =	sld [smem:$0x3FA5]  }
0x2b: {  	s6 =	sld [smem:$0x3FA6]  }
0x2c: {  	s7 =	sld [smem:$0x3FA7]  }
0x2d: {  	s3 =	simm.s32 $0x108;
	s8 =	sld [smem:$0x3FA8]  }
0x2e: {  	s3 =	simm.s32 @!p0 $0x1082;
	s9 =	sld [smem:$0x3FA9]  }
0x2f: {  	lr =	sadd.s32 s0, s3;
	s0 =	sld [smem:$0x3FA0]  }
0x30: {  	s3 =	sld [smem:$0x3FA3]  }
0x31: {  	[smem:$0x3FAC] =	sst s10  }
0x32: {  	s10 =	sld [smem:$0x3FAA];
	_ =	sdelay $0x3  }
0x33: {  	p0 =	seq.s32 s10, $0x1;
	s10 =	sld [smem:$0x3FAC];
	_ =	sdelay $0x3  }
0x34: {  	[smem:$0x3FAC] =	sst s10  }
0x35: {  	s10 =	sld [smem:$0x3FAB];
	_ =	sdelay $0x3  }
0x36: {  	p1 =	seq.s32 s10, $0x1;
	s10 =	sld [smem:$0x3FAC];
	_ =	sdelay $0x3  }
0x37: {  	[smem:$0x3FAC] =	sst s10  }
0x38: {  	s10 =	sld [smem:$0x3FAD]  }
0x39: {  	_ = 	snop;
	(pc) =	sbr.ind lr, $3  }
0x3a: {  	_ = 	snop  }
0x3b: {  	_ = 	snop  }
0x3c: {  	p2 =	seq.s32 s10, $0x1;
	s10 =	sld [smem:$0x3FAC]  }
0x3d: {  	_ =	shalt  }
0x3e: {  	_ =	shalt  }
0x3f: {  	_ =	shalt  }
0x40: {  	_ =	shalt  }
0x41: {  	_ =	shalt  }
0x42: {  	_ =	shalt  }
0x43: {  	_ =	shalt  }
0x44: {  	_ =	shalt  }
0x45: {  	_ =	shalt  }
0x46: {  	_ =	shalt  }
0x47: {  	_ =	shalt  }
0x48: {  	_ =	shalt  }
0x49: {  	_ =	shalt  }
0x4a: {  	_ =	shalt  }
0x4b: {  	_ =	shalt  }
0x4c: {  	_ =	shalt  }
0x4d: {  	_ =	shalt  }
0x4e: {  	_ =	shalt  }
0x4f: {  	_ =	shalt  }
0x50: {  	_ =	shalt  }
0x51: {  	_ =	shalt  }
0x52: {  	_ =	shalt  }
0x53: {  	_ =	shalt  }
0x54: {  	_ =	shalt  }
0x55: {  	_ =	shalt  }
0x56: {  	_ =	shalt  }
0x57: {  	_ =	shalt  }
0x58: {  	_ =	shalt  }
0x59: {  	_ =	shalt  }
0x5a: {  	_ =	shalt  }
0x5b: {  	_ =	shalt  }
0x5c: {  	_ =	shalt  }
0x5d: {  	_ =	shalt  }
0x5e: {  	_ =	shalt  }
0x5f: {  	_ =	shalt  }
0x60: {  	_ =	shalt  }
0x61: {  	_ =	shalt  }
0x62: {  	_ =	shalt  }
0x63: {  	_ =	shalt  }
0x64: {  	_ =	shalt  }
0x65: {  	_ =	shalt  }
0x66: {  	_ =	shalt  }
0x67: {  	_ =	shalt  }
0x68: {  	_ =	shalt  }
0x69: {  	_ =	shalt  }
0x6a: {  	_ =	shalt  }
0x6b: {  	_ =	shalt  }
0x6c: {  	_ =	shalt  }
0x6d: {  	_ =	shalt  }
0x6e: {  	_ =	shalt  }
0x6f: {  	_ =	shalt  }
0x70: {  	_ =	shalt  }
0x71: {  	_ =	shalt  }
0x72: {  	_ =	shalt  }
0x73: {  	_ =	shalt  }
0x74: {  	_ =	shalt  }
0x75: {  	_ =	shalt  }
0x76: {  	_ =	shalt  }
0x77: {  	_ =	shalt  }
0x78: {  	_ =	shalt  }
0x79: {  	_ =	shalt  }
0x7a: {  	_ =	shalt  }
0x7b: {  	_ =	shalt  }
0x7c: {  	_ =	shalt  }
0x7d: {  	_ =	shalt  }
0x7e: {  	_ =	shalt  }
0x7f: {  	_ =	shalt  }
0x80: {  	_ =	shalt  }
0x81: {  	_ =	shalt  }
0x82: {  	_ =	shalt  }
0x83: {  	_ =	shalt  }
0x84: {  	_ =	shalt  }
0x85: {  	_ =	shalt  }
0x86: {  	_ =	shalt  }
0x87: {  	_ =	shalt  }
.Lfunc_end0:
.L_simem_size_0:
called_computation_lowered:
.L_overlay_start_0:
0x88: {  	s2 =	sld [smem:$0x3FD9]  }
0x89: {  	s3 =	sld [smem:$0x3FFE];
	_ =	sdelay $0x1  }
0x8a: {  	s1 =	srdreg.scid  }
0x8b: {  	s0 =	sand.u32 $0x1, s1  }
0x8c: {  	s16 =	sshll.u32 s0, $0xA;
	s2 =	sadd.s32 s3, s2  }
0x8d: {  	s2 =	sadd.s32 s2, s16  }
0x8e: {  	[smem:$0x3FB8] =	sst s2  }
0x8f: {  	_ = 	snop  }
0x90: {  	(tm) =	ssettm $0x1  }
0x91: {  	s17 =	sld [smem:$0x3FFB];
	_ =	sdelay $0x3  }
0x92: {  	_ =	strace s17  }
0x93: {  	s2 =	sld [smem:$0x3FFC];
	_ =	sdelay $0x3  }
0x94: {  	_ =	strace s2  }
0x95: {  	s2 =	sld [smem:$0x3FFD];
	_ =	sdelay $0x3  }
0x96: {  	_ =	strace s2  }
0x97: {  	_ =	strace $0x8FFFFFFF  }
0x98: {  	s18 =	sld [smem:$0x3FDB];
	_ =	sdelay $0x1  }
0x99: {  	s19 =	simm.s32 $_scs_section_size  }
0x9a: {  	s4 =	simm.s32 $_size__tile_overlayer_lowered;
	s5 =	simm.s32 $_tile_overlayer_lowered  }
0x9b: {  	s22 =	simm.s32 $0x1BFF;
	s21 =	sshll.u32 s5, $0x1;
	s2 =	sadd.s32 s19, s18  }
0x9c: {  	s6 =	simm.s32 $0x0;
	s20 =	sshll.u32 s4, $0x1;
	s4 =	sadd.s32 s21, s2  }
0x9d: {  	[timem:s6], [sflag:s22] =	dma.local [hbm:s4], s20  }
0x9e: {  	_ =	swait.ge [sflag:s22], s20  }
0x9f: {  	s3 =	ssub.s32 $0x0, s20;
	[sflag:s22] =	ssyncset.done $0x0  }
0xa0: {  	[sflag:s22] =	ssyncadd.s32 s3;
	_ =	sdelay $0x1  }
0xa1: {  	s23 =	simm.s32 $0x1B8B  }
0xa2: {  	_ =	swait.ge [sflag:s23], $0x1  }
0xa3: {  	[sflag:s23] =	ssyncset.done $0x0  }
0xa4: {  	s25 =	simm.s32 $0x1B8E;
	s24 =	sld [smem:$0x3FFE];
	[sflag:s23] =	ssyncadd.s32 $0xFFFFFFFF  }
0xa5: {  	s26 =	simm.s32 $execute0_lowered;
	[smem:$0x3FD2] =	sst s25  }
0xa6: {  	s4 =	sshll.u32 s26, $0x1;
	_ =	strace $0x80000046;
	[dreg:$0x1] =	wrdreg $0xFFFFFFFF  }
0xa7: {  	s28 =	simm.s32 $_size_execute0_lowered;
	s2 =	sadd.s32 s2, s4;
	[dreg:$0x0] =	wrdreg $0x0  }
0xa8: {  	s4 =	sshll.u32 s28, $0x1;
	[dreg:$0x2] =	wrdreg s2  }
0xa9: {  	[dreg:$0x3] =	wrdreg s4  }
0xaa: {  	[dreg:$0x4] =	wrdreg $0xC0  }
0xab: {  	_ =	task [dreg:s6], $0x5FFFF  }
0xac: {  	[dreg:$0x1] =	wrdreg $0xFFFFFFFF  }
0xad: {  	[dreg:$0x0] =	wrdreg $0x60  }
0xae: {  	[dreg:$0x2] =	wrdreg s24  }
0xaf: {  	[dreg:$0x3] =	wrdreg $0x8F000  }
0xb0: {  	[dreg:$0x4] =	wrdreg $0x9  }
0xb1: {  	_ =	task.clear_ibuf [dreg:s6], $0x5FFFF;
	_ =	strace $0x90000046  }
0xb2: {  	s29 =	simm.s32 $0x9;
	_ =	strace $0x80000048  }
0xb3: {  	_ =	swait.ge [sflag:s29], $0x1  }
0xb4: {  	[sflag:s29] =	ssyncadd.s32 $0xFFFFFFFF  }
0xb5: {  	_ =	strace $0x90000048  }
0xb6: {  	_ =	sfence  }
0xb7: {  	s30 =	sld [smem:$0x0];
	_ =	sdelay $0x2  }
0xb8: {  	s31 =	sshll.u32 s1, $0xD;
	s1 =	sshrl.u32 s1, $0x2  }
0xb9: {  	s3 =	sand.u32 $0x4000, s31;
	s1 =	sadd.s32 s1, s30  }
0xba: {  	s0 =	sor.u32 s3, s0;
	s1 =	sshll.u32 s1, $0x11  }
0xbb: {  	s0 =	sor.u32 s1, s0  }
0xbc: {  	s0 =	sadd.s32 $0x8F2B, s0  }
0xbd: {  	[sflag:s0] =	ssyncadd.remote.s32 $0x1  }
0xbe: {  	_ =	sfence.sel $0xFFFF  }
0xbf: {  	[dreg:$0x0] =	wrdreg $0xFFFFFFFF;
	(pc) =	sbr.abs _section_cstart, $3  }
0xc0: {  	[dreg:$0x1] =	wrdreg $0xFFFFFFFF  }
0xc1: {  	_ =	task.clear_ibuf [dreg:s6], $0x2FFFF;
	_ =	strace $0x9FFFFFFF  }
0xc2: {  	(tm) =	ssettm $0x7FFFFFFF  }
0xc3: {  	_ =	shalt  }
tec
execute0_lowered:
.L_overlay_start_1:
0x0: {  	(tag) =	ssettag $0x1  }
0x1: {  	s6 =	rddreg [dreg:$0x0]  }
0x2: {  	s0 =	srdreg.scid;
	s2 =	rddreg [dreg:$0x1];
	s3 =	simm.s32 $0x0  }
0x3: {  	s14 =	simm.s32 $0x80;
	s15 =	simm.s32 $0x4F00;
	s16 =	simm.s32 $0x6F00  }
0x4: {  	s17 =	simm.s32 $0x1;
	s18 =	simm.s32 $0x2;
	s19 =	simm.s32 $0x4D80  }
0x5: {  	s20 =	simm.s32 $0x2700;
	s21 =	simm.s32 $0x4E00;
	s22 =	simm.s32 $0x4E80  }
0x6: {  	s23 =	simm.s32 $0x0;
	s5 =	sand.u32 $0x1, s0;
	s0 =	stileid.u32  }
0x7: {  	[smem:$0x7FF] =	sst s3;
	s1 =	sshll.u32 s5, $0x4;
	s8 =	smul.u32 $0xA000, s0  }
0x8: {  	s7 =	smul.u32 $0xA0000, s5;
	s10 =	ssub.s32 $0x2, s5;
	s5 =	sadd.s32 $0x2EA00, s6  }
0x9: {  	s12 =	sshll.u32 s0, $0x6;
	s1 =	sor.u32 s0, s1;
	s31 =	sshrl.u32 s10, $0x1  }
0xa: {  	s12 =	sor.u32 $0x1C03, s12;
	s4 =	smul.u32 $0x4F0, s1;
	s1 =	rddreg [dreg:$0x2]  }
0xb: {  	_ =	strace $0x80000047;
	s7 =	sadd.s32 s8, s7;
	s13 =	sadd.s32 s8, s2  }
0xc: {  	s10 =	ssub.s32 s10, s31;
	s7 =	sshrl.u32 s7, $0x3;
	s13 =	sshrl.u32 s13, $0x3  }
0xd: {  	s9 =	sadd.s32 s4, s6;
	s4 =	sadd.s32 $0x7400, s6;
	s11 =	sadd.s32 s7, s6  }
0xe: {  	s6 =	sadd.s32 $0x24C00, s9;
	s7 =	sadd.s32 $0x1AE00, s9;
	s8 =	sadd.s32 $0x2FE00, s11  }
0xf: {  	s9 =	smax.u32 s10, $0x1;
	s10 =	simm.s32 $0x3;
	s11 =	simm.s32 $0x2780  }
.LBB2_1:
0x10: {  	[tilespmem:s3], [sflag:$0x3] =	stream.linear.gather [hbm4b:s6+s3], $0x2780, $0x38;
	[tilespmem:$0x12F00] =	vst v63  }
0x11: {  	_ =	swait.ge [sflag:s10], $0x2780  }
0x12: {  	[sflag:s10] =	ssyncset.done $0x0  }
0x13: {  	[sflag:s10] =	ssyncadd.s32 $0xFFFFD880  }
0x14: {  	[tilespmem:s11], [sflag:$0x3] =	stream.linear.gather [hbm4b:s7+s3], $0x2780, $0x38;
	[tilespmem:$0x12F00] =	vst v63  }
0x15: {  	_ =	swait.ge [sflag:s10], $0x2780  }
0x16: {  	[sflag:s10] =	ssyncset.done $0x0  }
0x17: {  	[sflag:s10] =	ssyncadd.s32 $0xFFFFD880  }
0x18: {  	[spmem:s13], [sflag:s12] =	dma.local [hbm:s5], $0x1400  }
0x19: {  	_ =	swait.ge [sflag:s10], $0x1400  }
0x1a: {  	[sflag:s10] =	ssyncset.done $0x0  }
0x1b: {  	[sflag:s10] =	ssyncadd.s32 $0xFFFFEC00  }
0x1c: {  	[bflag:$0x0] =	sbarrier.arrive $0xFFFF  }
0x1d: {  	[tilespmem:s15], [sflag:$0x1] =	stream.indirect.gather [hbm4b:s4+s14], $0x40, s3, s14, $0xb8;
	[tilespmem:$0x12F00] =	vst v63  }
0x1e: {  	_ = 	snop  }
0x1f: {  	[tilespmem:s16], [sflag:$0x2] =	stream.indirect.gather [hbm4b:s4+s14], $0x40, s14, s14, $0xb8;
	[tilespmem:$0x12F00] =	vst v63  }
0x20: {  	_ =	swait.ge [sflag:s17], $0x2000  }
0x21: {  	[sflag:s17] =	ssyncset.done $0x0  }
0x22: {  	s24 =	simm.s32 $0x2780;
	[sflag:s17] =	ssyncadd.s32 $0xFFFFE000  }
0x23: {  	[spmem:s2] =	stream.indirect.scatter.add.f32 [tilespmem:s15], [sflag:$0x3], $0x40, s24, s14, $0xb8;
	[tilespmem:$0x12F00] =	vst v63  }
0x24: {  	_ =	swait.ge [sflag:s10], $0x2000  }
0x25: {  	[sflag:s10] =	ssyncset.done $0x0  }
0x26: {  	s30 =	simm.s32 $0x100;
	[sflag:s10] =	ssyncadd.s32 $0xFFFFE000  }
0x27: {  	[tilespmem:s15], [sflag:$0x1] =	stream.indirect.gather [hbm4b:s4+s14], $0x40, s30, s14, $0xb8;
	[tilespmem:$0x12F00] =	vst v63  }
0x28: {  	_ =	swait.ge [sflag:s18], $0x2000  }
0x29: {  	[sflag:s18] =	ssyncset.done $0x0  }
0x2a: {  	s31 =	simm.s32 $0x2800;
	[sflag:s18] =	ssyncadd.s32 $0xFFFFE000  }
0x2b: {  	[spmem:s2] =	stream.indirect.scatter.add.f32 [tilespmem:s16], [sflag:$0x3], $0x40, s31, s14, $0xb8;
	[tilespmem:$0x12F00] =	vst v63  }
0x2c: {  	_ =	swait.ge [sflag:s10], $0x2000  }
0x2d: {  	[sflag:s10] =	ssyncset.done $0x0  }
0x2e: {  	s25 =	simm.s32 $0x180;
	s24 =	simm.s32 $0x400;
	[sflag:s10] =	ssyncadd.s32 $0xFFFFE000  }
.LBB2_2:
0x2f: {  	[tilespmem:s16], [sflag:$0x2] =	stream.indirect.gather [hbm4b:s4+s14], $0x40, s25, s14, $0xb8;
	[tilespmem:$0x12F00] =	vst v63  }
0x30: {  	s25 =	smov.u32 s24  }
0x31: {  	p0 =	sne.s32 s24, $0x9400;
	s24 =	sadd.s32 $0x400, s24;
	_ =	swait.ge [sflag:s17], $0x2000  }
0x32: {  	s25 =	sshra.s32 s25, $0x2;
	[sflag:s17] =	ssyncset.done $0x0  }
0x33: {  	s26 =	sadd.s32 $0x2780, s25;
	[sflag:s17] =	ssyncadd.s32 $0xFFFFE000  }
0x34: {  	[spmem:s2] =	stream.indirect.scatter.add.f32 [tilespmem:s15], [sflag:$0x3], $0x40, s26, s14, $0xb8;
	[tilespmem:$0x12F00] =	vst v63  }
0x35: {  	_ =	swait.ge [sflag:s10], $0x2000  }
0x36: {  	[sflag:s10] =	ssyncset.done $0x0  }
0x37: {  	s26 =	sadd.s32 $0x100, s25;
	[sflag:s10] =	ssyncadd.s32 $0xFFFFE000  }
0x38: {  	[tilespmem:s15], [sflag:$0x1] =	stream.indirect.gather [hbm4b:s4+s14], $0x40, s26, s14, $0xb8;
	[tilespmem:$0x12F00] =	vst v63  }
0x39: {  	_ =	swait.ge [sflag:s18], $0x2000  }
0x3a: {  	[sflag:s18] =	ssyncset.done $0x0  }
.Ltmp0:
0x3b: {  	s26 =	sadd.s32 $0x2800, s25;
	[sflag:s18] =	ssyncadd.s32 $0xFFFFE000;
	(pc) =	sbr.rel @p0 .LBB2_2-.Ltmp0, $4  }
0x3c: {  	[spmem:s2] =	stream.indirect.scatter.add.f32 [tilespmem:s16], [sflag:$0x3], $0x40, s26, s14, $0xb8;
	[tilespmem:$0x12F00] =	vst v63  }
0x3d: {  	_ =	swait.ge [sflag:s10], $0x2000  }
0x3e: {  	[sflag:s10] =	ssyncset.done $0x0  }
0x3f: {  	s25 =	sadd.s32 $0x180, s25;
	[sflag:s10] =	ssyncadd.s32 $0xFFFFE000  }
0x40: {  	[tilespmem:s16], [sflag:$0x2] =	stream.indirect.gather [hbm4b:s4+s14], $0x40, s25, s14, $0xb8;
	[tilespmem:$0x12F00] =	vst v63  }
0x41: {  	_ =	swait.ge [sflag:s17], $0x2000  }
0x42: {  	[sflag:s17] =	ssyncset.done $0x0  }
0x43: {  	[sflag:s17] =	ssyncadd.s32 $0xFFFFE000  }
0x44: {  	[spmem:s2] =	stream.indirect.scatter.add.f32 [tilespmem:s15], [sflag:$0x3], $0x40, s19, s14, $0xb8;
	[tilespmem:$0x12F00] =	vst v63  }
0x45: {  	_ =	swait.ge [sflag:s10], $0x2000  }
0x46: {  	[sflag:s10] =	ssyncset.done $0x0  }
0x47: {  	[sflag:s10] =	ssyncadd.s32 $0xFFFFE000  }
0x48: {  	[tilespmem:s15], [sflag:$0x1] =	stream.indirect.gather [hbm4b:s4+s14], $0x40, s20, s14, $0xb8;
	[tilespmem:$0x12F00] =	vst v63  }
0x49: {  	_ =	swait.ge [sflag:s18], $0x2000  }
0x4a: {  	[sflag:s18] =	ssyncset.done $0x0  }
0x4b: {  	[sflag:s18] =	ssyncadd.s32 $0xFFFFE000  }
0x4c: {  	[spmem:s2] =	stream.indirect.scatter.add.f32 [tilespmem:s16], [sflag:$0x3], $0x40, s21, s14, $0xb8;
	[tilespmem:$0x12F00] =	vst v63  }
0x4d: {  	_ =	swait.ge [sflag:s10], $0x2000  }
0x4e: {  	[sflag:s10] =	ssyncset.done $0x0  }
0x4f: {  	[sflag:s10] =	ssyncadd.s32 $0xFFFFE000  }
0x50: {  	_ =	swait.ge [sflag:s17], $0x2000  }
0x51: {  	[sflag:s17] =	ssyncset.done $0x0  }
0x52: {  	[sflag:s17] =	ssyncadd.s32 $0xFFFFE000  }
0x53: {  	[spmem:s2] =	stream.indirect.scatter.add.f32 [tilespmem:s15], [sflag:$0x3], $0x40, s22, s14, $0xb8;
	[tilespmem:$0x12F00] =	vst v63  }
0x54: {  	_ =	swait.ge [sflag:s10], $0x2000  }
0x55: {  	s23 =	sadd.s32 $0x1, s23;
	[sflag:s10] =	ssyncset.done $0x0  }
0x56: {  	p0 =	sne.s32 s23, s9;
	[sflag:s10] =	ssyncadd.s32 $0xFFFFE000  }
.Ltmp1:
0x57: {  	[bflag:$0x0] =	sbarrier.arrive $0xFFFF;
	(pc) =	sbr.rel @p0 .LBB2_1-.Ltmp1, $4  }
0x58: {  	[hbm:s8], [sflag:s12] =	dma.local [spmem:s13], $0x1400  }
0x59: {  	_ =	swait.ge [sflag:s10], $0x1400  }
0x5a: {  	[sflag:s10] =	ssyncset.done $0x0  }
0x5b: {  	[sflag:s10] =	ssyncadd.s32 $0xFFFFEC00  }
0x5c: {  	_ =	sfence.sel $0x180000  }
0x5d: {  	[bflag:$0x0] =	sbarrier.arrive $0xFFFF  }
0x5e: {  	p0 =	sne.s32 s0, $0x0;
	_ =	strace $0x90000047  }
0x5f: {  	s0 =	sadd.s32 @!p0 $0x100000, s1;
	[bflag:$0x2] =	sbarrier.arrive $0xFFFF  }
0x60: {  	[sflag:s0] =	ssyncadd.tile.s32 @!p0 $0x1;
	_ =	shalt  }
.Lfunc_end2:
_tile_overlayer_lowered:
.L_overlay_start_2:
0x61: {  	(tag) =	ssettag $0x2  }
0x62: {  	s0 =	rddreg [dreg:$0x0];
	s2 =	stileid.u32  }
0x63: {  	s1 =	rddreg [dreg:$0x1];
	p0 =	sne.s32 s2, $0x0  }
0x64: {  	s3 =	rddreg [dreg:$0x2];
	[bflag:$0x3] =	sbarrier.arrive $0xFFFF;
	s2 =	simm.s32 @!p0 $0x1C03  }
0x65: {  	[timem:s3], [sflag:s2] =	dma.local @!p0 [hbm:s0], s1  }
0x66: {  	s0 =	simm.s32 @!p0 $0x3  }
0x67: {  	_ =	swait.ge @!p0 [sflag:s0], s1  }
0x68: {  	s1 =	ssub.s32 @!p0 $0x0, s1;
	[sflag:s0] =	ssyncset.done @!p0 $0x0  }
0x69: {  	[sflag:s0] =	ssyncadd.s32 @!p0 s1  }
0x6a: {  	[bflag:$0x3] =	sbarrier.arrive $0xFFFF  }
0x6b: {  	_ =	shalt  }

// kernel: kernel.23.cloned.1.call-start
scs
__scs_entry_jumppad:
0x0: {  	(pc) =	sbr.rel $0x88, $3  }
0x1: {  	(tag) =	ssettag $0x0;
	lr =	simm.s32 $0x1  }
0x2: {  	[smem:$0x3F91] =	sst lr;
	_ =	strace $0xD0000000  }
0x3: {  	_ = 	snop  }
0x4: {  	_ = 	snop  }
0x5: {  	_ = 	snop  }
0x6: {  	_ = 	snop  }
0x7: {  	_ = 	snop  }
__scs_overlays_trampoline_lowered:
0x8: {  	[smem:$0x3FA0] =	sst s0  }
0x9: {  	[smem:$0x3FA1] =	sst s1  }
0xa: {  	[smem:$0x3FA2] =	sst s2  }
0xb: {  	[smem:$0x3FA3] =	sst s3  }
0xc: {  	[smem:$0x3FA4] =	sst s4  }
0xd: {  	[smem:$0x3FA5] =	sst s5  }
0xe: {  	[smem:$0x3FA6] =	sst s6  }
0xf: {  	[smem:$0x3FA7] =	sst s7  }
0x10: {  	[smem:$0x3FA8] =	sst s8  }
0x11: {  	[smem:$0x3FA9] =	sst s9;
	s0 =	simm.s32 @!p0 $0x0  }
0x12: {  	s1 =	sld [smem:$0x3F8F];
	s0 =	simm.s32 @p0 $0x1  }
0x13: {  	[smem:$0x3FAA] =	sst s0;
	s0 =	simm.s32 @!p1 $0x0  }
0x14: {  	s2 =	sld [smem:$0x3F8E];
	s0 =	simm.s32 @p1 $0x1  }
0x15: {  	[smem:$0x3FAB] =	sst s0;
	s0 =	simm.s32 @!p2 $0x0  }
0x16: {  	s3 =	sld [smem:$0x3FDB];
	s0 =	simm.s32 @p2 $0x1  }
0x17: {  	s4 =	simm.s32 $0x1BF5;
	[smem:$0x3FAD] =	sst s0  }
0x18: {  	s0 =	sld [smem:$0x3F90];
	_ =	swait.ge [sflag:s4], $0x0  }
0x19: {  	s7 =	sld [smem:$0x3F91]  }
0x1a: {  	s8 =	sadd.s32 $0xFFFFE003, lr  }
0x1b: {  	s9 =	sadd.s32 $0xFFFFFEF7, lr;
	s5 =	simm.s32 $0xFFFFFFFF;
	p2 =	slt.u32 s8, $0xFFFFF086  }
0x1c: {  	p1 =	slt.u32 s9, $0xF7A;
	s5 =	simm.s32 @!p2 $0x0  }
0x1d: {  	s5 =	simm.s32 @p1 $0x1;
	p0 =	seq.s32 s7, s2  }
0x1e: {  	s7 =	smul.u32 @!p0 $0xF7A, s2;
	p2 =	seq.s32 @!p0 s5, $0x0  }
0x1f: {  	s9 =	smul.u32 $0xF7A, s1;
	s8 =	simm.s32 @!p0 $0x1BF5;
	p2 =	por !p2, p0  }
0x20: {  	[sflag:s8] =	ssyncset.s32 @!p0 $0xFFFFF086;
	s6 =	sadd.s32 @!p0 s3, s7;
	s7 =	simm.s32 @!p0 $0x108  }
0x21: {  	s3 =	sadd.s32 s3, s9;
	s6 =	sadd.s32 @!p0 $0x88, s6;
	s7 =	simm.s32 @p2 $0x1082  }
0x22: {  	[simem:s7], [sflag:s8] =	dma.local @!p0 [hbm:s6], $0xF7A  }
0x23: {  	s9 =	sor.u32 $0xD0000000, s2;
	s6 =	simm.s32 $0x108;
	_ =	swait.ge @!p0 [sflag:s8], $0x0  }
0x24: {  	s3 =	sadd.s32 $0x88, s3;
	s6 =	simm.s32 @!p1 $0x1082;
	[sflag:s4] =	ssyncset.s32 $0xFFFFF086  }
0x25: {  	[simem:s6], [sflag:s4] =	dma.local [hbm:s3], $0xF7A  }
0x26: {  	[smem:$0x3F91] =	sst s1;
	(tag) =	ssettag s2;
	_ =	strace s9  }
0x27: {  	s1 =	sld [smem:$0x3FA1]  }
0x28: {  	s2 =	sld [smem:$0x3FA2]  }
0x29: {  	s4 =	sld [smem:$0x3FA4]  }
0x2a: {  	p0 =	seq.s32 s5, $0x0;
	s5 =	sld [smem:$0x3FA5]  }
0x2b: {  	s6 =	sld [smem:$0x3FA6]  }
0x2c: {  	s7 =	sld [smem:$0x3FA7]  }
0x2d: {  	s3 =	simm.s32 $0x108;
	s8 =	sld [smem:$0x3FA8]  }
0x2e: {  	s3 =	simm.s32 @!p0 $0x1082;
	s9 =	sld [smem:$0x3FA9]  }
0x2f: {  	lr =	sadd.s32 s0, s3;
	s0 =	sld [smem:$0x3FA0]  }
0x30: {  	s3 =	sld [smem:$0x3FA3]  }
0x31: {  	[smem:$0x3FAC] =	sst s10  }
0x32: {  	s10 =	sld [smem:$0x3FAA];
	_ =	sdelay $0x3  }
0x33: {  	p0 =	seq.s32 s10, $0x1;
	s10 =	sld [smem:$0x3FAC];
	_ =	sdelay $0x3  }
0x34: {  	[smem:$0x3FAC] =	sst s10  }
0x35: {  	s10 =	sld [smem:$0x3FAB];
	_ =	sdelay $0x3  }
0x36: {  	p1 =	seq.s32 s10, $0x1;
	s10 =	sld [smem:$0x3FAC];
	_ =	sdelay $0x3  }
0x37: {  	[smem:$0x3FAC] =	sst s10  }
0x38: {  	s10 =	sld [smem:$0x3FAD]  }
0x39: {  	_ = 	snop;
	(pc) =	sbr.ind lr, $3  }
0x3a: {  	_ = 	snop  }
0x3b: {  	_ = 	snop  }
0x3c: {  	p2 =	seq.s32 s10, $0x1;
	s10 =	sld [smem:$0x3FAC]  }
0x3d: {  	_ =	shalt  }
0x3e: {  	_ =	shalt  }
0x3f: {  	_ =	shalt  }
0x40: {  	_ =	shalt  }
0x41: {  	_ =	shalt  }
0x42: {  	_ =	shalt  }
0x43: {  	_ =	shalt  }
0x44: {  	_ =	shalt  }
0x45: {  	_ =	shalt  }
0x46: {  	_ =	shalt  }
0x47: {  	_ =	shalt  }
0x48: {  	_ =	shalt  }
0x49: {  	_ =	shalt  }
0x4a: {  	_ =	shalt  }
0x4b: {  	_ =	shalt  }
0x4c: {  	_ =	shalt  }
0x4d: {  	_ =	shalt  }
0x4e: {  	_ =	shalt  }
0x4f: {  	_ =	shalt  }
0x50: {  	_ =	shalt  }
0x51: {  	_ =	shalt  }
0x52: {  	_ =	shalt  }
0x53: {  	_ =	shalt  }
0x54: {  	_ =	shalt  }
0x55: {  	_ =	shalt  }
0x56: {  	_ =	shalt  }
0x57: {  	_ =	shalt  }
0x58: {  	_ =	shalt  }
0x59: {  	_ =	shalt  }
0x5a: {  	_ =	shalt  }
0x5b: {  	_ =	shalt  }
0x5c: {  	_ =	shalt  }
0x5d: {  	_ =	shalt  }
0x5e: {  	_ =	shalt  }
0x5f: {  	_ =	shalt  }
0x60: {  	_ =	shalt  }
0x61: {  	_ =	shalt  }
0x62: {  	_ =	shalt  }
0x63: {  	_ =	shalt  }
0x64: {  	_ =	shalt  }
0x65: {  	_ =	shalt  }
0x66: {  	_ =	shalt  }
0x67: {  	_ =	shalt  }
0x68: {  	_ =	shalt  }
0x69: {  	_ =	shalt  }
0x6a: {  	_ =	shalt  }
0x6b: {  	_ =	shalt  }
0x6c: {  	_ =	shalt  }
0x6d: {  	_ =	shalt  }
0x6e: {  	_ =	shalt  }
0x6f: {  	_ =	shalt  }
0x70: {  	_ =	shalt  }
0x71: {  	_ =	shalt  }
0x72: {  	_ =	shalt  }
0x73: {  	_ =	shalt  }
0x74: {  	_ =	shalt  }
0x75: {  	_ =	shalt  }
0x76: {  	_ =	shalt  }
0x77: {  	_ =	shalt  }
0x78: {  	_ =	shalt  }
0x79: {  	_ =	shalt  }
0x7a: {  	_ =	shalt  }
0x7b: {  	_ =	shalt  }
0x7c: {  	_ =	shalt  }
0x7d: {  	_ =	shalt  }
0x7e: {  	_ =	shalt  }
0x7f: {  	_ =	shalt  }
0x80: {  	_ =	shalt  }
0x81: {  	_ =	shalt  }
0x82: {  	_ =	shalt  }
0x83: {  	_ =	shalt  }
0x84: {  	_ =	shalt  }
0x85: {  	_ =	shalt  }
0x86: {  	_ =	shalt  }
0x87: {  	_ =	shalt  }
.Lfunc_end0:
.L_simem_size_0:
called_computation.1_lowered:
.L_overlay_start_0:
0x88: {  	s2 =	sld [smem:$0x3FD9]  }
0x89: {  	s3 =	sld [smem:$0x3FFE];
	_ =	sdelay $0x1  }
0x8a: {  	s1 =	srdreg.scid  }
0x8b: {  	s0 =	sand.u32 $0x1, s1  }
0x8c: {  	s16 =	sshll.u32 s0, $0xA;
	s2 =	sadd.s32 s3, s2  }
0x8d: {  	s2 =	sadd.s32 s2, s16  }
0x8e: {  	[smem:$0x3FB8] =	sst s2  }
0x8f: {  	_ = 	snop  }
0x90: {  	(tm) =	ssettm $0x1  }
0x91: {  	s17 =	sld [smem:$0x3FFB];
	_ =	sdelay $0x3  }
0x92: {  	_ =	strace s17  }
0x93: {  	s2 =	sld [smem:$0x3FFC];
	_ =	sdelay $0x3  }
0x94: {  	_ =	strace s2  }
0x95: {  	s2 =	sld [smem:$0x3FFD];
	_ =	sdelay $0x3  }
0x96: {  	_ =	strace s2  }
0x97: {  	_ =	strace $0x8FFFFFFF  }
0x98: {  	s18 =	sld [smem:$0x3FDB];
	_ =	sdelay $0x1  }
0x99: {  	s19 =	simm.s32 $_scs_section_size  }
0x9a: {  	s4 =	simm.s32 $_size__tile_overlayer_lowered;
	s5 =	simm.s32 $_tile_overlayer_lowered  }
0x9b: {  	s22 =	simm.s32 $0x1BFF;
	s21 =	sshll.u32 s5, $0x1;
	s2 =	sadd.s32 s19, s18  }
0x9c: {  	s6 =	simm.s32 $0x0;
	s20 =	sshll.u32 s4, $0x1;
	s4 =	sadd.s32 s21, s2  }
0x9d: {  	[timem:s6], [sflag:s22] =	dma.local [hbm:s4], s20  }
0x9e: {  	_ =	swait.ge [sflag:s22], s20  }
0x9f: {  	s3 =	ssub.s32 $0x0, s20;
	[sflag:s22] =	ssyncset.done $0x0  }
0xa0: {  	[sflag:s22] =	ssyncadd.s32 s3;
	_ =	sdelay $0x1  }
0xa1: {  	s23 =	simm.s32 $0x1B8B  }
0xa2: {  	_ =	swait.ge [sflag:s23], $0x1  }
0xa3: {  	[sflag:s23] =	ssyncset.done $0x0  }
0xa4: {  	s25 =	simm.s32 $0x1B8E;
	s24 =	sld [smem:$0x3FFE];
	[sflag:s23] =	ssyncadd.s32 $0xFFFFFFFF  }
0xa5: {  	s26 =	simm.s32 $execute0_lowered;
	[smem:$0x3FD2] =	sst s25  }
0xa6: {  	s4 =	sshll.u32 s26, $0x1;
	_ =	strace $0x80000049;
	[dreg:$0x1] =	wrdreg $0xFFFFFFFF  }
0xa7: {  	s28 =	simm.s32 $_size_execute0_lowered;
	s2 =	sadd.s32 s2, s4;
	[dreg:$0x0] =	wrdreg $0x0  }
0xa8: {  	s4 =	sshll.u32 s28, $0x1;
	[dreg:$0x2] =	wrdreg s2  }
0xa9: {  	[dreg:$0x3] =	wrdreg s4  }
0xaa: {  	[dreg:$0x4] =	wrdreg $0xC0  }
0xab: {  	_ =	task [dreg:s6], $0x5FFFF  }
0xac: {  	[dreg:$0x1] =	wrdreg $0xFFFFFFFF  }
0xad: {  	[dreg:$0x0] =	wrdreg $0x60  }
0xae: {  	[dreg:$0x2] =	wrdreg s24  }
0xaf: {  	[dreg:$0x3] =	wrdreg $0x8F000  }
0xb0: {  	[dreg:$0x4] =	wrdreg $0x9  }
0xb1: {  	_ =	task.clear_ibuf [dreg:s6], $0x5FFFF;
	_ =	strace $0x90000049  }
0xb2: {  	s29 =	simm.s32 $0x9;
	_ =	strace $0x8000004B  }
0xb3: {  	_ =	swait.ge [sflag:s29], $0x1  }
0xb4: {  	[sflag:s29] =	ssyncadd.s32 $0xFFFFFFFF  }
0xb5: {  	_ =	strace $0x9000004B  }
0xb6: {  	_ =	sfence  }
0xb7: {  	s30 =	sld [smem:$0x0];
	_ =	sdelay $0x2  }
0xb8: {  	s31 =	sshll.u32 s1, $0xD;
	s1 =	sshrl.u32 s1, $0x2  }
0xb9: {  	s3 =	sand.u32 $0x4000, s31;
	s1 =	sadd.s32 s1, s30  }
0xba: {  	s0 =	sor.u32 s3, s0;
	s1 =	sshll.u32 s1, $0x11  }
0xbb: {  	s0 =	sor.u32 s1, s0  }
0xbc: {  	s0 =	sadd.s32 $0x8F2B, s0  }
0xbd: {  	[sflag:s0] =	ssyncadd.remote.s32 $0x1  }
0xbe: {  	_ =	sfence.sel $0xFFFF  }
0xbf: {  	[dreg:$0x0] =	wrdreg $0xFFFFFFFF;
	(pc) =	sbr.abs _section_cstart, $3  }
0xc0: {  	[dreg:$0x1] =	wrdreg $0xFFFFFFFF  }
0xc1: {  	_ =	task.clear_ibuf [dreg:s6], $0x2FFFF;
	_ =	strace $0x9FFFFFFF  }
0xc2: {  	(tm) =	ssettm $0x7FFFFFFF  }
0xc3: {  	_ =	shalt  }
tec
execute0_lowered:
.L_overlay_start_1:
0x0: {  	(tag) =	ssettag $0x1  }
0x1: {  	s6 =	rddreg [dreg:$0x0]  }
0x2: {  	s0 =	srdreg.scid;
	s2 =	rddreg [dreg:$0x1];
	s3 =	simm.s32 $0x0  }
0x3: {  	s14 =	simm.s32 $0x80;
	s15 =	simm.s32 $0x4F00;
	s16 =	simm.s32 $0x6F00  }
0x4: {  	s17 =	simm.s32 $0x1;
	s18 =	simm.s32 $0x2;
	s19 =	simm.s32 $0x4D80  }
0x5: {  	s20 =	simm.s32 $0x2700;
	s21 =	simm.s32 $0x4E00;
	s22 =	simm.s32 $0x4E80  }
0x6: {  	s23 =	simm.s32 $0x0;
	s5 =	sand.u32 $0x1, s0;
	s0 =	stileid.u32  }
0x7: {  	[smem:$0x7FF] =	sst s3;
	s1 =	sshll.u32 s5, $0x4;
	s8 =	smul.u32 $0xA000, s0  }
0x8: {  	s7 =	smul.u32 $0xA0000, s5;
	s10 =	ssub.s32 $0x2, s5;
	s5 =	sadd.s32 $0x2EA00, s6  }
0x9: {  	s12 =	sshll.u32 s0, $0x6;
	s1 =	sor.u32 s0, s1;
	s31 =	sshrl.u32 s10, $0x1  }
0xa: {  	s12 =	sor.u32 $0x1C03, s12;
	s4 =	smul.u32 $0x4F0, s1;
	s1 =	rddreg [dreg:$0x2]  }
0xb: {  	_ =	strace $0x8000004A;
	s7 =	sadd.s32 s8, s7;
	s13 =	sadd.s32 s8, s2  }
0xc: {  	s10 =	ssub.s32 s10, s31;
	s7 =	sshrl.u32 s7, $0x3;
	s13 =	sshrl.u32 s13, $0x3  }
0xd: {  	s9 =	sadd.s32 s4, s6;
	s4 =	sadd.s32 $0x7400, s6;
	s11 =	sadd.s32 s7, s6  }
0xe: {  	s6 =	sadd.s32 $0x24C00, s9;
	s7 =	sadd.s32 $0x1AE00, s9;
	s8 =	sadd.s32 $0x2FE00, s11  }
0xf: {  	s9 =	smax.u32 s10, $0x1;
	s10 =	simm.s32 $0x3;
	s11 =	simm.s32 $0x2780  }
.LBB2_1:
0x10: {  	[tilespmem:s3], [sflag:$0x3] =	stream.linear.gather [hbm4b:s6+s3], $0x2780, $0x38;
	[tilespmem:$0x12F00] =	vst v63  }
0x11: {  	_ =	swait.ge [sflag:s10], $0x2780  }
0x12: {  	[sflag:s10] =	ssyncset.done $0x0  }
0x13: {  	[sflag:s10] =	ssyncadd.s32 $0xFFFFD880  }
0x14: {  	[tilespmem:s11], [sflag:$0x3] =	stream.linear.gather [hbm4b:s7+s3], $0x2780, $0x38;
	[tilespmem:$0x12F00] =	vst v63  }
0x15: {  	_ =	swait.ge [sflag:s10], $0x2780  }
0x16: {  	[sflag:s10] =	ssyncset.done $0x0  }
0x17: {  	[sflag:s10] =	ssyncadd.s32 $0xFFFFD880  }
0x18: {  	[spmem:s13], [sflag:s12] =	dma.local [hbm:s5], $0x1400  }
0x19: {  	_ =	swait.ge [sflag:s10], $0x1400  }
0x1a: {  	[sflag:s10] =	ssyncset.done $0x0  }
0x1b: {  	[sflag:s10] =	ssyncadd.s32 $0xFFFFEC00  }
0x1c: {  	[bflag:$0x0] =	sbarrier.arrive $0xFFFF  }
0x1d: {  	[tilespmem:s15], [sflag:$0x1] =	stream.indirect.gather [hbm4b:s4+s14], $0x40, s3, s14, $0xb8;
	[tilespmem:$0x12F00] =	vst v63  }
0x1e: {  	_ = 	snop  }
0x1f: {  	[tilespmem:s16], [sflag:$0x2] =	stream.indirect.gather [hbm4b:s4+s14], $0x40, s14, s14, $0xb8;
	[tilespmem:$0x12F00] =	vst v63  }
0x20: {  	_ =	swait.ge [sflag:s17], $0x2000  }
0x21: {  	[sflag:s17] =	ssyncset.done $0x0  }
0x22: {  	s24 =	simm.s32 $0x2780;
	[sflag:s17] =	ssyncadd.s32 $0xFFFFE000  }
0x23: {  	[spmem:s2] =	stream.indirect.scatter.add.f32 [tilespmem:s15], [sflag:$0x3], $0x40, s24, s14, $0xb8;
	[tilespmem:$0x12F00] =	vst v63  }
0x24: {  	_ =	swait.ge [sflag:s10], $0x2000  }
0x25: {  	[sflag:s10] =	ssyncset.done $0x0  }
0x26: {  	s30 =	simm.s32 $0x100;
	[sflag:s10] =	ssyncadd.s32 $0xFFFFE000  }
0x27: {  	[tilespmem:s15], [sflag:$0x1] =	stream.indirect.gather [hbm4b:s4+s14], $0x40, s30, s14, $0xb8;
	[tilespmem:$0x12F00] =	vst v63  }
0x28: {  	_ =	swait.ge [sflag:s18], $0x2000  }
0x29: {  	[sflag:s18] =	ssyncset.done $0x0  }
0x2a: {  	s31 =	simm.s32 $0x2800;
	[sflag:s18] =	ssyncadd.s32 $0xFFFFE000  }
0x2b: {  	[spmem:s2] =	stream.indirect.scatter.add.f32 [tilespmem:s16], [sflag:$0x3], $0x40, s31, s14, $0xb8;
	[tilespmem:$0x12F00] =	vst v63  }
0x2c: {  	_ =	swait.ge [sflag:s10], $0x2000  }
0x2d: {  	[sflag:s10] =	ssyncset.done $0x0  }
0x2e: {  	s25 =	simm.s32 $0x180;
	s24 =	simm.s32 $0x400;
	[sflag:s10] =	ssyncadd.s32 $0xFFFFE000  }
.LBB2_2:
0x2f: {  	[tilespmem:s16], [sflag:$0x2] =	stream.indirect.gather [hbm4b:s4+s14], $0x40, s25, s14, $0xb8;
	[tilespmem:$0x12F00] =	vst v63  }
0x30: {  	s25 =	smov.u32 s24  }
0x31: {  	p0 =	sne.s32 s24, $0x9400;
	s24 =	sadd.s32 $0x400, s24;
	_ =	swait.ge [sflag:s17], $0x2000  }
0x32: {  	s25 =	sshra.s32 s25, $0x2;
	[sflag:s17] =	ssyncset.done $0x0  }
0x33: {  	s26 =	sadd.s32 $0x2780, s25;
	[sflag:s17] =	ssyncadd.s32 $0xFFFFE000  }
0x34: {  	[spmem:s2] =	stream.indirect.scatter.add.f32 [tilespmem:s15], [sflag:$0x3], $0x40, s26, s14, $0xb8;
	[tilespmem:$0x12F00] =	vst v63  }
0x35: {  	_ =	swait.ge [sflag:s10], $0x2000  }
0x36: {  	[sflag:s10] =	ssyncset.done $0x0  }
0x37: {  	s26 =	sadd.s32 $0x100, s25;
	[sflag:s10] =	ssyncadd.s32 $0xFFFFE000  }
0x38: {  	[tilespmem:s15], [sflag:$0x1] =	stream.indirect.gather [hbm4b:s4+s14], $0x40, s26, s14, $0xb8;
	[tilespmem:$0x12F00] =	vst v63  }
0x39: {  	_ =	swait.ge [sflag:s18], $0x2000  }
0x3a: {  	[sflag:s18] =	ssyncset.done $0x0  }
.Ltmp0:
0x3b: {  	s26 =	sadd.s32 $0x2800, s25;
	[sflag:s18] =	ssyncadd.s32 $0xFFFFE000;
	(pc) =	sbr.rel @p0 .LBB2_2-.Ltmp0, $4  }
0x3c: {  	[spmem:s2] =	stream.indirect.scatter.add.f32 [tilespmem:s16], [sflag:$0x3], $0x40, s26, s14, $0xb8;
	[tilespmem:$0x12F00] =	vst v63  }
0x3d: {  	_ =	swait.ge [sflag:s10], $0x2000  }
0x3e: {  	[sflag:s10] =	ssyncset.done $0x0  }
0x3f: {  	s25 =	sadd.s32 $0x180, s25;
	[sflag:s10] =	ssyncadd.s32 $0xFFFFE000  }
0x40: {  	[tilespmem:s16], [sflag:$0x2] =	stream.indirect.gather [hbm4b:s4+s14], $0x40, s25, s14, $0xb8;
	[tilespmem:$0x12F00] =	vst v63  }
0x41: {  	_ =	swait.ge [sflag:s17], $0x2000  }
0x42: {  	[sflag:s17] =	ssyncset.done $0x0  }
0x43: {  	[sflag:s17] =	ssyncadd.s32 $0xFFFFE000  }
0x44: {  	[spmem:s2] =	stream.indirect.scatter.add.f32 [tilespmem:s15], [sflag:$0x3], $0x40, s19, s14, $0xb8;
	[tilespmem:$0x12F00] =	vst v63  }
0x45: {  	_ =	swait.ge [sflag:s10], $0x2000  }
0x46: {  	[sflag:s10] =	ssyncset.done $0x0  }
0x47: {  	[sflag:s10] =	ssyncadd.s32 $0xFFFFE000  }
0x48: {  	[tilespmem:s15], [sflag:$0x1] =	stream.indirect.gather [hbm4b:s4+s14], $0x40, s20, s14, $0xb8;
	[tilespmem:$0x12F00] =	vst v63  }
0x49: {  	_ =	swait.ge [sflag:s18], $0x2000  }
0x4a: {  	[sflag:s18] =	ssyncset.done $0x0  }
0x4b: {  	[sflag:s18] =	ssyncadd.s32 $0xFFFFE000  }
0x4c: {  	[spmem:s2] =	stream.indirect.scatter.add.f32 [tilespmem:s16], [sflag:$0x3], $0x40, s21, s14, $0xb8;
	[tilespmem:$0x12F00] =	vst v63  }
0x4d: {  	_ =	swait.ge [sflag:s10], $0x2000  }
0x4e: {  	[sflag:s10] =	ssyncset.done $0x0  }
0x4f: {  	[sflag:s10] =	ssyncadd.s32 $0xFFFFE000  }
0x50: {  	_ =	swait.ge [sflag:s17], $0x2000  }
0x51: {  	[sflag:s17] =	ssyncset.done $0x0  }
0x52: {  	[sflag:s17] =	ssyncadd.s32 $0xFFFFE000  }
0x53: {  	[spmem:s2] =	stream.indirect.scatter.add.f32 [tilespmem:s15], [sflag:$0x3], $0x40, s22, s14, $0xb8;
	[tilespmem:$0x12F00] =	vst v63  }
0x54: {  	_ =	swait.ge [sflag:s10], $0x2000  }
0x55: {  	s23 =	sadd.s32 $0x1, s23;
	[sflag:s10] =	ssyncset.done $0x0  }
0x56: {  	p0 =	sne.s32 s23, s9;
	[sflag:s10] =	ssyncadd.s32 $0xFFFFE000  }
.Ltmp1:
0x57: {  	[bflag:$0x0] =	sbarrier.arrive $0xFFFF;
	(pc) =	sbr.rel @p0 .LBB2_1-.Ltmp1, $4  }
0x58: {  	[hbm:s8], [sflag:s12] =	dma.local [spmem:s13], $0x1400  }
0x59: {  	_ =	swait.ge [sflag:s10], $0x1400  }
0x5a: {  	[sflag:s10] =	ssyncset.done $0x0  }
0x5b: {  	[sflag:s10] =	ssyncadd.s32 $0xFFFFEC00  }
0x5c: {  	_ =	sfence.sel $0x180000  }
0x5d: {  	[bflag:$0x0] =	sbarrier.arrive $0xFFFF  }
0x5e: {  	p0 =	sne.s32 s0, $0x0;
	_ =	strace $0x9000004A  }
0x5f: {  	s0 =	sadd.s32 @!p0 $0x100000, s1;
	[bflag:$0x2] =	sbarrier.arrive $0xFFFF  }
0x60: {  	[sflag:s0] =	ssyncadd.tile.s32 @!p0 $0x1;
	_ =	shalt  }
.Lfunc_end2:
_tile_overlayer_lowered:
.L_overlay_start_2:
0x61: {  	(tag) =	ssettag $0x2  }
0x62: {  	s0 =	rddreg [dreg:$0x0];
	s2 =	stileid.u32  }
0x63: {  	s1 =	rddreg [dreg:$0x1];
	p0 =	sne.s32 s2, $0x0  }
0x64: {  	s3 =	rddreg [dreg:$0x2];
	[bflag:$0x3] =	sbarrier.arrive $0xFFFF;
	s2 =	simm.s32 @!p0 $0x1C03  }
0x65: {  	[timem:s3], [sflag:s2] =	dma.local @!p0 [hbm:s0], s1  }
0x66: {  	s0 =	simm.s32 @!p0 $0x3  }
0x67: {  	_ =	swait.ge @!p0 [sflag:s0], s1  }
0x68: {  	s1 =	ssub.s32 @!p0 $0x0, s1;
	[sflag:s0] =	ssyncset.done @!p0 $0x0  }
0x69: {  	[sflag:s0] =	ssyncadd.s32 @!p0 s1  }
0x6a: {  	[bflag:$0x3] =	sbarrier.arrive $0xFFFF  }
0x6b: {  	_ =	shalt  }

// kernel: kernel.26.cloned.1.call-start
scs
__scs_entry_jumppad:
0x0: {  	(pc) =	sbr.rel $0x88, $3  }
0x1: {  	(tag) =	ssettag $0x0;
	lr =	simm.s32 $0x1  }
0x2: {  	[smem:$0x3F91] =	sst lr;
	_ =	strace $0xD0000000  }
0x3: {  	_ = 	snop  }
0x4: {  	_ = 	snop  }
0x5: {  	_ = 	snop  }
0x6: {  	_ = 	snop  }
0x7: {  	_ = 	snop  }
__scs_overlays_trampoline_lowered:
0x8: {  	[smem:$0x3FA0] =	sst s0  }
0x9: {  	[smem:$0x3FA1] =	sst s1  }
0xa: {  	[smem:$0x3FA2] =	sst s2  }
0xb: {  	[smem:$0x3FA3] =	sst s3  }
0xc: {  	[smem:$0x3FA4] =	sst s4  }
0xd: {  	[smem:$0x3FA5] =	sst s5  }
0xe: {  	[smem:$0x3FA6] =	sst s6  }
0xf: {  	[smem:$0x3FA7] =	sst s7  }
0x10: {  	[smem:$0x3FA8] =	sst s8  }
0x11: {  	[smem:$0x3FA9] =	sst s9;
	s0 =	simm.s32 @!p0 $0x0  }
0x12: {  	s1 =	sld [smem:$0x3F8F];
	s0 =	simm.s32 @p0 $0x1  }
0x13: {  	[smem:$0x3FAA] =	sst s0;
	s0 =	simm.s32 @!p1 $0x0  }
0x14: {  	s2 =	sld [smem:$0x3F8E];
	s0 =	simm.s32 @p1 $0x1  }
0x15: {  	[smem:$0x3FAB] =	sst s0;
	s0 =	simm.s32 @!p2 $0x0  }
0x16: {  	s3 =	sld [smem:$0x3FDB];
	s0 =	simm.s32 @p2 $0x1  }
0x17: {  	s4 =	simm.s32 $0x1BF5;
	[smem:$0x3FAD] =	sst s0  }
0x18: {  	s0 =	sld [smem:$0x3F90];
	_ =	swait.ge [sflag:s4], $0x0  }
0x19: {  	s7 =	sld [smem:$0x3F91]  }
0x1a: {  	s8 =	sadd.s32 $0xFFFFE003, lr  }
0x1b: {  	s9 =	sadd.s32 $0xFFFFFEF7, lr;
	s5 =	simm.s32 $0xFFFFFFFF;
	p2 =	slt.u32 s8, $0xFFFFF086  }
0x1c: {  	p1 =	slt.u32 s9, $0xF7A;
	s5 =	simm.s32 @!p2 $0x0  }
0x1d: {  	s5 =	simm.s32 @p1 $0x1;
	p0 =	seq.s32 s7, s2  }
0x1e: {  	s7 =	smul.u32 @!p0 $0xF7A, s2;
	p2 =	seq.s32 @!p0 s5, $0x0  }
0x1f: {  	s9 =	smul.u32 $0xF7A, s1;
	s8 =	simm.s32 @!p0 $0x1BF5;
	p2 =	por !p2, p0  }
0x20: {  	[sflag:s8] =	ssyncset.s32 @!p0 $0xFFFFF086;
	s6 =	sadd.s32 @!p0 s3, s7;
	s7 =	simm.s32 @!p0 $0x108  }
0x21: {  	s3 =	sadd.s32 s3, s9;
	s6 =	sadd.s32 @!p0 $0x88, s6;
	s7 =	simm.s32 @p2 $0x1082  }
0x22: {  	[simem:s7], [sflag:s8] =	dma.local @!p0 [hbm:s6], $0xF7A  }
0x23: {  	s9 =	sor.u32 $0xD0000000, s2;
	s6 =	simm.s32 $0x108;
	_ =	swait.ge @!p0 [sflag:s8], $0x0  }
0x24: {  	s3 =	sadd.s32 $0x88, s3;
	s6 =	simm.s32 @!p1 $0x1082;
	[sflag:s4] =	ssyncset.s32 $0xFFFFF086  }
0x25: {  	[simem:s6], [sflag:s4] =	dma.local [hbm:s3], $0xF7A  }
0x26: {  	[smem:$0x3F91] =	sst s1;
	(tag) =	ssettag s2;
	_ =	strace s9  }
0x27: {  	s1 =	sld [smem:$0x3FA1]  }
0x28: {  	s2 =	sld [smem:$0x3FA2]  }
0x29: {  	s4 =	sld [smem:$0x3FA4]  }
0x2a: {  	p0 =	seq.s32 s5, $0x0;
	s5 =	sld [smem:$0x3FA5]  }
0x2b: {  	s6 =	sld [smem:$0x3FA6]  }
0x2c: {  	s7 =	sld [smem:$0x3FA7]  }
0x2d: {  	s3 =	simm.s32 $0x108;
	s8 =	sld [smem:$0x3FA8]  }
0x2e: {  	s3 =	simm.s32 @!p0 $0x1082;
	s9 =	sld [smem:$0x3FA9]  }
0x2f: {  	lr =	sadd.s32 s0, s3;
	s0 =	sld [smem:$0x3FA0]  }
0x30: {  	s3 =	sld [smem:$0x3FA3]  }
0x31: {  	[smem:$0x3FAC] =	sst s10  }
0x32: {  	s10 =	sld [smem:$0x3FAA];
	_ =	sdelay $0x3  }
0x33: {  	p0 =	seq.s32 s10, $0x1;
	s10 =	sld [smem:$0x3FAC];
	_ =	sdelay $0x3  }
0x34: {  	[smem:$0x3FAC] =	sst s10  }
0x35: {  	s10 =	sld [smem:$0x3FAB];
	_ =	sdelay $0x3  }
0x36: {  	p1 =	seq.s32 s10, $0x1;
	s10 =	sld [smem:$0x3FAC];
	_ =	sdelay $0x3  }
0x37: {  	[smem:$0x3FAC] =	sst s10  }
0x38: {  	s10 =	sld [smem:$0x3FAD]  }
0x39: {  	_ = 	snop;
	(pc) =	sbr.ind lr, $3  }
0x3a: {  	_ = 	snop  }
0x3b: {  	_ = 	snop  }
0x3c: {  	p2 =	seq.s32 s10, $0x1;
	s10 =	sld [smem:$0x3FAC]  }
0x3d: {  	_ =	shalt  }
0x3e: {  	_ =	shalt  }
0x3f: {  	_ =	shalt  }
0x40: {  	_ =	shalt  }
0x41: {  	_ =	shalt  }
0x42: {  	_ =	shalt  }
0x43: {  	_ =	shalt  }
0x44: {  	_ =	shalt  }
0x45: {  	_ =	shalt  }
0x46: {  	_ =	shalt  }
0x47: {  	_ =	shalt  }
0x48: {  	_ =	shalt  }
0x49: {  	_ =	shalt  }
0x4a: {  	_ =	shalt  }
0x4b: {  	_ =	shalt  }
0x4c: {  	_ =	shalt  }
0x4d: {  	_ =	shalt  }
0x4e: {  	_ =	shalt  }
0x4f: {  	_ =	shalt  }
0x50: {  	_ =	shalt  }
0x51: {  	_ =	shalt  }
0x52: {  	_ =	shalt  }
0x53: {  	_ =	shalt  }
0x54: {  	_ =	shalt  }
0x55: {  	_ =	shalt  }
0x56: {  	_ =	shalt  }
0x57: {  	_ =	shalt  }
0x58: {  	_ =	shalt  }
0x59: {  	_ =	shalt  }
0x5a: {  	_ =	shalt  }
0x5b: {  	_ =	shalt  }
0x5c: {  	_ =	shalt  }
0x5d: {  	_ =	shalt  }
0x5e: {  	_ =	shalt  }
0x5f: {  	_ =	shalt  }
0x60: {  	_ =	shalt  }
0x61: {  	_ =	shalt  }
0x62: {  	_ =	shalt  }
0x63: {  	_ =	shalt  }
0x64: {  	_ =	shalt  }
0x65: {  	_ =	shalt  }
0x66: {  	_ =	shalt  }
0x67: {  	_ =	shalt  }
0x68: {  	_ =	shalt  }
0x69: {  	_ =	shalt  }
0x6a: {  	_ =	shalt  }
0x6b: {  	_ =	shalt  }
0x6c: {  	_ =	shalt  }
0x6d: {  	_ =	shalt  }
0x6e: {  	_ =	shalt  }
0x6f: {  	_ =	shalt  }
0x70: {  	_ =	shalt  }
0x71: {  	_ =	shalt  }
0x72: {  	_ =	shalt  }
0x73: {  	_ =	shalt  }
0x74: {  	_ =	shalt  }
0x75: {  	_ =	shalt  }
0x76: {  	_ =	shalt  }
0x77: {  	_ =	shalt  }
0x78: {  	_ =	shalt  }
0x79: {  	_ =	shalt  }
0x7a: {  	_ =	shalt  }
0x7b: {  	_ =	shalt  }
0x7c: {  	_ =	shalt  }
0x7d: {  	_ =	shalt  }
0x7e: {  	_ =	shalt  }
0x7f: {  	_ =	shalt  }
0x80: {  	_ =	shalt  }
0x81: {  	_ =	shalt  }
0x82: {  	_ =	shalt  }
0x83: {  	_ =	shalt  }
0x84: {  	_ =	shalt  }
0x85: {  	_ =	shalt  }
0x86: {  	_ =	shalt  }
0x87: {  	_ =	shalt  }
.Lfunc_end0:
.L_simem_size_0:
called_computation.2_lowered:
.L_overlay_start_0:
0x88: {  	s2 =	sld [smem:$0x3FD9]  }
0x89: {  	s3 =	sld [smem:$0x3FFE];
	_ =	sdelay $0x1  }
0x8a: {  	s1 =	srdreg.scid  }
0x8b: {  	s0 =	sand.u32 $0x1, s1  }
0x8c: {  	s16 =	sshll.u32 s0, $0xA;
	s2 =	sadd.s32 s3, s2  }
0x8d: {  	s2 =	sadd.s32 s2, s16  }
0x8e: {  	[smem:$0x3FB8] =	sst s2  }
0x8f: {  	_ = 	snop  }
0x90: {  	(tm) =	ssettm $0x1  }
0x91: {  	s17 =	sld [smem:$0x3FFB];
	_ =	sdelay $0x3  }
0x92: {  	_ =	strace s17  }
0x93: {  	s2 =	sld [smem:$0x3FFC];
	_ =	sdelay $0x3  }
0x94: {  	_ =	strace s2  }
0x95: {  	s2 =	sld [smem:$0x3FFD];
	_ =	sdelay $0x3  }
0x96: {  	_ =	strace s2  }
0x97: {  	_ =	strace $0x8FFFFFFF  }
0x98: {  	s18 =	sld [smem:$0x3FDB];
	_ =	sdelay $0x1  }
0x99: {  	s19 =	simm.s32 $_scs_section_size  }
0x9a: {  	s4 =	simm.s32 $_size__tile_overlayer_lowered;
	s5 =	simm.s32 $_tile_overlayer_lowered  }
0x9b: {  	s22 =	simm.s32 $0x1BFF;
	s21 =	sshll.u32 s5, $0x1;
	s2 =	sadd.s32 s19, s18  }
0x9c: {  	s6 =	simm.s32 $0x0;
	s20 =	sshll.u32 s4, $0x1;
	s4 =	sadd.s32 s21, s2  }
0x9d: {  	[timem:s6], [sflag:s22] =	dma.local [hbm:s4], s20  }
0x9e: {  	_ =	swait.ge [sflag:s22], s20  }
0x9f: {  	s3 =	ssub.s32 $0x0, s20;
	[sflag:s22] =	ssyncset.done $0x0  }
0xa0: {  	[sflag:s22] =	ssyncadd.s32 s3;
	_ =	sdelay $0x1  }
0xa1: {  	s23 =	simm.s32 $0x1B8B  }
0xa2: {  	_ =	swait.ge [sflag:s23], $0x1  }
0xa3: {  	[sflag:s23] =	ssyncset.done $0x0  }
0xa4: {  	s25 =	simm.s32 $0x1B8E;
	s24 =	sld [smem:$0x3FFE];
	[sflag:s23] =	ssyncadd.s32 $0xFFFFFFFF  }
0xa5: {  	s26 =	simm.s32 $execute0_lowered;
	[smem:$0x3FD2] =	sst s25  }
0xa6: {  	s4 =	sshll.u32 s26, $0x1;
	_ =	strace $0x8000004C;
	[dreg:$0x1] =	wrdreg $0xFFFFFFFF  }
0xa7: {  	s28 =	simm.s32 $_size_execute0_lowered;
	s2 =	sadd.s32 s2, s4;
	[dreg:$0x0] =	wrdreg $0x0  }
0xa8: {  	s4 =	sshll.u32 s28, $0x1;
	[dreg:$0x2] =	wrdreg s2  }
0xa9: {  	[dreg:$0x3] =	wrdreg s4  }
0xaa: {  	[dreg:$0x4] =	wrdreg $0xC0  }
0xab: {  	_ =	task [dreg:s6], $0x5FFFF  }
0xac: {  	[dreg:$0x1] =	wrdreg $0xFFFFFFFF  }
0xad: {  	[dreg:$0x0] =	wrdreg $0x60  }
0xae: {  	[dreg:$0x2] =	wrdreg s24  }
0xaf: {  	[dreg:$0x3] =	wrdreg $0x8F000  }
0xb0: {  	[dreg:$0x4] =	wrdreg $0x9  }
0xb1: {  	_ =	task.clear_ibuf [dreg:s6], $0x5FFFF;
	_ =	strace $0x9000004C  }
0xb2: {  	s29 =	simm.s32 $0x9;
	_ =	strace $0x8000004E  }
0xb3: {  	_ =	swait.ge [sflag:s29], $0x1  }
0xb4: {  	[sflag:s29] =	ssyncadd.s32 $0xFFFFFFFF  }
0xb5: {  	_ =	strace $0x9000004E  }
0xb6: {  	_ =	sfence  }
0xb7: {  	s30 =	sld [smem:$0x0];
	_ =	sdelay $0x2  }
0xb8: {  	s31 =	sshll.u32 s1, $0xD;
	s1 =	sshrl.u32 s1, $0x2  }
0xb9: {  	s3 =	sand.u32 $0x4000, s31;
	s1 =	sadd.s32 s1, s30  }
0xba: {  	s0 =	sor.u32 s3, s0;
	s1 =	sshll.u32 s1, $0x11  }
0xbb: {  	s0 =	sor.u32 s1, s0  }
0xbc: {  	s0 =	sadd.s32 $0x8F2B, s0  }
0xbd: {  	[sflag:s0] =	ssyncadd.remote.s32 $0x1  }
0xbe: {  	_ =	sfence.sel $0xFFFF  }
0xbf: {  	[dreg:$0x0] =	wrdreg $0xFFFFFFFF;
	(pc) =	sbr.abs _section_cstart, $3  }
0xc0: {  	[dreg:$0x1] =	wrdreg $0xFFFFFFFF  }
0xc1: {  	_ =	task.clear_ibuf [dreg:s6], $0x2FFFF;
	_ =	strace $0x9FFFFFFF  }
0xc2: {  	(tm) =	ssettm $0x7FFFFFFF  }
0xc3: {  	_ =	shalt  }
tec
execute0_lowered:
.L_overlay_start_1:
0x0: {  	(tag) =	ssettag $0x1  }
0x1: {  	s6 =	rddreg [dreg:$0x0]  }
0x2: {  	s0 =	srdreg.scid;
	s2 =	rddreg [dreg:$0x1];
	s3 =	simm.s32 $0x0  }
0x3: {  	s14 =	simm.s32 $0x80;
	s15 =	simm.s32 $0x4F00;
	s16 =	simm.s32 $0x6F00  }
0x4: {  	s17 =	simm.s32 $0x1;
	s18 =	simm.s32 $0x2;
	s19 =	simm.s32 $0x4D80  }
0x5: {  	s20 =	simm.s32 $0x2700;
	s21 =	simm.s32 $0x4E00;
	s22 =	simm.s32 $0x4E80  }
0x6: {  	s23 =	simm.s32 $0x0;
	s5 =	sand.u32 $0x1, s0;
	s0 =	stileid.u32  }
0x7: {  	[smem:$0x7FF] =	sst s3;
	s1 =	sshll.u32 s5, $0x4;
	s8 =	smul.u32 $0xA000, s0  }
0x8: {  	s7 =	smul.u32 $0xA0000, s5;
	s10 =	ssub.s32 $0x2, s5;
	s5 =	sadd.s32 $0x2EA00, s6  }
0x9: {  	s12 =	sshll.u32 s0, $0x6;
	s1 =	sor.u32 s0, s1;
	s31 =	sshrl.u32 s10, $0x1  }
0xa: {  	s12 =	sor.u32 $0x1C03, s12;
	s4 =	smul.u32 $0x4F0, s1;
	s1 =	rddreg [dreg:$0x2]  }
0xb: {  	_ =	strace $0x8000004D;
	s7 =	sadd.s32 s8, s7;
	s13 =	sadd.s32 s8, s2  }
0xc: {  	s10 =	ssub.s32 s10, s31;
	s7 =	sshrl.u32 s7, $0x3;
	s13 =	sshrl.u32 s13, $0x3  }
0xd: {  	s9 =	sadd.s32 s4, s6;
	s4 =	sadd.s32 $0x7400, s6;
	s11 =	sadd.s32 s7, s6  }
0xe: {  	s6 =	sadd.s32 $0x24C00, s9;
	s7 =	sadd.s32 $0x1AE00, s9;
	s8 =	sadd.s32 $0x2FE00, s11  }
0xf: {  	s9 =	smax.u32 s10, $0x1;
	s10 =	simm.s32 $0x3;
	s11 =	simm.s32 $0x2780  }
.LBB2_1:
0x10: {  	[tilespmem:s3], [sflag:$0x3] =	stream.linear.gather [hbm4b:s6+s3], $0x2780, $0x38;
	[tilespmem:$0x12F00] =	vst v63  }
0x11: {  	_ =	swait.ge [sflag:s10], $0x2780  }
0x12: {  	[sflag:s10] =	ssyncset.done $0x0  }
0x13: {  	[sflag:s10] =	ssyncadd.s32 $0xFFFFD880  }
0x14: {  	[tilespmem:s11], [sflag:$0x3] =	stream.linear.gather [hbm4b:s7+s3], $0x2780, $0x38;
	[tilespmem:$0x12F00] =	vst v63  }
0x15: {  	_ =	swait.ge [sflag:s10], $0x2780  }
0x16: {  	[sflag:s10] =	ssyncset.done $0x0  }
0x17: {  	[sflag:s10] =	ssyncadd.s32 $0xFFFFD880  }
0x18: {  	[spmem:s13], [sflag:s12] =	dma.local [hbm:s5], $0x1400  }
0x19: {  	_ =	swait.ge [sflag:s10], $0x1400  }
0x1a: {  	[sflag:s10] =	ssyncset.done $0x0  }
0x1b: {  	[sflag:s10] =	ssyncadd.s32 $0xFFFFEC00  }
0x1c: {  	[bflag:$0x0] =	sbarrier.arrive $0xFFFF  }
0x1d: {  	[tilespmem:s15], [sflag:$0x1] =	stream.indirect.gather [hbm4b:s4+s14], $0x40, s3, s14, $0xb8;
	[tilespmem:$0x12F00] =	vst v63  }
0x1e: {  	_ = 	snop  }
0x1f: {  	[tilespmem:s16], [sflag:$0x2] =	stream.indirect.gather [hbm4b:s4+s14], $0x40, s14, s14, $0xb8;
	[tilespmem:$0x12F00] =	vst v63  }
0x20: {  	_ =	swait.ge [sflag:s17], $0x2000  }
0x21: {  	[sflag:s17] =	ssyncset.done $0x0  }
0x22: {  	s24 =	simm.s32 $0x2780;
	[sflag:s17] =	ssyncadd.s32 $0xFFFFE000  }
0x23: {  	[spmem:s2] =	stream.indirect.scatter.add.f32 [tilespmem:s15], [sflag:$0x3], $0x40, s24, s14, $0xb8;
	[tilespmem:$0x12F00] =	vst v63  }
0x24: {  	_ =	swait.ge [sflag:s10], $0x2000  }
0x25: {  	[sflag:s10] =	ssyncset.done $0x0  }
0x26: {  	s30 =	simm.s32 $0x100;
	[sflag:s10] =	ssyncadd.s32 $0xFFFFE000  }
0x27: {  	[tilespmem:s15], [sflag:$0x1] =	stream.indirect.gather [hbm4b:s4+s14], $0x40, s30, s14, $0xb8;
	[tilespmem:$0x12F00] =	vst v63  }
0x28: {  	_ =	swait.ge [sflag:s18], $0x2000  }
0x29: {  	[sflag:s18] =	ssyncset.done $0x0  }
0x2a: {  	s31 =	simm.s32 $0x2800;
	[sflag:s18] =	ssyncadd.s32 $0xFFFFE000  }
0x2b: {  	[spmem:s2] =	stream.indirect.scatter.add.f32 [tilespmem:s16], [sflag:$0x3], $0x40, s31, s14, $0xb8;
	[tilespmem:$0x12F00] =	vst v63  }
0x2c: {  	_ =	swait.ge [sflag:s10], $0x2000  }
0x2d: {  	[sflag:s10] =	ssyncset.done $0x0  }
0x2e: {  	s25 =	simm.s32 $0x180;
	s24 =	simm.s32 $0x400;
	[sflag:s10] =	ssyncadd.s32 $0xFFFFE000  }
.LBB2_2:
0x2f: {  	[tilespmem:s16], [sflag:$0x2] =	stream.indirect.gather [hbm4b:s4+s14], $0x40, s25, s14, $0xb8;
	[tilespmem:$0x12F00] =	vst v63  }
0x30: {  	s25 =	smov.u32 s24  }
0x31: {  	p0 =	sne.s32 s24, $0x9400;
	s24 =	sadd.s32 $0x400, s24;
	_ =	swait.ge [sflag:s17], $0x2000  }
0x32: {  	s25 =	sshra.s32 s25, $0x2;
	[sflag:s17] =	ssyncset.done $0x0  }
0x33: {  	s26 =	sadd.s32 $0x2780, s25;
	[sflag:s17] =	ssyncadd.s32 $0xFFFFE000  }
0x34: {  	[spmem:s2] =	stream.indirect.scatter.add.f32 [tilespmem:s15], [sflag:$0x3], $0x40, s26, s14, $0xb8;
	[tilespmem:$0x12F00] =	vst v63  }
0x35: {  	_ =	swait.ge [sflag:s10], $0x2000  }
0x36: {  	[sflag:s10] =	ssyncset.done $0x0  }
0x37: {  	s26 =	sadd.s32 $0x100, s25;
	[sflag:s10] =	ssyncadd.s32 $0xFFFFE000  }
0x38: {  	[tilespmem:s15], [sflag:$0x1] =	stream.indirect.gather [hbm4b:s4+s14], $0x40, s26, s14, $0xb8;
	[tilespmem:$0x12F00] =	vst v63  }
0x39: {  	_ =	swait.ge [sflag:s18], $0x2000  }
0x3a: {  	[sflag:s18] =	ssyncset.done $0x0  }
.Ltmp0:
0x3b: {  	s26 =	sadd.s32 $0x2800, s25;
	[sflag:s18] =	ssyncadd.s32 $0xFFFFE000;
	(pc) =	sbr.rel @p0 .LBB2_2-.Ltmp0, $4  }
0x3c: {  	[spmem:s2] =	stream.indirect.scatter.add.f32 [tilespmem:s16], [sflag:$0x3], $0x40, s26, s14, $0xb8;
	[tilespmem:$0x12F00] =	vst v63  }
0x3d: {  	_ =	swait.ge [sflag:s10], $0x2000  }
0x3e: {  	[sflag:s10] =	ssyncset.done $0x0  }
0x3f: {  	s25 =	sadd.s32 $0x180, s25;
	[sflag:s10] =	ssyncadd.s32 $0xFFFFE000  }
0x40: {  	[tilespmem:s16], [sflag:$0x2] =	stream.indirect.gather [hbm4b:s4+s14], $0x40, s25, s14, $0xb8;
	[tilespmem:$0x12F00] =	vst v63  }
0x41: {  	_ =	swait.ge [sflag:s17], $0x2000  }
0x42: {  	[sflag:s17] =	ssyncset.done $0x0  }
0x43: {  	[sflag:s17] =	ssyncadd.s32 $0xFFFFE000  }
0x44: {  	[spmem:s2] =	stream.indirect.scatter.add.f32 [tilespmem:s15], [sflag:$0x3], $0x40, s19, s14, $0xb8;
	[tilespmem:$0x12F00] =	vst v63  }
0x45: {  	_ =	swait.ge [sflag:s10], $0x2000  }
0x46: {  	[sflag:s10] =	ssyncset.done $0x0  }
0x47: {  	[sflag:s10] =	ssyncadd.s32 $0xFFFFE000  }
0x48: {  	[tilespmem:s15], [sflag:$0x1] =	stream.indirect.gather [hbm4b:s4+s14], $0x40, s20, s14, $0xb8;
	[tilespmem:$0x12F00] =	vst v63  }
0x49: {  	_ =	swait.ge [sflag:s18], $0x2000  }
0x4a: {  	[sflag:s18] =	ssyncset.done $0x0  }
0x4b: {  	[sflag:s18] =	ssyncadd.s32 $0xFFFFE000  }
0x4c: {  	[spmem:s2] =	stream.indirect.scatter.add.f32 [tilespmem:s16], [sflag:$0x3], $0x40, s21, s14, $0xb8;
	[tilespmem:$0x12F00] =	vst v63  }
0x4d: {  	_ =	swait.ge [sflag:s10], $0x2000  }
0x4e: {  	[sflag:s10] =	ssyncset.done $0x0  }
0x4f: {  	[sflag:s10] =	ssyncadd.s32 $0xFFFFE000  }
0x50: {  	_ =	swait.ge [sflag:s17], $0x2000  }
0x51: {  	[sflag:s17] =	ssyncset.done $0x0  }
0x52: {  	[sflag:s17] =	ssyncadd.s32 $0xFFFFE000  }
0x53: {  	[spmem:s2] =	stream.indirect.scatter.add.f32 [tilespmem:s15], [sflag:$0x3], $0x40, s22, s14, $0xb8;
	[tilespmem:$0x12F00] =	vst v63  }
0x54: {  	_ =	swait.ge [sflag:s10], $0x2000  }
0x55: {  	s23 =	sadd.s32 $0x1, s23;
	[sflag:s10] =	ssyncset.done $0x0  }
0x56: {  	p0 =	sne.s32 s23, s9;
	[sflag:s10] =	ssyncadd.s32 $0xFFFFE000  }
.Ltmp1:
0x57: {  	[bflag:$0x0] =	sbarrier.arrive $0xFFFF;
	(pc) =	sbr.rel @p0 .LBB2_1-.Ltmp1, $4  }
0x58: {  	[hbm:s8], [sflag:s12] =	dma.local [spmem:s13], $0x1400  }
0x59: {  	_ =	swait.ge [sflag:s10], $0x1400  }
0x5a: {  	[sflag:s10] =	ssyncset.done $0x0  }
0x5b: {  	[sflag:s10] =	ssyncadd.s32 $0xFFFFEC00  }
0x5c: {  	_ =	sfence.sel $0x180000  }
0x5d: {  	[bflag:$0x0] =	sbarrier.arrive $0xFFFF  }
0x5e: {  	p0 =	sne.s32 s0, $0x0;
	_ =	strace $0x9000004D  }
0x5f: {  	s0 =	sadd.s32 @!p0 $0x100000, s1;
	[bflag:$0x2] =	sbarrier.arrive $0xFFFF  }
0x60: {  	[sflag:s0] =	ssyncadd.tile.s32 @!p0 $0x1;
	_ =	shalt  }
.Lfunc_end2:
_tile_overlayer_lowered:
.L_overlay_start_2:
0x61: {  	(tag) =	ssettag $0x2  }
0x62: {  	s0 =	rddreg [dreg:$0x0];
	s2 =	stileid.u32  }
0x63: {  	s1 =	rddreg [dreg:$0x1];
	p0 =	sne.s32 s2, $0x0  }
0x64: {  	s3 =	rddreg [dreg:$0x2];
	[bflag:$0x3] =	sbarrier.arrive $0xFFFF;
	s2 =	simm.s32 @!p0 $0x1C03  }
0x65: {  	[timem:s3], [sflag:s2] =	dma.local @!p0 [hbm:s0], s1  }
0x66: {  	s0 =	simm.s32 @!p0 $0x3  }
0x67: {  	_ =	swait.ge @!p0 [sflag:s0], s1  }
0x68: {  	s1 =	ssub.s32 @!p0 $0x0, s1;
	[sflag:s0] =	ssyncset.done @!p0 $0x0  }
0x69: {  	[sflag:s0] =	ssyncadd.s32 @!p0 s1  }
0x6a: {  	[bflag:$0x3] =	sbarrier.arrive $0xFFFF  }
0x6b: {  	_ =	shalt  }

// kernel: kernel.29.cloned.1.call-start
scs
__scs_entry_jumppad:
0x0: {  	(pc) =	sbr.rel $0x88, $3  }
0x1: {  	(tag) =	ssettag $0x0;
	lr =	simm.s32 $0x1  }
0x2: {  	[smem:$0x3F91] =	sst lr;
	_ =	strace $0xD0000000  }
0x3: {  	_ = 	snop  }
0x4: {  	_ = 	snop  }
0x5: {  	_ = 	snop  }
0x6: {  	_ = 	snop  }
0x7: {  	_ = 	snop  }
__scs_overlays_trampoline_lowered:
0x8: {  	[smem:$0x3FA0] =	sst s0  }
0x9: {  	[smem:$0x3FA1] =	sst s1  }
0xa: {  	[smem:$0x3FA2] =	sst s2  }
0xb: {  	[smem:$0x3FA3] =	sst s3  }
0xc: {  	[smem:$0x3FA4] =	sst s4  }
0xd: {  	[smem:$0x3FA5] =	sst s5  }
0xe: {  	[smem:$0x3FA6] =	sst s6  }
0xf: {  	[smem:$0x3FA7] =	sst s7  }
0x10: {  	[smem:$0x3FA8] =	sst s8  }
0x11: {  	[smem:$0x3FA9] =	sst s9;
	s0 =	simm.s32 @!p0 $0x0  }
0x12: {  	s1 =	sld [smem:$0x3F8F];
	s0 =	simm.s32 @p0 $0x1  }
0x13: {  	[smem:$0x3FAA] =	sst s0;
	s0 =	simm.s32 @!p1 $0x0  }
0x14: {  	s2 =	sld [smem:$0x3F8E];
	s0 =	simm.s32 @p1 $0x1  }
0x15: {  	[smem:$0x3FAB] =	sst s0;
	s0 =	simm.s32 @!p2 $0x0  }
0x16: {  	s3 =	sld [smem:$0x3FDB];
	s0 =	simm.s32 @p2 $0x1  }
0x17: {  	s4 =	simm.s32 $0x1BF5;
	[smem:$0x3FAD] =	sst s0  }
0x18: {  	s0 =	sld [smem:$0x3F90];
	_ =	swait.ge [sflag:s4], $0x0  }
0x19: {  	s7 =	sld [smem:$0x3F91]  }
0x1a: {  	s8 =	sadd.s32 $0xFFFFE003, lr  }
0x1b: {  	s9 =	sadd.s32 $0xFFFFFEF7, lr;
	s5 =	simm.s32 $0xFFFFFFFF;
	p2 =	slt.u32 s8, $0xFFFFF086  }
0x1c: {  	p1 =	slt.u32 s9, $0xF7A;
	s5 =	simm.s32 @!p2 $0x0  }
0x1d: {  	s5 =	simm.s32 @p1 $0x1;
	p0 =	seq.s32 s7, s2  }
0x1e: {  	s7 =	smul.u32 @!p0 $0xF7A, s2;
	p2 =	seq.s32 @!p0 s5, $0x0  }
0x1f: {  	s9 =	smul.u32 $0xF7A, s1;
	s8 =	simm.s32 @!p0 $0x1BF5;
	p2 =	por !p2, p0  }
0x20: {  	[sflag:s8] =	ssyncset.s32 @!p0 $0xFFFFF086;
	s6 =	sadd.s32 @!p0 s3, s7;
	s7 =	simm.s32 @!p0 $0x108  }
0x21: {  	s3 =	sadd.s32 s3, s9;
	s6 =	sadd.s32 @!p0 $0x88, s6;
	s7 =	simm.s32 @p2 $0x1082  }
0x22: {  	[simem:s7], [sflag:s8] =	dma.local @!p0 [hbm:s6], $0xF7A  }
0x23: {  	s9 =	sor.u32 $0xD0000000, s2;
	s6 =	simm.s32 $0x108;
	_ =	swait.ge @!p0 [sflag:s8], $0x0  }
0x24: {  	s3 =	sadd.s32 $0x88, s3;
	s6 =	simm.s32 @!p1 $0x1082;
	[sflag:s4] =	ssyncset.s32 $0xFFFFF086  }
0x25: {  	[simem:s6], [sflag:s4] =	dma.local [hbm:s3], $0xF7A  }
0x26: {  	[smem:$0x3F91] =	sst s1;
	(tag) =	ssettag s2;
	_ =	strace s9  }
0x27: {  	s1 =	sld [smem:$0x3FA1]  }
0x28: {  	s2 =	sld [smem:$0x3FA2]  }
0x29: {  	s4 =	sld [smem:$0x3FA4]  }
0x2a: {  	p0 =	seq.s32 s5, $0x0;
	s5 =	sld [smem:$0x3FA5]  }
0x2b: {  	s6 =	sld [smem:$0x3FA6]  }
0x2c: {  	s7 =	sld [smem:$0x3FA7]  }
0x2d: {  	s3 =	simm.s32 $0x108;
	s8 =	sld [smem:$0x3FA8]  }
0x2e: {  	s3 =	simm.s32 @!p0 $0x1082;
	s9 =	sld [smem:$0x3FA9]  }
0x2f: {  	lr =	sadd.s32 s0, s3;
	s0 =	sld [smem:$0x3FA0]  }
0x30: {  	s3 =	sld [smem:$0x3FA3]  }
0x31: {  	[smem:$0x3FAC] =	sst s10  }
0x32: {  	s10 =	sld [smem:$0x3FAA];
	_ =	sdelay $0x3  }
0x33: {  	p0 =	seq.s32 s10, $0x1;
	s10 =	sld [smem:$0x3FAC];
	_ =	sdelay $0x3  }
0x34: {  	[smem:$0x3FAC] =	sst s10  }
0x35: {  	s10 =	sld [smem:$0x3FAB];
	_ =	sdelay $0x3  }
0x36: {  	p1 =	seq.s32 s10, $0x1;
	s10 =	sld [smem:$0x3FAC];
	_ =	sdelay $0x3  }
0x37: {  	[smem:$0x3FAC] =	sst s10  }
0x38: {  	s10 =	sld [smem:$0x3FAD]  }
0x39: {  	_ = 	snop;
	(pc) =	sbr.ind lr, $3  }
0x3a: {  	_ = 	snop  }
0x3b: {  	_ = 	snop  }
0x3c: {  	p2 =	seq.s32 s10, $0x1;
	s10 =	sld [smem:$0x3FAC]  }
0x3d: {  	_ =	shalt  }
0x3e: {  	_ =	shalt  }
0x3f: {  	_ =	shalt  }
0x40: {  	_ =	shalt  }
0x41: {  	_ =	shalt  }
0x42: {  	_ =	shalt  }
0x43: {  	_ =	shalt  }
0x44: {  	_ =	shalt  }
0x45: {  	_ =	shalt  }
0x46: {  	_ =	shalt  }
0x47: {  	_ =	shalt  }
0x48: {  	_ =	shalt  }
0x49: {  	_ =	shalt  }
0x4a: {  	_ =	shalt  }
0x4b: {  	_ =	shalt  }
0x4c: {  	_ =	shalt  }
0x4d: {  	_ =	shalt  }
0x4e: {  	_ =	shalt  }
0x4f: {  	_ =	shalt  }
0x50: {  	_ =	shalt  }
0x51: {  	_ =	shalt  }
0x52: {  	_ =	shalt  }
0x53: {  	_ =	shalt  }
0x54: {  	_ =	shalt  }
0x55: {  	_ =	shalt  }
0x56: {  	_ =	shalt  }
0x57: {  	_ =	shalt  }
0x58: {  	_ =	shalt  }
0x59: {  	_ =	shalt  }
0x5a: {  	_ =	shalt  }
0x5b: {  	_ =	shalt  }
0x5c: {  	_ =	shalt  }
0x5d: {  	_ =	shalt  }
0x5e: {  	_ =	shalt  }
0x5f: {  	_ =	shalt  }
0x60: {  	_ =	shalt  }
0x61: {  	_ =	shalt  }
0x62: {  	_ =	shalt  }
0x63: {  	_ =	shalt  }
0x64: {  	_ =	shalt  }
0x65: {  	_ =	shalt  }
0x66: {  	_ =	shalt  }
0x67: {  	_ =	shalt  }
0x68: {  	_ =	shalt  }
0x69: {  	_ =	shalt  }
0x6a: {  	_ =	shalt  }
0x6b: {  	_ =	shalt  }
0x6c: {  	_ =	shalt  }
0x6d: {  	_ =	shalt  }
0x6e: {  	_ =	shalt  }
0x6f: {  	_ =	shalt  }
0x70: {  	_ =	shalt  }
0x71: {  	_ =	shalt  }
0x72: {  	_ =	shalt  }
0x73: {  	_ =	shalt  }
0x74: {  	_ =	shalt  }
0x75: {  	_ =	shalt  }
0x76: {  	_ =	shalt  }
0x77: {  	_ =	shalt  }
0x78: {  	_ =	shalt  }
0x79: {  	_ =	shalt  }
0x7a: {  	_ =	shalt  }
0x7b: {  	_ =	shalt  }
0x7c: {  	_ =	shalt  }
0x7d: {  	_ =	shalt  }
0x7e: {  	_ =	shalt  }
0x7f: {  	_ =	shalt  }
0x80: {  	_ =	shalt  }
0x81: {  	_ =	shalt  }
0x82: {  	_ =	shalt  }
0x83: {  	_ =	shalt  }
0x84: {  	_ =	shalt  }
0x85: {  	_ =	shalt  }
0x86: {  	_ =	shalt  }
0x87: {  	_ =	shalt  }
.Lfunc_end0:
.L_simem_size_0:
called_computation.3_lowered:
.L_overlay_start_0:
0x88: {  	s2 =	sld [smem:$0x3FD9]  }
0x89: {  	s3 =	sld [smem:$0x3FFE];
	_ =	sdelay $0x1  }
0x8a: {  	s1 =	srdreg.scid  }
0x8b: {  	s0 =	sand.u32 $0x1, s1  }
0x8c: {  	s16 =	sshll.u32 s0, $0xA;
	s2 =	sadd.s32 s3, s2  }
0x8d: {  	s2 =	sadd.s32 s2, s16  }
0x8e: {  	[smem:$0x3FB8] =	sst s2  }
0x8f: {  	_ = 	snop  }
0x90: {  	(tm) =	ssettm $0x1  }
0x91: {  	s17 =	sld [smem:$0x3FFB];
	_ =	sdelay $0x3  }
0x92: {  	_ =	strace s17  }
0x93: {  	s2 =	sld [smem:$0x3FFC];
	_ =	sdelay $0x3  }
0x94: {  	_ =	strace s2  }
0x95: {  	s2 =	sld [smem:$0x3FFD];
	_ =	sdelay $0x3  }
0x96: {  	_ =	strace s2  }
0x97: {  	_ =	strace $0x8FFFFFFF  }
0x98: {  	s18 =	sld [smem:$0x3FDB];
	_ =	sdelay $0x1  }
0x99: {  	s19 =	simm.s32 $_scs_section_size  }
0x9a: {  	s4 =	simm.s32 $_size__tile_overlayer_lowered;
	s5 =	simm.s32 $_tile_overlayer_lowered  }
0x9b: {  	s22 =	simm.s32 $0x1BFF;
	s21 =	sshll.u32 s5, $0x1;
	s2 =	sadd.s32 s19, s18  }
0x9c: {  	s6 =	simm.s32 $0x0;
	s20 =	sshll.u32 s4, $0x1;
	s4 =	sadd.s32 s21, s2  }
0x9d: {  	[timem:s6], [sflag:s22] =	dma.local [hbm:s4], s20  }
0x9e: {  	_ =	swait.ge [sflag:s22], s20  }
0x9f: {  	s3 =	ssub.s32 $0x0, s20;
	[sflag:s22] =	ssyncset.done $0x0  }
0xa0: {  	[sflag:s22] =	ssyncadd.s32 s3;
	_ =	sdelay $0x1  }
0xa1: {  	s23 =	simm.s32 $0x1B8B  }
0xa2: {  	_ =	swait.ge [sflag:s23], $0x1  }
0xa3: {  	[sflag:s23] =	ssyncset.done $0x0  }
0xa4: {  	s25 =	simm.s32 $0x1B8E;
	s24 =	sld [smem:$0x3FFE];
	[sflag:s23] =	ssyncadd.s32 $0xFFFFFFFF  }
0xa5: {  	s26 =	simm.s32 $execute0_lowered;
	[smem:$0x3FD2] =	sst s25  }
0xa6: {  	s4 =	sshll.u32 s26, $0x1;
	_ =	strace $0x8000004F;
	[dreg:$0x1] =	wrdreg $0xFFFFFFFF  }
0xa7: {  	s28 =	simm.s32 $_size_execute0_lowered;
	s2 =	sadd.s32 s2, s4;
	[dreg:$0x0] =	wrdreg $0x0  }
0xa8: {  	s4 =	sshll.u32 s28, $0x1;
	[dreg:$0x2] =	wrdreg s2  }
0xa9: {  	[dreg:$0x3] =	wrdreg s4  }
0xaa: {  	[dreg:$0x4] =	wrdreg $0xC0  }
0xab: {  	_ =	task [dreg:s6], $0x5FFFF  }
0xac: {  	[dreg:$0x1] =	wrdreg $0xFFFFFFFF  }
0xad: {  	[dreg:$0x0] =	wrdreg $0x60  }
0xae: {  	[dreg:$0x2] =	wrdreg s24  }
0xaf: {  	[dreg:$0x3] =	wrdreg $0x8F000  }
0xb0: {  	[dreg:$0x4] =	wrdreg $0x9  }
0xb1: {  	_ =	task.clear_ibuf [dreg:s6], $0x5FFFF;
	_ =	strace $0x9000004F  }
0xb2: {  	s29 =	simm.s32 $0x9;
	_ =	strace $0x80000051  }
0xb3: {  	_ =	swait.ge [sflag:s29], $0x1  }
0xb4: {  	[sflag:s29] =	ssyncadd.s32 $0xFFFFFFFF  }
0xb5: {  	_ =	strace $0x90000051  }
0xb6: {  	_ =	sfence  }
0xb7: {  	s30 =	sld [smem:$0x0];
	_ =	sdelay $0x2  }
0xb8: {  	s31 =	sshll.u32 s1, $0xD;
	s1 =	sshrl.u32 s1, $0x2  }
0xb9: {  	s3 =	sand.u32 $0x4000, s31;
	s1 =	sadd.s32 s1, s30  }
0xba: {  	s0 =	sor.u32 s3, s0;
	s1 =	sshll.u32 s1, $0x11  }
0xbb: {  	s0 =	sor.u32 s1, s0  }
0xbc: {  	s0 =	sadd.s32 $0x8F2B, s0  }
0xbd: {  	[sflag:s0] =	ssyncadd.remote.s32 $0x1  }
0xbe: {  	_ =	sfence.sel $0xFFFF  }
0xbf: {  	[dreg:$0x0] =	wrdreg $0xFFFFFFFF;
	(pc) =	sbr.abs _section_cstart, $3  }
0xc0: {  	[dreg:$0x1] =	wrdreg $0xFFFFFFFF  }
0xc1: {  	_ =	task.clear_ibuf [dreg:s6], $0x2FFFF;
	_ =	strace $0x9FFFFFFF  }
0xc2: {  	(tm) =	ssettm $0x7FFFFFFF  }
0xc3: {  	_ =	shalt  }
tec
execute0_lowered:
.L_overlay_start_1:
0x0: {  	(tag) =	ssettag $0x1  }
0x1: {  	s6 =	rddreg [dreg:$0x0]  }
0x2: {  	s0 =	srdreg.scid;
	s2 =	rddreg [dreg:$0x1];
	s3 =	simm.s32 $0x0  }
0x3: {  	s14 =	simm.s32 $0x80;
	s15 =	simm.s32 $0x4F00;
	s16 =	simm.s32 $0x6F00  }
0x4: {  	s17 =	simm.s32 $0x1;
	s18 =	simm.s32 $0x2;
	s19 =	simm.s32 $0x4D80  }
0x5: {  	s20 =	simm.s32 $0x2700;
	s21 =	simm.s32 $0x4E00;
	s22 =	simm.s32 $0x4E80  }
0x6: {  	s23 =	simm.s32 $0x0;
	s5 =	sand.u32 $0x1, s0;
	s0 =	stileid.u32  }
0x7: {  	[smem:$0x7FF] =	sst s3;
	s1 =	sshll.u32 s5, $0x4;
	s8 =	smul.u32 $0xA000, s0  }
0x8: {  	s7 =	smul.u32 $0xA0000, s5;
	s10 =	ssub.s32 $0x2, s5;
	s5 =	sadd.s32 $0x2EA00, s6  }
0x9: {  	s12 =	sshll.u32 s0, $0x6;
	s1 =	sor.u32 s0, s1;
	s31 =	sshrl.u32 s10, $0x1  }
0xa: {  	s12 =	sor.u32 $0x1C03, s12;
	s4 =	smul.u32 $0x4F0, s1;
	s1 =	rddreg [dreg:$0x2]  }
0xb: {  	_ =	strace $0x80000050;
	s7 =	sadd.s32 s8, s7;
	s13 =	sadd.s32 s8, s2  }
0xc: {  	s10 =	ssub.s32 s10, s31;
	s7 =	sshrl.u32 s7, $0x3;
	s13 =	sshrl.u32 s13, $0x3  }
0xd: {  	s9 =	sadd.s32 s4, s6;
	s4 =	sadd.s32 $0x7400, s6;
	s11 =	sadd.s32 s7, s6  }
0xe: {  	s6 =	sadd.s32 $0x24C00, s9;
	s7 =	sadd.s32 $0x1AE00, s9;
	s8 =	sadd.s32 $0x2FE00, s11  }
0xf: {  	s9 =	smax.u32 s10, $0x1;
	s10 =	simm.s32 $0x3;
	s11 =	simm.s32 $0x2780  }
.LBB2_1:
0x10: {  	[tilespmem:s3], [sflag:$0x3] =	stream.linear.gather [hbm4b:s6+s3], $0x2780, $0x38;
	[tilespmem:$0x12F00] =	vst v63  }
0x11: {  	_ =	swait.ge [sflag:s10], $0x2780  }
0x12: {  	[sflag:s10] =	ssyncset.done $0x0  }
0x13: {  	[sflag:s10] =	ssyncadd.s32 $0xFFFFD880  }
0x14: {  	[tilespmem:s11], [sflag:$0x3] =	stream.linear.gather [hbm4b:s7+s3], $0x2780, $0x38;
	[tilespmem:$0x12F00] =	vst v63  }
0x15: {  	_ =	swait.ge [sflag:s10], $0x2780  }
0x16: {  	[sflag:s10] =	ssyncset.done $0x0  }
0x17: {  	[sflag:s10] =	ssyncadd.s32 $0xFFFFD880  }
0x18: {  	[spmem:s13], [sflag:s12] =	dma.local [hbm:s5], $0x1400  }
0x19: {  	_ =	swait.ge [sflag:s10], $0x1400  }
0x1a: {  	[sflag:s10] =	ssyncset.done $0x0  }
0x1b: {  	[sflag:s10] =	ssyncadd.s32 $0xFFFFEC00  }
0x1c: {  	[bflag:$0x0] =	sbarrier.arrive $0xFFFF  }
0x1d: {  	[tilespmem:s15], [sflag:$0x1] =	stream.indirect.gather [hbm4b:s4+s14], $0x40, s3, s14, $0xb8;
	[tilespmem:$0x12F00] =	vst v63  }
0x1e: {  	_ = 	snop  }
0x1f: {  	[tilespmem:s16], [sflag:$0x2] =	stream.indirect.gather [hbm4b:s4+s14], $0x40, s14, s14, $0xb8;
	[tilespmem:$0x12F00] =	vst v63  }
0x20: {  	_ =	swait.ge [sflag:s17], $0x2000  }
0x21: {  	[sflag:s17] =	ssyncset.done $0x0  }
0x22: {  	s24 =	simm.s32 $0x2780;
	[sflag:s17] =	ssyncadd.s32 $0xFFFFE000  }
0x23: {  	[spmem:s2] =	stream.indirect.scatter.add.f32 [tilespmem:s15], [sflag:$0x3], $0x40, s24, s14, $0xb8;
	[tilespmem:$0x12F00] =	vst v63  }
0x24: {  	_ =	swait.ge [sflag:s10], $0x2000  }
0x25: {  	[sflag:s10] =	ssyncset.done $0x0  }
0x26: {  	s30 =	simm.s32 $0x100;
	[sflag:s10] =	ssyncadd.s32 $0xFFFFE000  }
0x27: {  	[tilespmem:s15], [sflag:$0x1] =	stream.indirect.gather [hbm4b:s4+s14], $0x40, s30, s14, $0xb8;
	[tilespmem:$0x12F00] =	vst v63  }
0x28: {  	_ =	swait.ge [sflag:s18], $0x2000  }
0x29: {  	[sflag:s18] =	ssyncset.done $0x0  }
0x2a: {  	s31 =	simm.s32 $0x2800;
	[sflag:s18] =	ssyncadd.s32 $0xFFFFE000  }
0x2b: {  	[spmem:s2] =	stream.indirect.scatter.add.f32 [tilespmem:s16], [sflag:$0x3], $0x40, s31, s14, $0xb8;
	[tilespmem:$0x12F00] =	vst v63  }
0x2c: {  	_ =	swait.ge [sflag:s10], $0x2000  }
0x2d: {  	[sflag:s10] =	ssyncset.done $0x0  }
0x2e: {  	s25 =	simm.s32 $0x180;
	s24 =	simm.s32 $0x400;
	[sflag:s10] =	ssyncadd.s32 $0xFFFFE000  }
.LBB2_2:
0x2f: {  	[tilespmem:s16], [sflag:$0x2] =	stream.indirect.gather [hbm4b:s4+s14], $0x40, s25, s14, $0xb8;
	[tilespmem:$0x12F00] =	vst v63  }
0x30: {  	s25 =	smov.u32 s24  }
0x31: {  	p0 =	sne.s32 s24, $0x9400;
	s24 =	sadd.s32 $0x400, s24;
	_ =	swait.ge [sflag:s17], $0x2000  }
0x32: {  	s25 =	sshra.s32 s25, $0x2;
	[sflag:s17] =	ssyncset.done $0x0  }
0x33: {  	s26 =	sadd.s32 $0x2780, s25;
	[sflag:s17] =	ssyncadd.s32 $0xFFFFE000  }
0x34: {  	[spmem:s2] =	stream.indirect.scatter.add.f32 [tilespmem:s15], [sflag:$0x3], $0x40, s26, s14, $0xb8;
	[tilespmem:$0x12F00] =	vst v63  }
0x35: {  	_ =	swait.ge [sflag:s10], $0x2000  }
0x36: {  	[sflag:s10] =	ssyncset.done $0x0  }
0x37: {  	s26 =	sadd.s32 $0x100, s25;
	[sflag:s10] =	ssyncadd.s32 $0xFFFFE000  }
0x38: {  	[tilespmem:s15], [sflag:$0x1] =	stream.indirect.gather [hbm4b:s4+s14], $0x40, s26, s14, $0xb8;
	[tilespmem:$0x12F00] =	vst v63  }
0x39: {  	_ =	swait.ge [sflag:s18], $0x2000  }
0x3a: {  	[sflag:s18] =	ssyncset.done $0x0  }
.Ltmp0:
0x3b: {  	s26 =	sadd.s32 $0x2800, s25;
	[sflag:s18] =	ssyncadd.s32 $0xFFFFE000;
	(pc) =	sbr.rel @p0 .LBB2_2-.Ltmp0, $4  }
0x3c: {  	[spmem:s2] =	stream.indirect.scatter.add.f32 [tilespmem:s16], [sflag:$0x3], $0x40, s26, s14, $0xb8;
	[tilespmem:$0x12F00] =	vst v63  }
0x3d: {  	_ =	swait.ge [sflag:s10], $0x2000  }
0x3e: {  	[sflag:s10] =	ssyncset.done $0x0  }
0x3f: {  	s25 =	sadd.s32 $0x180, s25;
	[sflag:s10] =	ssyncadd.s32 $0xFFFFE000  }
0x40: {  	[tilespmem:s16], [sflag:$0x2] =	stream.indirect.gather [hbm4b:s4+s14], $0x40, s25, s14, $0xb8;
	[tilespmem:$0x12F00] =	vst v63  }
0x41: {  	_ =	swait.ge [sflag:s17], $0x2000  }
0x42: {  	[sflag:s17] =	ssyncset.done $0x0  }
0x43: {  	[sflag:s17] =	ssyncadd.s32 $0xFFFFE000  }
0x44: {  	[spmem:s2] =	stream.indirect.scatter.add.f32 [tilespmem:s15], [sflag:$0x3], $0x40, s19, s14, $0xb8;
	[tilespmem:$0x12F00] =	vst v63  }
0x45: {  	_ =	swait.ge [sflag:s10], $0x2000  }
0x46: {  	[sflag:s10] =	ssyncset.done $0x0  }
0x47: {  	[sflag:s10] =	ssyncadd.s32 $0xFFFFE000  }
0x48: {  	[tilespmem:s15], [sflag:$0x1] =	stream.indirect.gather [hbm4b:s4+s14], $0x40, s20, s14, $0xb8;
	[tilespmem:$0x12F00] =	vst v63  }
0x49: {  	_ =	swait.ge [sflag:s18], $0x2000  }
0x4a: {  	[sflag:s18] =	ssyncset.done $0x0  }
0x4b: {  	[sflag:s18] =	ssyncadd.s32 $0xFFFFE000  }
0x4c: {  	[spmem:s2] =	stream.indirect.scatter.add.f32 [tilespmem:s16], [sflag:$0x3], $0x40, s21, s14, $0xb8;
	[tilespmem:$0x12F00] =	vst v63  }
0x4d: {  	_ =	swait.ge [sflag:s10], $0x2000  }
0x4e: {  	[sflag:s10] =	ssyncset.done $0x0  }
0x4f: {  	[sflag:s10] =	ssyncadd.s32 $0xFFFFE000  }
0x50: {  	_ =	swait.ge [sflag:s17], $0x2000  }
0x51: {  	[sflag:s17] =	ssyncset.done $0x0  }
0x52: {  	[sflag:s17] =	ssyncadd.s32 $0xFFFFE000  }
0x53: {  	[spmem:s2] =	stream.indirect.scatter.add.f32 [tilespmem:s15], [sflag:$0x3], $0x40, s22, s14, $0xb8;
	[tilespmem:$0x12F00] =	vst v63  }
0x54: {  	_ =	swait.ge [sflag:s10], $0x2000  }
0x55: {  	s23 =	sadd.s32 $0x1, s23;
	[sflag:s10] =	ssyncset.done $0x0  }
0x56: {  	p0 =	sne.s32 s23, s9;
	[sflag:s10] =	ssyncadd.s32 $0xFFFFE000  }
.Ltmp1:
0x57: {  	[bflag:$0x0] =	sbarrier.arrive $0xFFFF;
	(pc) =	sbr.rel @p0 .LBB2_1-.Ltmp1, $4  }
0x58: {  	[hbm:s8], [sflag:s12] =	dma.local [spmem:s13], $0x1400  }
0x59: {  	_ =	swait.ge [sflag:s10], $0x1400  }
0x5a: {  	[sflag:s10] =	ssyncset.done $0x0  }
0x5b: {  	[sflag:s10] =	ssyncadd.s32 $0xFFFFEC00  }
0x5c: {  	_ =	sfence.sel $0x180000  }
0x5d: {  	[bflag:$0x0] =	sbarrier.arrive $0xFFFF  }
0x5e: {  	p0 =	sne.s32 s0, $0x0;
	_ =	strace $0x90000050  }
0x5f: {  	s0 =	sadd.s32 @!p0 $0x100000, s1;
	[bflag:$0x2] =	sbarrier.arrive $0xFFFF  }
0x60: {  	[sflag:s0] =	ssyncadd.tile.s32 @!p0 $0x1;
	_ =	shalt  }
.Lfunc_end2:
_tile_overlayer_lowered:
.L_overlay_start_2:
0x61: {  	(tag) =	ssettag $0x2  }
0x62: {  	s0 =	rddreg [dreg:$0x0];
	s2 =	stileid.u32  }
0x63: {  	s1 =	rddreg [dreg:$0x1];
	p0 =	sne.s32 s2, $0x0  }
0x64: {  	s3 =	rddreg [dreg:$0x2];
	[bflag:$0x3] =	sbarrier.arrive $0xFFFF;
	s2 =	simm.s32 @!p0 $0x1C03  }
0x65: {  	[timem:s3], [sflag:s2] =	dma.local @!p0 [hbm:s0], s1  }
0x66: {  	s0 =	simm.s32 @!p0 $0x3  }
0x67: {  	_ =	swait.ge @!p0 [sflag:s0], s1  }
0x68: {  	s1 =	ssub.s32 @!p0 $0x0, s1;
	[sflag:s0] =	ssyncset.done @!p0 $0x0  }
0x69: {  	[sflag:s0] =	ssyncadd.s32 @!p0 s1  }
0x6a: {  	[bflag:$0x3] =	sbarrier.arrive $0xFFFF  }
0x6b: {  	_ =	shalt  }

// kernel: kernel.32.cloned.1.call-start
scs
__scs_entry_jumppad:
0x0: {  	(pc) =	sbr.rel $0x88, $3  }
0x1: {  	(tag) =	ssettag $0x0;
	lr =	simm.s32 $0x1  }
0x2: {  	[smem:$0x3F91] =	sst lr;
	_ =	strace $0xD0000000  }
0x3: {  	_ = 	snop  }
0x4: {  	_ = 	snop  }
0x5: {  	_ = 	snop  }
0x6: {  	_ = 	snop  }
0x7: {  	_ = 	snop  }
__scs_overlays_trampoline_lowered:
0x8: {  	[smem:$0x3FA0] =	sst s0  }
0x9: {  	[smem:$0x3FA1] =	sst s1  }
0xa: {  	[smem:$0x3FA2] =	sst s2  }
0xb: {  	[smem:$0x3FA3] =	sst s3  }
0xc: {  	[smem:$0x3FA4] =	sst s4  }
0xd: {  	[smem:$0x3FA5] =	sst s5  }
0xe: {  	[smem:$0x3FA6] =	sst s6  }
0xf: {  	[smem:$0x3FA7] =	sst s7  }
0x10: {  	[smem:$0x3FA8] =	sst s8  }
0x11: {  	[smem:$0x3FA9] =	sst s9;
	s0 =	simm.s32 @!p0 $0x0  }
0x12: {  	s1 =	sld [smem:$0x3F8F];
	s0 =	simm.s32 @p0 $0x1  }
0x13: {  	[smem:$0x3FAA] =	sst s0;
	s0 =	simm.s32 @!p1 $0x0  }
0x14: {  	s2 =	sld [smem:$0x3F8E];
	s0 =	simm.s32 @p1 $0x1  }
0x15: {  	[smem:$0x3FAB] =	sst s0;
	s0 =	simm.s32 @!p2 $0x0  }
0x16: {  	s3 =	sld [smem:$0x3FDB];
	s0 =	simm.s32 @p2 $0x1  }
0x17: {  	s4 =	simm.s32 $0x1BF5;
	[smem:$0x3FAD] =	sst s0  }
0x18: {  	s0 =	sld [smem:$0x3F90];
	_ =	swait.ge [sflag:s4], $0x0  }
0x19: {  	s7 =	sld [smem:$0x3F91]  }
0x1a: {  	s8 =	sadd.s32 $0xFFFFE003, lr  }
0x1b: {  	s9 =	sadd.s32 $0xFFFFFEF7, lr;
	s5 =	simm.s32 $0xFFFFFFFF;
	p2 =	slt.u32 s8, $0xFFFFF086  }
0x1c: {  	p1 =	slt.u32 s9, $0xF7A;
	s5 =	simm.s32 @!p2 $0x0  }
0x1d: {  	s5 =	simm.s32 @p1 $0x1;
	p0 =	seq.s32 s7, s2  }
0x1e: {  	s7 =	smul.u32 @!p0 $0xF7A, s2;
	p2 =	seq.s32 @!p0 s5, $0x0  }
0x1f: {  	s9 =	smul.u32 $0xF7A, s1;
	s8 =	simm.s32 @!p0 $0x1BF5;
	p2 =	por !p2, p0  }
0x20: {  	[sflag:s8] =	ssyncset.s32 @!p0 $0xFFFFF086;
	s6 =	sadd.s32 @!p0 s3, s7;
	s7 =	simm.s32 @!p0 $0x108  }
0x21: {  	s3 =	sadd.s32 s3, s9;
	s6 =	sadd.s32 @!p0 $0x88, s6;
	s7 =	simm.s32 @p2 $0x1082  }
0x22: {  	[simem:s7], [sflag:s8] =	dma.local @!p0 [hbm:s6], $0xF7A  }
0x23: {  	s9 =	sor.u32 $0xD0000000, s2;
	s6 =	simm.s32 $0x108;
	_ =	swait.ge @!p0 [sflag:s8], $0x0  }
0x24: {  	s3 =	sadd.s32 $0x88, s3;
	s6 =	simm.s32 @!p1 $0x1082;
	[sflag:s4] =	ssyncset.s32 $0xFFFFF086  }
0x25: {  	[simem:s6], [sflag:s4] =	dma.local [hbm:s3], $0xF7A  }
0x26: {  	[smem:$0x3F91] =	sst s1;
	(tag) =	ssettag s2;
	_ =	strace s9  }
0x27: {  	s1 =	sld [smem:$0x3FA1]  }
0x28: {  	s2 =	sld [smem:$0x3FA2]  }
0x29: {  	s4 =	sld [smem:$0x3FA4]  }
0x2a: {  	p0 =	seq.s32 s5, $0x0;
	s5 =	sld [smem:$0x3FA5]  }
0x2b: {  	s6 =	sld [smem:$0x3FA6]  }
0x2c: {  	s7 =	sld [smem:$0x3FA7]  }
0x2d: {  	s3 =	simm.s32 $0x108;
	s8 =	sld [smem:$0x3FA8]  }
0x2e: {  	s3 =	simm.s32 @!p0 $0x1082;
	s9 =	sld [smem:$0x3FA9]  }
0x2f: {  	lr =	sadd.s32 s0, s3;
	s0 =	sld [smem:$0x3FA0]  }
0x30: {  	s3 =	sld [smem:$0x3FA3]  }
0x31: {  	[smem:$0x3FAC] =	sst s10  }
0x32: {  	s10 =	sld [smem:$0x3FAA];
	_ =	sdelay $0x3  }
0x33: {  	p0 =	seq.s32 s10, $0x1;
	s10 =	sld [smem:$0x3FAC];
	_ =	sdelay $0x3  }
0x34: {  	[smem:$0x3FAC] =	sst s10  }
0x35: {  	s10 =	sld [smem:$0x3FAB];
	_ =	sdelay $0x3  }
0x36: {  	p1 =	seq.s32 s10, $0x1;
	s10 =	sld [smem:$0x3FAC];
	_ =	sdelay $0x3  }
0x37: {  	[smem:$0x3FAC] =	sst s10  }
0x38: {  	s10 =	sld [smem:$0x3FAD]  }
0x39: {  	_ = 	snop;
	(pc) =	sbr.ind lr, $3  }
0x3a: {  	_ = 	snop  }
0x3b: {  	_ = 	snop  }
0x3c: {  	p2 =	seq.s32 s10, $0x1;
	s10 =	sld [smem:$0x3FAC]  }
0x3d: {  	_ =	shalt  }
0x3e: {  	_ =	shalt  }
0x3f: {  	_ =	shalt  }
0x40: {  	_ =	shalt  }
0x41: {  	_ =	shalt  }
0x42: {  	_ =	shalt  }
0x43: {  	_ =	shalt  }
0x44: {  	_ =	shalt  }
0x45: {  	_ =	shalt  }
0x46: {  	_ =	shalt  }
0x47: {  	_ =	shalt  }
0x48: {  	_ =	shalt  }
0x49: {  	_ =	shalt  }
0x4a: {  	_ =	shalt  }
0x4b: {  	_ =	shalt  }
0x4c: {  	_ =	shalt  }
0x4d: {  	_ =	shalt  }
0x4e: {  	_ =	shalt  }
0x4f: {  	_ =	shalt  }
0x50: {  	_ =	shalt  }
0x51: {  	_ =	shalt  }
0x52: {  	_ =	shalt  }
0x53: {  	_ =	shalt  }
0x54: {  	_ =	shalt  }
0x55: {  	_ =	shalt  }
0x56: {  	_ =	shalt  }
0x57: {  	_ =	shalt  }
0x58: {  	_ =	shalt  }
0x59: {  	_ =	shalt  }
0x5a: {  	_ =	shalt  }
0x5b: {  	_ =	shalt  }
0x5c: {  	_ =	shalt  }
0x5d: {  	_ =	shalt  }
0x5e: {  	_ =	shalt  }
0x5f: {  	_ =	shalt  }
0x60: {  	_ =	shalt  }
0x61: {  	_ =	shalt  }
0x62: {  	_ =	shalt  }
0x63: {  	_ =	shalt  }
0x64: {  	_ =	shalt  }
0x65: {  	_ =	shalt  }
0x66: {  	_ =	shalt  }
0x67: {  	_ =	shalt  }
0x68: {  	_ =	shalt  }
0x69: {  	_ =	shalt  }
0x6a: {  	_ =	shalt  }
0x6b: {  	_ =	shalt  }
0x6c: {  	_ =	shalt  }
0x6d: {  	_ =	shalt  }
0x6e: {  	_ =	shalt  }
0x6f: {  	_ =	shalt  }
0x70: {  	_ =	shalt  }
0x71: {  	_ =	shalt  }
0x72: {  	_ =	shalt  }
0x73: {  	_ =	shalt  }
0x74: {  	_ =	shalt  }
0x75: {  	_ =	shalt  }
0x76: {  	_ =	shalt  }
0x77: {  	_ =	shalt  }
0x78: {  	_ =	shalt  }
0x79: {  	_ =	shalt  }
0x7a: {  	_ =	shalt  }
0x7b: {  	_ =	shalt  }
0x7c: {  	_ =	shalt  }
0x7d: {  	_ =	shalt  }
0x7e: {  	_ =	shalt  }
0x7f: {  	_ =	shalt  }
0x80: {  	_ =	shalt  }
0x81: {  	_ =	shalt  }
0x82: {  	_ =	shalt  }
0x83: {  	_ =	shalt  }
0x84: {  	_ =	shalt  }
0x85: {  	_ =	shalt  }
0x86: {  	_ =	shalt  }
0x87: {  	_ =	shalt  }
.Lfunc_end0:
.L_simem_size_0:
called_computation.4_lowered:
.L_overlay_start_0:
0x88: {  	s2 =	sld [smem:$0x3FD9]  }
0x89: {  	s3 =	sld [smem:$0x3FFE];
	_ =	sdelay $0x1  }
0x8a: {  	s1 =	srdreg.scid  }
0x8b: {  	s0 =	sand.u32 $0x1, s1  }
0x8c: {  	s16 =	sshll.u32 s0, $0xA;
	s2 =	sadd.s32 s3, s2  }
0x8d: {  	s2 =	sadd.s32 s2, s16  }
0x8e: {  	[smem:$0x3FB8] =	sst s2  }
0x8f: {  	_ = 	snop  }
0x90: {  	(tm) =	ssettm $0x1  }
0x91: {  	s17 =	sld [smem:$0x3FFB];
	_ =	sdelay $0x3  }
0x92: {  	_ =	strace s17  }
0x93: {  	s2 =	sld [smem:$0x3FFC];
	_ =	sdelay $0x3  }
0x94: {  	_ =	strace s2  }
0x95: {  	s2 =	sld [smem:$0x3FFD];
	_ =	sdelay $0x3  }
0x96: {  	_ =	strace s2  }
0x97: {  	_ =	strace $0x8FFFFFFF  }
0x98: {  	s18 =	sld [smem:$0x3FDB];
	_ =	sdelay $0x1  }
0x99: {  	s19 =	simm.s32 $_scs_section_size  }
0x9a: {  	s4 =	simm.s32 $_size__tile_overlayer_lowered;
	s5 =	simm.s32 $_tile_overlayer_lowered  }
0x9b: {  	s22 =	simm.s32 $0x1BFF;
	s21 =	sshll.u32 s5, $0x1;
	s2 =	sadd.s32 s19, s18  }
0x9c: {  	s6 =	simm.s32 $0x0;
	s20 =	sshll.u32 s4, $0x1;
	s4 =	sadd.s32 s21, s2  }
0x9d: {  	[timem:s6], [sflag:s22] =	dma.local [hbm:s4], s20  }
0x9e: {  	_ =	swait.ge [sflag:s22], s20  }
0x9f: {  	s3 =	ssub.s32 $0x0, s20;
	[sflag:s22] =	ssyncset.done $0x0  }
0xa0: {  	[sflag:s22] =	ssyncadd.s32 s3;
	_ =	sdelay $0x1  }
0xa1: {  	s23 =	simm.s32 $0x1B8B  }
0xa2: {  	_ =	swait.ge [sflag:s23], $0x1  }
0xa3: {  	[sflag:s23] =	ssyncset.done $0x0  }
0xa4: {  	s25 =	simm.s32 $0x1B8E;
	s24 =	sld [smem:$0x3FFE];
	[sflag:s23] =	ssyncadd.s32 $0xFFFFFFFF  }
0xa5: {  	s26 =	simm.s32 $execute0_lowered;
	[smem:$0x3FD2] =	sst s25  }
0xa6: {  	s4 =	sshll.u32 s26, $0x1;
	_ =	strace $0x80000052;
	[dreg:$0x1] =	wrdreg $0xFFFFFFFF  }
0xa7: {  	s28 =	simm.s32 $_size_execute0_lowered;
	s2 =	sadd.s32 s2, s4;
	[dreg:$0x0] =	wrdreg $0x0  }
0xa8: {  	s4 =	sshll.u32 s28, $0x1;
	[dreg:$0x2] =	wrdreg s2  }
0xa9: {  	[dreg:$0x3] =	wrdreg s4  }
0xaa: {  	[dreg:$0x4] =	wrdreg $0xC0  }
0xab: {  	_ =	task [dreg:s6], $0x5FFFF  }
0xac: {  	[dreg:$0x1] =	wrdreg $0xFFFFFFFF  }
0xad: {  	[dreg:$0x0] =	wrdreg $0x60  }
0xae: {  	[dreg:$0x2] =	wrdreg s24  }
0xaf: {  	[dreg:$0x3] =	wrdreg $0x8F000  }
0xb0: {  	[dreg:$0x4] =	wrdreg $0x9  }
0xb1: {  	_ =	task.clear_ibuf [dreg:s6], $0x5FFFF;
	_ =	strace $0x90000052  }
0xb2: {  	s29 =	simm.s32 $0x9;
	_ =	strace $0x80000054  }
0xb3: {  	_ =	swait.ge [sflag:s29], $0x1  }
0xb4: {  	[sflag:s29] =	ssyncadd.s32 $0xFFFFFFFF  }
0xb5: {  	_ =	strace $0x90000054  }
0xb6: {  	_ =	sfence  }
0xb7: {  	s30 =	sld [smem:$0x0];
	_ =	sdelay $0x2  }
0xb8: {  	s31 =	sshll.u32 s1, $0xD;
	s1 =	sshrl.u32 s1, $0x2  }
0xb9: {  	s3 =	sand.u32 $0x4000, s31;
	s1 =	sadd.s32 s1, s30  }
0xba: {  	s0 =	sor.u32 s3, s0;
	s1 =	sshll.u32 s1, $0x11  }
0xbb: {  	s0 =	sor.u32 s1, s0  }
0xbc: {  	s0 =	sadd.s32 $0x8F2B, s0  }
0xbd: {  	[sflag:s0] =	ssyncadd.remote.s32 $0x1  }
0xbe: {  	_ =	sfence.sel $0xFFFF  }
0xbf: {  	[dreg:$0x0] =	wrdreg $0xFFFFFFFF;
	(pc) =	sbr.abs _section_cstart, $3  }
0xc0: {  	[dreg:$0x1] =	wrdreg $0xFFFFFFFF  }
0xc1: {  	_ =	task.clear_ibuf [dreg:s6], $0x2FFFF;
	_ =	strace $0x9FFFFFFF  }
0xc2: {  	(tm) =	ssettm $0x7FFFFFFF  }
0xc3: {  	_ =	shalt  }
tec
execute0_lowered:
.L_overlay_start_1:
0x0: {  	(tag) =	ssettag $0x1  }
0x1: {  	s6 =	rddreg [dreg:$0x0]  }
0x2: {  	s0 =	srdreg.scid;
	s2 =	rddreg [dreg:$0x1];
	s3 =	simm.s32 $0x0  }
0x3: {  	s14 =	simm.s32 $0x80;
	s15 =	simm.s32 $0x4F00;
	s16 =	simm.s32 $0x6F00  }
0x4: {  	s17 =	simm.s32 $0x1;
	s18 =	simm.s32 $0x2;
	s19 =	simm.s32 $0x4D80  }
0x5: {  	s20 =	simm.s32 $0x2700;
	s21 =	simm.s32 $0x4E00;
	s22 =	simm.s32 $0x4E80  }
0x6: {  	s23 =	simm.s32 $0x0;
	s5 =	sand.u32 $0x1, s0;
	s0 =	stileid.u32  }
0x7: {  	[smem:$0x7FF] =	sst s3;
	s1 =	sshll.u32 s5, $0x4;
	s8 =	smul.u32 $0xA000, s0  }
0x8: {  	s7 =	smul.u32 $0xA0000, s5;
	s10 =	ssub.s32 $0x2, s5;
	s5 =	sadd.s32 $0x2EA00, s6  }
0x9: {  	s12 =	sshll.u32 s0, $0x6;
	s1 =	sor.u32 s0, s1;
	s31 =	sshrl.u32 s10, $0x1  }
0xa: {  	s12 =	sor.u32 $0x1C03, s12;
	s4 =	smul.u32 $0x4F0, s1;
	s1 =	rddreg [dreg:$0x2]  }
0xb: {  	_ =	strace $0x80000053;
	s7 =	sadd.s32 s8, s7;
	s13 =	sadd.s32 s8, s2  }
0xc: {  	s10 =	ssub.s32 s10, s31;
	s7 =	sshrl.u32 s7, $0x3;
	s13 =	sshrl.u32 s13, $0x3  }
0xd: {  	s9 =	sadd.s32 s4, s6;
	s4 =	sadd.s32 $0x7400, s6;
	s11 =	sadd.s32 s7, s6  }
0xe: {  	s6 =	sadd.s32 $0x24C00, s9;
	s7 =	sadd.s32 $0x1AE00, s9;
	s8 =	sadd.s32 $0x2FE00, s11  }
0xf: {  	s9 =	smax.u32 s10, $0x1;
	s10 =	simm.s32 $0x3;
	s11 =	simm.s32 $0x2780  }
.LBB2_1:
0x10: {  	[tilespmem:s3], [sflag:$0x3] =	stream.linear.gather [hbm4b:s6+s3], $0x2780, $0x38;
	[tilespmem:$0x12F00] =	vst v63  }
0x11: {  	_ =	swait.ge [sflag:s10], $0x2780  }
0x12: {  	[sflag:s10] =	ssyncset.done $0x0  }
0x13: {  	[sflag:s10] =	ssyncadd.s32 $0xFFFFD880  }
0x14: {  	[tilespmem:s11], [sflag:$0x3] =	stream.linear.gather [hbm4b:s7+s3], $0x2780, $0x38;
	[tilespmem:$0x12F00] =	vst v63  }
0x15: {  	_ =	swait.ge [sflag:s10], $0x2780  }
0x16: {  	[sflag:s10] =	ssyncset.done $0x0  }
0x17: {  	[sflag:s10] =	ssyncadd.s32 $0xFFFFD880  }
0x18: {  	[spmem:s13], [sflag:s12] =	dma.local [hbm:s5], $0x1400  }
0x19: {  	_ =	swait.ge [sflag:s10], $0x1400  }
0x1a: {  	[sflag:s10] =	ssyncset.done $0x0  }
0x1b: {  	[sflag:s10] =	ssyncadd.s32 $0xFFFFEC00  }
0x1c: {  	[bflag:$0x0] =	sbarrier.arrive $0xFFFF  }
0x1d: {  	[tilespmem:s15], [sflag:$0x1] =	stream.indirect.gather [hbm4b:s4+s14], $0x40, s3, s14, $0xb8;
	[tilespmem:$0x12F00] =	vst v63  }
0x1e: {  	_ = 	snop  }
0x1f: {  	[tilespmem:s16], [sflag:$0x2] =	stream.indirect.gather [hbm4b:s4+s14], $0x40, s14, s14, $0xb8;
	[tilespmem:$0x12F00] =	vst v63  }
0x20: {  	_ =	swait.ge [sflag:s17], $0x2000  }
0x21: {  	[sflag:s17] =	ssyncset.done $0x0  }
0x22: {  	s24 =	simm.s32 $0x2780;
	[sflag:s17] =	ssyncadd.s32 $0xFFFFE000  }
0x23: {  	[spmem:s2] =	stream.indirect.scatter.add.f32 [tilespmem:s15], [sflag:$0x3], $0x40, s24, s14, $0xb8;
	[tilespmem:$0x12F00] =	vst v63  }
0x24: {  	_ =	swait.ge [sflag:s10], $0x2000  }
0x25: {  	[sflag:s10] =	ssyncset.done $0x0  }
0x26: {  	s30 =	simm.s32 $0x100;
	[sflag:s10] =	ssyncadd.s32 $0xFFFFE000  }
0x27: {  	[tilespmem:s15], [sflag:$0x1] =	stream.indirect.gather [hbm4b:s4+s14], $0x40, s30, s14, $0xb8;
	[tilespmem:$0x12F00] =	vst v63  }
0x28: {  	_ =	swait.ge [sflag:s18], $0x2000  }
0x29: {  	[sflag:s18] =	ssyncset.done $0x0  }
0x2a: {  	s31 =	simm.s32 $0x2800;
	[sflag:s18] =	ssyncadd.s32 $0xFFFFE000  }
0x2b: {  	[spmem:s2] =	stream.indirect.scatter.add.f32 [tilespmem:s16], [sflag:$0x3], $0x40, s31, s14, $0xb8;
	[tilespmem:$0x12F00] =	vst v63  }
0x2c: {  	_ =	swait.ge [sflag:s10], $0x2000  }
0x2d: {  	[sflag:s10] =	ssyncset.done $0x0  }
0x2e: {  	s25 =	simm.s32 $0x180;
	s24 =	simm.s32 $0x400;
	[sflag:s10] =	ssyncadd.s32 $0xFFFFE000  }
.LBB2_2:
0x2f: {  	[tilespmem:s16], [sflag:$0x2] =	stream.indirect.gather [hbm4b:s4+s14], $0x40, s25, s14, $0xb8;
	[tilespmem:$0x12F00] =	vst v63  }
0x30: {  	s25 =	smov.u32 s24  }
0x31: {  	p0 =	sne.s32 s24, $0x9400;
	s24 =	sadd.s32 $0x400, s24;
	_ =	swait.ge [sflag:s17], $0x2000  }
0x32: {  	s25 =	sshra.s32 s25, $0x2;
	[sflag:s17] =	ssyncset.done $0x0  }
0x33: {  	s26 =	sadd.s32 $0x2780, s25;
	[sflag:s17] =	ssyncadd.s32 $0xFFFFE000  }
0x34: {  	[spmem:s2] =	stream.indirect.scatter.add.f32 [tilespmem:s15], [sflag:$0x3], $0x40, s26, s14, $0xb8;
	[tilespmem:$0x12F00] =	vst v63  }
0x35: {  	_ =	swait.ge [sflag:s10], $0x2000  }
0x36: {  	[sflag:s10] =	ssyncset.done $0x0  }
0x37: {  	s26 =	sadd.s32 $0x100, s25;
	[sflag:s10] =	ssyncadd.s32 $0xFFFFE000  }
0x38: {  	[tilespmem:s15], [sflag:$0x1] =	stream.indirect.gather [hbm4b:s4+s14], $0x40, s26, s14, $0xb8;
	[tilespmem:$0x12F00] =	vst v63  }
0x39: {  	_ =	swait.ge [sflag:s18], $0x2000  }
0x3a: {  	[sflag:s18] =	ssyncset.done $0x0  }
.Ltmp0:
0x3b: {  	s26 =	sadd.s32 $0x2800, s25;
	[sflag:s18] =	ssyncadd.s32 $0xFFFFE000;
	(pc) =	sbr.rel @p0 .LBB2_2-.Ltmp0, $4  }
0x3c: {  	[spmem:s2] =	stream.indirect.scatter.add.f32 [tilespmem:s16], [sflag:$0x3], $0x40, s26, s14, $0xb8;
	[tilespmem:$0x12F00] =	vst v63  }
0x3d: {  	_ =	swait.ge [sflag:s10], $0x2000  }
0x3e: {  	[sflag:s10] =	ssyncset.done $0x0  }
0x3f: {  	s25 =	sadd.s32 $0x180, s25;
	[sflag:s10] =	ssyncadd.s32 $0xFFFFE000  }
0x40: {  	[tilespmem:s16], [sflag:$0x2] =	stream.indirect.gather [hbm4b:s4+s14], $0x40, s25, s14, $0xb8;
	[tilespmem:$0x12F00] =	vst v63  }
0x41: {  	_ =	swait.ge [sflag:s17], $0x2000  }
0x42: {  	[sflag:s17] =	ssyncset.done $0x0  }
0x43: {  	[sflag:s17] =	ssyncadd.s32 $0xFFFFE000  }
0x44: {  	[spmem:s2] =	stream.indirect.scatter.add.f32 [tilespmem:s15], [sflag:$0x3], $0x40, s19, s14, $0xb8;
	[tilespmem:$0x12F00] =	vst v63  }
0x45: {  	_ =	swait.ge [sflag:s10], $0x2000  }
0x46: {  	[sflag:s10] =	ssyncset.done $0x0  }
0x47: {  	[sflag:s10] =	ssyncadd.s32 $0xFFFFE000  }
0x48: {  	[tilespmem:s15], [sflag:$0x1] =	stream.indirect.gather [hbm4b:s4+s14], $0x40, s20, s14, $0xb8;
	[tilespmem:$0x12F00] =	vst v63  }
0x49: {  	_ =	swait.ge [sflag:s18], $0x2000  }
0x4a: {  	[sflag:s18] =	ssyncset.done $0x0  }
0x4b: {  	[sflag:s18] =	ssyncadd.s32 $0xFFFFE000  }
0x4c: {  	[spmem:s2] =	stream.indirect.scatter.add.f32 [tilespmem:s16], [sflag:$0x3], $0x40, s21, s14, $0xb8;
	[tilespmem:$0x12F00] =	vst v63  }
0x4d: {  	_ =	swait.ge [sflag:s10], $0x2000  }
0x4e: {  	[sflag:s10] =	ssyncset.done $0x0  }
0x4f: {  	[sflag:s10] =	ssyncadd.s32 $0xFFFFE000  }
0x50: {  	_ =	swait.ge [sflag:s17], $0x2000  }
0x51: {  	[sflag:s17] =	ssyncset.done $0x0  }
0x52: {  	[sflag:s17] =	ssyncadd.s32 $0xFFFFE000  }
0x53: {  	[spmem:s2] =	stream.indirect.scatter.add.f32 [tilespmem:s15], [sflag:$0x3], $0x40, s22, s14, $0xb8;
	[tilespmem:$0x12F00] =	vst v63  }
0x54: {  	_ =	swait.ge [sflag:s10], $0x2000  }
0x55: {  	s23 =	sadd.s32 $0x1, s23;
	[sflag:s10] =	ssyncset.done $0x0  }
0x56: {  	p0 =	sne.s32 s23, s9;
	[sflag:s10] =	ssyncadd.s32 $0xFFFFE000  }
.Ltmp1:
0x57: {  	[bflag:$0x0] =	sbarrier.arrive $0xFFFF;
	(pc) =	sbr.rel @p0 .LBB2_1-.Ltmp1, $4  }
0x58: {  	[hbm:s8], [sflag:s12] =	dma.local [spmem:s13], $0x1400  }
0x59: {  	_ =	swait.ge [sflag:s10], $0x1400  }
0x5a: {  	[sflag:s10] =	ssyncset.done $0x0  }
0x5b: {  	[sflag:s10] =	ssyncadd.s32 $0xFFFFEC00  }
0x5c: {  	_ =	sfence.sel $0x180000  }
0x5d: {  	[bflag:$0x0] =	sbarrier.arrive $0xFFFF  }
0x5e: {  	p0 =	sne.s32 s0, $0x0;
	_ =	strace $0x90000053  }
0x5f: {  	s0 =	sadd.s32 @!p0 $0x100000, s1;
	[bflag:$0x2] =	sbarrier.arrive $0xFFFF  }
0x60: {  	[sflag:s0] =	ssyncadd.tile.s32 @!p0 $0x1;
	_ =	shalt  }
.Lfunc_end2:
_tile_overlayer_lowered:
.L_overlay_start_2:
0x61: {  	(tag) =	ssettag $0x2  }
0x62: {  	s0 =	rddreg [dreg:$0x0];
	s2 =	stileid.u32  }
0x63: {  	s1 =	rddreg [dreg:$0x1];
	p0 =	sne.s32 s2, $0x0  }
0x64: {  	s3 =	rddreg [dreg:$0x2];
	[bflag:$0x3] =	sbarrier.arrive $0xFFFF;
	s2 =	simm.s32 @!p0 $0x1C03  }
0x65: {  	[timem:s3], [sflag:s2] =	dma.local @!p0 [hbm:s0], s1  }
0x66: {  	s0 =	simm.s32 @!p0 $0x3  }
0x67: {  	_ =	swait.ge @!p0 [sflag:s0], s1  }
0x68: {  	s1 =	ssub.s32 @!p0 $0x0, s1;
	[sflag:s0] =	ssyncset.done @!p0 $0x0  }
0x69: {  	[sflag:s0] =	ssyncadd.s32 @!p0 s1  }
0x6a: {  	[bflag:$0x3] =	sbarrier.arrive $0xFFFF  }
0x6b: {  	_ =	shalt  }

// kernel: kernel.35.cloned.1.call-start
scs
__scs_entry_jumppad:
0x0: {  	(pc) =	sbr.rel $0x88, $3  }
0x1: {  	(tag) =	ssettag $0x0;
	lr =	simm.s32 $0x1  }
0x2: {  	[smem:$0x3F91] =	sst lr;
	_ =	strace $0xD0000000  }
0x3: {  	_ = 	snop  }
0x4: {  	_ = 	snop  }
0x5: {  	_ = 	snop  }
0x6: {  	_ = 	snop  }
0x7: {  	_ = 	snop  }
__scs_overlays_trampoline_lowered:
0x8: {  	[smem:$0x3FA0] =	sst s0  }
0x9: {  	[smem:$0x3FA1] =	sst s1  }
0xa: {  	[smem:$0x3FA2] =	sst s2  }
0xb: {  	[smem:$0x3FA3] =	sst s3  }
0xc: {  	[smem:$0x3FA4] =	sst s4  }
0xd: {  	[smem:$0x3FA5] =	sst s5  }
0xe: {  	[smem:$0x3FA6] =	sst s6  }
0xf: {  	[smem:$0x3FA7] =	sst s7  }
0x10: {  	[smem:$0x3FA8] =	sst s8  }
0x11: {  	[smem:$0x3FA9] =	sst s9;
	s0 =	simm.s32 @!p0 $0x0  }
0x12: {  	s1 =	sld [smem:$0x3F8F];
	s0 =	simm.s32 @p0 $0x1  }
0x13: {  	[smem:$0x3FAA] =	sst s0;
	s0 =	simm.s32 @!p1 $0x0  }
0x14: {  	s2 =	sld [smem:$0x3F8E];
	s0 =	simm.s32 @p1 $0x1  }
0x15: {  	[smem:$0x3FAB] =	sst s0;
	s0 =	simm.s32 @!p2 $0x0  }
0x16: {  	s3 =	sld [smem:$0x3FDB];
	s0 =	simm.s32 @p2 $0x1  }
0x17: {  	s4 =	simm.s32 $0x1BF5;
	[smem:$0x3FAD] =	sst s0  }
0x18: {  	s0 =	sld [smem:$0x3F90];
	_ =	swait.ge [sflag:s4], $0x0  }
0x19: {  	s7 =	sld [smem:$0x3F91]  }
0x1a: {  	s8 =	sadd.s32 $0xFFFFE003, lr  }
0x1b: {  	s9 =	sadd.s32 $0xFFFFFEF7, lr;
	s5 =	simm.s32 $0xFFFFFFFF;
	p2 =	slt.u32 s8, $0xFFFFF086  }
0x1c: {  	p1 =	slt.u32 s9, $0xF7A;
	s5 =	simm.s32 @!p2 $0x0  }
0x1d: {  	s5 =	simm.s32 @p1 $0x1;
	p0 =	seq.s32 s7, s2  }
0x1e: {  	s7 =	smul.u32 @!p0 $0xF7A, s2;
	p2 =	seq.s32 @!p0 s5, $0x0  }
0x1f: {  	s9 =	smul.u32 $0xF7A, s1;
	s8 =	simm.s32 @!p0 $0x1BF5;
	p2 =	por !p2, p0  }
0x20: {  	[sflag:s8] =	ssyncset.s32 @!p0 $0xFFFFF086;
	s6 =	sadd.s32 @!p0 s3, s7;
	s7 =	simm.s32 @!p0 $0x108  }
0x21: {  	s3 =	sadd.s32 s3, s9;
	s6 =	sadd.s32 @!p0 $0x88, s6;
	s7 =	simm.s32 @p2 $0x1082  }
0x22: {  	[simem:s7], [sflag:s8] =	dma.local @!p0 [hbm:s6], $0xF7A  }
0x23: {  	s9 =	sor.u32 $0xD0000000, s2;
	s6 =	simm.s32 $0x108;
	_ =	swait.ge @!p0 [sflag:s8], $0x0  }
0x24: {  	s3 =	sadd.s32 $0x88, s3;
	s6 =	simm.s32 @!p1 $0x1082;
	[sflag:s4] =	ssyncset.s32 $0xFFFFF086  }
0x25: {  	[simem:s6], [sflag:s4] =	dma.local [hbm:s3], $0xF7A  }
0x26: {  	[smem:$0x3F91] =	sst s1;
	(tag) =	ssettag s2;
	_ =	strace s9  }
0x27: {  	s1 =	sld [smem:$0x3FA1]  }
0x28: {  	s2 =	sld [smem:$0x3FA2]  }
0x29: {  	s4 =	sld [smem:$0x3FA4]  }
0x2a: {  	p0 =	seq.s32 s5, $0x0;
	s5 =	sld [smem:$0x3FA5]  }
0x2b: {  	s6 =	sld [smem:$0x3FA6]  }
0x2c: {  	s7 =	sld [smem:$0x3FA7]  }
0x2d: {  	s3 =	simm.s32 $0x108;
	s8 =	sld [smem:$0x3FA8]  }
0x2e: {  	s3 =	simm.s32 @!p0 $0x1082;
	s9 =	sld [smem:$0x3FA9]  }
0x2f: {  	lr =	sadd.s32 s0, s3;
	s0 =	sld [smem:$0x3FA0]  }
0x30: {  	s3 =	sld [smem:$0x3FA3]  }
0x31: {  	[smem:$0x3FAC] =	sst s10  }
0x32: {  	s10 =	sld [smem:$0x3FAA];
	_ =	sdelay $0x3  }
0x33: {  	p0 =	seq.s32 s10, $0x1;
	s10 =	sld [smem:$0x3FAC];
	_ =	sdelay $0x3  }
0x34: {  	[smem:$0x3FAC] =	sst s10  }
0x35: {  	s10 =	sld [smem:$0x3FAB];
	_ =	sdelay $0x3  }
0x36: {  	p1 =	seq.s32 s10, $0x1;
	s10 =	sld [smem:$0x3FAC];
	_ =	sdelay $0x3  }
0x37: {  	[smem:$0x3FAC] =	sst s10  }
0x38: {  	s10 =	sld [smem:$0x3FAD]  }
0x39: {  	_ = 	snop;
	(pc) =	sbr.ind lr, $3  }
0x3a: {  	_ = 	snop  }
0x3b: {  	_ = 	snop  }
0x3c: {  	p2 =	seq.s32 s10, $0x1;
	s10 =	sld [smem:$0x3FAC]  }
0x3d: {  	_ =	shalt  }
0x3e: {  	_ =	shalt  }
0x3f: {  	_ =	shalt  }
0x40: {  	_ =	shalt  }
0x41: {  	_ =	shalt  }
0x42: {  	_ =	shalt  }
0x43: {  	_ =	shalt  }
0x44: {  	_ =	shalt  }
0x45: {  	_ =	shalt  }
0x46: {  	_ =	shalt  }
0x47: {  	_ =	shalt  }
0x48: {  	_ =	shalt  }
0x49: {  	_ =	shalt  }
0x4a: {  	_ =	shalt  }
0x4b: {  	_ =	shalt  }
0x4c: {  	_ =	shalt  }
0x4d: {  	_ =	shalt  }
0x4e: {  	_ =	shalt  }
0x4f: {  	_ =	shalt  }
0x50: {  	_ =	shalt  }
0x51: {  	_ =	shalt  }
0x52: {  	_ =	shalt  }
0x53: {  	_ =	shalt  }
0x54: {  	_ =	shalt  }
0x55: {  	_ =	shalt  }
0x56: {  	_ =	shalt  }
0x57: {  	_ =	shalt  }
0x58: {  	_ =	shalt  }
0x59: {  	_ =	shalt  }
0x5a: {  	_ =	shalt  }
0x5b: {  	_ =	shalt  }
0x5c: {  	_ =	shalt  }
0x5d: {  	_ =	shalt  }
0x5e: {  	_ =	shalt  }
0x5f: {  	_ =	shalt  }
0x60: {  	_ =	shalt  }
0x61: {  	_ =	shalt  }
0x62: {  	_ =	shalt  }
0x63: {  	_ =	shalt  }
0x64: {  	_ =	shalt  }
0x65: {  	_ =	shalt  }
0x66: {  	_ =	shalt  }
0x67: {  	_ =	shalt  }
0x68: {  	_ =	shalt  }
0x69: {  	_ =	shalt  }
0x6a: {  	_ =	shalt  }
0x6b: {  	_ =	shalt  }
0x6c: {  	_ =	shalt  }
0x6d: {  	_ =	shalt  }
0x6e: {  	_ =	shalt  }
0x6f: {  	_ =	shalt  }
0x70: {  	_ =	shalt  }
0x71: {  	_ =	shalt  }
0x72: {  	_ =	shalt  }
0x73: {  	_ =	shalt  }
0x74: {  	_ =	shalt  }
0x75: {  	_ =	shalt  }
0x76: {  	_ =	shalt  }
0x77: {  	_ =	shalt  }
0x78: {  	_ =	shalt  }
0x79: {  	_ =	shalt  }
0x7a: {  	_ =	shalt  }
0x7b: {  	_ =	shalt  }
0x7c: {  	_ =	shalt  }
0x7d: {  	_ =	shalt  }
0x7e: {  	_ =	shalt  }
0x7f: {  	_ =	shalt  }
0x80: {  	_ =	shalt  }
0x81: {  	_ =	shalt  }
0x82: {  	_ =	shalt  }
0x83: {  	_ =	shalt  }
0x84: {  	_ =	shalt  }
0x85: {  	_ =	shalt  }
0x86: {  	_ =	shalt  }
0x87: {  	_ =	shalt  }
.Lfunc_end0:
.L_simem_size_0:
called_computation.5_lowered:
.L_overlay_start_0:
0x88: {  	s2 =	sld [smem:$0x3FD9]  }
0x89: {  	s3 =	sld [smem:$0x3FFE];
	_ =	sdelay $0x1  }
0x8a: {  	s1 =	srdreg.scid  }
0x8b: {  	s0 =	sand.u32 $0x1, s1  }
0x8c: {  	s16 =	sshll.u32 s0, $0xA;
	s2 =	sadd.s32 s3, s2  }
0x8d: {  	s2 =	sadd.s32 s2, s16  }
0x8e: {  	[smem:$0x3FB8] =	sst s2  }
0x8f: {  	_ = 	snop  }
0x90: {  	(tm) =	ssettm $0x1  }
0x91: {  	s17 =	sld [smem:$0x3FFB];
	_ =	sdelay $0x3  }
0x92: {  	_ =	strace s17  }
0x93: {  	s2 =	sld [smem:$0x3FFC];
	_ =	sdelay $0x3  }
0x94: {  	_ =	strace s2  }
0x95: {  	s2 =	sld [smem:$0x3FFD];
	_ =	sdelay $0x3  }
0x96: {  	_ =	strace s2  }
0x97: {  	_ =	strace $0x8FFFFFFF  }
0x98: {  	s18 =	sld [smem:$0x3FDB];
	_ =	sdelay $0x1  }
0x99: {  	s19 =	simm.s32 $_scs_section_size  }
0x9a: {  	s4 =	simm.s32 $_size__tile_overlayer_lowered;
	s5 =	simm.s32 $_tile_overlayer_lowered  }
0x9b: {  	s22 =	simm.s32 $0x1BFF;
	s21 =	sshll.u32 s5, $0x1;
	s2 =	sadd.s32 s19, s18  }
0x9c: {  	s6 =	simm.s32 $0x0;
	s20 =	sshll.u32 s4, $0x1;
	s4 =	sadd.s32 s21, s2  }
0x9d: {  	[timem:s6], [sflag:s22] =	dma.local [hbm:s4], s20  }
0x9e: {  	_ =	swait.ge [sflag:s22], s20  }
0x9f: {  	s3 =	ssub.s32 $0x0, s20;
	[sflag:s22] =	ssyncset.done $0x0  }
0xa0: {  	[sflag:s22] =	ssyncadd.s32 s3;
	_ =	sdelay $0x1  }
0xa1: {  	s23 =	simm.s32 $0x1B8B  }
0xa2: {  	_ =	swait.ge [sflag:s23], $0x1  }
0xa3: {  	[sflag:s23] =	ssyncset.done $0x0  }
0xa4: {  	s25 =	simm.s32 $0x1B8E;
	s24 =	sld [smem:$0x3FFE];
	[sflag:s23] =	ssyncadd.s32 $0xFFFFFFFF  }
0xa5: {  	s26 =	simm.s32 $execute0_lowered;
	[smem:$0x3FD2] =	sst s25  }
0xa6: {  	s4 =	sshll.u32 s26, $0x1;
	_ =	strace $0x80000055;
	[dreg:$0x1] =	wrdreg $0xFFFFFFFF  }
0xa7: {  	s28 =	simm.s32 $_size_execute0_lowered;
	s2 =	sadd.s32 s2, s4;
	[dreg:$0x0] =	wrdreg $0x0  }
0xa8: {  	s4 =	sshll.u32 s28, $0x1;
	[dreg:$0x2] =	wrdreg s2  }
0xa9: {  	[dreg:$0x3] =	wrdreg s4  }
0xaa: {  	[dreg:$0x4] =	wrdreg $0xC0  }
0xab: {  	_ =	task [dreg:s6], $0x5FFFF  }
0xac: {  	[dreg:$0x1] =	wrdreg $0xFFFFFFFF  }
0xad: {  	[dreg:$0x0] =	wrdreg $0x60  }
0xae: {  	[dreg:$0x2] =	wrdreg s24  }
0xaf: {  	[dreg:$0x3] =	wrdreg $0x8F000  }
0xb0: {  	[dreg:$0x4] =	wrdreg $0x9  }
0xb1: {  	_ =	task.clear_ibuf [dreg:s6], $0x5FFFF;
	_ =	strace $0x90000055  }
0xb2: {  	s29 =	simm.s32 $0x9;
	_ =	strace $0x80000057  }
0xb3: {  	_ =	swait.ge [sflag:s29], $0x1  }
0xb4: {  	[sflag:s29] =	ssyncadd.s32 $0xFFFFFFFF  }
0xb5: {  	_ =	strace $0x90000057  }
0xb6: {  	_ =	sfence  }
0xb7: {  	s30 =	sld [smem:$0x0];
	_ =	sdelay $0x2  }
0xb8: {  	s31 =	sshll.u32 s1, $0xD;
	s1 =	sshrl.u32 s1, $0x2  }
0xb9: {  	s3 =	sand.u32 $0x4000, s31;
	s1 =	sadd.s32 s1, s30  }
0xba: {  	s0 =	sor.u32 s3, s0;
	s1 =	sshll.u32 s1, $0x11  }
0xbb: {  	s0 =	sor.u32 s1, s0  }
0xbc: {  	s0 =	sadd.s32 $0x8F2B, s0  }
0xbd: {  	[sflag:s0] =	ssyncadd.remote.s32 $0x1  }
0xbe: {  	_ =	sfence.sel $0xFFFF  }
0xbf: {  	[dreg:$0x0] =	wrdreg $0xFFFFFFFF;
	(pc) =	sbr.abs _section_cstart, $3  }
0xc0: {  	[dreg:$0x1] =	wrdreg $0xFFFFFFFF  }
0xc1: {  	_ =	task.clear_ibuf [dreg:s6], $0x2FFFF;
	_ =	strace $0x9FFFFFFF  }
0xc2: {  	(tm) =	ssettm $0x7FFFFFFF  }
0xc3: {  	_ =	shalt  }
tec
execute0_lowered:
.L_overlay_start_1:
0x0: {  	(tag) =	ssettag $0x1  }
0x1: {  	s6 =	rddreg [dreg:$0x0]  }
0x2: {  	s0 =	srdreg.scid;
	s2 =	rddreg [dreg:$0x1];
	s3 =	simm.s32 $0x0  }
0x3: {  	s14 =	simm.s32 $0x80;
	s15 =	simm.s32 $0x4F00;
	s16 =	simm.s32 $0x6F00  }
0x4: {  	s17 =	simm.s32 $0x1;
	s18 =	simm.s32 $0x2;
	s19 =	simm.s32 $0x4D80  }
0x5: {  	s20 =	simm.s32 $0x2700;
	s21 =	simm.s32 $0x4E00;
	s22 =	simm.s32 $0x4E80  }
0x6: {  	s23 =	simm.s32 $0x0;
	s5 =	sand.u32 $0x1, s0;
	s0 =	stileid.u32  }
0x7: {  	[smem:$0x7FF] =	sst s3;
	s1 =	sshll.u32 s5, $0x4;
	s8 =	smul.u32 $0xA000, s0  }
0x8: {  	s7 =	smul.u32 $0xA0000, s5;
	s10 =	ssub.s32 $0x2, s5;
	s5 =	sadd.s32 $0x2EA00, s6  }
0x9: {  	s12 =	sshll.u32 s0, $0x6;
	s1 =	sor.u32 s0, s1;
	s31 =	sshrl.u32 s10, $0x1  }
0xa: {  	s12 =	sor.u32 $0x1C03, s12;
	s4 =	smul.u32 $0x4F0, s1;
	s1 =	rddreg [dreg:$0x2]  }
0xb: {  	_ =	strace $0x80000056;
	s7 =	sadd.s32 s8, s7;
	s13 =	sadd.s32 s8, s2  }
0xc: {  	s10 =	ssub.s32 s10, s31;
	s7 =	sshrl.u32 s7, $0x3;
	s13 =	sshrl.u32 s13, $0x3  }
0xd: {  	s9 =	sadd.s32 s4, s6;
	s4 =	sadd.s32 $0x7400, s6;
	s11 =	sadd.s32 s7, s6  }
0xe: {  	s6 =	sadd.s32 $0x24C00, s9;
	s7 =	sadd.s32 $0x1AE00, s9;
	s8 =	sadd.s32 $0x2FE00, s11  }
0xf: {  	s9 =	smax.u32 s10, $0x1;
	s10 =	simm.s32 $0x3;
	s11 =	simm.s32 $0x2780  }
.LBB2_1:
0x10: {  	[tilespmem:s3], [sflag:$0x3] =	stream.linear.gather [hbm4b:s6+s3], $0x2780, $0x38;
	[tilespmem:$0x12F00] =	vst v63  }
0x11: {  	_ =	swait.ge [sflag:s10], $0x2780  }
0x12: {  	[sflag:s10] =	ssyncset.done $0x0  }
0x13: {  	[sflag:s10] =	ssyncadd.s32 $0xFFFFD880  }
0x14: {  	[tilespmem:s11], [sflag:$0x3] =	stream.linear.gather [hbm4b:s7+s3], $0x2780, $0x38;
	[tilespmem:$0x12F00] =	vst v63  }
0x15: {  	_ =	swait.ge [sflag:s10], $0x2780  }
0x16: {  	[sflag:s10] =	ssyncset.done $0x0  }
0x17: {  	[sflag:s10] =	ssyncadd.s32 $0xFFFFD880  }
0x18: {  	[spmem:s13], [sflag:s12] =	dma.local [hbm:s5], $0x1400  }
0x19: {  	_ =	swait.ge [sflag:s10], $0x1400  }
0x1a: {  	[sflag:s10] =	ssyncset.done $0x0  }
0x1b: {  	[sflag:s10] =	ssyncadd.s32 $0xFFFFEC00  }
0x1c: {  	[bflag:$0x0] =	sbarrier.arrive $0xFFFF  }
0x1d: {  	[tilespmem:s15], [sflag:$0x1] =	stream.indirect.gather [hbm4b:s4+s14], $0x40, s3, s14, $0xb8;
	[tilespmem:$0x12F00] =	vst v63  }
0x1e: {  	_ = 	snop  }
0x1f: {  	[tilespmem:s16], [sflag:$0x2] =	stream.indirect.gather [hbm4b:s4+s14], $0x40, s14, s14, $0xb8;
	[tilespmem:$0x12F00] =	vst v63  }
0x20: {  	_ =	swait.ge [sflag:s17], $0x2000  }
0x21: {  	[sflag:s17] =	ssyncset.done $0x0  }
0x22: {  	s24 =	simm.s32 $0x2780;
	[sflag:s17] =	ssyncadd.s32 $0xFFFFE000  }
0x23: {  	[spmem:s2] =	stream.indirect.scatter.add.f32 [tilespmem:s15], [sflag:$0x3], $0x40, s24, s14, $0xb8;
	[tilespmem:$0x12F00] =	vst v63  }
0x24: {  	_ =	swait.ge [sflag:s10], $0x2000  }
0x25: {  	[sflag:s10] =	ssyncset.done $0x0  }
0x26: {  	s30 =	simm.s32 $0x100;
	[sflag:s10] =	ssyncadd.s32 $0xFFFFE000  }
0x27: {  	[tilespmem:s15], [sflag:$0x1] =	stream.indirect.gather [hbm4b:s4+s14], $0x40, s30, s14, $0xb8;
	[tilespmem:$0x12F00] =	vst v63  }
0x28: {  	_ =	swait.ge [sflag:s18], $0x2000  }
0x29: {  	[sflag:s18] =	ssyncset.done $0x0  }
0x2a: {  	s31 =	simm.s32 $0x2800;
	[sflag:s18] =	ssyncadd.s32 $0xFFFFE000  }
0x2b: {  	[spmem:s2] =	stream.indirect.scatter.add.f32 [tilespmem:s16], [sflag:$0x3], $0x40, s31, s14, $0xb8;
	[tilespmem:$0x12F00] =	vst v63  }
0x2c: {  	_ =	swait.ge [sflag:s10], $0x2000  }
0x2d: {  	[sflag:s10] =	ssyncset.done $0x0  }
0x2e: {  	s25 =	simm.s32 $0x180;
	s24 =	simm.s32 $0x400;
	[sflag:s10] =	ssyncadd.s32 $0xFFFFE000  }
.LBB2_2:
0x2f: {  	[tilespmem:s16], [sflag:$0x2] =	stream.indirect.gather [hbm4b:s4+s14], $0x40, s25, s14, $0xb8;
	[tilespmem:$0x12F00] =	vst v63  }
0x30: {  	s25 =	smov.u32 s24  }
0x31: {  	p0 =	sne.s32 s24, $0x9400;
	s24 =	sadd.s32 $0x400, s24;
	_ =	swait.ge [sflag:s17], $0x2000  }
0x32: {  	s25 =	sshra.s32 s25, $0x2;
	[sflag:s17] =	ssyncset.done $0x0  }
0x33: {  	s26 =	sadd.s32 $0x2780, s25;
	[sflag:s17] =	ssyncadd.s32 $0xFFFFE000  }
0x34: {  	[spmem:s2] =	stream.indirect.scatter.add.f32 [tilespmem:s15], [sflag:$0x3], $0x40, s26, s14, $0xb8;
	[tilespmem:$0x12F00] =	vst v63  }
0x35: {  	_ =	swait.ge [sflag:s10], $0x2000  }
0x36: {  	[sflag:s10] =	ssyncset.done $0x0  }
0x37: {  	s26 =	sadd.s32 $0x100, s25;
	[sflag:s10] =	ssyncadd.s32 $0xFFFFE000  }
0x38: {  	[tilespmem:s15], [sflag:$0x1] =	stream.indirect.gather [hbm4b:s4+s14], $0x40, s26, s14, $0xb8;
	[tilespmem:$0x12F00] =	vst v63  }
0x39: {  	_ =	swait.ge [sflag:s18], $0x2000  }
0x3a: {  	[sflag:s18] =	ssyncset.done $0x0  }
.Ltmp0:
0x3b: {  	s26 =	sadd.s32 $0x2800, s25;
	[sflag:s18] =	ssyncadd.s32 $0xFFFFE000;
	(pc) =	sbr.rel @p0 .LBB2_2-.Ltmp0, $4  }
0x3c: {  	[spmem:s2] =	stream.indirect.scatter.add.f32 [tilespmem:s16], [sflag:$0x3], $0x40, s26, s14, $0xb8;
	[tilespmem:$0x12F00] =	vst v63  }
0x3d: {  	_ =	swait.ge [sflag:s10], $0x2000  }
0x3e: {  	[sflag:s10] =	ssyncset.done $0x0  }
0x3f: {  	s25 =	sadd.s32 $0x180, s25;
	[sflag:s10] =	ssyncadd.s32 $0xFFFFE000  }
0x40: {  	[tilespmem:s16], [sflag:$0x2] =	stream.indirect.gather [hbm4b:s4+s14], $0x40, s25, s14, $0xb8;
	[tilespmem:$0x12F00] =	vst v63  }
0x41: {  	_ =	swait.ge [sflag:s17], $0x2000  }
0x42: {  	[sflag:s17] =	ssyncset.done $0x0  }
0x43: {  	[sflag:s17] =	ssyncadd.s32 $0xFFFFE000  }
0x44: {  	[spmem:s2] =	stream.indirect.scatter.add.f32 [tilespmem:s15], [sflag:$0x3], $0x40, s19, s14, $0xb8;
	[tilespmem:$0x12F00] =	vst v63  }
0x45: {  	_ =	swait.ge [sflag:s10], $0x2000  }
0x46: {  	[sflag:s10] =	ssyncset.done $0x0  }
0x47: {  	[sflag:s10] =	ssyncadd.s32 $0xFFFFE000  }
0x48: {  	[tilespmem:s15], [sflag:$0x1] =	stream.indirect.gather [hbm4b:s4+s14], $0x40, s20, s14, $0xb8;
	[tilespmem:$0x12F00] =	vst v63  }
0x49: {  	_ =	swait.ge [sflag:s18], $0x2000  }
0x4a: {  	[sflag:s18] =	ssyncset.done $0x0  }
0x4b: {  	[sflag:s18] =	ssyncadd.s32 $0xFFFFE000  }
0x4c: {  	[spmem:s2] =	stream.indirect.scatter.add.f32 [tilespmem:s16], [sflag:$0x3], $0x40, s21, s14, $0xb8;
	[tilespmem:$0x12F00] =	vst v63  }
0x4d: {  	_ =	swait.ge [sflag:s10], $0x2000  }
0x4e: {  	[sflag:s10] =	ssyncset.done $0x0  }
0x4f: {  	[sflag:s10] =	ssyncadd.s32 $0xFFFFE000  }
0x50: {  	_ =	swait.ge [sflag:s17], $0x2000  }
0x51: {  	[sflag:s17] =	ssyncset.done $0x0  }
0x52: {  	[sflag:s17] =	ssyncadd.s32 $0xFFFFE000  }
0x53: {  	[spmem:s2] =	stream.indirect.scatter.add.f32 [tilespmem:s15], [sflag:$0x3], $0x40, s22, s14, $0xb8;
	[tilespmem:$0x12F00] =	vst v63  }
0x54: {  	_ =	swait.ge [sflag:s10], $0x2000  }
0x55: {  	s23 =	sadd.s32 $0x1, s23;
	[sflag:s10] =	ssyncset.done $0x0  }
0x56: {  	p0 =	sne.s32 s23, s9;
	[sflag:s10] =	ssyncadd.s32 $0xFFFFE000  }
.Ltmp1:
0x57: {  	[bflag:$0x0] =	sbarrier.arrive $0xFFFF;
	(pc) =	sbr.rel @p0 .LBB2_1-.Ltmp1, $4  }
0x58: {  	[hbm:s8], [sflag:s12] =	dma.local [spmem:s13], $0x1400  }
0x59: {  	_ =	swait.ge [sflag:s10], $0x1400  }
0x5a: {  	[sflag:s10] =	ssyncset.done $0x0  }
0x5b: {  	[sflag:s10] =	ssyncadd.s32 $0xFFFFEC00  }
0x5c: {  	_ =	sfence.sel $0x180000  }
0x5d: {  	[bflag:$0x0] =	sbarrier.arrive $0xFFFF  }
0x5e: {  	p0 =	sne.s32 s0, $0x0;
	_ =	strace $0x90000056  }
0x5f: {  	s0 =	sadd.s32 @!p0 $0x100000, s1;
	[bflag:$0x2] =	sbarrier.arrive $0xFFFF  }
0x60: {  	[sflag:s0] =	ssyncadd.tile.s32 @!p0 $0x1;
	_ =	shalt  }
.Lfunc_end2:
_tile_overlayer_lowered:
.L_overlay_start_2:
0x61: {  	(tag) =	ssettag $0x2  }
0x62: {  	s0 =	rddreg [dreg:$0x0];
	s2 =	stileid.u32  }
0x63: {  	s1 =	rddreg [dreg:$0x1];
	p0 =	sne.s32 s2, $0x0  }
0x64: {  	s3 =	rddreg [dreg:$0x2];
	[bflag:$0x3] =	sbarrier.arrive $0xFFFF;
	s2 =	simm.s32 @!p0 $0x1C03  }
0x65: {  	[timem:s3], [sflag:s2] =	dma.local @!p0 [hbm:s0], s1  }
0x66: {  	s0 =	simm.s32 @!p0 $0x3  }
0x67: {  	_ =	swait.ge @!p0 [sflag:s0], s1  }
0x68: {  	s1 =	ssub.s32 @!p0 $0x0, s1;
	[sflag:s0] =	ssyncset.done @!p0 $0x0  }
0x69: {  	[sflag:s0] =	ssyncadd.s32 @!p0 s1  }
0x6a: {  	[bflag:$0x3] =	sbarrier.arrive $0xFFFF  }
0x6b: {  	_ =	shalt  }

// kernel: kernel.38.cloned.1.call-start
scs
__scs_entry_jumppad:
0x0: {  	(pc) =	sbr.rel $0x88, $3  }
0x1: {  	(tag) =	ssettag $0x0;
	lr =	simm.s32 $0x1  }
0x2: {  	[smem:$0x3F91] =	sst lr;
	_ =	strace $0xD0000000  }
0x3: {  	_ = 	snop  }
0x4: {  	_ = 	snop  }
0x5: {  	_ = 	snop  }
0x6: {  	_ = 	snop  }
0x7: {  	_ = 	snop  }
__scs_overlays_trampoline_lowered:
0x8: {  	[smem:$0x3FA0] =	sst s0  }
0x9: {  	[smem:$0x3FA1] =	sst s1  }
0xa: {  	[smem:$0x3FA2] =	sst s2  }
0xb: {  	[smem:$0x3FA3] =	sst s3  }
0xc: {  	[smem:$0x3FA4] =	sst s4  }
0xd: {  	[smem:$0x3FA5] =	sst s5  }
0xe: {  	[smem:$0x3FA6] =	sst s6  }
0xf: {  	[smem:$0x3FA7] =	sst s7  }
0x10: {  	[smem:$0x3FA8] =	sst s8  }
0x11: {  	[smem:$0x3FA9] =	sst s9;
	s0 =	simm.s32 @!p0 $0x0  }
0x12: {  	s1 =	sld [smem:$0x3F8F];
	s0 =	simm.s32 @p0 $0x1  }
0x13: {  	[smem:$0x3FAA] =	sst s0;
	s0 =	simm.s32 @!p1 $0x0  }
0x14: {  	s2 =	sld [smem:$0x3F8E];
	s0 =	simm.s32 @p1 $0x1  }
0x15: {  	[smem:$0x3FAB] =	sst s0;
	s0 =	simm.s32 @!p2 $0x0  }
0x16: {  	s3 =	sld [smem:$0x3FDB];
	s0 =	simm.s32 @p2 $0x1  }
0x17: {  	s4 =	simm.s32 $0x1BF5;
	[smem:$0x3FAD] =	sst s0  }
0x18: {  	s0 =	sld [smem:$0x3F90];
	_ =	swait.ge [sflag:s4], $0x0  }
0x19: {  	s7 =	sld [smem:$0x3F91]  }
0x1a: {  	s8 =	sadd.s32 $0xFFFFE003, lr  }
0x1b: {  	s9 =	sadd.s32 $0xFFFFFEF7, lr;
	s5 =	simm.s32 $0xFFFFFFFF;
	p2 =	slt.u32 s8, $0xFFFFF086  }
0x1c: {  	p1 =	slt.u32 s9, $0xF7A;
	s5 =	simm.s32 @!p2 $0x0  }
0x1d: {  	s5 =	simm.s32 @p1 $0x1;
	p0 =	seq.s32 s7, s2  }
0x1e: {  	s7 =	smul.u32 @!p0 $0xF7A, s2;
	p2 =	seq.s32 @!p0 s5, $0x0  }
0x1f: {  	s9 =	smul.u32 $0xF7A, s1;
	s8 =	simm.s32 @!p0 $0x1BF5;
	p2 =	por !p2, p0  }
0x20: {  	[sflag:s8] =	ssyncset.s32 @!p0 $0xFFFFF086;
	s6 =	sadd.s32 @!p0 s3, s7;
	s7 =	simm.s32 @!p0 $0x108  }
0x21: {  	s3 =	sadd.s32 s3, s9;
	s6 =	sadd.s32 @!p0 $0x88, s6;
	s7 =	simm.s32 @p2 $0x1082  }
0x22: {  	[simem:s7], [sflag:s8] =	dma.local @!p0 [hbm:s6], $0xF7A  }
0x23: {  	s9 =	sor.u32 $0xD0000000, s2;
	s6 =	simm.s32 $0x108;
	_ =	swait.ge @!p0 [sflag:s8], $0x0  }
0x24: {  	s3 =	sadd.s32 $0x88, s3;
	s6 =	simm.s32 @!p1 $0x1082;
	[sflag:s4] =	ssyncset.s32 $0xFFFFF086  }
0x25: {  	[simem:s6], [sflag:s4] =	dma.local [hbm:s3], $0xF7A  }
0x26: {  	[smem:$0x3F91] =	sst s1;
	(tag) =	ssettag s2;
	_ =	strace s9  }
0x27: {  	s1 =	sld [smem:$0x3FA1]  }
0x28: {  	s2 =	sld [smem:$0x3FA2]  }
0x29: {  	s4 =	sld [smem:$0x3FA4]  }
0x2a: {  	p0 =	seq.s32 s5, $0x0;
	s5 =	sld [smem:$0x3FA5]  }
0x2b: {  	s6 =	sld [smem:$0x3FA6]  }
0x2c: {  	s7 =	sld [smem:$0x3FA7]  }
0x2d: {  	s3 =	simm.s32 $0x108;
	s8 =	sld [smem:$0x3FA8]  }
0x2e: {  	s3 =	simm.s32 @!p0 $0x1082;
	s9 =	sld [smem:$0x3FA9]  }
0x2f: {  	lr =	sadd.s32 s0, s3;
	s0 =	sld [smem:$0x3FA0]  }
0x30: {  	s3 =	sld [smem:$0x3FA3]  }
0x31: {  	[smem:$0x3FAC] =	sst s10  }
0x32: {  	s10 =	sld [smem:$0x3FAA];
	_ =	sdelay $0x3  }
0x33: {  	p0 =	seq.s32 s10, $0x1;
	s10 =	sld [smem:$0x3FAC];
	_ =	sdelay $0x3  }
0x34: {  	[smem:$0x3FAC] =	sst s10  }
0x35: {  	s10 =	sld [smem:$0x3FAB];
	_ =	sdelay $0x3  }
0x36: {  	p1 =	seq.s32 s10, $0x1;
	s10 =	sld [smem:$0x3FAC];
	_ =	sdelay $0x3  }
0x37: {  	[smem:$0x3FAC] =	sst s10  }
0x38: {  	s10 =	sld [smem:$0x3FAD]  }
0x39: {  	_ = 	snop;
	(pc) =	sbr.ind lr, $3  }
0x3a: {  	_ = 	snop  }
0x3b: {  	_ = 	snop  }
0x3c: {  	p2 =	seq.s32 s10, $0x1;
	s10 =	sld [smem:$0x3FAC]  }
0x3d: {  	_ =	shalt  }
0x3e: {  	_ =	shalt  }
0x3f: {  	_ =	shalt  }
0x40: {  	_ =	shalt  }
0x41: {  	_ =	shalt  }
0x42: {  	_ =	shalt  }
0x43: {  	_ =	shalt  }
0x44: {  	_ =	shalt  }
0x45: {  	_ =	shalt  }
0x46: {  	_ =	shalt  }
0x47: {  	_ =	shalt  }
0x48: {  	_ =	shalt  }
0x49: {  	_ =	shalt  }
0x4a: {  	_ =	shalt  }
0x4b: {  	_ =	shalt  }
0x4c: {  	_ =	shalt  }
0x4d: {  	_ =	shalt  }
0x4e: {  	_ =	shalt  }
0x4f: {  	_ =	shalt  }
0x50: {  	_ =	shalt  }
0x51: {  	_ =	shalt  }
0x52: {  	_ =	shalt  }
0x53: {  	_ =	shalt  }
0x54: {  	_ =	shalt  }
0x55: {  	_ =	shalt  }
0x56: {  	_ =	shalt  }
0x57: {  	_ =	shalt  }
0x58: {  	_ =	shalt  }
0x59: {  	_ =	shalt  }
0x5a: {  	_ =	shalt  }
0x5b: {  	_ =	shalt  }
0x5c: {  	_ =	shalt  }
0x5d: {  	_ =	shalt  }
0x5e: {  	_ =	shalt  }
0x5f: {  	_ =	shalt  }
0x60: {  	_ =	shalt  }
0x61: {  	_ =	shalt  }
0x62: {  	_ =	shalt  }
0x63: {  	_ =	shalt  }
0x64: {  	_ =	shalt  }
0x65: {  	_ =	shalt  }
0x66: {  	_ =	shalt  }
0x67: {  	_ =	shalt  }
0x68: {  	_ =	shalt  }
0x69: {  	_ =	shalt  }
0x6a: {  	_ =	shalt  }
0x6b: {  	_ =	shalt  }
0x6c: {  	_ =	shalt  }
0x6d: {  	_ =	shalt  }
0x6e: {  	_ =	shalt  }
0x6f: {  	_ =	shalt  }
0x70: {  	_ =	shalt  }
0x71: {  	_ =	shalt  }
0x72: {  	_ =	shalt  }
0x73: {  	_ =	shalt  }
0x74: {  	_ =	shalt  }
0x75: {  	_ =	shalt  }
0x76: {  	_ =	shalt  }
0x77: {  	_ =	shalt  }
0x78: {  	_ =	shalt  }
0x79: {  	_ =	shalt  }
0x7a: {  	_ =	shalt  }
0x7b: {  	_ =	shalt  }
0x7c: {  	_ =	shalt  }
0x7d: {  	_ =	shalt  }
0x7e: {  	_ =	shalt  }
0x7f: {  	_ =	shalt  }
0x80: {  	_ =	shalt  }
0x81: {  	_ =	shalt  }
0x82: {  	_ =	shalt  }
0x83: {  	_ =	shalt  }
0x84: {  	_ =	shalt  }
0x85: {  	_ =	shalt  }
0x86: {  	_ =	shalt  }
0x87: {  	_ =	shalt  }
.Lfunc_end0:
.L_simem_size_0:
called_computation.6_lowered:
.L_overlay_start_0:
0x88: {  	s2 =	sld [smem:$0x3FD9]  }
0x89: {  	s3 =	sld [smem:$0x3FFE];
	_ =	sdelay $0x1  }
0x8a: {  	s1 =	srdreg.scid  }
0x8b: {  	s0 =	sand.u32 $0x1, s1  }
0x8c: {  	s16 =	sshll.u32 s0, $0xA;
	s2 =	sadd.s32 s3, s2  }
0x8d: {  	s2 =	sadd.s32 s2, s16  }
0x8e: {  	[smem:$0x3FB8] =	sst s2  }
0x8f: {  	_ = 	snop  }
0x90: {  	(tm) =	ssettm $0x1  }
0x91: {  	s17 =	sld [smem:$0x3FFB];
	_ =	sdelay $0x3  }
0x92: {  	_ =	strace s17  }
0x93: {  	s2 =	sld [smem:$0x3FFC];
	_ =	sdelay $0x3  }
0x94: {  	_ =	strace s2  }
0x95: {  	s2 =	sld [smem:$0x3FFD];
	_ =	sdelay $0x3  }
0x96: {  	_ =	strace s2  }
0x97: {  	_ =	strace $0x8FFFFFFF  }
0x98: {  	s18 =	sld [smem:$0x3FDB];
	_ =	sdelay $0x1  }
0x99: {  	s19 =	simm.s32 $_scs_section_size  }
0x9a: {  	s4 =	simm.s32 $_size__tile_overlayer_lowered;
	s5 =	simm.s32 $_tile_overlayer_lowered  }
0x9b: {  	s22 =	simm.s32 $0x1BFF;
	s21 =	sshll.u32 s5, $0x1;
	s2 =	sadd.s32 s19, s18  }
0x9c: {  	s6 =	simm.s32 $0x0;
	s20 =	sshll.u32 s4, $0x1;
	s4 =	sadd.s32 s21, s2  }
0x9d: {  	[timem:s6], [sflag:s22] =	dma.local [hbm:s4], s20  }
0x9e: {  	_ =	swait.ge [sflag:s22], s20  }
0x9f: {  	s3 =	ssub.s32 $0x0, s20;
	[sflag:s22] =	ssyncset.done $0x0  }
0xa0: {  	[sflag:s22] =	ssyncadd.s32 s3;
	_ =	sdelay $0x1  }
0xa1: {  	s23 =	simm.s32 $0x1B8B  }
0xa2: {  	_ =	swait.ge [sflag:s23], $0x1  }
0xa3: {  	[sflag:s23] =	ssyncset.done $0x0  }
0xa4: {  	s25 =	simm.s32 $0x1B8E;
	s24 =	sld [smem:$0x3FFE];
	[sflag:s23] =	ssyncadd.s32 $0xFFFFFFFF  }
0xa5: {  	s26 =	simm.s32 $execute0_lowered;
	[smem:$0x3FD2] =	sst s25  }
0xa6: {  	s4 =	sshll.u32 s26, $0x1;
	_ =	strace $0x80000058;
	[dreg:$0x1] =	wrdreg $0xFFFFFFFF  }
0xa7: {  	s28 =	simm.s32 $_size_execute0_lowered;
	s2 =	sadd.s32 s2, s4;
	[dreg:$0x0] =	wrdreg $0x0  }
0xa8: {  	s4 =	sshll.u32 s28, $0x1;
	[dreg:$0x2] =	wrdreg s2  }
0xa9: {  	[dreg:$0x3] =	wrdreg s4  }
0xaa: {  	[dreg:$0x4] =	wrdreg $0xC0  }
0xab: {  	_ =	task [dreg:s6], $0x5FFFF  }
0xac: {  	[dreg:$0x1] =	wrdreg $0xFFFFFFFF  }
0xad: {  	[dreg:$0x0] =	wrdreg $0x60  }
0xae: {  	[dreg:$0x2] =	wrdreg s24  }
0xaf: {  	[dreg:$0x3] =	wrdreg $0x8F000  }
0xb0: {  	[dreg:$0x4] =	wrdreg $0x9  }
0xb1: {  	_ =	task.clear_ibuf [dreg:s6], $0x5FFFF;
	_ =	strace $0x90000058  }
0xb2: {  	s29 =	simm.s32 $0x9;
	_ =	strace $0x8000005A  }
0xb3: {  	_ =	swait.ge [sflag:s29], $0x1  }
0xb4: {  	[sflag:s29] =	ssyncadd.s32 $0xFFFFFFFF  }
0xb5: {  	_ =	strace $0x9000005A  }
0xb6: {  	_ =	sfence  }
0xb7: {  	s30 =	sld [smem:$0x0];
	_ =	sdelay $0x2  }
0xb8: {  	s31 =	sshll.u32 s1, $0xD;
	s1 =	sshrl.u32 s1, $0x2  }
0xb9: {  	s3 =	sand.u32 $0x4000, s31;
	s1 =	sadd.s32 s1, s30  }
0xba: {  	s0 =	sor.u32 s3, s0;
	s1 =	sshll.u32 s1, $0x11  }
0xbb: {  	s0 =	sor.u32 s1, s0  }
0xbc: {  	s0 =	sadd.s32 $0x8F2B, s0  }
0xbd: {  	[sflag:s0] =	ssyncadd.remote.s32 $0x1  }
0xbe: {  	_ =	sfence.sel $0xFFFF  }
0xbf: {  	[dreg:$0x0] =	wrdreg $0xFFFFFFFF;
	(pc) =	sbr.abs _section_cstart, $3  }
0xc0: {  	[dreg:$0x1] =	wrdreg $0xFFFFFFFF  }
0xc1: {  	_ =	task.clear_ibuf [dreg:s6], $0x2FFFF;
	_ =	strace $0x9FFFFFFF  }
0xc2: {  	(tm) =	ssettm $0x7FFFFFFF  }
0xc3: {  	_ =	shalt  }
tec
execute0_lowered:
.L_overlay_start_1:
0x0: {  	(tag) =	ssettag $0x1  }
0x1: {  	s6 =	rddreg [dreg:$0x0]  }
0x2: {  	s0 =	srdreg.scid;
	s2 =	rddreg [dreg:$0x1];
	s3 =	simm.s32 $0x0  }
0x3: {  	s14 =	simm.s32 $0x80;
	s15 =	simm.s32 $0x4F00;
	s16 =	simm.s32 $0x6F00  }
0x4: {  	s17 =	simm.s32 $0x1;
	s18 =	simm.s32 $0x2;
	s19 =	simm.s32 $0x4D80  }
0x5: {  	s20 =	simm.s32 $0x2700;
	s21 =	simm.s32 $0x4E00;
	s22 =	simm.s32 $0x4E80  }
0x6: {  	s23 =	simm.s32 $0x0;
	s5 =	sand.u32 $0x1, s0;
	s0 =	stileid.u32  }
0x7: {  	[smem:$0x7FF] =	sst s3;
	s1 =	sshll.u32 s5, $0x4;
	s8 =	smul.u32 $0xA000, s0  }
0x8: {  	s7 =	smul.u32 $0xA0000, s5;
	s10 =	ssub.s32 $0x2, s5;
	s5 =	sadd.s32 $0x2EA00, s6  }
0x9: {  	s12 =	sshll.u32 s0, $0x6;
	s1 =	sor.u32 s0, s1;
	s31 =	sshrl.u32 s10, $0x1  }
0xa: {  	s12 =	sor.u32 $0x1C03, s12;
	s4 =	smul.u32 $0x4F0, s1;
	s1 =	rddreg [dreg:$0x2]  }
0xb: {  	_ =	strace $0x80000059;
	s7 =	sadd.s32 s8, s7;
	s13 =	sadd.s32 s8, s2  }
0xc: {  	s10 =	ssub.s32 s10, s31;
	s7 =	sshrl.u32 s7, $0x3;
	s13 =	sshrl.u32 s13, $0x3  }
0xd: {  	s9 =	sadd.s32 s4, s6;
	s4 =	sadd.s32 $0x7400, s6;
	s11 =	sadd.s32 s7, s6  }
0xe: {  	s6 =	sadd.s32 $0x24C00, s9;
	s7 =	sadd.s32 $0x1AE00, s9;
	s8 =	sadd.s32 $0x2FE00, s11  }
0xf: {  	s9 =	smax.u32 s10, $0x1;
	s10 =	simm.s32 $0x3;
	s11 =	simm.s32 $0x2780  }
.LBB2_1:
0x10: {  	[tilespmem:s3], [sflag:$0x3] =	stream.linear.gather [hbm4b:s6+s3], $0x2780, $0x38;
	[tilespmem:$0x12F00] =	vst v63  }
0x11: {  	_ =	swait.ge [sflag:s10], $0x2780  }
0x12: {  	[sflag:s10] =	ssyncset.done $0x0  }
0x13: {  	[sflag:s10] =	ssyncadd.s32 $0xFFFFD880  }
0x14: {  	[tilespmem:s11], [sflag:$0x3] =	stream.linear.gather [hbm4b:s7+s3], $0x2780, $0x38;
	[tilespmem:$0x12F00] =	vst v63  }
0x15: {  	_ =	swait.ge [sflag:s10], $0x2780  }
0x16: {  	[sflag:s10] =	ssyncset.done $0x0  }
0x17: {  	[sflag:s10] =	ssyncadd.s32 $0xFFFFD880  }
0x18: {  	[spmem:s13], [sflag:s12] =	dma.local [hbm:s5], $0x1400  }
0x19: {  	_ =	swait.ge [sflag:s10], $0x1400  }
0x1a: {  	[sflag:s10] =	ssyncset.done $0x0  }
0x1b: {  	[sflag:s10] =	ssyncadd.s32 $0xFFFFEC00  }
0x1c: {  	[bflag:$0x0] =	sbarrier.arrive $0xFFFF  }
0x1d: {  	[tilespmem:s15], [sflag:$0x1] =	stream.indirect.gather [hbm4b:s4+s14], $0x40, s3, s14, $0xb8;
	[tilespmem:$0x12F00] =	vst v63  }
0x1e: {  	_ = 	snop  }
0x1f: {  	[tilespmem:s16], [sflag:$0x2] =	stream.indirect.gather [hbm4b:s4+s14], $0x40, s14, s14, $0xb8;
	[tilespmem:$0x12F00] =	vst v63  }
0x20: {  	_ =	swait.ge [sflag:s17], $0x2000  }
0x21: {  	[sflag:s17] =	ssyncset.done $0x0  }
0x22: {  	s24 =	simm.s32 $0x2780;
	[sflag:s17] =	ssyncadd.s32 $0xFFFFE000  }
0x23: {  	[spmem:s2] =	stream.indirect.scatter.add.f32 [tilespmem:s15], [sflag:$0x3], $0x40, s24, s14, $0xb8;
	[tilespmem:$0x12F00] =	vst v63  }
0x24: {  	_ =	swait.ge [sflag:s10], $0x2000  }
0x25: {  	[sflag:s10] =	ssyncset.done $0x0  }
0x26: {  	s30 =	simm.s32 $0x100;
	[sflag:s10] =	ssyncadd.s32 $0xFFFFE000  }
0x27: {  	[tilespmem:s15], [sflag:$0x1] =	stream.indirect.gather [hbm4b:s4+s14], $0x40, s30, s14, $0xb8;
	[tilespmem:$0x12F00] =	vst v63  }
0x28: {  	_ =	swait.ge [sflag:s18], $0x2000  }
0x29: {  	[sflag:s18] =	ssyncset.done $0x0  }
0x2a: {  	s31 =	simm.s32 $0x2800;
	[sflag:s18] =	ssyncadd.s32 $0xFFFFE000  }
0x2b: {  	[spmem:s2] =	stream.indirect.scatter.add.f32 [tilespmem:s16], [sflag:$0x3], $0x40, s31, s14, $0xb8;
	[tilespmem:$0x12F00] =	vst v63  }
0x2c: {  	_ =	swait.ge [sflag:s10], $0x2000  }
0x2d: {  	[sflag:s10] =	ssyncset.done $0x0  }
0x2e: {  	s25 =	simm.s32 $0x180;
	s24 =	simm.s32 $0x400;
	[sflag:s10] =	ssyncadd.s32 $0xFFFFE000  }
.LBB2_2:
0x2f: {  	[tilespmem:s16], [sflag:$0x2] =	stream.indirect.gather [hbm4b:s4+s14], $0x40, s25, s14, $0xb8;
	[tilespmem:$0x12F00] =	vst v63  }
0x30: {  	s25 =	smov.u32 s24  }
0x31: {  	p0 =	sne.s32 s24, $0x9400;
	s24 =	sadd.s32 $0x400, s24;
	_ =	swait.ge [sflag:s17], $0x2000  }
0x32: {  	s25 =	sshra.s32 s25, $0x2;
	[sflag:s17] =	ssyncset.done $0x0  }
0x33: {  	s26 =	sadd.s32 $0x2780, s25;
	[sflag:s17] =	ssyncadd.s32 $0xFFFFE000  }
0x34: {  	[spmem:s2] =	stream.indirect.scatter.add.f32 [tilespmem:s15], [sflag:$0x3], $0x40, s26, s14, $0xb8;
	[tilespmem:$0x12F00] =	vst v63  }
0x35: {  	_ =	swait.ge [sflag:s10], $0x2000  }
0x36: {  	[sflag:s10] =	ssyncset.done $0x0  }
0x37: {  	s26 =	sadd.s32 $0x100, s25;
	[sflag:s10] =	ssyncadd.s32 $0xFFFFE000  }
0x38: {  	[tilespmem:s15], [sflag:$0x1] =	stream.indirect.gather [hbm4b:s4+s14], $0x40, s26, s14, $0xb8;
	[tilespmem:$0x12F00] =	vst v63  }
0x39: {  	_ =	swait.ge [sflag:s18], $0x2000  }
0x3a: {  	[sflag:s18] =	ssyncset.done $0x0  }
.Ltmp0:
0x3b: {  	s26 =	sadd.s32 $0x2800, s25;
	[sflag:s18] =	ssyncadd.s32 $0xFFFFE000;
	(pc) =	sbr.rel @p0 .LBB2_2-.Ltmp0, $4  }
0x3c: {  	[spmem:s2] =	stream.indirect.scatter.add.f32 [tilespmem:s16], [sflag:$0x3], $0x40, s26, s14, $0xb8;
	[tilespmem:$0x12F00] =	vst v63  }
0x3d: {  	_ =	swait.ge [sflag:s10], $0x2000  }
0x3e: {  	[sflag:s10] =	ssyncset.done $0x0  }
0x3f: {  	s25 =	sadd.s32 $0x180, s25;
	[sflag:s10] =	ssyncadd.s32 $0xFFFFE000  }
0x40: {  	[tilespmem:s16], [sflag:$0x2] =	stream.indirect.gather [hbm4b:s4+s14], $0x40, s25, s14, $0xb8;
	[tilespmem:$0x12F00] =	vst v63  }
0x41: {  	_ =	swait.ge [sflag:s17], $0x2000  }
0x42: {  	[sflag:s17] =	ssyncset.done $0x0  }
0x43: {  	[sflag:s17] =	ssyncadd.s32 $0xFFFFE000  }
0x44: {  	[spmem:s2] =	stream.indirect.scatter.add.f32 [tilespmem:s15], [sflag:$0x3], $0x40, s19, s14, $0xb8;
	[tilespmem:$0x12F00] =	vst v63  }
0x45: {  	_ =	swait.ge [sflag:s10], $0x2000  }
0x46: {  	[sflag:s10] =	ssyncset.done $0x0  }
0x47: {  	[sflag:s10] =	ssyncadd.s32 $0xFFFFE000  }
0x48: {  	[tilespmem:s15], [sflag:$0x1] =	stream.indirect.gather [hbm4b:s4+s14], $0x40, s20, s14, $0xb8;
	[tilespmem:$0x12F00] =	vst v63  }
0x49: {  	_ =	swait.ge [sflag:s18], $0x2000  }
0x4a: {  	[sflag:s18] =	ssyncset.done $0x0  }
0x4b: {  	[sflag:s18] =	ssyncadd.s32 $0xFFFFE000  }
0x4c: {  	[spmem:s2] =	stream.indirect.scatter.add.f32 [tilespmem:s16], [sflag:$0x3], $0x40, s21, s14, $0xb8;
	[tilespmem:$0x12F00] =	vst v63  }
0x4d: {  	_ =	swait.ge [sflag:s10], $0x2000  }
0x4e: {  	[sflag:s10] =	ssyncset.done $0x0  }
0x4f: {  	[sflag:s10] =	ssyncadd.s32 $0xFFFFE000  }
0x50: {  	_ =	swait.ge [sflag:s17], $0x2000  }
0x51: {  	[sflag:s17] =	ssyncset.done $0x0  }
0x52: {  	[sflag:s17] =	ssyncadd.s32 $0xFFFFE000  }
0x53: {  	[spmem:s2] =	stream.indirect.scatter.add.f32 [tilespmem:s15], [sflag:$0x3], $0x40, s22, s14, $0xb8;
	[tilespmem:$0x12F00] =	vst v63  }
0x54: {  	_ =	swait.ge [sflag:s10], $0x2000  }
0x55: {  	s23 =	sadd.s32 $0x1, s23;
	[sflag:s10] =	ssyncset.done $0x0  }
0x56: {  	p0 =	sne.s32 s23, s9;
	[sflag:s10] =	ssyncadd.s32 $0xFFFFE000  }
.Ltmp1:
0x57: {  	[bflag:$0x0] =	sbarrier.arrive $0xFFFF;
	(pc) =	sbr.rel @p0 .LBB2_1-.Ltmp1, $4  }
0x58: {  	[hbm:s8], [sflag:s12] =	dma.local [spmem:s13], $0x1400  }
0x59: {  	_ =	swait.ge [sflag:s10], $0x1400  }
0x5a: {  	[sflag:s10] =	ssyncset.done $0x0  }
0x5b: {  	[sflag:s10] =	ssyncadd.s32 $0xFFFFEC00  }
0x5c: {  	_ =	sfence.sel $0x180000  }
0x5d: {  	[bflag:$0x0] =	sbarrier.arrive $0xFFFF  }
0x5e: {  	p0 =	sne.s32 s0, $0x0;
	_ =	strace $0x90000059  }
0x5f: {  	s0 =	sadd.s32 @!p0 $0x100000, s1;
	[bflag:$0x2] =	sbarrier.arrive $0xFFFF  }
0x60: {  	[sflag:s0] =	ssyncadd.tile.s32 @!p0 $0x1;
	_ =	shalt  }
.Lfunc_end2:
_tile_overlayer_lowered:
.L_overlay_start_2:
0x61: {  	(tag) =	ssettag $0x2  }
0x62: {  	s0 =	rddreg [dreg:$0x0];
	s2 =	stileid.u32  }
0x63: {  	s1 =	rddreg [dreg:$0x1];
	p0 =	sne.s32 s2, $0x0  }
0x64: {  	s3 =	rddreg [dreg:$0x2];
	[bflag:$0x3] =	sbarrier.arrive $0xFFFF;
	s2 =	simm.s32 @!p0 $0x1C03  }
0x65: {  	[timem:s3], [sflag:s2] =	dma.local @!p0 [hbm:s0], s1  }
0x66: {  	s0 =	simm.s32 @!p0 $0x3  }
0x67: {  	_ =	swait.ge @!p0 [sflag:s0], s1  }
0x68: {  	s1 =	ssub.s32 @!p0 $0x0, s1;
	[sflag:s0] =	ssyncset.done @!p0 $0x0  }
0x69: {  	[sflag:s0] =	ssyncadd.s32 @!p0 s1  }
0x6a: {  	[bflag:$0x3] =	sbarrier.arrive $0xFFFF  }
0x6b: {  	_ =	shalt  }

// kernel: kernel.41.cloned.1.call-start
scs
__scs_entry_jumppad:
0x0: {  	(pc) =	sbr.rel $0x88, $3  }
0x1: {  	(tag) =	ssettag $0x0;
	lr =	simm.s32 $0x1  }
0x2: {  	[smem:$0x3F91] =	sst lr;
	_ =	strace $0xD0000000  }
0x3: {  	_ = 	snop  }
0x4: {  	_ = 	snop  }
0x5: {  	_ = 	snop  }
0x6: {  	_ = 	snop  }
0x7: {  	_ = 	snop  }
__scs_overlays_trampoline_lowered:
0x8: {  	[smem:$0x3FA0] =	sst s0  }
0x9: {  	[smem:$0x3FA1] =	sst s1  }
0xa: {  	[smem:$0x3FA2] =	sst s2  }
0xb: {  	[smem:$0x3FA3] =	sst s3  }
0xc: {  	[smem:$0x3FA4] =	sst s4  }
0xd: {  	[smem:$0x3FA5] =	sst s5  }
0xe: {  	[smem:$0x3FA6] =	sst s6  }
0xf: {  	[smem:$0x3FA7] =	sst s7  }
0x10: {  	[smem:$0x3FA8] =	sst s8  }
0x11: {  	[smem:$0x3FA9] =	sst s9;
	s0 =	simm.s32 @!p0 $0x0  }
0x12: {  	s1 =	sld [smem:$0x3F8F];
	s0 =	simm.s32 @p0 $0x1  }
0x13: {  	[smem:$0x3FAA] =	sst s0;
	s0 =	simm.s32 @!p1 $0x0  }
0x14: {  	s2 =	sld [smem:$0x3F8E];
	s0 =	simm.s32 @p1 $0x1  }
0x15: {  	[smem:$0x3FAB] =	sst s0;
	s0 =	simm.s32 @!p2 $0x0  }
0x16: {  	s3 =	sld [smem:$0x3FDB];
	s0 =	simm.s32 @p2 $0x1  }
0x17: {  	s4 =	simm.s32 $0x1BF5;
	[smem:$0x3FAD] =	sst s0  }
0x18: {  	s0 =	sld [smem:$0x3F90];
	_ =	swait.ge [sflag:s4], $0x0  }
0x19: {  	s7 =	sld [smem:$0x3F91]  }
0x1a: {  	s8 =	sadd.s32 $0xFFFFE003, lr  }
0x1b: {  	s9 =	sadd.s32 $0xFFFFFEF7, lr;
	s5 =	simm.s32 $0xFFFFFFFF;
	p2 =	slt.u32 s8, $0xFFFFF086  }
0x1c: {  	p1 =	slt.u32 s9, $0xF7A;
	s5 =	simm.s32 @!p2 $0x0  }
0x1d: {  	s5 =	simm.s32 @p1 $0x1;
	p0 =	seq.s32 s7, s2  }
0x1e: {  	s7 =	smul.u32 @!p0 $0xF7A, s2;
	p2 =	seq.s32 @!p0 s5, $0x0  }
0x1f: {  	s9 =	smul.u32 $0xF7A, s1;
	s8 =	simm.s32 @!p0 $0x1BF5;
	p2 =	por !p2, p0  }
0x20: {  	[sflag:s8] =	ssyncset.s32 @!p0 $0xFFFFF086;
	s6 =	sadd.s32 @!p0 s3, s7;
	s7 =	simm.s32 @!p0 $0x108  }
0x21: {  	s3 =	sadd.s32 s3, s9;
	s6 =	sadd.s32 @!p0 $0x88, s6;
	s7 =	simm.s32 @p2 $0x1082  }
0x22: {  	[simem:s7], [sflag:s8] =	dma.local @!p0 [hbm:s6], $0xF7A  }
0x23: {  	s9 =	sor.u32 $0xD0000000, s2;
	s6 =	simm.s32 $0x108;
	_ =	swait.ge @!p0 [sflag:s8], $0x0  }
0x24: {  	s3 =	sadd.s32 $0x88, s3;
	s6 =	simm.s32 @!p1 $0x1082;
	[sflag:s4] =	ssyncset.s32 $0xFFFFF086  }
0x25: {  	[simem:s6], [sflag:s4] =	dma.local [hbm:s3], $0xF7A  }
0x26: {  	[smem:$0x3F91] =	sst s1;
	(tag) =	ssettag s2;
	_ =	strace s9  }
0x27: {  	s1 =	sld [smem:$0x3FA1]  }
0x28: {  	s2 =	sld [smem:$0x3FA2]  }
0x29: {  	s4 =	sld [smem:$0x3FA4]  }
0x2a: {  	p0 =	seq.s32 s5, $0x0;
	s5 =	sld [smem:$0x3FA5]  }
0x2b: {  	s6 =	sld [smem:$0x3FA6]  }
0x2c: {  	s7 =	sld [smem:$0x3FA7]  }
0x2d: {  	s3 =	simm.s32 $0x108;
	s8 =	sld [smem:$0x3FA8]  }
0x2e: {  	s3 =	simm.s32 @!p0 $0x1082;
	s9 =	sld [smem:$0x3FA9]  }
0x2f: {  	lr =	sadd.s32 s0, s3;
	s0 =	sld [smem:$0x3FA0]  }
0x30: {  	s3 =	sld [smem:$0x3FA3]  }
0x31: {  	[smem:$0x3FAC] =	sst s10  }
0x32: {  	s10 =	sld [smem:$0x3FAA];
	_ =	sdelay $0x3  }
0x33: {  	p0 =	seq.s32 s10, $0x1;
	s10 =	sld [smem:$0x3FAC];
	_ =	sdelay $0x3  }
0x34: {  	[smem:$0x3FAC] =	sst s10  }
0x35: {  	s10 =	sld [smem:$0x3FAB];
	_ =	sdelay $0x3  }
0x36: {  	p1 =	seq.s32 s10, $0x1;
	s10 =	sld [smem:$0x3FAC];
	_ =	sdelay $0x3  }
0x37: {  	[smem:$0x3FAC] =	sst s10  }
0x38: {  	s10 =	sld [smem:$0x3FAD]  }
0x39: {  	_ = 	snop;
	(pc) =	sbr.ind lr, $3  }
0x3a: {  	_ = 	snop  }
0x3b: {  	_ = 	snop  }
0x3c: {  	p2 =	seq.s32 s10, $0x1;
	s10 =	sld [smem:$0x3FAC]  }
0x3d: {  	_ =	shalt  }
0x3e: {  	_ =	shalt  }
0x3f: {  	_ =	shalt  }
0x40: {  	_ =	shalt  }
0x41: {  	_ =	shalt  }
0x42: {  	_ =	shalt  }
0x43: {  	_ =	shalt  }
0x44: {  	_ =	shalt  }
0x45: {  	_ =	shalt  }
0x46: {  	_ =	shalt  }
0x47: {  	_ =	shalt  }
0x48: {  	_ =	shalt  }
0x49: {  	_ =	shalt  }
0x4a: {  	_ =	shalt  }
0x4b: {  	_ =	shalt  }
0x4c: {  	_ =	shalt  }
0x4d: {  	_ =	shalt  }
0x4e: {  	_ =	shalt  }
0x4f: {  	_ =	shalt  }
0x50: {  	_ =	shalt  }
0x51: {  	_ =	shalt  }
0x52: {  	_ =	shalt  }
0x53: {  	_ =	shalt  }
0x54: {  	_ =	shalt  }
0x55: {  	_ =	shalt  }
0x56: {  	_ =	shalt  }
0x57: {  	_ =	shalt  }
0x58: {  	_ =	shalt  }
0x59: {  	_ =	shalt  }
0x5a: {  	_ =	shalt  }
0x5b: {  	_ =	shalt  }
0x5c: {  	_ =	shalt  }
0x5d: {  	_ =	shalt  }
0x5e: {  	_ =	shalt  }
0x5f: {  	_ =	shalt  }
0x60: {  	_ =	shalt  }
0x61: {  	_ =	shalt  }
0x62: {  	_ =	shalt  }
0x63: {  	_ =	shalt  }
0x64: {  	_ =	shalt  }
0x65: {  	_ =	shalt  }
0x66: {  	_ =	shalt  }
0x67: {  	_ =	shalt  }
0x68: {  	_ =	shalt  }
0x69: {  	_ =	shalt  }
0x6a: {  	_ =	shalt  }
0x6b: {  	_ =	shalt  }
0x6c: {  	_ =	shalt  }
0x6d: {  	_ =	shalt  }
0x6e: {  	_ =	shalt  }
0x6f: {  	_ =	shalt  }
0x70: {  	_ =	shalt  }
0x71: {  	_ =	shalt  }
0x72: {  	_ =	shalt  }
0x73: {  	_ =	shalt  }
0x74: {  	_ =	shalt  }
0x75: {  	_ =	shalt  }
0x76: {  	_ =	shalt  }
0x77: {  	_ =	shalt  }
0x78: {  	_ =	shalt  }
0x79: {  	_ =	shalt  }
0x7a: {  	_ =	shalt  }
0x7b: {  	_ =	shalt  }
0x7c: {  	_ =	shalt  }
0x7d: {  	_ =	shalt  }
0x7e: {  	_ =	shalt  }
0x7f: {  	_ =	shalt  }
0x80: {  	_ =	shalt  }
0x81: {  	_ =	shalt  }
0x82: {  	_ =	shalt  }
0x83: {  	_ =	shalt  }
0x84: {  	_ =	shalt  }
0x85: {  	_ =	shalt  }
0x86: {  	_ =	shalt  }
0x87: {  	_ =	shalt  }
.Lfunc_end0:
.L_simem_size_0:
called_computation.7_lowered:
.L_overlay_start_0:
0x88: {  	s2 =	sld [smem:$0x3FD9]  }
0x89: {  	s3 =	sld [smem:$0x3FFE];
	_ =	sdelay $0x1  }
0x8a: {  	s1 =	srdreg.scid  }
0x8b: {  	s0 =	sand.u32 $0x1, s1  }
0x8c: {  	s16 =	sshll.u32 s0, $0xA;
	s2 =	sadd.s32 s3, s2  }
0x8d: {  	s2 =	sadd.s32 s2, s16  }
0x8e: {  	[smem:$0x3FB8] =	sst s2  }
0x8f: {  	_ = 	snop  }
0x90: {  	(tm) =	ssettm $0x1  }
0x91: {  	s17 =	sld [smem:$0x3FFB];
	_ =	sdelay $0x3  }
0x92: {  	_ =	strace s17  }
0x93: {  	s2 =	sld [smem:$0x3FFC];
	_ =	sdelay $0x3  }
0x94: {  	_ =	strace s2  }
0x95: {  	s2 =	sld [smem:$0x3FFD];
	_ =	sdelay $0x3  }
0x96: {  	_ =	strace s2  }
0x97: {  	_ =	strace $0x8FFFFFFF  }
0x98: {  	s18 =	sld [smem:$0x3FDB];
	_ =	sdelay $0x1  }
0x99: {  	s19 =	simm.s32 $_scs_section_size  }
0x9a: {  	s4 =	simm.s32 $_size__tile_overlayer_lowered;
	s5 =	simm.s32 $_tile_overlayer_lowered  }
0x9b: {  	s22 =	simm.s32 $0x1BFF;
	s21 =	sshll.u32 s5, $0x1;
	s2 =	sadd.s32 s19, s18  }
0x9c: {  	s6 =	simm.s32 $0x0;
	s20 =	sshll.u32 s4, $0x1;
	s4 =	sadd.s32 s21, s2  }
0x9d: {  	[timem:s6], [sflag:s22] =	dma.local [hbm:s4], s20  }
0x9e: {  	_ =	swait.ge [sflag:s22], s20  }
0x9f: {  	s3 =	ssub.s32 $0x0, s20;
	[sflag:s22] =	ssyncset.done $0x0  }
0xa0: {  	[sflag:s22] =	ssyncadd.s32 s3;
	_ =	sdelay $0x1  }
0xa1: {  	s23 =	simm.s32 $0x1B8B  }
0xa2: {  	_ =	swait.ge [sflag:s23], $0x1  }
0xa3: {  	[sflag:s23] =	ssyncset.done $0x0  }
0xa4: {  	s25 =	simm.s32 $0x1B8E;
	s24 =	sld [smem:$0x3FFE];
	[sflag:s23] =	ssyncadd.s32 $0xFFFFFFFF  }
0xa5: {  	s26 =	simm.s32 $execute0_lowered;
	[smem:$0x3FD2] =	sst s25  }
0xa6: {  	s4 =	sshll.u32 s26, $0x1;
	_ =	strace $0x8000005B;
	[dreg:$0x1] =	wrdreg $0xFFFFFFFF  }
0xa7: {  	s28 =	simm.s32 $_size_execute0_lowered;
	s2 =	sadd.s32 s2, s4;
	[dreg:$0x0] =	wrdreg $0x0  }
0xa8: {  	s4 =	sshll.u32 s28, $0x1;
	[dreg:$0x2] =	wrdreg s2  }
0xa9: {  	[dreg:$0x3] =	wrdreg s4  }
0xaa: {  	[dreg:$0x4] =	wrdreg $0xC0  }
0xab: {  	_ =	task [dreg:s6], $0x5FFFF  }
0xac: {  	[dreg:$0x1] =	wrdreg $0xFFFFFFFF  }
0xad: {  	[dreg:$0x0] =	wrdreg $0x60  }
0xae: {  	[dreg:$0x2] =	wrdreg s24  }
0xaf: {  	[dreg:$0x3] =	wrdreg $0x8F000  }
0xb0: {  	[dreg:$0x4] =	wrdreg $0x9  }
0xb1: {  	_ =	task.clear_ibuf [dreg:s6], $0x5FFFF;
	_ =	strace $0x9000005B  }
0xb2: {  	s29 =	simm.s32 $0x9;
	_ =	strace $0x8000005D  }
0xb3: {  	_ =	swait.ge [sflag:s29], $0x1  }
0xb4: {  	[sflag:s29] =	ssyncadd.s32 $0xFFFFFFFF  }
0xb5: {  	_ =	strace $0x9000005D  }
0xb6: {  	_ =	sfence  }
0xb7: {  	s30 =	sld [smem:$0x0];
	_ =	sdelay $0x2  }
0xb8: {  	s31 =	sshll.u32 s1, $0xD;
	s1 =	sshrl.u32 s1, $0x2  }
0xb9: {  	s3 =	sand.u32 $0x4000, s31;
	s1 =	sadd.s32 s1, s30  }
0xba: {  	s0 =	sor.u32 s3, s0;
	s1 =	sshll.u32 s1, $0x11  }
0xbb: {  	s0 =	sor.u32 s1, s0  }
0xbc: {  	s0 =	sadd.s32 $0x8F2B, s0  }
0xbd: {  	[sflag:s0] =	ssyncadd.remote.s32 $0x1  }
0xbe: {  	_ =	sfence.sel $0xFFFF  }
0xbf: {  	[dreg:$0x0] =	wrdreg $0xFFFFFFFF;
	(pc) =	sbr.abs _section_cstart, $3  }
0xc0: {  	[dreg:$0x1] =	wrdreg $0xFFFFFFFF  }
0xc1: {  	_ =	task.clear_ibuf [dreg:s6], $0x2FFFF;
	_ =	strace $0x9FFFFFFF  }
0xc2: {  	(tm) =	ssettm $0x7FFFFFFF  }
0xc3: {  	_ =	shalt  }
tec
execute0_lowered:
.L_overlay_start_1:
0x0: {  	(tag) =	ssettag $0x1  }
0x1: {  	s6 =	rddreg [dreg:$0x0]  }
0x2: {  	s0 =	srdreg.scid;
	s2 =	rddreg [dreg:$0x1];
	s3 =	simm.s32 $0x0  }
0x3: {  	s14 =	simm.s32 $0x80;
	s15 =	simm.s32 $0x4F00;
	s16 =	simm.s32 $0x6F00  }
0x4: {  	s17 =	simm.s32 $0x1;
	s18 =	simm.s32 $0x2;
	s19 =	simm.s32 $0x4D80  }
0x5: {  	s20 =	simm.s32 $0x2700;
	s21 =	simm.s32 $0x4E00;
	s22 =	simm.s32 $0x4E80  }
0x6: {  	s23 =	simm.s32 $0x0;
	s5 =	sand.u32 $0x1, s0;
	s0 =	stileid.u32  }
0x7: {  	[smem:$0x7FF] =	sst s3;
	s1 =	sshll.u32 s5, $0x4;
	s8 =	smul.u32 $0xA000, s0  }
0x8: {  	s7 =	smul.u32 $0xA0000, s5;
	s10 =	ssub.s32 $0x2, s5;
	s5 =	sadd.s32 $0x2EA00, s6  }
0x9: {  	s12 =	sshll.u32 s0, $0x6;
	s1 =	sor.u32 s0, s1;
	s31 =	sshrl.u32 s10, $0x1  }
0xa: {  	s12 =	sor.u32 $0x1C03, s12;
	s4 =	smul.u32 $0x4F0, s1;
	s1 =	rddreg [dreg:$0x2]  }
0xb: {  	_ =	strace $0x8000005C;
	s7 =	sadd.s32 s8, s7;
	s13 =	sadd.s32 s8, s2  }
0xc: {  	s10 =	ssub.s32 s10, s31;
	s7 =	sshrl.u32 s7, $0x3;
	s13 =	sshrl.u32 s13, $0x3  }
0xd: {  	s9 =	sadd.s32 s4, s6;
	s4 =	sadd.s32 $0x7400, s6;
	s11 =	sadd.s32 s7, s6  }
0xe: {  	s6 =	sadd.s32 $0x24C00, s9;
	s7 =	sadd.s32 $0x1AE00, s9;
	s8 =	sadd.s32 $0x2FE00, s11  }
0xf: {  	s9 =	smax.u32 s10, $0x1;
	s10 =	simm.s32 $0x3;
	s11 =	simm.s32 $0x2780  }
.LBB2_1:
0x10: {  	[tilespmem:s3], [sflag:$0x3] =	stream.linear.gather [hbm4b:s6+s3], $0x2780, $0x38;
	[tilespmem:$0x12F00] =	vst v63  }
0x11: {  	_ =	swait.ge [sflag:s10], $0x2780  }
0x12: {  	[sflag:s10] =	ssyncset.done $0x0  }
0x13: {  	[sflag:s10] =	ssyncadd.s32 $0xFFFFD880  }
0x14: {  	[tilespmem:s11], [sflag:$0x3] =	stream.linear.gather [hbm4b:s7+s3], $0x2780, $0x38;
	[tilespmem:$0x12F00] =	vst v63  }
0x15: {  	_ =	swait.ge [sflag:s10], $0x2780  }
0x16: {  	[sflag:s10] =	ssyncset.done $0x0  }
0x17: {  	[sflag:s10] =	ssyncadd.s32 $0xFFFFD880  }
0x18: {  	[spmem:s13], [sflag:s12] =	dma.local [hbm:s5], $0x1400  }
0x19: {  	_ =	swait.ge [sflag:s10], $0x1400  }
0x1a: {  	[sflag:s10] =	ssyncset.done $0x0  }
0x1b: {  	[sflag:s10] =	ssyncadd.s32 $0xFFFFEC00  }
0x1c: {  	[bflag:$0x0] =	sbarrier.arrive $0xFFFF  }
0x1d: {  	[tilespmem:s15], [sflag:$0x1] =	stream.indirect.gather [hbm4b:s4+s14], $0x40, s3, s14, $0xb8;
	[tilespmem:$0x12F00] =	vst v63  }
0x1e: {  	_ = 	snop  }
0x1f: {  	[tilespmem:s16], [sflag:$0x2] =	stream.indirect.gather [hbm4b:s4+s14], $0x40, s14, s14, $0xb8;
	[tilespmem:$0x12F00] =	vst v63  }
0x20: {  	_ =	swait.ge [sflag:s17], $0x2000  }
0x21: {  	[sflag:s17] =	ssyncset.done $0x0  }
0x22: {  	s24 =	simm.s32 $0x2780;
	[sflag:s17] =	ssyncadd.s32 $0xFFFFE000  }
0x23: {  	[spmem:s2] =	stream.indirect.scatter.add.f32 [tilespmem:s15], [sflag:$0x3], $0x40, s24, s14, $0xb8;
	[tilespmem:$0x12F00] =	vst v63  }
0x24: {  	_ =	swait.ge [sflag:s10], $0x2000  }
0x25: {  	[sflag:s10] =	ssyncset.done $0x0  }
0x26: {  	s30 =	simm.s32 $0x100;
	[sflag:s10] =	ssyncadd.s32 $0xFFFFE000  }
0x27: {  	[tilespmem:s15], [sflag:$0x1] =	stream.indirect.gather [hbm4b:s4+s14], $0x40, s30, s14, $0xb8;
	[tilespmem:$0x12F00] =	vst v63  }
0x28: {  	_ =	swait.ge [sflag:s18], $0x2000  }
0x29: {  	[sflag:s18] =	ssyncset.done $0x0  }
0x2a: {  	s31 =	simm.s32 $0x2800;
	[sflag:s18] =	ssyncadd.s32 $0xFFFFE000  }
0x2b: {  	[spmem:s2] =	stream.indirect.scatter.add.f32 [tilespmem:s16], [sflag:$0x3], $0x40, s31, s14, $0xb8;
	[tilespmem:$0x12F00] =	vst v63  }
0x2c: {  	_ =	swait.ge [sflag:s10], $0x2000  }
0x2d: {  	[sflag:s10] =	ssyncset.done $0x0  }
0x2e: {  	s25 =	simm.s32 $0x180;
	s24 =	simm.s32 $0x400;
	[sflag:s10] =	ssyncadd.s32 $0xFFFFE000  }
.LBB2_2:
0x2f: {  	[tilespmem:s16], [sflag:$0x2] =	stream.indirect.gather [hbm4b:s4+s14], $0x40, s25, s14, $0xb8;
	[tilespmem:$0x12F00] =	vst v63  }
0x30: {  	s25 =	smov.u32 s24  }
0x31: {  	p0 =	sne.s32 s24, $0x9400;
	s24 =	sadd.s32 $0x400, s24;
	_ =	swait.ge [sflag:s17], $0x2000  }
0x32: {  	s25 =	sshra.s32 s25, $0x2;
	[sflag:s17] =	ssyncset.done $0x0  }
0x33: {  	s26 =	sadd.s32 $0x2780, s25;
	[sflag:s17] =	ssyncadd.s32 $0xFFFFE000  }
0x34: {  	[spmem:s2] =	stream.indirect.scatter.add.f32 [tilespmem:s15], [sflag:$0x3], $0x40, s26, s14, $0xb8;
	[tilespmem:$0x12F00] =	vst v63  }
0x35: {  	_ =	swait.ge [sflag:s10], $0x2000  }
0x36: {  	[sflag:s10] =	ssyncset.done $0x0  }
0x37: {  	s26 =	sadd.s32 $0x100, s25;
	[sflag:s10] =	ssyncadd.s32 $0xFFFFE000  }
0x38: {  	[tilespmem:s15], [sflag:$0x1] =	stream.indirect.gather [hbm4b:s4+s14], $0x40, s26, s14, $0xb8;
	[tilespmem:$0x12F00] =	vst v63  }
0x39: {  	_ =	swait.ge [sflag:s18], $0x2000  }
0x3a: {  	[sflag:s18] =	ssyncset.done $0x0  }
.Ltmp0:
0x3b: {  	s26 =	sadd.s32 $0x2800, s25;
	[sflag:s18] =	ssyncadd.s32 $0xFFFFE000;
	(pc) =	sbr.rel @p0 .LBB2_2-.Ltmp0, $4  }
0x3c: {  	[spmem:s2] =	stream.indirect.scatter.add.f32 [tilespmem:s16], [sflag:$0x3], $0x40, s26, s14, $0xb8;
	[tilespmem:$0x12F00] =	vst v63  }
0x3d: {  	_ =	swait.ge [sflag:s10], $0x2000  }
0x3e: {  	[sflag:s10] =	ssyncset.done $0x0  }
0x3f: {  	s25 =	sadd.s32 $0x180, s25;
	[sflag:s10] =	ssyncadd.s32 $0xFFFFE000  }
0x40: {  	[tilespmem:s16], [sflag:$0x2] =	stream.indirect.gather [hbm4b:s4+s14], $0x40, s25, s14, $0xb8;
	[tilespmem:$0x12F00] =	vst v63  }
0x41: {  	_ =	swait.ge [sflag:s17], $0x2000  }
0x42: {  	[sflag:s17] =	ssyncset.done $0x0  }
0x43: {  	[sflag:s17] =	ssyncadd.s32 $0xFFFFE000  }
0x44: {  	[spmem:s2] =	stream.indirect.scatter.add.f32 [tilespmem:s15], [sflag:$0x3], $0x40, s19, s14, $0xb8;
	[tilespmem:$0x12F00] =	vst v63  }
0x45: {  	_ =	swait.ge [sflag:s10], $0x2000  }
0x46: {  	[sflag:s10] =	ssyncset.done $0x0  }
0x47: {  	[sflag:s10] =	ssyncadd.s32 $0xFFFFE000  }
0x48: {  	[tilespmem:s15], [sflag:$0x1] =	stream.indirect.gather [hbm4b:s4+s14], $0x40, s20, s14, $0xb8;
	[tilespmem:$0x12F00] =	vst v63  }
0x49: {  	_ =	swait.ge [sflag:s18], $0x2000  }
0x4a: {  	[sflag:s18] =	ssyncset.done $0x0  }
0x4b: {  	[sflag:s18] =	ssyncadd.s32 $0xFFFFE000  }
0x4c: {  	[spmem:s2] =	stream.indirect.scatter.add.f32 [tilespmem:s16], [sflag:$0x3], $0x40, s21, s14, $0xb8;
	[tilespmem:$0x12F00] =	vst v63  }
0x4d: {  	_ =	swait.ge [sflag:s10], $0x2000  }
0x4e: {  	[sflag:s10] =	ssyncset.done $0x0  }
0x4f: {  	[sflag:s10] =	ssyncadd.s32 $0xFFFFE000  }
0x50: {  	_ =	swait.ge [sflag:s17], $0x2000  }
0x51: {  	[sflag:s17] =	ssyncset.done $0x0  }
0x52: {  	[sflag:s17] =	ssyncadd.s32 $0xFFFFE000  }
0x53: {  	[spmem:s2] =	stream.indirect.scatter.add.f32 [tilespmem:s15], [sflag:$0x3], $0x40, s22, s14, $0xb8;
	[tilespmem:$0x12F00] =	vst v63  }
0x54: {  	_ =	swait.ge [sflag:s10], $0x2000  }
0x55: {  	s23 =	sadd.s32 $0x1, s23;
	[sflag:s10] =	ssyncset.done $0x0  }
0x56: {  	p0 =	sne.s32 s23, s9;
	[sflag:s10] =	ssyncadd.s32 $0xFFFFE000  }
.Ltmp1:
0x57: {  	[bflag:$0x0] =	sbarrier.arrive $0xFFFF;
	(pc) =	sbr.rel @p0 .LBB2_1-.Ltmp1, $4  }
0x58: {  	[hbm:s8], [sflag:s12] =	dma.local [spmem:s13], $0x1400  }
0x59: {  	_ =	swait.ge [sflag:s10], $0x1400  }
0x5a: {  	[sflag:s10] =	ssyncset.done $0x0  }
0x5b: {  	[sflag:s10] =	ssyncadd.s32 $0xFFFFEC00  }
0x5c: {  	_ =	sfence.sel $0x180000  }
0x5d: {  	[bflag:$0x0] =	sbarrier.arrive $0xFFFF  }
0x5e: {  	p0 =	sne.s32 s0, $0x0;
	_ =	strace $0x9000005C  }
0x5f: {  	s0 =	sadd.s32 @!p0 $0x100000, s1;
	[bflag:$0x2] =	sbarrier.arrive $0xFFFF  }
0x60: {  	[sflag:s0] =	ssyncadd.tile.s32 @!p0 $0x1;
	_ =	shalt  }
.Lfunc_end2:
_tile_overlayer_lowered:
.L_overlay_start_2:
0x61: {  	(tag) =	ssettag $0x2  }
0x62: {  	s0 =	rddreg [dreg:$0x0];
	s2 =	stileid.u32  }
0x63: {  	s1 =	rddreg [dreg:$0x1];
	p0 =	sne.s32 s2, $0x0  }
0x64: {  	s3 =	rddreg [dreg:$0x2];
	[bflag:$0x3] =	sbarrier.arrive $0xFFFF;
	s2 =	simm.s32 @!p0 $0x1C03  }
0x65: {  	[timem:s3], [sflag:s2] =	dma.local @!p0 [hbm:s0], s1  }
0x66: {  	s0 =	simm.s32 @!p0 $0x3  }
0x67: {  	_ =	swait.ge @!p0 [sflag:s0], s1  }
0x68: {  	s1 =	ssub.s32 @!p0 $0x0, s1;
	[sflag:s0] =	ssyncset.done @!p0 $0x0  }
0x69: {  	[sflag:s0] =	ssyncadd.s32 @!p0 s1  }
0x6a: {  	[bflag:$0x3] =	sbarrier.arrive $0xFFFF  }
0x6b: {  	_ =	shalt  }

</sc_bundles>
